<compile_context>
chip_gen: v7x
topology: tpu7x:2x2x1
jax: 0.10.2.dev20260603
libtpu: 0.0.44.dev20260713+nightly
codegen_flags: <defaults>
</compile_context>

<pallas_src>
import functools

import jax
import jax.numpy as jnp
from jax import lax
from jax.experimental import pallas as pl
from jax.experimental.pallas import tpu as pltpu
from jax.experimental.pallas import tpu_sc as plsc

_B, _D = 4096, 128
_NC, _NS, _L = 2, 16, 16
_NW = _NC * _NS
_RPW = _B // _NW
_G = _RPW // _L
_CW = 4 * _L
_MARGIN = 0.3
_EPS = 1e-6

_sc_mesh = plsc.VectorSubcoreMesh(core_axis_name="c", subcore_axis_name="s")


@functools.partial(
    pl.kernel,
    mesh=_sc_mesh,
    compiler_params=pltpu.CompilerParams(needs_layout_passes=False),
    out_type=[
        jax.ShapeDtypeStruct((_NW, _RPW), jnp.float32),
        jax.ShapeDtypeStruct((_NW, _CW), jnp.float32),
    ],
    scratch_types=[
        pltpu.VMEM((_RPW, _D), jnp.float32),
        pltpu.VMEM((_RPW, _D), jnp.float32),
        pltpu.VMEM((_RPW, _D), jnp.float32),
        pltpu.VMEM((_RPW,), jnp.float32),
        pltpu.VMEM((2 * _L * _L,), jnp.float32),
        pltpu.VMEM((_CW,), jnp.float32),
    ],
)
def _sc_distances(a_hbm, p_hbm, n_hbm, pd2_hbm, cand_hbm,
                  a_v, p_v, n_v, pd2_v, t_v, cand_v):
    wid = lax.axis_index("s") * _NC + lax.axis_index("c")
    row0 = wid * _RPW
    pltpu.sync_copy(a_hbm.at[pl.ds(row0, _L), :], a_v.at[pl.ds(0, _L), :])

    inf = jnp.float32(jnp.inf)
    inf_v = jnp.full((_L,), inf, jnp.float32)
    lane = lax.iota(jnp.int32, _L)
    lane16 = lane * _L

    def group_body(g, carry):
        m1, m2, m3 = carry
        r0 = g * _L
        for r in range(_L):
            row = r0 + r
            accp = jnp.zeros((_L,), jnp.float32)
            accn = jnp.zeros((_L,), jnp.float32)
            for c in range(_D // _L):
                sl = pl.ds(c * _L, _L)
                a = a_v[row, sl]
                dp = a - p_v[row, sl] + _EPS
                dn = a - n_v[row, sl] + _EPS
                accp = accp + dp * dp
                accn = accn + dn * dn
            t_v[pl.ds(r * _L, _L)] = accp
            t_v[pl.ds(_L * _L + r * _L, _L)] = accn
        totp = jnp.zeros((_L,), jnp.float32)
        totn = jnp.zeros((_L,), jnp.float32)
        for j in range(_L):
            totp = totp + plsc.load_gather(t_v, [lane16 + j])
            totn = totn + plsc.load_gather(t_v, [lane16 + (_L * _L + j)])
        pd2_v[pl.ds(r0, _L)] = totp
        lo = jnp.minimum(m1, totn)
        hi = jnp.maximum(m1, totn)
        m2n = jnp.minimum(m2, hi)
        hi2 = jnp.maximum(m2, hi)
        m3n = jnp.minimum(m3, hi2)
        return lo, m2n, m3n

    m1, m2, m3 = lax.fori_loop(0, 1, group_body, (inf_v, inf_v, inf_v))

    cand_v[pl.ds(0, _L)] = m1
    cand_v[pl.ds(_L, _L)] = m2
    cand_v[pl.ds(2 * _L, _L)] = m3
    cand_v[pl.ds(3 * _L, _L)] = inf_v
    pltpu.sync_copy(pd2_v, pd2_hbm.at[wid])
    pltpu.sync_copy(cand_v, cand_hbm.at[wid])


def _merge_kernel(pd2_ref, cand_ref, out_ref):
    pd2 = pd2_ref[:]
    cands = cand_ref[:]
    pos_mean = jnp.sum(jnp.sqrt(pd2)) * (1.0 / _B)
    inf = jnp.float32(jnp.inf)
    m1 = jnp.min(cands)
    c1 = jnp.sum((cands == m1).astype(jnp.float32))
    masked1 = jnp.where(cands <= m1, inf, cands)
    m2 = jnp.min(masked1)
    c2 = jnp.sum((masked1 == m2).astype(jnp.float32))
    masked2 = jnp.where(masked1 <= m2, inf, masked1)
    m3 = jnp.min(masked2)
    t1 = jnp.minimum(c1, 3.0)
    t2 = jnp.minimum(c2, 3.0 - t1)
    t3 = jnp.maximum(3.0 - t1 - t2, 0.0)
    s1 = jnp.sqrt(m1)
    s2 = jnp.where(t2 > 0.0, jnp.sqrt(m2), 0.0)
    s3 = jnp.where(t3 > 0.0, jnp.sqrt(m3), 0.0)
    neg_mean = (s1 * t1 + s2 * t2 + s3 * t3) * (1.0 / 3.0)
    loss = jnp.maximum(pos_mean - neg_mean + _MARGIN, 0.0)
    out_ref[...] = loss.reshape(1, 1)


@jax.jit
def kernel(anchor, positive, negative):
    pd2, cand = _sc_distances(anchor, positive, negative)
    out = pl.pallas_call(
        _merge_kernel,
        out_shape=jax.ShapeDtypeStruct((1, 1), jnp.float32),
    )(pd2, cand)
    return out[0, 0]

# --- scband reference (transcript-rebuilt; emitter-appended) ---
"""Pipeline reference for scband-triplet-loss-with-mining-10952166605493 (READ-ONLY COPY).

The authoritative reference and input builder live on the scoring server;
editing this copy changes nothing except your own understanding.
"""

import jax, jax.numpy as jnp
import numpy as np


def setup_inputs(seed: int = 0) -> dict:
    key = jax.random.key(seed)
    k1, k2, k3 = jax.random.split(key, 3)
    B, D = 4096, 128
    anchor = jax.random.normal(k1, (B, D), dtype=jnp.float32)
    positive = jax.random.normal(k2, (B, D), dtype=jnp.float32)
    negative = jax.random.normal(k3, (B, D), dtype=jnp.float32)
    return {"anchor": anchor, "positive": positive, "negative": negative}


def reference(anchor, positive, negative):
    margin = 0.3
    eps = 1e-6  # torch F.pairwise_distance adds eps to the difference
    pos_dist = jnp.sqrt(jnp.sum((anchor - positive + eps) ** 2, axis=-1))
    neg_dist = jnp.sqrt(jnp.sum((anchor - negative + eps) ** 2, axis=-1))
    # mining_strategy == 'hard' and batch > 1: take the 3 smallest negative distances
    k = min(neg_dist.shape[0], 3)
    hard_negatives = -jax.lax.top_k(-neg_dist, k)[0]
    neg_mean = jnp.mean(hard_negatives)
    pos_mean = jnp.mean(pos_dist)
    loss = jax.nn.relu(pos_mean - neg_mean + margin)
    return loss

if __name__ == "__main__":
    import jax
    _d = setup_inputs()
    print(jax.jit(kernel)(*tuple(_d.values())))

</pallas_src>

<mosaic_0001>
#map = affine_map<(d0, d1) -> (0, 0)>
module attributes {stable_mosaic.version = 14 : i64} {
  func.func @_sc_distances(%arg0: i32, %arg1: i32, %arg2: memref<4096x128xf32, #tpu.memory_space<hbm>>, %arg3: memref<4096x128xf32, #tpu.memory_space<hbm>>, %arg4: memref<4096x128xf32, #tpu.memory_space<hbm>>, %arg5: memref<32x128xf32, #tpu.memory_space<hbm>>, %arg6: memref<32x64xf32, #tpu.memory_space<hbm>>, %arg7: memref<128x128xf32, #tpu.memory_space<vmem>>, %arg8: memref<128x128xf32, #tpu.memory_space<vmem>>, %arg9: memref<128x128xf32, #tpu.memory_space<vmem>>, %arg10: memref<128xf32, #tpu.memory_space<vmem>>, %arg11: memref<512xf32, #tpu.memory_space<vmem>>, %arg12: memref<64xf32, #tpu.memory_space<vmem>>) attributes {dimension_semantics = [#tpu.dimension_semantics<core_parallel>, #tpu.dimension_semantics<subcore_parallel>], iteration_bounds = array<i64: 2, 16>, scalar_prefetch = 0 : i64, scratch_operands = 6 : i64, tpu.core_type = #tpu.core_type<sc_vector_subcore>, window_params = [{transform_indices = #map}, {transform_indices = #map}, {transform_indices = #map}, {transform_indices = #map}, {transform_indices = #map}]} {
    %mul3A = arith.constant 2 : i32
    %mul3A_0 = arith.muli %arg1, %mul3A : i32
    %add3A = arith.addi %mul3A_0, %arg0 : i32
    %mul3A_1 = arith.constant 128 : i32
    %mul3A_2 = arith.muli %add3A, %mul3A_1 : i32
    "tpu.region"() ({
      %run_scoped3A = tpu.sem_alloc : memref<!tpu.dma_semaphore, #tpu.memory_space<semaphore_mem>>
      %dma_start3A = arith.constant 0 : i32
      %dma_start3A_3031 = arith.constant 0 : i32
      %dma_start3A_3032 = tpu.memref_slice %arg7[%dma_start3A, %dma_start3A_3031] : memref<128x128xf32, #tpu.memory_space<vmem>> -> memref<16x128xf32, #tpu.memory_space<vmem>>
      %dma_start3A_3033 = arith.constant 0 : i32
      %dma_start3A_3034 = tpu.memref_slice %arg2[%mul3A_2, %dma_start3A_3033] : memref<4096x128xf32, #tpu.memory_space<hbm>> -> memref<16x128xf32, #tpu.memory_space<hbm>>
      %dma_start3A_3035 = arith.constant 0 : i32
      %dma_start3A_3036 = arith.constant 0 : i32
      %dma_start3A_3037 = tpu.memref_slice %arg7[%dma_start3A_3035, %dma_start3A_3036] : memref<128x128xf32, #tpu.memory_space<vmem>> -> memref<16x128xf32, #tpu.memory_space<vmem>>
      %dma_start3A_3038 = arith.constant 0 : i32
      %dma_start3A_3039 = tpu.memref_slice %arg2[%mul3A_2, %dma_start3A_3038] : memref<4096x128xf32, #tpu.memory_space<hbm>> -> memref<16x128xf32, #tpu.memory_space<hbm>>
      tpu.enqueue_dma source(%dma_start3A_3039 : memref<16x128xf32, #tpu.memory_space<hbm>>) target(%dma_start3A_3037 : memref<16x128xf32, #tpu.memory_space<vmem>>) target_semaphore(%run_scoped3A : memref<!tpu.dma_semaphore, #tpu.memory_space<semaphore_mem>>)
      %dma_wait3A = arith.constant 0 : i32
      %dma_wait3A_3040 = arith.constant 0 : i32
      %dma_wait3A_3041 = tpu.memref_slice %arg7[%dma_wait3A, %dma_wait3A_3040] : memref<128x128xf32, #tpu.memory_space<vmem>> -> memref<16x128xf32, #tpu.memory_space<vmem>>
      %dma_wait3A_3042 = arith.constant 0 : i32
      %dma_wait3A_3043 = tpu.memref_slice %arg2[%mul3A_2, %dma_wait3A_3042] : memref<4096x128xf32, #tpu.memory_space<hbm>> -> memref<16x128xf32, #tpu.memory_space<hbm>>
      %dma_wait3A_3044 = arith.constant 0 : i32
      %dma_wait3A_3045 = arith.constant 0 : i32
      %dma_wait3A_3046 = tpu.memref_slice %arg7[%dma_wait3A_3044, %dma_wait3A_3045] : memref<128x128xf32, #tpu.memory_space<vmem>> -> memref<16x128xf32, #tpu.memory_space<vmem>>
      %dma_wait3A_3047 = arith.constant 0 : i32
      %dma_wait3A_3048 = tpu.memref_slice %arg2[%mul3A_2, %dma_wait3A_3047] : memref<4096x128xf32, #tpu.memory_space<hbm>> -> memref<16x128xf32, #tpu.memory_space<hbm>>
      tpu.wait_dma2 semaphore(%run_scoped3A : memref<!tpu.dma_semaphore, #tpu.memory_space<semaphore_mem>>) src(%dma_wait3A_3048 : memref<16x128xf32, #tpu.memory_space<hbm>>) dst(%dma_wait3A_3046 : memref<16x128xf32, #tpu.memory_space<vmem>>)
      tpu.yield
    }) : () -> ()
    %broadcast_in_dim3A = arith.constant 0x7F800000 : f32
    %broadcast_in_dim3A_3 = vector.broadcast %broadcast_in_dim3A : f32 to vector<16xf32>
    %iota3A = tpu.iota {dimensions = array<i32: 0>} : vector<16xi32>
    %mul3A_4 = arith.constant 16 : i32
    %mul3A_5 = vector.broadcast %mul3A_4 : i32 to vector<16xi32>
    %mul3A_6 = arith.muli %iota3A, %mul3A_5 : vector<16xi32>
    %scan3A = arith.constant 0 : i32
    %mul3A_7 = arith.constant 16 : i32
    %mul3A_8 = arith.muli %scan3A, %mul3A_7 : i32
    %add3A_9 = arith.constant 0 : i32
    %add3A_10 = arith.addi %mul3A_8, %add3A_9 : i32
    %broadcast_in_dim3A_11 = arith.constant 0.000000e+00 : f32
    %broadcast_in_dim3A_12 = vector.broadcast %broadcast_in_dim3A_11 : f32 to vector<16xf32>
    %broadcast_in_dim3A_13 = arith.constant 0.000000e+00 : f32
    %broadcast_in_dim3A_14 = vector.broadcast %broadcast_in_dim3A_13 : f32 to vector<16xf32>
    %get3A = arith.index_cast %add3A_10 : i32 to index
    %get3A_15 = arith.constant 0 : index
    %get3A_16 = tpu.vector_load %arg7[%get3A, %get3A_15] {strides = array<i32>} : memref<128x128xf32, #tpu.memory_space<vmem>>, vector<16xf32>,
    %get3A_17 = arith.index_cast %add3A_10 : i32 to index
    %get3A_18 = arith.constant 0 : index
    %get3A_19 = tpu.vector_load %arg8[%get3A_17, %get3A_18] {strides = array<i32>} : memref<128x128xf32, #tpu.memory_space<vmem>>, vector<16xf32>,
    %sub3A = arith.subf %get3A_16, %get3A_19 : vector<16xf32>
    %add3A_20 = arith.constant 9.99999997E-7 : f32
    %add3A_21 = vector.broadcast %add3A_20 : f32 to vector<16xf32>
    %add3A_22 = arith.addf %sub3A, %add3A_21 : vector<16xf32>
    %get3A_23 = arith.index_cast %add3A_10 : i32 to index
    %get3A_24 = arith.constant 0 : index
    %get3A_25 = tpu.vector_load %arg9[%get3A_23, %get3A_24] {strides = array<i32>} : memref<128x128xf32, #tpu.memory_space<vmem>>, vector<16xf32>,
    %sub3A_26 = arith.subf %get3A_16, %get3A_25 : vector<16xf32>
    %add3A_27 = arith.constant 9.99999997E-7 : f32
    %add3A_28 = vector.broadcast %add3A_27 : f32 to vector<16xf32>
    %add3A_29 = arith.addf %sub3A_26, %add3A_28 : vector<16xf32>
    %mul3A_30 = arith.mulf %add3A_22, %add3A_22 : vector<16xf32>
    %add3A_31 = arith.addf %broadcast_in_dim3A_12, %mul3A_30 : vector<16xf32>
    %mul3A_32 = arith.mulf %add3A_29, %add3A_29 : vector<16xf32>
    %add3A_33 = arith.addf %broadcast_in_dim3A_14, %mul3A_32 : vector<16xf32>
    %get3A_34 = arith.index_cast %add3A_10 : i32 to index
    %get3A_35 = arith.constant 16 : index
    %get3A_36 = tpu.vector_load %arg7[%get3A_34, %get3A_35] {strides = array<i32>} : memref<128x128xf32, #tpu.memory_space<vmem>>, vector<16xf32>,
    %get3A_37 = arith.index_cast %add3A_10 : i32 to index
    %get3A_38 = arith.constant 16 : index
    %get3A_39 = tpu.vector_load %arg8[%get3A_37, %get3A_38] {strides = array<i32>} : memref<128x128xf32, #tpu.memory_space<vmem>>, vector<16xf32>,
    %sub3A_40 = arith.subf %get3A_36, %get3A_39 : vector<16xf32>
    %add3A_41 = arith.constant 9.99999997E-7 : f32
    %add3A_42 = vector.broadcast %add3A_41 : f32 to vector<16xf32>
    %add3A_43 = arith.addf %sub3A_40, %add3A_42 : vector<16xf32>
    %get3A_44 = arith.index_cast %add3A_10 : i32 to index
    %get3A_45 = arith.constant 16 : index
    %get3A_46 = tpu.vector_load %arg9[%get3A_44, %get3A_45] {strides = array<i32>} : memref<128x128xf32, #tpu.memory_space<vmem>>, vector<16xf32>,
    %sub3A_47 = arith.subf %get3A_36, %get3A_46 : vector<16xf32>
    %add3A_48 = arith.constant 9.99999997E-7 : f32
    %add3A_49 = vector.broadcast %add3A_48 : f32 to vector<16xf32>
    %add3A_50 = arith.addf %sub3A_47, %add3A_49 : vector<16xf32>
    %mul3A_51 = arith.mulf %add3A_43, %add3A_43 : vector<16xf32>
    %add3A_52 = arith.addf %add3A_31, %mul3A_51 : vector<16xf32>
    %mul3A_53 = arith.mulf %add3A_50, %add3A_50 : vector<16xf32>
    %add3A_54 = arith.addf %add3A_33, %mul3A_53 : vector<16xf32>
    %get3A_55 = arith.index_cast %add3A_10 : i32 to index
    %get3A_56 = arith.constant 32 : index
    %get3A_57 = tpu.vector_load %arg7[%get3A_55, %get3A_56] {strides = array<i32>} : memref<128x128xf32, #tpu.memory_space<vmem>>, vector<16xf32>,
    %get3A_58 = arith.index_cast %add3A_10 : i32 to index
    %get3A_59 = arith.constant 32 : index
    %get3A_60 = tpu.vector_load %arg8[%get3A_58, %get3A_59] {strides = array<i32>} : memref<128x128xf32, #tpu.memory_space<vmem>>, vector<16xf32>,
    %sub3A_61 = arith.subf %get3A_57, %get3A_60 : vector<16xf32>
    %add3A_62 = arith.constant 9.99999997E-7 : f32
    %add3A_63 = vector.broadcast %add3A_62 : f32 to vector<16xf32>
    %add3A_64 = arith.addf %sub3A_61, %add3A_63 : vector<16xf32>
    %get3A_65 = arith.index_cast %add3A_10 : i32 to index
    %get3A_66 = arith.constant 32 : index
    %get3A_67 = tpu.vector_load %arg9[%get3A_65, %get3A_66] {strides = array<i32>} : memref<128x128xf32, #tpu.memory_space<vmem>>, vector<16xf32>,
    %sub3A_68 = arith.subf %get3A_57, %get3A_67 : vector<16xf32>
    %add3A_69 = arith.constant 9.99999997E-7 : f32
    %add3A_70 = vector.broadcast %add3A_69 : f32 to vector<16xf32>
    %add3A_71 = arith.addf %sub3A_68, %add3A_70 : vector<16xf32>
    %mul3A_72 = arith.mulf %add3A_64, %add3A_64 : vector<16xf32>
    %add3A_73 = arith.addf %add3A_52, %mul3A_72 : vector<16xf32>
    %mul3A_74 = arith.mulf %add3A_71, %add3A_71 : vector<16xf32>
    %add3A_75 = arith.addf %add3A_54, %mul3A_74 : vector<16xf32>
    %get3A_76 = arith.index_cast %add3A_10 : i32 to index
    %get3A_77 = arith.constant 48 : index
    %get3A_78 = tpu.vector_load %arg7[%get3A_76, %get3A_77] {strides = array<i32>} : memref<128x128xf32, #tpu.memory_space<vmem>>, vector<16xf32>,
    %get3A_79 = arith.index_cast %add3A_10 : i32 to index
    %get3A_80 = arith.constant 48 : index
    %get3A_81 = tpu.vector_load %arg8[%get3A_79, %get3A_80] {strides = array<i32>} : memref<128x128xf32, #tpu.memory_space<vmem>>, vector<16xf32>,
    %sub3A_82 = arith.subf %get3A_78, %get3A_81 : vector<16xf32>
    %add3A_83 = arith.constant 9.99999997E-7 : f32
    %add3A_84 = vector.broadcast %add3A_83 : f32 to vector<16xf32>
    %add3A_85 = arith.addf %sub3A_82, %add3A_84 : vector<16xf32>
    %get3A_86 = arith.index_cast %add3A_10 : i32 to index
    %get3A_87 = arith.constant 48 : index
    %get3A_88 = tpu.vector_load %arg9[%get3A_86, %get3A_87] {strides = array<i32>} : memref<128x128xf32, #tpu.memory_space<vmem>>, vector<16xf32>,
    %sub3A_89 = arith.subf %get3A_78, %get3A_88 : vector<16xf32>
    %add3A_90 = arith.constant 9.99999997E-7 : f32
    %add3A_91 = vector.broadcast %add3A_90 : f32 to vector<16xf32>
    %add3A_92 = arith.addf %sub3A_89, %add3A_91 : vector<16xf32>
    %mul3A_93 = arith.mulf %add3A_85, %add3A_85 : vector<16xf32>
    %add3A_94 = arith.addf %add3A_73, %mul3A_93 : vector<16xf32>
    %mul3A_95 = arith.mulf %add3A_92, %add3A_92 : vector<16xf32>
    %add3A_96 = arith.addf %add3A_75, %mul3A_95 : vector<16xf32>
    %get3A_97 = arith.index_cast %add3A_10 : i32 to index
    %get3A_98 = arith.constant 64 : index
    %get3A_99 = tpu.vector_load %arg7[%get3A_97, %get3A_98] {strides = array<i32>} : memref<128x128xf32, #tpu.memory_space<vmem>>, vector<16xf32>,
    %get3A_100 = arith.index_cast %add3A_10 : i32 to index
    %get3A_101 = arith.constant 64 : index
    %get3A_102 = tpu.vector_load %arg8[%get3A_100, %get3A_101] {strides = array<i32>} : memref<128x128xf32, #tpu.memory_space<vmem>>, vector<16xf32>,
    %sub3A_103 = arith.subf %get3A_99, %get3A_102 : vector<16xf32>
    %add3A_104 = arith.constant 9.99999997E-7 : f32
    %add3A_105 = vector.broadcast %add3A_104 : f32 to vector<16xf32>
    %add3A_106 = arith.addf %sub3A_103, %add3A_105 : vector<16xf32>
    %get3A_107 = arith.index_cast %add3A_10 : i32 to index
    %get3A_108 = arith.constant 64 : index
    %get3A_109 = tpu.vector_load %arg9[%get3A_107, %get3A_108] {strides = array<i32>} : memref<128x128xf32, #tpu.memory_space<vmem>>, vector<16xf32>,
    %sub3A_110 = arith.subf %get3A_99, %get3A_109 : vector<16xf32>
    %add3A_111 = arith.constant 9.99999997E-7 : f32
    %add3A_112 = vector.broadcast %add3A_111 : f32 to vector<16xf32>
    %add3A_113 = arith.addf %sub3A_110, %add3A_112 : vector<16xf32>
    %mul3A_114 = arith.mulf %add3A_106, %add3A_106 : vector<16xf32>
    %add3A_115 = arith.addf %add3A_94, %mul3A_114 : vector<16xf32>
    %mul3A_116 = arith.mulf %add3A_113, %add3A_113 : vector<16xf32>
    %add3A_117 = arith.addf %add3A_96, %mul3A_116 : vector<16xf32>
    %get3A_118 = arith.index_cast %add3A_10 : i32 to index
    %get3A_119 = arith.constant 80 : index
    %get3A_120 = tpu.vector_load %arg7[%get3A_118, %get3A_119] {strides = array<i32>} : memref<128x128xf32, #tpu.memory_space<vmem>>, vector<16xf32>,
    %get3A_121 = arith.index_cast %add3A_10 : i32 to index
    %get3A_122 = arith.constant 80 : index
    %get3A_123 = tpu.vector_load %arg8[%get3A_121, %get3A_122] {strides = array<i32>} : memref<128x128xf32, #tpu.memory_space<vmem>>, vector<16xf32>,
    %sub3A_124 = arith.subf %get3A_120, %get3A_123 : vector<16xf32>
    %add3A_125 = arith.constant 9.99999997E-7 : f32
    %add3A_126 = vector.broadcast %add3A_125 : f32 to vector<16xf32>
    %add3A_127 = arith.addf %sub3A_124, %add3A_126 : vector<16xf32>
    %get3A_128 = arith.index_cast %add3A_10 : i32 to index
    %get3A_129 = arith.constant 80 : index
    %get3A_130 = tpu.vector_load %arg9[%get3A_128, %get3A_129] {strides = array<i32>} : memref<128x128xf32, #tpu.memory_space<vmem>>, vector<16xf32>,
    %sub3A_131 = arith.subf %get3A_120, %get3A_130 : vector<16xf32>
    %add3A_132 = arith.constant 9.99999997E-7 : f32
    %add3A_133 = vector.broadcast %add3A_132 : f32 to vector<16xf32>
    %add3A_134 = arith.addf %sub3A_131, %add3A_133 : vector<16xf32>
    %mul3A_135 = arith.mulf %add3A_127, %add3A_127 : vector<16xf32>
    %add3A_136 = arith.addf %add3A_115, %mul3A_135 : vector<16xf32>
    %mul3A_137 = arith.mulf %add3A_134, %add3A_134 : vector<16xf32>
    %add3A_138 = arith.addf %add3A_117, %mul3A_137 : vector<16xf32>
    %get3A_139 = arith.index_cast %add3A_10 : i32 to index
    %get3A_140 = arith.constant 96 : index
    %get3A_141 = tpu.vector_load %arg7[%get3A_139, %get3A_140] {strides = array<i32>} : memref<128x128xf32, #tpu.memory_space<vmem>>, vector<16xf32>,
    %get3A_142 = arith.index_cast %add3A_10 : i32 to index
    %get3A_143 = arith.constant 96 : index
    %get3A_144 = tpu.vector_load %arg8[%get3A_142, %get3A_143] {strides = array<i32>} : memref<128x128xf32, #tpu.memory_space<vmem>>, vector<16xf32>,
    %sub3A_145 = arith.subf %get3A_141, %get3A_144 : vector<16xf32>
    %add3A_146 = arith.constant 9.99999997E-7 : f32
    %add3A_147 = vector.broadcast %add3A_146 : f32 to vector<16xf32>
    %add3A_148 = arith.addf %sub3A_145, %add3A_147 : vector<16xf32>
    %get3A_149 = arith.index_cast %add3A_10 : i32 to index
    %get3A_150 = arith.constant 96 : index
    %get3A_151 = tpu.vector_load %arg9[%get3A_149, %get3A_150] {strides = array<i32>} : memref<128x128xf32, #tpu.memory_space<vmem>>, vector<16xf32>,
    %sub3A_152 = arith.subf %get3A_141, %get3A_151 : vector<16xf32>
    %add3A_153 = arith.constant 9.99999997E-7 : f32
    %add3A_154 = vector.broadcast %add3A_153 : f32 to vector<16xf32>
    %add3A_155 = arith.addf %sub3A_152, %add3A_154 : vector<16xf32>
    %mul3A_156 = arith.mulf %add3A_148, %add3A_148 : vector<16xf32>
    %add3A_157 = arith.addf %add3A_136, %mul3A_156 : vector<16xf32>
    %mul3A_158 = arith.mulf %add3A_155, %add3A_155 : vector<16xf32>
    %add3A_159 = arith.addf %add3A_138, %mul3A_158 : vector<16xf32>
    %get3A_160 = arith.index_cast %add3A_10 : i32 to index
    %get3A_161 = arith.constant 112 : index
    %get3A_162 = tpu.vector_load %arg7[%get3A_160, %get3A_161] {strides = array<i32>} : memref<128x128xf32, #tpu.memory_space<vmem>>, vector<16xf32>,
    %get3A_163 = arith.index_cast %add3A_10 : i32 to index
    %get3A_164 = arith.constant 112 : index
    %get3A_165 = tpu.vector_load %arg8[%get3A_163, %get3A_164] {strides = array<i32>} : memref<128x128xf32, #tpu.memory_space<vmem>>, vector<16xf32>,
    %sub3A_166 = arith.subf %get3A_162, %get3A_165 : vector<16xf32>
    %add3A_167 = arith.constant 9.99999997E-7 : f32
    %add3A_168 = vector.broadcast %add3A_167 : f32 to vector<16xf32>
    %add3A_169 = arith.addf %sub3A_166, %add3A_168 : vector<16xf32>
    %get3A_170 = arith.index_cast %add3A_10 : i32 to index
    %get3A_171 = arith.constant 112 : index
    %get3A_172 = tpu.vector_load %arg9[%get3A_170, %get3A_171] {strides = array<i32>} : memref<128x128xf32, #tpu.memory_space<vmem>>, vector<16xf32>,
    %sub3A_173 = arith.subf %get3A_162, %get3A_172 : vector<16xf32>
    %add3A_174 = arith.constant 9.99999997E-7 : f32
    %add3A_175 = vector.broadcast %add3A_174 : f32 to vector<16xf32>
    %add3A_176 = arith.addf %sub3A_173, %add3A_175 : vector<16xf32>
    %mul3A_177 = arith.mulf %add3A_169, %add3A_169 : vector<16xf32>
    %add3A_178 = arith.addf %add3A_157, %mul3A_177 : vector<16xf32>
    %mul3A_179 = arith.mulf %add3A_176, %add3A_176 : vector<16xf32>
    %add3A_180 = arith.addf %add3A_159, %mul3A_179 : vector<16xf32>
    %swap3A = arith.constant 0 : index
    %swap3A_181 = tpu.vector_load %arg11[%swap3A] {strides = array<i32>} : memref<512xf32, #tpu.memory_space<vmem>>, vector<16xf32>,
    tpu.vector_store %arg11[%swap3A], %add3A_178 {strides = array<i32>} : memref<512xf32, #tpu.memory_space<vmem>>, vector<16xf32>,
    %swap3A_182 = arith.constant 256 : index
    %swap3A_183 = tpu.vector_load %arg11[%swap3A_182] {strides = array<i32>} : memref<512xf32, #tpu.memory_space<vmem>>, vector<16xf32>,
    tpu.vector_store %arg11[%swap3A_182], %add3A_180 {strides = array<i32>} : memref<512xf32, #tpu.memory_space<vmem>>, vector<16xf32>,
    %add3A_184 = arith.constant 1 : i32
    %add3A_185 = arith.addi %mul3A_8, %add3A_184 : i32
    %broadcast_in_dim3A_186 = arith.constant 0.000000e+00 : f32
    %broadcast_in_dim3A_187 = vector.broadcast %broadcast_in_dim3A_186 : f32 to vector<16xf32>
    %broadcast_in_dim3A_188 = arith.constant 0.000000e+00 : f32
    %broadcast_in_dim3A_189 = vector.broadcast %broadcast_in_dim3A_188 : f32 to vector<16xf32>
    %get3A_190 = arith.index_cast %add3A_185 : i32 to index
    %get3A_191 = arith.constant 0 : index
    %get3A_192 = tpu.vector_load %arg7[%get3A_190, %get3A_191] {strides = array<i32>} : memref<128x128xf32, #tpu.memory_space<vmem>>, vector<16xf32>,
    %get3A_193 = arith.index_cast %add3A_185 : i32 to index
    %get3A_194 = arith.constant 0 : index
    %get3A_195 = tpu.vector_load %arg8[%get3A_193, %get3A_194] {strides = array<i32>} : memref<128x128xf32, #tpu.memory_space<vmem>>, vector<16xf32>,
    %sub3A_196 = arith.subf %get3A_192, %get3A_195 : vector<16xf32>
    %add3A_197 = arith.constant 9.99999997E-7 : f32
    %add3A_198 = vector.broadcast %add3A_197 : f32 to vector<16xf32>
    %add3A_199 = arith.addf %sub3A_196, %add3A_198 : vector<16xf32>
    %get3A_200 = arith.index_cast %add3A_185 : i32 to index
    %get3A_201 = arith.constant 0 : index
    %get3A_202 = tpu.vector_load %arg9[%get3A_200, %get3A_201] {strides = array<i32>} : memref<128x128xf32, #tpu.memory_space<vmem>>, vector<16xf32>,
    %sub3A_203 = arith.subf %get3A_192, %get3A_202 : vector<16xf32>
    %add3A_204 = arith.constant 9.99999997E-7 : f32
    %add3A_205 = vector.broadcast %add3A_204 : f32 to vector<16xf32>
    %add3A_206 = arith.addf %sub3A_203, %add3A_205 : vector<16xf32>
    %mul3A_207 = arith.mulf %add3A_199, %add3A_199 : vector<16xf32>
    %add3A_208 = arith.addf %broadcast_in_dim3A_187, %mul3A_207 : vector<16xf32>
    %mul3A_209 = arith.mulf %add3A_206, %add3A_206 : vector<16xf32>
    %add3A_210 = arith.addf %broadcast_in_dim3A_189, %mul3A_209 : vector<16xf32>
    %get3A_211 = arith.index_cast %add3A_185 : i32 to index
    %get3A_212 = arith.constant 16 : index
    %get3A_213 = tpu.vector_load %arg7[%get3A_211, %get3A_212] {strides = array<i32>} : memref<128x128xf32, #tpu.memory_space<vmem>>, vector<16xf32>,
    %get3A_214 = arith.index_cast %add3A_185 : i32 to index
    %get3A_215 = arith.constant 16 : index
    %get3A_216 = tpu.vector_load %arg8[%get3A_214, %get3A_215] {strides = array<i32>} : memref<128x128xf32, #tpu.memory_space<vmem>>, vector<16xf32>,
    %sub3A_217 = arith.subf %get3A_213, %get3A_216 : vector<16xf32>
    %add3A_218 = arith.constant 9.99999997E-7 : f32
    %add3A_219 = vector.broadcast %add3A_218 : f32 to vector<16xf32>
    %add3A_220 = arith.addf %sub3A_217, %add3A_219 : vector<16xf32>
    %get3A_221 = arith.index_cast %add3A_185 : i32 to index
    %get3A_222 = arith.constant 16 : index
    %get3A_223 = tpu.vector_load %arg9[%get3A_221, %get3A_222] {strides = array<i32>} : memref<128x128xf32, #tpu.memory_space<vmem>>, vector<16xf32>,
    %sub3A_224 = arith.subf %get3A_213, %get3A_223 : vector<16xf32>
    %add3A_225 = arith.constant 9.99999997E-7 : f32
    %add3A_226 = vector.broadcast %add3A_225 : f32 to vector<16xf32>
    %add3A_227 = arith.addf %sub3A_224, %add3A_226 : vector<16xf32>
    %mul3A_228 = arith.mulf %add3A_220, %add3A_220 : vector<16xf32>
    %add3A_229 = arith.addf %add3A_208, %mul3A_228 : vector<16xf32>
    %mul3A_230 = arith.mulf %add3A_227, %add3A_227 : vector<16xf32>
    %add3A_231 = arith.addf %add3A_210, %mul3A_230 : vector<16xf32>
    %get3A_232 = arith.index_cast %add3A_185 : i32 to index
    %get3A_233 = arith.constant 32 : index
    %get3A_234 = tpu.vector_load %arg7[%get3A_232, %get3A_233] {strides = array<i32>} : memref<128x128xf32, #tpu.memory_space<vmem>>, vector<16xf32>,
    %get3A_235 = arith.index_cast %add3A_185 : i32 to index
    %get3A_236 = arith.constant 32 : index
    %get3A_237 = tpu.vector_load %arg8[%get3A_235, %get3A_236] {strides = array<i32>} : memref<128x128xf32, #tpu.memory_space<vmem>>, vector<16xf32>,
    %sub3A_238 = arith.subf %get3A_234, %get3A_237 : vector<16xf32>
    %add3A_239 = arith.constant 9.99999997E-7 : f32
    %add3A_240 = vector.broadcast %add3A_239 : f32 to vector<16xf32>
    %add3A_241 = arith.addf %sub3A_238, %add3A_240 : vector<16xf32>
    %get3A_242 = arith.index_cast %add3A_185 : i32 to index
    %get3A_243 = arith.constant 32 : index
    %get3A_244 = tpu.vector_load %arg9[%get3A_242, %get3A_243] {strides = array<i32>} : memref<128x128xf32, #tpu.memory_space<vmem>>, vector<16xf32>,
    %sub3A_245 = arith.subf %get3A_234, %get3A_244 : vector<16xf32>
    %add3A_246 = arith.constant 9.99999997E-7 : f32
    %add3A_247 = vector.broadcast %add3A_246 : f32 to vector<16xf32>
    %add3A_248 = arith.addf %sub3A_245, %add3A_247 : vector<16xf32>
    %mul3A_249 = arith.mulf %add3A_241, %add3A_241 : vector<16xf32>
    %add3A_250 = arith.addf %add3A_229, %mul3A_249 : vector<16xf32>
    %mul3A_251 = arith.mulf %add3A_248, %add3A_248 : vector<16xf32>
    %add3A_252 = arith.addf %add3A_231, %mul3A_251 : vector<16xf32>
    %get3A_253 = arith.index_cast %add3A_185 : i32 to index
    %get3A_254 = arith.constant 48 : index
    %get3A_255 = tpu.vector_load %arg7[%get3A_253, %get3A_254] {strides = array<i32>} : memref<128x128xf32, #tpu.memory_space<vmem>>, vector<16xf32>,
    %get3A_256 = arith.index_cast %add3A_185 : i32 to index
    %get3A_257 = arith.constant 48 : index
    %get3A_258 = tpu.vector_load %arg8[%get3A_256, %get3A_257] {strides = array<i32>} : memref<128x128xf32, #tpu.memory_space<vmem>>, vector<16xf32>,
    %sub3A_259 = arith.subf %get3A_255, %get3A_258 : vector<16xf32>
    %add3A_260 = arith.constant 9.99999997E-7 : f32
    %add3A_261 = vector.broadcast %add3A_260 : f32 to vector<16xf32>
    %add3A_262 = arith.addf %sub3A_259, %add3A_261 : vector<16xf32>
    %get3A_263 = arith.index_cast %add3A_185 : i32 to index
    %get3A_264 = arith.constant 48 : index
    %get3A_265 = tpu.vector_load %arg9[%get3A_263, %get3A_264] {strides = array<i32>} : memref<128x128xf32, #tpu.memory_space<vmem>>, vector<16xf32>,
    %sub3A_266 = arith.subf %get3A_255, %get3A_265 : vector<16xf32>
    %add3A_267 = arith.constant 9.99999997E-7 : f32
    %add3A_268 = vector.broadcast %add3A_267 : f32 to vector<16xf32>
    %add3A_269 = arith.addf %sub3A_266, %add3A_268 : vector<16xf32>
    %mul3A_270 = arith.mulf %add3A_262, %add3A_262 : vector<16xf32>
    %add3A_271 = arith.addf %add3A_250, %mul3A_270 : vector<16xf32>
    %mul3A_272 = arith.mulf %add3A_269, %add3A_269 : vector<16xf32>
    %add3A_273 = arith.addf %add3A_252, %mul3A_272 : vector<16xf32>
    %get3A_274 = arith.index_cast %add3A_185 : i32 to index
    %get3A_275 = arith.constant 64 : index
    %get3A_276 = tpu.vector_load %arg7[%get3A_274, %get3A_275] {strides = array<i32>} : memref<128x128xf32, #tpu.memory_space<vmem>>, vector<16xf32>,
    %get3A_277 = arith.index_cast %add3A_185 : i32 to index
    %get3A_278 = arith.constant 64 : index
    %get3A_279 = tpu.vector_load %arg8[%get3A_277, %get3A_278] {strides = array<i32>} : memref<128x128xf32, #tpu.memory_space<vmem>>, vector<16xf32>,
    %sub3A_280 = arith.subf %get3A_276, %get3A_279 : vector<16xf32>
    %add3A_281 = arith.constant 9.99999997E-7 : f32
    %add3A_282 = vector.broadcast %add3A_281 : f32 to vector<16xf32>
    %add3A_283 = arith.addf %sub3A_280, %add3A_282 : vector<16xf32>
    %get3A_284 = arith.index_cast %add3A_185 : i32 to index
    %get3A_285 = arith.constant 64 : index
    %get3A_286 = tpu.vector_load %arg9[%get3A_284, %get3A_285] {strides = array<i32>} : memref<128x128xf32, #tpu.memory_space<vmem>>, vector<16xf32>,
    %sub3A_287 = arith.subf %get3A_276, %get3A_286 : vector<16xf32>
    %add3A_288 = arith.constant 9.99999997E-7 : f32
    %add3A_289 = vector.broadcast %add3A_288 : f32 to vector<16xf32>
    %add3A_290 = arith.addf %sub3A_287, %add3A_289 : vector<16xf32>
    %mul3A_291 = arith.mulf %add3A_283, %add3A_283 : vector<16xf32>
    %add3A_292 = arith.addf %add3A_271, %mul3A_291 : vector<16xf32>
    %mul3A_293 = arith.mulf %add3A_290, %add3A_290 : vector<16xf32>
    %add3A_294 = arith.addf %add3A_273, %mul3A_293 : vector<16xf32>
    %get3A_295 = arith.index_cast %add3A_185 : i32 to index
    %get3A_296 = arith.constant 80 : index
    %get3A_297 = tpu.vector_load %arg7[%get3A_295, %get3A_296] {strides = array<i32>} : memref<128x128xf32, #tpu.memory_space<vmem>>, vector<16xf32>,
    %get3A_298 = arith.index_cast %add3A_185 : i32 to index
    %get3A_299 = arith.constant 80 : index
    %get3A_300 = tpu.vector_load %arg8[%get3A_298, %get3A_299] {strides = array<i32>} : memref<128x128xf32, #tpu.memory_space<vmem>>, vector<16xf32>,
    %sub3A_301 = arith.subf %get3A_297, %get3A_300 : vector<16xf32>
    %add3A_302 = arith.constant 9.99999997E-7 : f32
    %add3A_303 = vector.broadcast %add3A_302 : f32 to vector<16xf32>
    %add3A_304 = arith.addf %sub3A_301, %add3A_303 : vector<16xf32>
    %get3A_305 = arith.index_cast %add3A_185 : i32 to index
    %get3A_306 = arith.constant 80 : index
    %get3A_307 = tpu.vector_load %arg9[%get3A_305, %get3A_306] {strides = array<i32>} : memref<128x128xf32, #tpu.memory_space<vmem>>, vector<16xf32>,
    %sub3A_308 = arith.subf %get3A_297, %get3A_307 : vector<16xf32>
    %add3A_309 = arith.constant 9.99999997E-7 : f32
    %add3A_310 = vector.broadcast %add3A_309 : f32 to vector<16xf32>
    %add3A_311 = arith.addf %sub3A_308, %add3A_310 : vector<16xf32>
    %mul3A_312 = arith.mulf %add3A_304, %add3A_304 : vector<16xf32>
    %add3A_313 = arith.addf %add3A_292, %mul3A_312 : vector<16xf32>
    %mul3A_314 = arith.mulf %add3A_311, %add3A_311 : vector<16xf32>
    %add3A_315 = arith.addf %add3A_294, %mul3A_314 : vector<16xf32>
    %get3A_316 = arith.index_cast %add3A_185 : i32 to index
    %get3A_317 = arith.constant 96 : index
    %get3A_318 = tpu.vector_load %arg7[%get3A_316, %get3A_317] {strides = array<i32>} : memref<128x128xf32, #tpu.memory_space<vmem>>, vector<16xf32>,
    %get3A_319 = arith.index_cast %add3A_185 : i32 to index
    %get3A_320 = arith.constant 96 : index
    %get3A_321 = tpu.vector_load %arg8[%get3A_319, %get3A_320] {strides = array<i32>} : memref<128x128xf32, #tpu.memory_space<vmem>>, vector<16xf32>,
    %sub3A_322 = arith.subf %get3A_318, %get3A_321 : vector<16xf32>
    %add3A_323 = arith.constant 9.99999997E-7 : f32
    %add3A_324 = vector.broadcast %add3A_323 : f32 to vector<16xf32>
    %add3A_325 = arith.addf %sub3A_322, %add3A_324 : vector<16xf32>
    %get3A_326 = arith.index_cast %add3A_185 : i32 to index
    %get3A_327 = arith.constant 96 : index
    %get3A_328 = tpu.vector_load %arg9[%get3A_326, %get3A_327] {strides = array<i32>} : memref<128x128xf32, #tpu.memory_space<vmem>>, vector<16xf32>,
    %sub3A_329 = arith.subf %get3A_318, %get3A_328 : vector<16xf32>
    %add3A_330 = arith.constant 9.99999997E-7 : f32
    %add3A_331 = vector.broadcast %add3A_330 : f32 to vector<16xf32>
    %add3A_332 = arith.addf %sub3A_329, %add3A_331 : vector<16xf32>
    %mul3A_333 = arith.mulf %add3A_325, %add3A_325 : vector<16xf32>
    %add3A_334 = arith.addf %add3A_313, %mul3A_333 : vector<16xf32>
    %mul3A_335 = arith.mulf %add3A_332, %add3A_332 : vector<16xf32>
    %add3A_336 = arith.addf %add3A_315, %mul3A_335 : vector<16xf32>
    %get3A_337 = arith.index_cast %add3A_185 : i32 to index
    %get3A_338 = arith.constant 112 : index
    %get3A_339 = tpu.vector_load %arg7[%get3A_337, %get3A_338] {strides = array<i32>} : memref<128x128xf32, #tpu.memory_space<vmem>>, vector<16xf32>,
    %get3A_340 = arith.index_cast %add3A_185 : i32 to index
    %get3A_341 = arith.constant 112 : index
    %get3A_342 = tpu.vector_load %arg8[%get3A_340, %get3A_341] {strides = array<i32>} : memref<128x128xf32, #tpu.memory_space<vmem>>, vector<16xf32>,
    %sub3A_343 = arith.subf %get3A_339, %get3A_342 : vector<16xf32>
    %add3A_344 = arith.constant 9.99999997E-7 : f32
    %add3A_345 = vector.broadcast %add3A_344 : f32 to vector<16xf32>
    %add3A_346 = arith.addf %sub3A_343, %add3A_345 : vector<16xf32>
    %get3A_347 = arith.index_cast %add3A_185 : i32 to index
    %get3A_348 = arith.constant 112 : index
    %get3A_349 = tpu.vector_load %arg9[%get3A_347, %get3A_348] {strides = array<i32>} : memref<128x128xf32, #tpu.memory_space<vmem>>, vector<16xf32>,
    %sub3A_350 = arith.subf %get3A_339, %get3A_349 : vector<16xf32>
    %add3A_351 = arith.constant 9.99999997E-7 : f32
    %add3A_352 = vector.broadcast %add3A_351 : f32 to vector<16xf32>
    %add3A_353 = arith.addf %sub3A_350, %add3A_352 : vector<16xf32>
    %mul3A_354 = arith.mulf %add3A_346, %add3A_346 : vector<16xf32>
    %add3A_355 = arith.addf %add3A_334, %mul3A_354 : vector<16xf32>
    %mul3A_356 = arith.mulf %add3A_353, %add3A_353 : vector<16xf32>
    %add3A_357 = arith.addf %add3A_336, %mul3A_356 : vector<16xf32>
    %swap3A_358 = arith.constant 16 : index
    %swap3A_359 = tpu.vector_load %arg11[%swap3A_358] {strides = array<i32>} : memref<512xf32, #tpu.memory_space<vmem>>, vector<16xf32>,
    tpu.vector_store %arg11[%swap3A_358], %add3A_355 {strides = array<i32>} : memref<512xf32, #tpu.memory_space<vmem>>, vector<16xf32>,
    %swap3A_360 = arith.constant 272 : index
    %swap3A_361 = tpu.vector_load %arg11[%swap3A_360] {strides = array<i32>} : memref<512xf32, #tpu.memory_space<vmem>>, vector<16xf32>,
    tpu.vector_store %arg11[%swap3A_360], %add3A_357 {strides = array<i32>} : memref<512xf32, #tpu.memory_space<vmem>>, vector<16xf32>,
    %add3A_362 = arith.constant 2 : i32
    %add3A_363 = arith.addi %mul3A_8, %add3A_362 : i32
    %broadcast_in_dim3A_364 = arith.constant 0.000000e+00 : f32
    %broadcast_in_dim3A_365 = vector.broadcast %broadcast_in_dim3A_364 : f32 to vector<16xf32>
    %broadcast_in_dim3A_366 = arith.constant 0.000000e+00 : f32
    %broadcast_in_dim3A_367 = vector.broadcast %broadcast_in_dim3A_366 : f32 to vector<16xf32>
    %get3A_368 = arith.index_cast %add3A_363 : i32 to index
    %get3A_369 = arith.constant 0 : index
    %get3A_370 = tpu.vector_load %arg7[%get3A_368, %get3A_369] {strides = array<i32>} : memref<128x128xf32, #tpu.memory_space<vmem>>, vector<16xf32>,
    %get3A_371 = arith.index_cast %add3A_363 : i32 to index
    %get3A_372 = arith.constant 0 : index
    %get3A_373 = tpu.vector_load %arg8[%get3A_371, %get3A_372] {strides = array<i32>} : memref<128x128xf32, #tpu.memory_space<vmem>>, vector<16xf32>,
    %sub3A_374 = arith.subf %get3A_370, %get3A_373 : vector<16xf32>
    %add3A_375 = arith.constant 9.99999997E-7 : f32
    %add3A_376 = vector.broadcast %add3A_375 : f32 to vector<16xf32>
    %add3A_377 = arith.addf %sub3A_374, %add3A_376 : vector<16xf32>
    %get3A_378 = arith.index_cast %add3A_363 : i32 to index
    %get3A_379 = arith.constant 0 : index
    %get3A_380 = tpu.vector_load %arg9[%get3A_378, %get3A_379] {strides = array<i32>} : memref<128x128xf32, #tpu.memory_space<vmem>>, vector<16xf32>,
    %sub3A_381 = arith.subf %get3A_370, %get3A_380 : vector<16xf32>
    %add3A_382 = arith.constant 9.99999997E-7 : f32
    %add3A_383 = vector.broadcast %add3A_382 : f32 to vector<16xf32>
    %add3A_384 = arith.addf %sub3A_381, %add3A_383 : vector<16xf32>
    %mul3A_385 = arith.mulf %add3A_377, %add3A_377 : vector<16xf32>
    %add3A_386 = arith.addf %broadcast_in_dim3A_365, %mul3A_385 : vector<16xf32>
    %mul3A_387 = arith.mulf %add3A_384, %add3A_384 : vector<16xf32>
    %add3A_388 = arith.addf %broadcast_in_dim3A_367, %mul3A_387 : vector<16xf32>
    %get3A_389 = arith.index_cast %add3A_363 : i32 to index
    %get3A_390 = arith.constant 16 : index
    %get3A_391 = tpu.vector_load %arg7[%get3A_389, %get3A_390] {strides = array<i32>} : memref<128x128xf32, #tpu.memory_space<vmem>>, vector<16xf32>,
    %get3A_392 = arith.index_cast %add3A_363 : i32 to index
    %get3A_393 = arith.constant 16 : index
    %get3A_394 = tpu.vector_load %arg8[%get3A_392, %get3A_393] {strides = array<i32>} : memref<128x128xf32, #tpu.memory_space<vmem>>, vector<16xf32>,
    %sub3A_395 = arith.subf %get3A_391, %get3A_394 : vector<16xf32>
    %add3A_396 = arith.constant 9.99999997E-7 : f32
    %add3A_397 = vector.broadcast %add3A_396 : f32 to vector<16xf32>
    %add3A_398 = arith.addf %sub3A_395, %add3A_397 : vector<16xf32>
    %get3A_399 = arith.index_cast %add3A_363 : i32 to index
    %get3A_400 = arith.constant 16 : index
    %get3A_401 = tpu.vector_load %arg9[%get3A_399, %get3A_400] {strides = array<i32>} : memref<128x128xf32, #tpu.memory_space<vmem>>, vector<16xf32>,
    %sub3A_402 = arith.subf %get3A_391, %get3A_401 : vector<16xf32>
    %add3A_403 = arith.constant 9.99999997E-7 : f32
    %add3A_404 = vector.broadcast %add3A_403 : f32 to vector<16xf32>
    %add3A_405 = arith.addf %sub3A_402, %add3A_404 : vector<16xf32>
    %mul3A_406 = arith.mulf %add3A_398, %add3A_398 : vector<16xf32>
    %add3A_407 = arith.addf %add3A_386, %mul3A_406 : vector<16xf32>
    %mul3A_408 = arith.mulf %add3A_405, %add3A_405 : vector<16xf32>
    %add3A_409 = arith.addf %add3A_388, %mul3A_408 : vector<16xf32>
    %get3A_410 = arith.index_cast %add3A_363 : i32 to index
    %get3A_411 = arith.constant 32 : index
    %get3A_412 = tpu.vector_load %arg7[%get3A_410, %get3A_411] {strides = array<i32>} : memref<128x128xf32, #tpu.memory_space<vmem>>, vector<16xf32>,
    %get3A_413 = arith.index_cast %add3A_363 : i32 to index
    %get3A_414 = arith.constant 32 : index
    %get3A_415 = tpu.vector_load %arg8[%get3A_413, %get3A_414] {strides = array<i32>} : memref<128x128xf32, #tpu.memory_space<vmem>>, vector<16xf32>,
    %sub3A_416 = arith.subf %get3A_412, %get3A_415 : vector<16xf32>
    %add3A_417 = arith.constant 9.99999997E-7 : f32
    %add3A_418 = vector.broadcast %add3A_417 : f32 to vector<16xf32>
    %add3A_419 = arith.addf %sub3A_416, %add3A_418 : vector<16xf32>
    %get3A_420 = arith.index_cast %add3A_363 : i32 to index
    %get3A_421 = arith.constant 32 : index
    %get3A_422 = tpu.vector_load %arg9[%get3A_420, %get3A_421] {strides = array<i32>} : memref<128x128xf32, #tpu.memory_space<vmem>>, vector<16xf32>,
    %sub3A_423 = arith.subf %get3A_412, %get3A_422 : vector<16xf32>
    %add3A_424 = arith.constant 9.99999997E-7 : f32
    %add3A_425 = vector.broadcast %add3A_424 : f32 to vector<16xf32>
    %add3A_426 = arith.addf %sub3A_423, %add3A_425 : vector<16xf32>
    %mul3A_427 = arith.mulf %add3A_419, %add3A_419 : vector<16xf32>
    %add3A_428 = arith.addf %add3A_407, %mul3A_427 : vector<16xf32>
    %mul3A_429 = arith.mulf %add3A_426, %add3A_426 : vector<16xf32>
    %add3A_430 = arith.addf %add3A_409, %mul3A_429 : vector<16xf32>
    %get3A_431 = arith.index_cast %add3A_363 : i32 to index
    %get3A_432 = arith.constant 48 : index
    %get3A_433 = tpu.vector_load %arg7[%get3A_431, %get3A_432] {strides = array<i32>} : memref<128x128xf32, #tpu.memory_space<vmem>>, vector<16xf32>,
    %get3A_434 = arith.index_cast %add3A_363 : i32 to index
    %get3A_435 = arith.constant 48 : index
    %get3A_436 = tpu.vector_load %arg8[%get3A_434, %get3A_435] {strides = array<i32>} : memref<128x128xf32, #tpu.memory_space<vmem>>, vector<16xf32>,
    %sub3A_437 = arith.subf %get3A_433, %get3A_436 : vector<16xf32>
    %add3A_438 = arith.constant 9.99999997E-7 : f32
    %add3A_439 = vector.broadcast %add3A_438 : f32 to vector<16xf32>
    %add3A_440 = arith.addf %sub3A_437, %add3A_439 : vector<16xf32>
    %get3A_441 = arith.index_cast %add3A_363 : i32 to index
    %get3A_442 = arith.constant 48 : index
    %get3A_443 = tpu.vector_load %arg9[%get3A_441, %get3A_442] {strides = array<i32>} : memref<128x128xf32, #tpu.memory_space<vmem>>, vector<16xf32>,
    %sub3A_444 = arith.subf %get3A_433, %get3A_443 : vector<16xf32>
    %add3A_445 = arith.constant 9.99999997E-7 : f32
    %add3A_446 = vector.broadcast %add3A_445 : f32 to vector<16xf32>
    %add3A_447 = arith.addf %sub3A_444, %add3A_446 : vector<16xf32>
    %mul3A_448 = arith.mulf %add3A_440, %add3A_440 : vector<16xf32>
    %add3A_449 = arith.addf %add3A_428, %mul3A_448 : vector<16xf32>
    %mul3A_450 = arith.mulf %add3A_447, %add3A_447 : vector<16xf32>
    %add3A_451 = arith.addf %add3A_430, %mul3A_450 : vector<16xf32>
    %get3A_452 = arith.index_cast %add3A_363 : i32 to index
    %get3A_453 = arith.constant 64 : index
    %get3A_454 = tpu.vector_load %arg7[%get3A_452, %get3A_453] {strides = array<i32>} : memref<128x128xf32, #tpu.memory_space<vmem>>, vector<16xf32>,
    %get3A_455 = arith.index_cast %add3A_363 : i32 to index
    %get3A_456 = arith.constant 64 : index
    %get3A_457 = tpu.vector_load %arg8[%get3A_455, %get3A_456] {strides = array<i32>} : memref<128x128xf32, #tpu.memory_space<vmem>>, vector<16xf32>,
    %sub3A_458 = arith.subf %get3A_454, %get3A_457 : vector<16xf32>
    %add3A_459 = arith.constant 9.99999997E-7 : f32
    %add3A_460 = vector.broadcast %add3A_459 : f32 to vector<16xf32>
    %add3A_461 = arith.addf %sub3A_458, %add3A_460 : vector<16xf32>
    %get3A_462 = arith.index_cast %add3A_363 : i32 to index
    %get3A_463 = arith.constant 64 : index
    %get3A_464 = tpu.vector_load %arg9[%get3A_462, %get3A_463] {strides = array<i32>} : memref<128x128xf32, #tpu.memory_space<vmem>>, vector<16xf32>,
    %sub3A_465 = arith.subf %get3A_454, %get3A_464 : vector<16xf32>
    %add3A_466 = arith.constant 9.99999997E-7 : f32
    %add3A_467 = vector.broadcast %add3A_466 : f32 to vector<16xf32>
    %add3A_468 = arith.addf %sub3A_465, %add3A_467 : vector<16xf32>
    %mul3A_469 = arith.mulf %add3A_461, %add3A_461 : vector<16xf32>
    %add3A_470 = arith.addf %add3A_449, %mul3A_469 : vector<16xf32>
    %mul3A_471 = arith.mulf %add3A_468, %add3A_468 : vector<16xf32>
    %add3A_472 = arith.addf %add3A_451, %mul3A_471 : vector<16xf32>
    %get3A_473 = arith.index_cast %add3A_363 : i32 to index
    %get3A_474 = arith.constant 80 : index
    %get3A_475 = tpu.vector_load %arg7[%get3A_473, %get3A_474] {strides = array<i32>} : memref<128x128xf32, #tpu.memory_space<vmem>>, vector<16xf32>,
    %get3A_476 = arith.index_cast %add3A_363 : i32 to index
    %get3A_477 = arith.constant 80 : index
    %get3A_478 = tpu.vector_load %arg8[%get3A_476, %get3A_477] {strides = array<i32>} : memref<128x128xf32, #tpu.memory_space<vmem>>, vector<16xf32>,
    %sub3A_479 = arith.subf %get3A_475, %get3A_478 : vector<16xf32>
    %add3A_480 = arith.constant 9.99999997E-7 : f32
    %add3A_481 = vector.broadcast %add3A_480 : f32 to vector<16xf32>
    %add3A_482 = arith.addf %sub3A_479, %add3A_481 : vector<16xf32>
    %get3A_483 = arith.index_cast %add3A_363 : i32 to index
    %get3A_484 = arith.constant 80 : index
    %get3A_485 = tpu.vector_load %arg9[%get3A_483, %get3A_484] {strides = array<i32>} : memref<128x128xf32, #tpu.memory_space<vmem>>, vector<16xf32>,
    %sub3A_486 = arith.subf %get3A_475, %get3A_485 : vector<16xf32>
    %add3A_487 = arith.constant 9.99999997E-7 : f32
    %add3A_488 = vector.broadcast %add3A_487 : f32 to vector<16xf32>
    %add3A_489 = arith.addf %sub3A_486, %add3A_488 : vector<16xf32>
    %mul3A_490 = arith.mulf %add3A_482, %add3A_482 : vector<16xf32>
    %add3A_491 = arith.addf %add3A_470, %mul3A_490 : vector<16xf32>
    %mul3A_492 = arith.mulf %add3A_489, %add3A_489 : vector<16xf32>
    %add3A_493 = arith.addf %add3A_472, %mul3A_492 : vector<16xf32>
    %get3A_494 = arith.index_cast %add3A_363 : i32 to index
    %get3A_495 = arith.constant 96 : index
    %get3A_496 = tpu.vector_load %arg7[%get3A_494, %get3A_495] {strides = array<i32>} : memref<128x128xf32, #tpu.memory_space<vmem>>, vector<16xf32>,
    %get3A_497 = arith.index_cast %add3A_363 : i32 to index
    %get3A_498 = arith.constant 96 : index
    %get3A_499 = tpu.vector_load %arg8[%get3A_497, %get3A_498] {strides = array<i32>} : memref<128x128xf32, #tpu.memory_space<vmem>>, vector<16xf32>,
    %sub3A_500 = arith.subf %get3A_496, %get3A_499 : vector<16xf32>
    %add3A_501 = arith.constant 9.99999997E-7 : f32
    %add3A_502 = vector.broadcast %add3A_501 : f32 to vector<16xf32>
    %add3A_503 = arith.addf %sub3A_500, %add3A_502 : vector<16xf32>
    %get3A_504 = arith.index_cast %add3A_363 : i32 to index
    %get3A_505 = arith.constant 96 : index
    %get3A_506 = tpu.vector_load %arg9[%get3A_504, %get3A_505] {strides = array<i32>} : memref<128x128xf32, #tpu.memory_space<vmem>>, vector<16xf32>,
    %sub3A_507 = arith.subf %get3A_496, %get3A_506 : vector<16xf32>
    %add3A_508 = arith.constant 9.99999997E-7 : f32
    %add3A_509 = vector.broadcast %add3A_508 : f32 to vector<16xf32>
    %add3A_510 = arith.addf %sub3A_507, %add3A_509 : vector<16xf32>
    %mul3A_511 = arith.mulf %add3A_503, %add3A_503 : vector<16xf32>
    %add3A_512 = arith.addf %add3A_491, %mul3A_511 : vector<16xf32>
    %mul3A_513 = arith.mulf %add3A_510, %add3A_510 : vector<16xf32>
    %add3A_514 = arith.addf %add3A_493, %mul3A_513 : vector<16xf32>
    %get3A_515 = arith.index_cast %add3A_363 : i32 to index
    %get3A_516 = arith.constant 112 : index
    %get3A_517 = tpu.vector_load %arg7[%get3A_515, %get3A_516] {strides = array<i32>} : memref<128x128xf32, #tpu.memory_space<vmem>>, vector<16xf32>,
    %get3A_518 = arith.index_cast %add3A_363 : i32 to index
    %get3A_519 = arith.constant 112 : index
    %get3A_520 = tpu.vector_load %arg8[%get3A_518, %get3A_519] {strides = array<i32>} : memref<128x128xf32, #tpu.memory_space<vmem>>, vector<16xf32>,
    %sub3A_521 = arith.subf %get3A_517, %get3A_520 : vector<16xf32>
    %add3A_522 = arith.constant 9.99999997E-7 : f32
    %add3A_523 = vector.broadcast %add3A_522 : f32 to vector<16xf32>
    %add3A_524 = arith.addf %sub3A_521, %add3A_523 : vector<16xf32>
    %get3A_525 = arith.index_cast %add3A_363 : i32 to index
    %get3A_526 = arith.constant 112 : index
    %get3A_527 = tpu.vector_load %arg9[%get3A_525, %get3A_526] {strides = array<i32>} : memref<128x128xf32, #tpu.memory_space<vmem>>, vector<16xf32>,
    %sub3A_528 = arith.subf %get3A_517, %get3A_527 : vector<16xf32>
    %add3A_529 = arith.constant 9.99999997E-7 : f32
    %add3A_530 = vector.broadcast %add3A_529 : f32 to vector<16xf32>
    %add3A_531 = arith.addf %sub3A_528, %add3A_530 : vector<16xf32>
    %mul3A_532 = arith.mulf %add3A_524, %add3A_524 : vector<16xf32>
    %add3A_533 = arith.addf %add3A_512, %mul3A_532 : vector<16xf32>
    %mul3A_534 = arith.mulf %add3A_531, %add3A_531 : vector<16xf32>
    %add3A_535 = arith.addf %add3A_514, %mul3A_534 : vector<16xf32>
    %swap3A_536 = arith.constant 32 : index
    %swap3A_537 = tpu.vector_load %arg11[%swap3A_536] {strides = array<i32>} : memref<512xf32, #tpu.memory_space<vmem>>, vector<16xf32>,
    tpu.vector_store %arg11[%swap3A_536], %add3A_533 {strides = array<i32>} : memref<512xf32, #tpu.memory_space<vmem>>, vector<16xf32>,
    %swap3A_538 = arith.constant 288 : index
    %swap3A_539 = tpu.vector_load %arg11[%swap3A_538] {strides = array<i32>} : memref<512xf32, #tpu.memory_space<vmem>>, vector<16xf32>,
    tpu.vector_store %arg11[%swap3A_538], %add3A_535 {strides = array<i32>} : memref<512xf32, #tpu.memory_space<vmem>>, vector<16xf32>,
    %add3A_540 = arith.constant 3 : i32
    %add3A_541 = arith.addi %mul3A_8, %add3A_540 : i32
    %broadcast_in_dim3A_542 = arith.constant 0.000000e+00 : f32
    %broadcast_in_dim3A_543 = vector.broadcast %broadcast_in_dim3A_542 : f32 to vector<16xf32>
    %broadcast_in_dim3A_544 = arith.constant 0.000000e+00 : f32
    %broadcast_in_dim3A_545 = vector.broadcast %broadcast_in_dim3A_544 : f32 to vector<16xf32>
    %get3A_546 = arith.index_cast %add3A_541 : i32 to index
    %get3A_547 = arith.constant 0 : index
    %get3A_548 = tpu.vector_load %arg7[%get3A_546, %get3A_547] {strides = array<i32>} : memref<128x128xf32, #tpu.memory_space<vmem>>, vector<16xf32>,
    %get3A_549 = arith.index_cast %add3A_541 : i32 to index
    %get3A_550 = arith.constant 0 : index
    %get3A_551 = tpu.vector_load %arg8[%get3A_549, %get3A_550] {strides = array<i32>} : memref<128x128xf32, #tpu.memory_space<vmem>>, vector<16xf32>,
    %sub3A_552 = arith.subf %get3A_548, %get3A_551 : vector<16xf32>
    %add3A_553 = arith.constant 9.99999997E-7 : f32
    %add3A_554 = vector.broadcast %add3A_553 : f32 to vector<16xf32>
    %add3A_555 = arith.addf %sub3A_552, %add3A_554 : vector<16xf32>
    %get3A_556 = arith.index_cast %add3A_541 : i32 to index
    %get3A_557 = arith.constant 0 : index
    %get3A_558 = tpu.vector_load %arg9[%get3A_556, %get3A_557] {strides = array<i32>} : memref<128x128xf32, #tpu.memory_space<vmem>>, vector<16xf32>,
    %sub3A_559 = arith.subf %get3A_548, %get3A_558 : vector<16xf32>
    %add3A_560 = arith.constant 9.99999997E-7 : f32
    %add3A_561 = vector.broadcast %add3A_560 : f32 to vector<16xf32>
    %add3A_562 = arith.addf %sub3A_559, %add3A_561 : vector<16xf32>
    %mul3A_563 = arith.mulf %add3A_555, %add3A_555 : vector<16xf32>
    %add3A_564 = arith.addf %broadcast_in_dim3A_543, %mul3A_563 : vector<16xf32>
    %mul3A_565 = arith.mulf %add3A_562, %add3A_562 : vector<16xf32>
    %add3A_566 = arith.addf %broadcast_in_dim3A_545, %mul3A_565 : vector<16xf32>
    %get3A_567 = arith.index_cast %add3A_541 : i32 to index
    %get3A_568 = arith.constant 16 : index
    %get3A_569 = tpu.vector_load %arg7[%get3A_567, %get3A_568] {strides = array<i32>} : memref<128x128xf32, #tpu.memory_space<vmem>>, vector<16xf32>,
    %get3A_570 = arith.index_cast %add3A_541 : i32 to index
    %get3A_571 = arith.constant 16 : index
    %get3A_572 = tpu.vector_load %arg8[%get3A_570, %get3A_571] {strides = array<i32>} : memref<128x128xf32, #tpu.memory_space<vmem>>, vector<16xf32>,
    %sub3A_573 = arith.subf %get3A_569, %get3A_572 : vector<16xf32>
    %add3A_574 = arith.constant 9.99999997E-7 : f32
    %add3A_575 = vector.broadcast %add3A_574 : f32 to vector<16xf32>
    %add3A_576 = arith.addf %sub3A_573, %add3A_575 : vector<16xf32>
    %get3A_577 = arith.index_cast %add3A_541 : i32 to index
    %get3A_578 = arith.constant 16 : index
    %get3A_579 = tpu.vector_load %arg9[%get3A_577, %get3A_578] {strides = array<i32>} : memref<128x128xf32, #tpu.memory_space<vmem>>, vector<16xf32>,
    %sub3A_580 = arith.subf %get3A_569, %get3A_579 : vector<16xf32>
    %add3A_581 = arith.constant 9.99999997E-7 : f32
    %add3A_582 = vector.broadcast %add3A_581 : f32 to vector<16xf32>
    %add3A_583 = arith.addf %sub3A_580, %add3A_582 : vector<16xf32>
    %mul3A_584 = arith.mulf %add3A_576, %add3A_576 : vector<16xf32>
    %add3A_585 = arith.addf %add3A_564, %mul3A_584 : vector<16xf32>
    %mul3A_586 = arith.mulf %add3A_583, %add3A_583 : vector<16xf32>
    %add3A_587 = arith.addf %add3A_566, %mul3A_586 : vector<16xf32>
    %get3A_588 = arith.index_cast %add3A_541 : i32 to index
    %get3A_589 = arith.constant 32 : index
    %get3A_590 = tpu.vector_load %arg7[%get3A_588, %get3A_589] {strides = array<i32>} : memref<128x128xf32, #tpu.memory_space<vmem>>, vector<16xf32>,
    %get3A_591 = arith.index_cast %add3A_541 : i32 to index
    %get3A_592 = arith.constant 32 : index
    %get3A_593 = tpu.vector_load %arg8[%get3A_591, %get3A_592] {strides = array<i32>} : memref<128x128xf32, #tpu.memory_space<vmem>>, vector<16xf32>,
    %sub3A_594 = arith.subf %get3A_590, %get3A_593 : vector<16xf32>
    %add3A_595 = arith.constant 9.99999997E-7 : f32
    %add3A_596 = vector.broadcast %add3A_595 : f32 to vector<16xf32>
    %add3A_597 = arith.addf %sub3A_594, %add3A_596 : vector<16xf32>
    %get3A_598 = arith.index_cast %add3A_541 : i32 to index
    %get3A_599 = arith.constant 32 : index
    %get3A_600 = tpu.vector_load %arg9[%get3A_598, %get3A_599] {strides = array<i32>} : memref<128x128xf32, #tpu.memory_space<vmem>>, vector<16xf32>,
    %sub3A_601 = arith.subf %get3A_590, %get3A_600 : vector<16xf32>
    %add3A_602 = arith.constant 9.99999997E-7 : f32
    %add3A_603 = vector.broadcast %add3A_602 : f32 to vector<16xf32>
    %add3A_604 = arith.addf %sub3A_601, %add3A_603 : vector<16xf32>
    %mul3A_605 = arith.mulf %add3A_597, %add3A_597 : vector<16xf32>
    %add3A_606 = arith.addf %add3A_585, %mul3A_605 : vector<16xf32>
    %mul3A_607 = arith.mulf %add3A_604, %add3A_604 : vector<16xf32>
    %add3A_608 = arith.addf %add3A_587, %mul3A_607 : vector<16xf32>
    %get3A_609 = arith.index_cast %add3A_541 : i32 to index
    %get3A_610 = arith.constant 48 : index
    %get3A_611 = tpu.vector_load %arg7[%get3A_609, %get3A_610] {strides = array<i32>} : memref<128x128xf32, #tpu.memory_space<vmem>>, vector<16xf32>,
    %get3A_612 = arith.index_cast %add3A_541 : i32 to index
    %get3A_613 = arith.constant 48 : index
    %get3A_614 = tpu.vector_load %arg8[%get3A_612, %get3A_613] {strides = array<i32>} : memref<128x128xf32, #tpu.memory_space<vmem>>, vector<16xf32>,
    %sub3A_615 = arith.subf %get3A_611, %get3A_614 : vector<16xf32>
    %add3A_616 = arith.constant 9.99999997E-7 : f32
    %add3A_617 = vector.broadcast %add3A_616 : f32 to vector<16xf32>
    %add3A_618 = arith.addf %sub3A_615, %add3A_617 : vector<16xf32>
    %get3A_619 = arith.index_cast %add3A_541 : i32 to index
    %get3A_620 = arith.constant 48 : index
    %get3A_621 = tpu.vector_load %arg9[%get3A_619, %get3A_620] {strides = array<i32>} : memref<128x128xf32, #tpu.memory_space<vmem>>, vector<16xf32>,
    %sub3A_622 = arith.subf %get3A_611, %get3A_621 : vector<16xf32>
    %add3A_623 = arith.constant 9.99999997E-7 : f32
    %add3A_624 = vector.broadcast %add3A_623 : f32 to vector<16xf32>
    %add3A_625 = arith.addf %sub3A_622, %add3A_624 : vector<16xf32>
    %mul3A_626 = arith.mulf %add3A_618, %add3A_618 : vector<16xf32>
    %add3A_627 = arith.addf %add3A_606, %mul3A_626 : vector<16xf32>
    %mul3A_628 = arith.mulf %add3A_625, %add3A_625 : vector<16xf32>
    %add3A_629 = arith.addf %add3A_608, %mul3A_628 : vector<16xf32>
    %get3A_630 = arith.index_cast %add3A_541 : i32 to index
    %get3A_631 = arith.constant 64 : index
    %get3A_632 = tpu.vector_load %arg7[%get3A_630, %get3A_631] {strides = array<i32>} : memref<128x128xf32, #tpu.memory_space<vmem>>, vector<16xf32>,
    %get3A_633 = arith.index_cast %add3A_541 : i32 to index
    %get3A_634 = arith.constant 64 : index
    %get3A_635 = tpu.vector_load %arg8[%get3A_633, %get3A_634] {strides = array<i32>} : memref<128x128xf32, #tpu.memory_space<vmem>>, vector<16xf32>,
    %sub3A_636 = arith.subf %get3A_632, %get3A_635 : vector<16xf32>
    %add3A_637 = arith.constant 9.99999997E-7 : f32
    %add3A_638 = vector.broadcast %add3A_637 : f32 to vector<16xf32>
    %add3A_639 = arith.addf %sub3A_636, %add3A_638 : vector<16xf32>
    %get3A_640 = arith.index_cast %add3A_541 : i32 to index
    %get3A_641 = arith.constant 64 : index
    %get3A_642 = tpu.vector_load %arg9[%get3A_640, %get3A_641] {strides = array<i32>} : memref<128x128xf32, #tpu.memory_space<vmem>>, vector<16xf32>,
    %sub3A_643 = arith.subf %get3A_632, %get3A_642 : vector<16xf32>
    %add3A_644 = arith.constant 9.99999997E-7 : f32
    %add3A_645 = vector.broadcast %add3A_644 : f32 to vector<16xf32>
    %add3A_646 = arith.addf %sub3A_643, %add3A_645 : vector<16xf32>
    %mul3A_647 = arith.mulf %add3A_639, %add3A_639 : vector<16xf32>
    %add3A_648 = arith.addf %add3A_627, %mul3A_647 : vector<16xf32>
    %mul3A_649 = arith.mulf %add3A_646, %add3A_646 : vector<16xf32>
    %add3A_650 = arith.addf %add3A_629, %mul3A_649 : vector<16xf32>
    %get3A_651 = arith.index_cast %add3A_541 : i32 to index
    %get3A_652 = arith.constant 80 : index
    %get3A_653 = tpu.vector_load %arg7[%get3A_651, %get3A_652] {strides = array<i32>} : memref<128x128xf32, #tpu.memory_space<vmem>>, vector<16xf32>,
    %get3A_654 = arith.index_cast %add3A_541 : i32 to index
    %get3A_655 = arith.constant 80 : index
    %get3A_656 = tpu.vector_load %arg8[%get3A_654, %get3A_655] {strides = array<i32>} : memref<128x128xf32, #tpu.memory_space<vmem>>, vector<16xf32>,
    %sub3A_657 = arith.subf %get3A_653, %get3A_656 : vector<16xf32>
    %add3A_658 = arith.constant 9.99999997E-7 : f32
    %add3A_659 = vector.broadcast %add3A_658 : f32 to vector<16xf32>
    %add3A_660 = arith.addf %sub3A_657, %add3A_659 : vector<16xf32>
    %get3A_661 = arith.index_cast %add3A_541 : i32 to index
    %get3A_662 = arith.constant 80 : index
    %get3A_663 = tpu.vector_load %arg9[%get3A_661, %get3A_662] {strides = array<i32>} : memref<128x128xf32, #tpu.memory_space<vmem>>, vector<16xf32>,
    %sub3A_664 = arith.subf %get3A_653, %get3A_663 : vector<16xf32>
    %add3A_665 = arith.constant 9.99999997E-7 : f32
    %add3A_666 = vector.broadcast %add3A_665 : f32 to vector<16xf32>
    %add3A_667 = arith.addf %sub3A_664, %add3A_666 : vector<16xf32>
    %mul3A_668 = arith.mulf %add3A_660, %add3A_660 : vector<16xf32>
    %add3A_669 = arith.addf %add3A_648, %mul3A_668 : vector<16xf32>
    %mul3A_670 = arith.mulf %add3A_667, %add3A_667 : vector<16xf32>
    %add3A_671 = arith.addf %add3A_650, %mul3A_670 : vector<16xf32>
    %get3A_672 = arith.index_cast %add3A_541 : i32 to index
    %get3A_673 = arith.constant 96 : index
    %get3A_674 = tpu.vector_load %arg7[%get3A_672, %get3A_673] {strides = array<i32>} : memref<128x128xf32, #tpu.memory_space<vmem>>, vector<16xf32>,
    %get3A_675 = arith.index_cast %add3A_541 : i32 to index
    %get3A_676 = arith.constant 96 : index
    %get3A_677 = tpu.vector_load %arg8[%get3A_675, %get3A_676] {strides = array<i32>} : memref<128x128xf32, #tpu.memory_space<vmem>>, vector<16xf32>,
    %sub3A_678 = arith.subf %get3A_674, %get3A_677 : vector<16xf32>
    %add3A_679 = arith.constant 9.99999997E-7 : f32
    %add3A_680 = vector.broadcast %add3A_679 : f32 to vector<16xf32>
    %add3A_681 = arith.addf %sub3A_678, %add3A_680 : vector<16xf32>
    %get3A_682 = arith.index_cast %add3A_541 : i32 to index
    %get3A_683 = arith.constant 96 : index
    %get3A_684 = tpu.vector_load %arg9[%get3A_682, %get3A_683] {strides = array<i32>} : memref<128x128xf32, #tpu.memory_space<vmem>>, vector<16xf32>,
    %sub3A_685 = arith.subf %get3A_674, %get3A_684 : vector<16xf32>
    %add3A_686 = arith.constant 9.99999997E-7 : f32
    %add3A_687 = vector.broadcast %add3A_686 : f32 to vector<16xf32>
    %add3A_688 = arith.addf %sub3A_685, %add3A_687 : vector<16xf32>
    %mul3A_689 = arith.mulf %add3A_681, %add3A_681 : vector<16xf32>
    %add3A_690 = arith.addf %add3A_669, %mul3A_689 : vector<16xf32>
    %mul3A_691 = arith.mulf %add3A_688, %add3A_688 : vector<16xf32>
    %add3A_692 = arith.addf %add3A_671, %mul3A_691 : vector<16xf32>
    %get3A_693 = arith.index_cast %add3A_541 : i32 to index
    %get3A_694 = arith.constant 112 : index
    %get3A_695 = tpu.vector_load %arg7[%get3A_693, %get3A_694] {strides = array<i32>} : memref<128x128xf32, #tpu.memory_space<vmem>>, vector<16xf32>,
    %get3A_696 = arith.index_cast %add3A_541 : i32 to index
    %get3A_697 = arith.constant 112 : index
    %get3A_698 = tpu.vector_load %arg8[%get3A_696, %get3A_697] {strides = array<i32>} : memref<128x128xf32, #tpu.memory_space<vmem>>, vector<16xf32>,
    %sub3A_699 = arith.subf %get3A_695, %get3A_698 : vector<16xf32>
    %add3A_700 = arith.constant 9.99999997E-7 : f32
    %add3A_701 = vector.broadcast %add3A_700 : f32 to vector<16xf32>
    %add3A_702 = arith.addf %sub3A_699, %add3A_701 : vector<16xf32>
    %get3A_703 = arith.index_cast %add3A_541 : i32 to index
    %get3A_704 = arith.constant 112 : index
    %get3A_705 = tpu.vector_load %arg9[%get3A_703, %get3A_704] {strides = array<i32>} : memref<128x128xf32, #tpu.memory_space<vmem>>, vector<16xf32>,
    %sub3A_706 = arith.subf %get3A_695, %get3A_705 : vector<16xf32>
    %add3A_707 = arith.constant 9.99999997E-7 : f32
    %add3A_708 = vector.broadcast %add3A_707 : f32 to vector<16xf32>
    %add3A_709 = arith.addf %sub3A_706, %add3A_708 : vector<16xf32>
    %mul3A_710 = arith.mulf %add3A_702, %add3A_702 : vector<16xf32>
    %add3A_711 = arith.addf %add3A_690, %mul3A_710 : vector<16xf32>
    %mul3A_712 = arith.mulf %add3A_709, %add3A_709 : vector<16xf32>
    %add3A_713 = arith.addf %add3A_692, %mul3A_712 : vector<16xf32>
    %swap3A_714 = arith.constant 48 : index
    %swap3A_715 = tpu.vector_load %arg11[%swap3A_714] {strides = array<i32>} : memref<512xf32, #tpu.memory_space<vmem>>, vector<16xf32>,
    tpu.vector_store %arg11[%swap3A_714], %add3A_711 {strides = array<i32>} : memref<512xf32, #tpu.memory_space<vmem>>, vector<16xf32>,
    %swap3A_716 = arith.constant 304 : index
    %swap3A_717 = tpu.vector_load %arg11[%swap3A_716] {strides = array<i32>} : memref<512xf32, #tpu.memory_space<vmem>>, vector<16xf32>,
    tpu.vector_store %arg11[%swap3A_716], %add3A_713 {strides = array<i32>} : memref<512xf32, #tpu.memory_space<vmem>>, vector<16xf32>,
    %add3A_718 = arith.constant 4 : i32
    %add3A_719 = arith.addi %mul3A_8, %add3A_718 : i32
    %broadcast_in_dim3A_720 = arith.constant 0.000000e+00 : f32
    %broadcast_in_dim3A_721 = vector.broadcast %broadcast_in_dim3A_720 : f32 to vector<16xf32>
    %broadcast_in_dim3A_722 = arith.constant 0.000000e+00 : f32
    %broadcast_in_dim3A_723 = vector.broadcast %broadcast_in_dim3A_722 : f32 to vector<16xf32>
    %get3A_724 = arith.index_cast %add3A_719 : i32 to index
    %get3A_725 = arith.constant 0 : index
    %get3A_726 = tpu.vector_load %arg7[%get3A_724, %get3A_725] {strides = array<i32>} : memref<128x128xf32, #tpu.memory_space<vmem>>, vector<16xf32>,
    %get3A_727 = arith.index_cast %add3A_719 : i32 to index
    %get3A_728 = arith.constant 0 : index
    %get3A_729 = tpu.vector_load %arg8[%get3A_727, %get3A_728] {strides = array<i32>} : memref<128x128xf32, #tpu.memory_space<vmem>>, vector<16xf32>,
    %sub3A_730 = arith.subf %get3A_726, %get3A_729 : vector<16xf32>
    %add3A_731 = arith.constant 9.99999997E-7 : f32
    %add3A_732 = vector.broadcast %add3A_731 : f32 to vector<16xf32>
    %add3A_733 = arith.addf %sub3A_730, %add3A_732 : vector<16xf32>
    %get3A_734 = arith.index_cast %add3A_719 : i32 to index
    %get3A_735 = arith.constant 0 : index
    %get3A_736 = tpu.vector_load %arg9[%get3A_734, %get3A_735] {strides = array<i32>} : memref<128x128xf32, #tpu.memory_space<vmem>>, vector<16xf32>,
    %sub3A_737 = arith.subf %get3A_726, %get3A_736 : vector<16xf32>
    %add3A_738 = arith.constant 9.99999997E-7 : f32
    %add3A_739 = vector.broadcast %add3A_738 : f32 to vector<16xf32>
    %add3A_740 = arith.addf %sub3A_737, %add3A_739 : vector<16xf32>
    %mul3A_741 = arith.mulf %add3A_733, %add3A_733 : vector<16xf32>
    %add3A_742 = arith.addf %broadcast_in_dim3A_721, %mul3A_741 : vector<16xf32>
    %mul3A_743 = arith.mulf %add3A_740, %add3A_740 : vector<16xf32>
    %add3A_744 = arith.addf %broadcast_in_dim3A_723, %mul3A_743 : vector<16xf32>
    %get3A_745 = arith.index_cast %add3A_719 : i32 to index
    %get3A_746 = arith.constant 16 : index
    %get3A_747 = tpu.vector_load %arg7[%get3A_745, %get3A_746] {strides = array<i32>} : memref<128x128xf32, #tpu.memory_space<vmem>>, vector<16xf32>,
    %get3A_748 = arith.index_cast %add3A_719 : i32 to index
    %get3A_749 = arith.constant 16 : index
    %get3A_750 = tpu.vector_load %arg8[%get3A_748, %get3A_749] {strides = array<i32>} : memref<128x128xf32, #tpu.memory_space<vmem>>, vector<16xf32>,
    %sub3A_751 = arith.subf %get3A_747, %get3A_750 : vector<16xf32>
    %add3A_752 = arith.constant 9.99999997E-7 : f32
    %add3A_753 = vector.broadcast %add3A_752 : f32 to vector<16xf32>
    %add3A_754 = arith.addf %sub3A_751, %add3A_753 : vector<16xf32>
    %get3A_755 = arith.index_cast %add3A_719 : i32 to index
    %get3A_756 = arith.constant 16 : index
    %get3A_757 = tpu.vector_load %arg9[%get3A_755, %get3A_756] {strides = array<i32>} : memref<128x128xf32, #tpu.memory_space<vmem>>, vector<16xf32>,
    %sub3A_758 = arith.subf %get3A_747, %get3A_757 : vector<16xf32>
    %add3A_759 = arith.constant 9.99999997E-7 : f32
    %add3A_760 = vector.broadcast %add3A_759 : f32 to vector<16xf32>
    %add3A_761 = arith.addf %sub3A_758, %add3A_760 : vector<16xf32>
    %mul3A_762 = arith.mulf %add3A_754, %add3A_754 : vector<16xf32>
    %add3A_763 = arith.addf %add3A_742, %mul3A_762 : vector<16xf32>
    %mul3A_764 = arith.mulf %add3A_761, %add3A_761 : vector<16xf32>
    %add3A_765 = arith.addf %add3A_744, %mul3A_764 : vector<16xf32>
    %get3A_766 = arith.index_cast %add3A_719 : i32 to index
    %get3A_767 = arith.constant 32 : index
    %get3A_768 = tpu.vector_load %arg7[%get3A_766, %get3A_767] {strides = array<i32>} : memref<128x128xf32, #tpu.memory_space<vmem>>, vector<16xf32>,
    %get3A_769 = arith.index_cast %add3A_719 : i32 to index
    %get3A_770 = arith.constant 32 : index
    %get3A_771 = tpu.vector_load %arg8[%get3A_769, %get3A_770] {strides = array<i32>} : memref<128x128xf32, #tpu.memory_space<vmem>>, vector<16xf32>,
    %sub3A_772 = arith.subf %get3A_768, %get3A_771 : vector<16xf32>
    %add3A_773 = arith.constant 9.99999997E-7 : f32
    %add3A_774 = vector.broadcast %add3A_773 : f32 to vector<16xf32>
    %add3A_775 = arith.addf %sub3A_772, %add3A_774 : vector<16xf32>
    %get3A_776 = arith.index_cast %add3A_719 : i32 to index
    %get3A_777 = arith.constant 32 : index
    %get3A_778 = tpu.vector_load %arg9[%get3A_776, %get3A_777] {strides = array<i32>} : memref<128x128xf32, #tpu.memory_space<vmem>>, vector<16xf32>,
    %sub3A_779 = arith.subf %get3A_768, %get3A_778 : vector<16xf32>
    %add3A_780 = arith.constant 9.99999997E-7 : f32
    %add3A_781 = vector.broadcast %add3A_780 : f32 to vector<16xf32>
    %add3A_782 = arith.addf %sub3A_779, %add3A_781 : vector<16xf32>
    %mul3A_783 = arith.mulf %add3A_775, %add3A_775 : vector<16xf32>
    %add3A_784 = arith.addf %add3A_763, %mul3A_783 : vector<16xf32>
    %mul3A_785 = arith.mulf %add3A_782, %add3A_782 : vector<16xf32>
    %add3A_786 = arith.addf %add3A_765, %mul3A_785 : vector<16xf32>
    %get3A_787 = arith.index_cast %add3A_719 : i32 to index
    %get3A_788 = arith.constant 48 : index
    %get3A_789 = tpu.vector_load %arg7[%get3A_787, %get3A_788] {strides = array<i32>} : memref<128x128xf32, #tpu.memory_space<vmem>>, vector<16xf32>,
    %get3A_790 = arith.index_cast %add3A_719 : i32 to index
    %get3A_791 = arith.constant 48 : index
    %get3A_792 = tpu.vector_load %arg8[%get3A_790, %get3A_791] {strides = array<i32>} : memref<128x128xf32, #tpu.memory_space<vmem>>, vector<16xf32>,
    %sub3A_793 = arith.subf %get3A_789, %get3A_792 : vector<16xf32>
    %add3A_794 = arith.constant 9.99999997E-7 : f32
    %add3A_795 = vector.broadcast %add3A_794 : f32 to vector<16xf32>
    %add3A_796 = arith.addf %sub3A_793, %add3A_795 : vector<16xf32>
    %get3A_797 = arith.index_cast %add3A_719 : i32 to index
    %get3A_798 = arith.constant 48 : index
    %get3A_799 = tpu.vector_load %arg9[%get3A_797, %get3A_798] {strides = array<i32>} : memref<128x128xf32, #tpu.memory_space<vmem>>, vector<16xf32>,
    %sub3A_800 = arith.subf %get3A_789, %get3A_799 : vector<16xf32>
    %add3A_801 = arith.constant 9.99999997E-7 : f32
    %add3A_802 = vector.broadcast %add3A_801 : f32 to vector<16xf32>
    %add3A_803 = arith.addf %sub3A_800, %add3A_802 : vector<16xf32>
    %mul3A_804 = arith.mulf %add3A_796, %add3A_796 : vector<16xf32>
    %add3A_805 = arith.addf %add3A_784, %mul3A_804 : vector<16xf32>
    %mul3A_806 = arith.mulf %add3A_803, %add3A_803 : vector<16xf32>
    %add3A_807 = arith.addf %add3A_786, %mul3A_806 : vector<16xf32>
    %get3A_808 = arith.index_cast %add3A_719 : i32 to index
    %get3A_809 = arith.constant 64 : index
    %get3A_810 = tpu.vector_load %arg7[%get3A_808, %get3A_809] {strides = array<i32>} : memref<128x128xf32, #tpu.memory_space<vmem>>, vector<16xf32>,
    %get3A_811 = arith.index_cast %add3A_719 : i32 to index
    %get3A_812 = arith.constant 64 : index
    %get3A_813 = tpu.vector_load %arg8[%get3A_811, %get3A_812] {strides = array<i32>} : memref<128x128xf32, #tpu.memory_space<vmem>>, vector<16xf32>,
    %sub3A_814 = arith.subf %get3A_810, %get3A_813 : vector<16xf32>
    %add3A_815 = arith.constant 9.99999997E-7 : f32
    %add3A_816 = vector.broadcast %add3A_815 : f32 to vector<16xf32>
    %add3A_817 = arith.addf %sub3A_814, %add3A_816 : vector<16xf32>
    %get3A_818 = arith.index_cast %add3A_719 : i32 to index
    %get3A_819 = arith.constant 64 : index
    %get3A_820 = tpu.vector_load %arg9[%get3A_818, %get3A_819] {strides = array<i32>} : memref<128x128xf32, #tpu.memory_space<vmem>>, vector<16xf32>,
    %sub3A_821 = arith.subf %get3A_810, %get3A_820 : vector<16xf32>
    %add3A_822 = arith.constant 9.99999997E-7 : f32
    %add3A_823 = vector.broadcast %add3A_822 : f32 to vector<16xf32>
    %add3A_824 = arith.addf %sub3A_821, %add3A_823 : vector<16xf32>
    %mul3A_825 = arith.mulf %add3A_817, %add3A_817 : vector<16xf32>
    %add3A_826 = arith.addf %add3A_805, %mul3A_825 : vector<16xf32>
    %mul3A_827 = arith.mulf %add3A_824, %add3A_824 : vector<16xf32>
    %add3A_828 = arith.addf %add3A_807, %mul3A_827 : vector<16xf32>
    %get3A_829 = arith.index_cast %add3A_719 : i32 to index
    %get3A_830 = arith.constant 80 : index
    %get3A_831 = tpu.vector_load %arg7[%get3A_829, %get3A_830] {strides = array<i32>} : memref<128x128xf32, #tpu.memory_space<vmem>>, vector<16xf32>,
    %get3A_832 = arith.index_cast %add3A_719 : i32 to index
    %get3A_833 = arith.constant 80 : index
    %get3A_834 = tpu.vector_load %arg8[%get3A_832, %get3A_833] {strides = array<i32>} : memref<128x128xf32, #tpu.memory_space<vmem>>, vector<16xf32>,
    %sub3A_835 = arith.subf %get3A_831, %get3A_834 : vector<16xf32>
    %add3A_836 = arith.constant 9.99999997E-7 : f32
    %add3A_837 = vector.broadcast %add3A_836 : f32 to vector<16xf32>
    %add3A_838 = arith.addf %sub3A_835, %add3A_837 : vector<16xf32>
    %get3A_839 = arith.index_cast %add3A_719 : i32 to index
    %get3A_840 = arith.constant 80 : index
    %get3A_841 = tpu.vector_load %arg9[%get3A_839, %get3A_840] {strides = array<i32>} : memref<128x128xf32, #tpu.memory_space<vmem>>, vector<16xf32>,
    %sub3A_842 = arith.subf %get3A_831, %get3A_841 : vector<16xf32>
    %add3A_843 = arith.constant 9.99999997E-7 : f32
    %add3A_844 = vector.broadcast %add3A_843 : f32 to vector<16xf32>
    %add3A_845 = arith.addf %sub3A_842, %add3A_844 : vector<16xf32>
    %mul3A_846 = arith.mulf %add3A_838, %add3A_838 : vector<16xf32>
    %add3A_847 = arith.addf %add3A_826, %mul3A_846 : vector<16xf32>
    %mul3A_848 = arith.mulf %add3A_845, %add3A_845 : vector<16xf32>
    %add3A_849 = arith.addf %add3A_828, %mul3A_848 : vector<16xf32>
    %get3A_850 = arith.index_cast %add3A_719 : i32 to index
    %get3A_851 = arith.constant 96 : index
    %get3A_852 = tpu.vector_load %arg7[%get3A_850, %get3A_851] {strides = array<i32>} : memref<128x128xf32, #tpu.memory_space<vmem>>, vector<16xf32>,
    %get3A_853 = arith.index_cast %add3A_719 : i32 to index
    %get3A_854 = arith.constant 96 : index
    %get3A_855 = tpu.vector_load %arg8[%get3A_853, %get3A_854] {strides = array<i32>} : memref<128x128xf32, #tpu.memory_space<vmem>>, vector<16xf32>,
    %sub3A_856 = arith.subf %get3A_852, %get3A_855 : vector<16xf32>
    %add3A_857 = arith.constant 9.99999997E-7 : f32
    %add3A_858 = vector.broadcast %add3A_857 : f32 to vector<16xf32>
    %add3A_859 = arith.addf %sub3A_856, %add3A_858 : vector<16xf32>
    %get3A_860 = arith.index_cast %add3A_719 : i32 to index
    %get3A_861 = arith.constant 96 : index
    %get3A_862 = tpu.vector_load %arg9[%get3A_860, %get3A_861] {strides = array<i32>} : memref<128x128xf32, #tpu.memory_space<vmem>>, vector<16xf32>,
    %sub3A_863 = arith.subf %get3A_852, %get3A_862 : vector<16xf32>
    %add3A_864 = arith.constant 9.99999997E-7 : f32
    %add3A_865 = vector.broadcast %add3A_864 : f32 to vector<16xf32>
    %add3A_866 = arith.addf %sub3A_863, %add3A_865 : vector<16xf32>
    %mul3A_867 = arith.mulf %add3A_859, %add3A_859 : vector<16xf32>
    %add3A_868 = arith.addf %add3A_847, %mul3A_867 : vector<16xf32>
    %mul3A_869 = arith.mulf %add3A_866, %add3A_866 : vector<16xf32>
    %add3A_870 = arith.addf %add3A_849, %mul3A_869 : vector<16xf32>
    %get3A_871 = arith.index_cast %add3A_719 : i32 to index
    %get3A_872 = arith.constant 112 : index
    %get3A_873 = tpu.vector_load %arg7[%get3A_871, %get3A_872] {strides = array<i32>} : memref<128x128xf32, #tpu.memory_space<vmem>>, vector<16xf32>,
    %get3A_874 = arith.index_cast %add3A_719 : i32 to index
    %get3A_875 = arith.constant 112 : index
    %get3A_876 = tpu.vector_load %arg8[%get3A_874, %get3A_875] {strides = array<i32>} : memref<128x128xf32, #tpu.memory_space<vmem>>, vector<16xf32>,
    %sub3A_877 = arith.subf %get3A_873, %get3A_876 : vector<16xf32>
    %add3A_878 = arith.constant 9.99999997E-7 : f32
    %add3A_879 = vector.broadcast %add3A_878 : f32 to vector<16xf32>
    %add3A_880 = arith.addf %sub3A_877, %add3A_879 : vector<16xf32>
    %get3A_881 = arith.index_cast %add3A_719 : i32 to index
    %get3A_882 = arith.constant 112 : index
    %get3A_883 = tpu.vector_load %arg9[%get3A_881, %get3A_882] {strides = array<i32>} : memref<128x128xf32, #tpu.memory_space<vmem>>, vector<16xf32>,
    %sub3A_884 = arith.subf %get3A_873, %get3A_883 : vector<16xf32>
    %add3A_885 = arith.constant 9.99999997E-7 : f32
    %add3A_886 = vector.broadcast %add3A_885 : f32 to vector<16xf32>
    %add3A_887 = arith.addf %sub3A_884, %add3A_886 : vector<16xf32>
    %mul3A_888 = arith.mulf %add3A_880, %add3A_880 : vector<16xf32>
    %add3A_889 = arith.addf %add3A_868, %mul3A_888 : vector<16xf32>
    %mul3A_890 = arith.mulf %add3A_887, %add3A_887 : vector<16xf32>
    %add3A_891 = arith.addf %add3A_870, %mul3A_890 : vector<16xf32>
    %swap3A_892 = arith.constant 64 : index
    %swap3A_893 = tpu.vector_load %arg11[%swap3A_892] {strides = array<i32>} : memref<512xf32, #tpu.memory_space<vmem>>, vector<16xf32>,
    tpu.vector_store %arg11[%swap3A_892], %add3A_889 {strides = array<i32>} : memref<512xf32, #tpu.memory_space<vmem>>, vector<16xf32>,
    %swap3A_894 = arith.constant 320 : index
    %swap3A_895 = tpu.vector_load %arg11[%swap3A_894] {strides = array<i32>} : memref<512xf32, #tpu.memory_space<vmem>>, vector<16xf32>,
    tpu.vector_store %arg11[%swap3A_894], %add3A_891 {strides = array<i32>} : memref<512xf32, #tpu.memory_space<vmem>>, vector<16xf32>,
    %add3A_896 = arith.constant 5 : i32
    %add3A_897 = arith.addi %mul3A_8, %add3A_896 : i32
    %broadcast_in_dim3A_898 = arith.constant 0.000000e+00 : f32
    %broadcast_in_dim3A_899 = vector.broadcast %broadcast_in_dim3A_898 : f32 to vector<16xf32>
    %broadcast_in_dim3A_900 = arith.constant 0.000000e+00 : f32
    %broadcast_in_dim3A_901 = vector.broadcast %broadcast_in_dim3A_900 : f32 to vector<16xf32>
    %get3A_902 = arith.index_cast %add3A_897 : i32 to index
    %get3A_903 = arith.constant 0 : index
    %get3A_904 = tpu.vector_load %arg7[%get3A_902, %get3A_903] {strides = array<i32>} : memref<128x128xf32, #tpu.memory_space<vmem>>, vector<16xf32>,
    %get3A_905 = arith.index_cast %add3A_897 : i32 to index
    %get3A_906 = arith.constant 0 : index
    %get3A_907 = tpu.vector_load %arg8[%get3A_905, %get3A_906] {strides = array<i32>} : memref<128x128xf32, #tpu.memory_space<vmem>>, vector<16xf32>,
    %sub3A_908 = arith.subf %get3A_904, %get3A_907 : vector<16xf32>
    %add3A_909 = arith.constant 9.99999997E-7 : f32
    %add3A_910 = vector.broadcast %add3A_909 : f32 to vector<16xf32>
    %add3A_911 = arith.addf %sub3A_908, %add3A_910 : vector<16xf32>
    %get3A_912 = arith.index_cast %add3A_897 : i32 to index
    %get3A_913 = arith.constant 0 : index
    %get3A_914 = tpu.vector_load %arg9[%get3A_912, %get3A_913] {strides = array<i32>} : memref<128x128xf32, #tpu.memory_space<vmem>>, vector<16xf32>,
    %sub3A_915 = arith.subf %get3A_904, %get3A_914 : vector<16xf32>
    %add3A_916 = arith.constant 9.99999997E-7 : f32
    %add3A_917 = vector.broadcast %add3A_916 : f32 to vector<16xf32>
    %add3A_918 = arith.addf %sub3A_915, %add3A_917 : vector<16xf32>
    %mul3A_919 = arith.mulf %add3A_911, %add3A_911 : vector<16xf32>
    %add3A_920 = arith.addf %broadcast_in_dim3A_899, %mul3A_919 : vector<16xf32>
    %mul3A_921 = arith.mulf %add3A_918, %add3A_918 : vector<16xf32>
    %add3A_922 = arith.addf %broadcast_in_dim3A_901, %mul3A_921 : vector<16xf32>
    %get3A_923 = arith.index_cast %add3A_897 : i32 to index
    %get3A_924 = arith.constant 16 : index
    %get3A_925 = tpu.vector_load %arg7[%get3A_923, %get3A_924] {strides = array<i32>} : memref<128x128xf32, #tpu.memory_space<vmem>>, vector<16xf32>,
    %get3A_926 = arith.index_cast %add3A_897 : i32 to index
    %get3A_927 = arith.constant 16 : index
    %get3A_928 = tpu.vector_load %arg8[%get3A_926, %get3A_927] {strides = array<i32>} : memref<128x128xf32, #tpu.memory_space<vmem>>, vector<16xf32>,
    %sub3A_929 = arith.subf %get3A_925, %get3A_928 : vector<16xf32>
    %add3A_930 = arith.constant 9.99999997E-7 : f32
    %add3A_931 = vector.broadcast %add3A_930 : f32 to vector<16xf32>
    %add3A_932 = arith.addf %sub3A_929, %add3A_931 : vector<16xf32>
    %get3A_933 = arith.index_cast %add3A_897 : i32 to index
    %get3A_934 = arith.constant 16 : index
    %get3A_935 = tpu.vector_load %arg9[%get3A_933, %get3A_934] {strides = array<i32>} : memref<128x128xf32, #tpu.memory_space<vmem>>, vector<16xf32>,
    %sub3A_936 = arith.subf %get3A_925, %get3A_935 : vector<16xf32>
    %add3A_937 = arith.constant 9.99999997E-7 : f32
    %add3A_938 = vector.broadcast %add3A_937 : f32 to vector<16xf32>
    %add3A_939 = arith.addf %sub3A_936, %add3A_938 : vector<16xf32>
    %mul3A_940 = arith.mulf %add3A_932, %add3A_932 : vector<16xf32>
    %add3A_941 = arith.addf %add3A_920, %mul3A_940 : vector<16xf32>
    %mul3A_942 = arith.mulf %add3A_939, %add3A_939 : vector<16xf32>
    %add3A_943 = arith.addf %add3A_922, %mul3A_942 : vector<16xf32>
    %get3A_944 = arith.index_cast %add3A_897 : i32 to index
    %get3A_945 = arith.constant 32 : index
    %get3A_946 = tpu.vector_load %arg7[%get3A_944, %get3A_945] {strides = array<i32>} : memref<128x128xf32, #tpu.memory_space<vmem>>, vector<16xf32>,
    %get3A_947 = arith.index_cast %add3A_897 : i32 to index
    %get3A_948 = arith.constant 32 : index
    %get3A_949 = tpu.vector_load %arg8[%get3A_947, %get3A_948] {strides = array<i32>} : memref<128x128xf32, #tpu.memory_space<vmem>>, vector<16xf32>,
    %sub3A_950 = arith.subf %get3A_946, %get3A_949 : vector<16xf32>
    %add3A_951 = arith.constant 9.99999997E-7 : f32
    %add3A_952 = vector.broadcast %add3A_951 : f32 to vector<16xf32>
    %add3A_953 = arith.addf %sub3A_950, %add3A_952 : vector<16xf32>
    %get3A_954 = arith.index_cast %add3A_897 : i32 to index
    %get3A_955 = arith.constant 32 : index
    %get3A_956 = tpu.vector_load %arg9[%get3A_954, %get3A_955] {strides = array<i32>} : memref<128x128xf32, #tpu.memory_space<vmem>>, vector<16xf32>,
    %sub3A_957 = arith.subf %get3A_946, %get3A_956 : vector<16xf32>
    %add3A_958 = arith.constant 9.99999997E-7 : f32
    %add3A_959 = vector.broadcast %add3A_958 : f32 to vector<16xf32>
    %add3A_960 = arith.addf %sub3A_957, %add3A_959 : vector<16xf32>
    %mul3A_961 = arith.mulf %add3A_953, %add3A_953 : vector<16xf32>
    %add3A_962 = arith.addf %add3A_941, %mul3A_961 : vector<16xf32>
    %mul3A_963 = arith.mulf %add3A_960, %add3A_960 : vector<16xf32>
    %add3A_964 = arith.addf %add3A_943, %mul3A_963 : vector<16xf32>
    %get3A_965 = arith.index_cast %add3A_897 : i32 to index
    %get3A_966 = arith.constant 48 : index
    %get3A_967 = tpu.vector_load %arg7[%get3A_965, %get3A_966] {strides = array<i32>} : memref<128x128xf32, #tpu.memory_space<vmem>>, vector<16xf32>,
    %get3A_968 = arith.index_cast %add3A_897 : i32 to index
    %get3A_969 = arith.constant 48 : index
    %get3A_970 = tpu.vector_load %arg8[%get3A_968, %get3A_969] {strides = array<i32>} : memref<128x128xf32, #tpu.memory_space<vmem>>, vector<16xf32>,
    %sub3A_971 = arith.subf %get3A_967, %get3A_970 : vector<16xf32>
    %add3A_972 = arith.constant 9.99999997E-7 : f32
    %add3A_973 = vector.broadcast %add3A_972 : f32 to vector<16xf32>
    %add3A_974 = arith.addf %sub3A_971, %add3A_973 : vector<16xf32>
    %get3A_975 = arith.index_cast %add3A_897 : i32 to index
    %get3A_976 = arith.constant 48 : index
    %get3A_977 = tpu.vector_load %arg9[%get3A_975, %get3A_976] {strides = array<i32>} : memref<128x128xf32, #tpu.memory_space<vmem>>, vector<16xf32>,
    %sub3A_978 = arith.subf %get3A_967, %get3A_977 : vector<16xf32>
    %add3A_979 = arith.constant 9.99999997E-7 : f32
    %add3A_980 = vector.broadcast %add3A_979 : f32 to vector<16xf32>
    %add3A_981 = arith.addf %sub3A_978, %add3A_980 : vector<16xf32>
    %mul3A_982 = arith.mulf %add3A_974, %add3A_974 : vector<16xf32>
    %add3A_983 = arith.addf %add3A_962, %mul3A_982 : vector<16xf32>
    %mul3A_984 = arith.mulf %add3A_981, %add3A_981 : vector<16xf32>
    %add3A_985 = arith.addf %add3A_964, %mul3A_984 : vector<16xf32>
    %get3A_986 = arith.index_cast %add3A_897 : i32 to index
    %get3A_987 = arith.constant 64 : index
    %get3A_988 = tpu.vector_load %arg7[%get3A_986, %get3A_987] {strides = array<i32>} : memref<128x128xf32, #tpu.memory_space<vmem>>, vector<16xf32>,
    %get3A_989 = arith.index_cast %add3A_897 : i32 to index
    %get3A_990 = arith.constant 64 : index
    %get3A_991 = tpu.vector_load %arg8[%get3A_989, %get3A_990] {strides = array<i32>} : memref<128x128xf32, #tpu.memory_space<vmem>>, vector<16xf32>,
    %sub3A_992 = arith.subf %get3A_988, %get3A_991 : vector<16xf32>
    %add3A_993 = arith.constant 9.99999997E-7 : f32
    %add3A_994 = vector.broadcast %add3A_993 : f32 to vector<16xf32>
    %add3A_995 = arith.addf %sub3A_992, %add3A_994 : vector<16xf32>
    %get3A_996 = arith.index_cast %add3A_897 : i32 to index
    %get3A_997 = arith.constant 64 : index
    %get3A_998 = tpu.vector_load %arg9[%get3A_996, %get3A_997] {strides = array<i32>} : memref<128x128xf32, #tpu.memory_space<vmem>>, vector<16xf32>,
    %sub3A_999 = arith.subf %get3A_988, %get3A_998 : vector<16xf32>
    %add3A_1000 = arith.constant 9.99999997E-7 : f32
    %add3A_1001 = vector.broadcast %add3A_1000 : f32 to vector<16xf32>
    %add3A_1002 = arith.addf %sub3A_999, %add3A_1001 : vector<16xf32>
    %mul3A_1003 = arith.mulf %add3A_995, %add3A_995 : vector<16xf32>
    %add3A_1004 = arith.addf %add3A_983, %mul3A_1003 : vector<16xf32>
    %mul3A_1005 = arith.mulf %add3A_1002, %add3A_1002 : vector<16xf32>
    %add3A_1006 = arith.addf %add3A_985, %mul3A_1005 : vector<16xf32>
    %get3A_1007 = arith.index_cast %add3A_897 : i32 to index
    %get3A_1008 = arith.constant 80 : index
    %get3A_1009 = tpu.vector_load %arg7[%get3A_1007, %get3A_1008] {strides = array<i32>} : memref<128x128xf32, #tpu.memory_space<vmem>>, vector<16xf32>,
    %get3A_1010 = arith.index_cast %add3A_897 : i32 to index
    %get3A_1011 = arith.constant 80 : index
    %get3A_1012 = tpu.vector_load %arg8[%get3A_1010, %get3A_1011] {strides = array<i32>} : memref<128x128xf32, #tpu.memory_space<vmem>>, vector<16xf32>,
    %sub3A_1013 = arith.subf %get3A_1009, %get3A_1012 : vector<16xf32>
    %add3A_1014 = arith.constant 9.99999997E-7 : f32
    %add3A_1015 = vector.broadcast %add3A_1014 : f32 to vector<16xf32>
    %add3A_1016 = arith.addf %sub3A_1013, %add3A_1015 : vector<16xf32>
    %get3A_1017 = arith.index_cast %add3A_897 : i32 to index
    %get3A_1018 = arith.constant 80 : index
    %get3A_1019 = tpu.vector_load %arg9[%get3A_1017, %get3A_1018] {strides = array<i32>} : memref<128x128xf32, #tpu.memory_space<vmem>>, vector<16xf32>,
    %sub3A_1020 = arith.subf %get3A_1009, %get3A_1019 : vector<16xf32>
    %add3A_1021 = arith.constant 9.99999997E-7 : f32
    %add3A_1022 = vector.broadcast %add3A_1021 : f32 to vector<16xf32>
    %add3A_1023 = arith.addf %sub3A_1020, %add3A_1022 : vector<16xf32>
    %mul3A_1024 = arith.mulf %add3A_1016, %add3A_1016 : vector<16xf32>
    %add3A_1025 = arith.addf %add3A_1004, %mul3A_1024 : vector<16xf32>
    %mul3A_1026 = arith.mulf %add3A_1023, %add3A_1023 : vector<16xf32>
    %add3A_1027 = arith.addf %add3A_1006, %mul3A_1026 : vector<16xf32>
    %get3A_1028 = arith.index_cast %add3A_897 : i32 to index
    %get3A_1029 = arith.constant 96 : index
    %get3A_1030 = tpu.vector_load %arg7[%get3A_1028, %get3A_1029] {strides = array<i32>} : memref<128x128xf32, #tpu.memory_space<vmem>>, vector<16xf32>,
    %get3A_1031 = arith.index_cast %add3A_897 : i32 to index
    %get3A_1032 = arith.constant 96 : index
    %get3A_1033 = tpu.vector_load %arg8[%get3A_1031, %get3A_1032] {strides = array<i32>} : memref<128x128xf32, #tpu.memory_space<vmem>>, vector<16xf32>,
    %sub3A_1034 = arith.subf %get3A_1030, %get3A_1033 : vector<16xf32>
    %add3A_1035 = arith.constant 9.99999997E-7 : f32
    %add3A_1036 = vector.broadcast %add3A_1035 : f32 to vector<16xf32>
    %add3A_1037 = arith.addf %sub3A_1034, %add3A_1036 : vector<16xf32>
    %get3A_1038 = arith.index_cast %add3A_897 : i32 to index
    %get3A_1039 = arith.constant 96 : index
    %get3A_1040 = tpu.vector_load %arg9[%get3A_1038, %get3A_1039] {strides = array<i32>} : memref<128x128xf32, #tpu.memory_space<vmem>>, vector<16xf32>,
    %sub3A_1041 = arith.subf %get3A_1030, %get3A_1040 : vector<16xf32>
    %add3A_1042 = arith.constant 9.99999997E-7 : f32
    %add3A_1043 = vector.broadcast %add3A_1042 : f32 to vector<16xf32>
    %add3A_1044 = arith.addf %sub3A_1041, %add3A_1043 : vector<16xf32>
    %mul3A_1045 = arith.mulf %add3A_1037, %add3A_1037 : vector<16xf32>
    %add3A_1046 = arith.addf %add3A_1025, %mul3A_1045 : vector<16xf32>
    %mul3A_1047 = arith.mulf %add3A_1044, %add3A_1044 : vector<16xf32>
    %add3A_1048 = arith.addf %add3A_1027, %mul3A_1047 : vector<16xf32>
    %get3A_1049 = arith.index_cast %add3A_897 : i32 to index
    %get3A_1050 = arith.constant 112 : index
    %get3A_1051 = tpu.vector_load %arg7[%get3A_1049, %get3A_1050] {strides = array<i32>} : memref<128x128xf32, #tpu.memory_space<vmem>>, vector<16xf32>,
    %get3A_1052 = arith.index_cast %add3A_897 : i32 to index
    %get3A_1053 = arith.constant 112 : index
    %get3A_1054 = tpu.vector_load %arg8[%get3A_1052, %get3A_1053] {strides = array<i32>} : memref<128x128xf32, #tpu.memory_space<vmem>>, vector<16xf32>,
    %sub3A_1055 = arith.subf %get3A_1051, %get3A_1054 : vector<16xf32>
    %add3A_1056 = arith.constant 9.99999997E-7 : f32
    %add3A_1057 = vector.broadcast %add3A_1056 : f32 to vector<16xf32>
    %add3A_1058 = arith.addf %sub3A_1055, %add3A_1057 : vector<16xf32>
    %get3A_1059 = arith.index_cast %add3A_897 : i32 to index
    %get3A_1060 = arith.constant 112 : index
    %get3A_1061 = tpu.vector_load %arg9[%get3A_1059, %get3A_1060] {strides = array<i32>} : memref<128x128xf32, #tpu.memory_space<vmem>>, vector<16xf32>,
    %sub3A_1062 = arith.subf %get3A_1051, %get3A_1061 : vector<16xf32>
    %add3A_1063 = arith.constant 9.99999997E-7 : f32
    %add3A_1064 = vector.broadcast %add3A_1063 : f32 to vector<16xf32>
    %add3A_1065 = arith.addf %sub3A_1062, %add3A_1064 : vector<16xf32>
    %mul3A_1066 = arith.mulf %add3A_1058, %add3A_1058 : vector<16xf32>
    %add3A_1067 = arith.addf %add3A_1046, %mul3A_1066 : vector<16xf32>
    %mul3A_1068 = arith.mulf %add3A_1065, %add3A_1065 : vector<16xf32>
    %add3A_1069 = arith.addf %add3A_1048, %mul3A_1068 : vector<16xf32>
    %swap3A_1070 = arith.constant 80 : index
    %swap3A_1071 = tpu.vector_load %arg11[%swap3A_1070] {strides = array<i32>} : memref<512xf32, #tpu.memory_space<vmem>>, vector<16xf32>,
    tpu.vector_store %arg11[%swap3A_1070], %add3A_1067 {strides = array<i32>} : memref<512xf32, #tpu.memory_space<vmem>>, vector<16xf32>,
    %swap3A_1072 = arith.constant 336 : index
    %swap3A_1073 = tpu.vector_load %arg11[%swap3A_1072] {strides = array<i32>} : memref<512xf32, #tpu.memory_space<vmem>>, vector<16xf32>,
    tpu.vector_store %arg11[%swap3A_1072], %add3A_1069 {strides = array<i32>} : memref<512xf32, #tpu.memory_space<vmem>>, vector<16xf32>,
    %add3A_1074 = arith.constant 6 : i32
    %add3A_1075 = arith.addi %mul3A_8, %add3A_1074 : i32
    %broadcast_in_dim3A_1076 = arith.constant 0.000000e+00 : f32
    %broadcast_in_dim3A_1077 = vector.broadcast %broadcast_in_dim3A_1076 : f32 to vector<16xf32>
    %broadcast_in_dim3A_1078 = arith.constant 0.000000e+00 : f32
    %broadcast_in_dim3A_1079 = vector.broadcast %broadcast_in_dim3A_1078 : f32 to vector<16xf32>
    %get3A_1080 = arith.index_cast %add3A_1075 : i32 to index
    %get3A_1081 = arith.constant 0 : index
    %get3A_1082 = tpu.vector_load %arg7[%get3A_1080, %get3A_1081] {strides = array<i32>} : memref<128x128xf32, #tpu.memory_space<vmem>>, vector<16xf32>,
    %get3A_1083 = arith.index_cast %add3A_1075 : i32 to index
    %get3A_1084 = arith.constant 0 : index
    %get3A_1085 = tpu.vector_load %arg8[%get3A_1083, %get3A_1084] {strides = array<i32>} : memref<128x128xf32, #tpu.memory_space<vmem>>, vector<16xf32>,
    %sub3A_1086 = arith.subf %get3A_1082, %get3A_1085 : vector<16xf32>
    %add3A_1087 = arith.constant 9.99999997E-7 : f32
    %add3A_1088 = vector.broadcast %add3A_1087 : f32 to vector<16xf32>
    %add3A_1089 = arith.addf %sub3A_1086, %add3A_1088 : vector<16xf32>
    %get3A_1090 = arith.index_cast %add3A_1075 : i32 to index
    %get3A_1091 = arith.constant 0 : index
    %get3A_1092 = tpu.vector_load %arg9[%get3A_1090, %get3A_1091] {strides = array<i32>} : memref<128x128xf32, #tpu.memory_space<vmem>>, vector<16xf32>,
    %sub3A_1093 = arith.subf %get3A_1082, %get3A_1092 : vector<16xf32>
    %add3A_1094 = arith.constant 9.99999997E-7 : f32
    %add3A_1095 = vector.broadcast %add3A_1094 : f32 to vector<16xf32>
    %add3A_1096 = arith.addf %sub3A_1093, %add3A_1095 : vector<16xf32>
    %mul3A_1097 = arith.mulf %add3A_1089, %add3A_1089 : vector<16xf32>
    %add3A_1098 = arith.addf %broadcast_in_dim3A_1077, %mul3A_1097 : vector<16xf32>
    %mul3A_1099 = arith.mulf %add3A_1096, %add3A_1096 : vector<16xf32>
    %add3A_1100 = arith.addf %broadcast_in_dim3A_1079, %mul3A_1099 : vector<16xf32>
    %get3A_1101 = arith.index_cast %add3A_1075 : i32 to index
    %get3A_1102 = arith.constant 16 : index
    %get3A_1103 = tpu.vector_load %arg7[%get3A_1101, %get3A_1102] {strides = array<i32>} : memref<128x128xf32, #tpu.memory_space<vmem>>, vector<16xf32>,
    %get3A_1104 = arith.index_cast %add3A_1075 : i32 to index
    %get3A_1105 = arith.constant 16 : index
    %get3A_1106 = tpu.vector_load %arg8[%get3A_1104, %get3A_1105] {strides = array<i32>} : memref<128x128xf32, #tpu.memory_space<vmem>>, vector<16xf32>,
    %sub3A_1107 = arith.subf %get3A_1103, %get3A_1106 : vector<16xf32>
    %add3A_1108 = arith.constant 9.99999997E-7 : f32
    %add3A_1109 = vector.broadcast %add3A_1108 : f32 to vector<16xf32>
    %add3A_1110 = arith.addf %sub3A_1107, %add3A_1109 : vector<16xf32>
    %get3A_1111 = arith.index_cast %add3A_1075 : i32 to index
    %get3A_1112 = arith.constant 16 : index
    %get3A_1113 = tpu.vector_load %arg9[%get3A_1111, %get3A_1112] {strides = array<i32>} : memref<128x128xf32, #tpu.memory_space<vmem>>, vector<16xf32>,
    %sub3A_1114 = arith.subf %get3A_1103, %get3A_1113 : vector<16xf32>
    %add3A_1115 = arith.constant 9.99999997E-7 : f32
    %add3A_1116 = vector.broadcast %add3A_1115 : f32 to vector<16xf32>
    %add3A_1117 = arith.addf %sub3A_1114, %add3A_1116 : vector<16xf32>
    %mul3A_1118 = arith.mulf %add3A_1110, %add3A_1110 : vector<16xf32>
    %add3A_1119 = arith.addf %add3A_1098, %mul3A_1118 : vector<16xf32>
    %mul3A_1120 = arith.mulf %add3A_1117, %add3A_1117 : vector<16xf32>
    %add3A_1121 = arith.addf %add3A_1100, %mul3A_1120 : vector<16xf32>
    %get3A_1122 = arith.index_cast %add3A_1075 : i32 to index
    %get3A_1123 = arith.constant 32 : index
    %get3A_1124 = tpu.vector_load %arg7[%get3A_1122, %get3A_1123] {strides = array<i32>} : memref<128x128xf32, #tpu.memory_space<vmem>>, vector<16xf32>,
    %get3A_1125 = arith.index_cast %add3A_1075 : i32 to index
    %get3A_1126 = arith.constant 32 : index
    %get3A_1127 = tpu.vector_load %arg8[%get3A_1125, %get3A_1126] {strides = array<i32>} : memref<128x128xf32, #tpu.memory_space<vmem>>, vector<16xf32>,
    %sub3A_1128 = arith.subf %get3A_1124, %get3A_1127 : vector<16xf32>
    %add3A_1129 = arith.constant 9.99999997E-7 : f32
    %add3A_1130 = vector.broadcast %add3A_1129 : f32 to vector<16xf32>
    %add3A_1131 = arith.addf %sub3A_1128, %add3A_1130 : vector<16xf32>
    %get3A_1132 = arith.index_cast %add3A_1075 : i32 to index
    %get3A_1133 = arith.constant 32 : index
    %get3A_1134 = tpu.vector_load %arg9[%get3A_1132, %get3A_1133] {strides = array<i32>} : memref<128x128xf32, #tpu.memory_space<vmem>>, vector<16xf32>,
    %sub3A_1135 = arith.subf %get3A_1124, %get3A_1134 : vector<16xf32>
    %add3A_1136 = arith.constant 9.99999997E-7 : f32
    %add3A_1137 = vector.broadcast %add3A_1136 : f32 to vector<16xf32>
    %add3A_1138 = arith.addf %sub3A_1135, %add3A_1137 : vector<16xf32>
    %mul3A_1139 = arith.mulf %add3A_1131, %add3A_1131 : vector<16xf32>
    %add3A_1140 = arith.addf %add3A_1119, %mul3A_1139 : vector<16xf32>
    %mul3A_1141 = arith.mulf %add3A_1138, %add3A_1138 : vector<16xf32>
    %add3A_1142 = arith.addf %add3A_1121, %mul3A_1141 : vector<16xf32>
    %get3A_1143 = arith.index_cast %add3A_1075 : i32 to index
    %get3A_1144 = arith.constant 48 : index
    %get3A_1145 = tpu.vector_load %arg7[%get3A_1143, %get3A_1144] {strides = array<i32>} : memref<128x128xf32, #tpu.memory_space<vmem>>, vector<16xf32>,
    %get3A_1146 = arith.index_cast %add3A_1075 : i32 to index
    %get3A_1147 = arith.constant 48 : index
    %get3A_1148 = tpu.vector_load %arg8[%get3A_1146, %get3A_1147] {strides = array<i32>} : memref<128x128xf32, #tpu.memory_space<vmem>>, vector<16xf32>,
    %sub3A_1149 = arith.subf %get3A_1145, %get3A_1148 : vector<16xf32>
    %add3A_1150 = arith.constant 9.99999997E-7 : f32
    %add3A_1151 = vector.broadcast %add3A_1150 : f32 to vector<16xf32>
    %add3A_1152 = arith.addf %sub3A_1149, %add3A_1151 : vector<16xf32>
    %get3A_1153 = arith.index_cast %add3A_1075 : i32 to index
    %get3A_1154 = arith.constant 48 : index
    %get3A_1155 = tpu.vector_load %arg9[%get3A_1153, %get3A_1154] {strides = array<i32>} : memref<128x128xf32, #tpu.memory_space<vmem>>, vector<16xf32>,
    %sub3A_1156 = arith.subf %get3A_1145, %get3A_1155 : vector<16xf32>
    %add3A_1157 = arith.constant 9.99999997E-7 : f32
    %add3A_1158 = vector.broadcast %add3A_1157 : f32 to vector<16xf32>
    %add3A_1159 = arith.addf %sub3A_1156, %add3A_1158 : vector<16xf32>
    %mul3A_1160 = arith.mulf %add3A_1152, %add3A_1152 : vector<16xf32>
    %add3A_1161 = arith.addf %add3A_1140, %mul3A_1160 : vector<16xf32>
    %mul3A_1162 = arith.mulf %add3A_1159, %add3A_1159 : vector<16xf32>
    %add3A_1163 = arith.addf %add3A_1142, %mul3A_1162 : vector<16xf32>
    %get3A_1164 = arith.index_cast %add3A_1075 : i32 to index
    %get3A_1165 = arith.constant 64 : index
    %get3A_1166 = tpu.vector_load %arg7[%get3A_1164, %get3A_1165] {strides = array<i32>} : memref<128x128xf32, #tpu.memory_space<vmem>>, vector<16xf32>,
    %get3A_1167 = arith.index_cast %add3A_1075 : i32 to index
    %get3A_1168 = arith.constant 64 : index
    %get3A_1169 = tpu.vector_load %arg8[%get3A_1167, %get3A_1168] {strides = array<i32>} : memref<128x128xf32, #tpu.memory_space<vmem>>, vector<16xf32>,
    %sub3A_1170 = arith.subf %get3A_1166, %get3A_1169 : vector<16xf32>
    %add3A_1171 = arith.constant 9.99999997E-7 : f32
    %add3A_1172 = vector.broadcast %add3A_1171 : f32 to vector<16xf32>
    %add3A_1173 = arith.addf %sub3A_1170, %add3A_1172 : vector<16xf32>
    %get3A_1174 = arith.index_cast %add3A_1075 : i32 to index
    %get3A_1175 = arith.constant 64 : index
    %get3A_1176 = tpu.vector_load %arg9[%get3A_1174, %get3A_1175] {strides = array<i32>} : memref<128x128xf32, #tpu.memory_space<vmem>>, vector<16xf32>,
    %sub3A_1177 = arith.subf %get3A_1166, %get3A_1176 : vector<16xf32>
    %add3A_1178 = arith.constant 9.99999997E-7 : f32
    %add3A_1179 = vector.broadcast %add3A_1178 : f32 to vector<16xf32>
    %add3A_1180 = arith.addf %sub3A_1177, %add3A_1179 : vector<16xf32>
    %mul3A_1181 = arith.mulf %add3A_1173, %add3A_1173 : vector<16xf32>
    %add3A_1182 = arith.addf %add3A_1161, %mul3A_1181 : vector<16xf32>
    %mul3A_1183 = arith.mulf %add3A_1180, %add3A_1180 : vector<16xf32>
    %add3A_1184 = arith.addf %add3A_1163, %mul3A_1183 : vector<16xf32>
    %get3A_1185 = arith.index_cast %add3A_1075 : i32 to index
    %get3A_1186 = arith.constant 80 : index
    %get3A_1187 = tpu.vector_load %arg7[%get3A_1185, %get3A_1186] {strides = array<i32>} : memref<128x128xf32, #tpu.memory_space<vmem>>, vector<16xf32>,
    %get3A_1188 = arith.index_cast %add3A_1075 : i32 to index
    %get3A_1189 = arith.constant 80 : index
    %get3A_1190 = tpu.vector_load %arg8[%get3A_1188, %get3A_1189] {strides = array<i32>} : memref<128x128xf32, #tpu.memory_space<vmem>>, vector<16xf32>,
    %sub3A_1191 = arith.subf %get3A_1187, %get3A_1190 : vector<16xf32>
    %add3A_1192 = arith.constant 9.99999997E-7 : f32
    %add3A_1193 = vector.broadcast %add3A_1192 : f32 to vector<16xf32>
    %add3A_1194 = arith.addf %sub3A_1191, %add3A_1193 : vector<16xf32>
    %get3A_1195 = arith.index_cast %add3A_1075 : i32 to index
    %get3A_1196 = arith.constant 80 : index
    %get3A_1197 = tpu.vector_load %arg9[%get3A_1195, %get3A_1196] {strides = array<i32>} : memref<128x128xf32, #tpu.memory_space<vmem>>, vector<16xf32>,
    %sub3A_1198 = arith.subf %get3A_1187, %get3A_1197 : vector<16xf32>
    %add3A_1199 = arith.constant 9.99999997E-7 : f32
    %add3A_1200 = vector.broadcast %add3A_1199 : f32 to vector<16xf32>
    %add3A_1201 = arith.addf %sub3A_1198, %add3A_1200 : vector<16xf32>
    %mul3A_1202 = arith.mulf %add3A_1194, %add3A_1194 : vector<16xf32>
    %add3A_1203 = arith.addf %add3A_1182, %mul3A_1202 : vector<16xf32>
    %mul3A_1204 = arith.mulf %add3A_1201, %add3A_1201 : vector<16xf32>
    %add3A_1205 = arith.addf %add3A_1184, %mul3A_1204 : vector<16xf32>
    %get3A_1206 = arith.index_cast %add3A_1075 : i32 to index
    %get3A_1207 = arith.constant 96 : index
    %get3A_1208 = tpu.vector_load %arg7[%get3A_1206, %get3A_1207] {strides = array<i32>} : memref<128x128xf32, #tpu.memory_space<vmem>>, vector<16xf32>,
    %get3A_1209 = arith.index_cast %add3A_1075 : i32 to index
    %get3A_1210 = arith.constant 96 : index
    %get3A_1211 = tpu.vector_load %arg8[%get3A_1209, %get3A_1210] {strides = array<i32>} : memref<128x128xf32, #tpu.memory_space<vmem>>, vector<16xf32>,
    %sub3A_1212 = arith.subf %get3A_1208, %get3A_1211 : vector<16xf32>
    %add3A_1213 = arith.constant 9.99999997E-7 : f32
    %add3A_1214 = vector.broadcast %add3A_1213 : f32 to vector<16xf32>
    %add3A_1215 = arith.addf %sub3A_1212, %add3A_1214 : vector<16xf32>
    %get3A_1216 = arith.index_cast %add3A_1075 : i32 to index
    %get3A_1217 = arith.constant 96 : index
    %get3A_1218 = tpu.vector_load %arg9[%get3A_1216, %get3A_1217] {strides = array<i32>} : memref<128x128xf32, #tpu.memory_space<vmem>>, vector<16xf32>,
    %sub3A_1219 = arith.subf %get3A_1208, %get3A_1218 : vector<16xf32>
    %add3A_1220 = arith.constant 9.99999997E-7 : f32
    %add3A_1221 = vector.broadcast %add3A_1220 : f32 to vector<16xf32>
    %add3A_1222 = arith.addf %sub3A_1219, %add3A_1221 : vector<16xf32>
    %mul3A_1223 = arith.mulf %add3A_1215, %add3A_1215 : vector<16xf32>
    %add3A_1224 = arith.addf %add3A_1203, %mul3A_1223 : vector<16xf32>
    %mul3A_1225 = arith.mulf %add3A_1222, %add3A_1222 : vector<16xf32>
    %add3A_1226 = arith.addf %add3A_1205, %mul3A_1225 : vector<16xf32>
    %get3A_1227 = arith.index_cast %add3A_1075 : i32 to index
    %get3A_1228 = arith.constant 112 : index
    %get3A_1229 = tpu.vector_load %arg7[%get3A_1227, %get3A_1228] {strides = array<i32>} : memref<128x128xf32, #tpu.memory_space<vmem>>, vector<16xf32>,
    %get3A_1230 = arith.index_cast %add3A_1075 : i32 to index
    %get3A_1231 = arith.constant 112 : index
    %get3A_1232 = tpu.vector_load %arg8[%get3A_1230, %get3A_1231] {strides = array<i32>} : memref<128x128xf32, #tpu.memory_space<vmem>>, vector<16xf32>,
    %sub3A_1233 = arith.subf %get3A_1229, %get3A_1232 : vector<16xf32>
    %add3A_1234 = arith.constant 9.99999997E-7 : f32
    %add3A_1235 = vector.broadcast %add3A_1234 : f32 to vector<16xf32>
    %add3A_1236 = arith.addf %sub3A_1233, %add3A_1235 : vector<16xf32>
    %get3A_1237 = arith.index_cast %add3A_1075 : i32 to index
    %get3A_1238 = arith.constant 112 : index
    %get3A_1239 = tpu.vector_load %arg9[%get3A_1237, %get3A_1238] {strides = array<i32>} : memref<128x128xf32, #tpu.memory_space<vmem>>, vector<16xf32>,
    %sub3A_1240 = arith.subf %get3A_1229, %get3A_1239 : vector<16xf32>
    %add3A_1241 = arith.constant 9.99999997E-7 : f32
    %add3A_1242 = vector.broadcast %add3A_1241 : f32 to vector<16xf32>
    %add3A_1243 = arith.addf %sub3A_1240, %add3A_1242 : vector<16xf32>
    %mul3A_1244 = arith.mulf %add3A_1236, %add3A_1236 : vector<16xf32>
    %add3A_1245 = arith.addf %add3A_1224, %mul3A_1244 : vector<16xf32>
    %mul3A_1246 = arith.mulf %add3A_1243, %add3A_1243 : vector<16xf32>
    %add3A_1247 = arith.addf %add3A_1226, %mul3A_1246 : vector<16xf32>
    %swap3A_1248 = arith.constant 96 : index
    %swap3A_1249 = tpu.vector_load %arg11[%swap3A_1248] {strides = array<i32>} : memref<512xf32, #tpu.memory_space<vmem>>, vector<16xf32>,
    tpu.vector_store %arg11[%swap3A_1248], %add3A_1245 {strides = array<i32>} : memref<512xf32, #tpu.memory_space<vmem>>, vector<16xf32>,
    %swap3A_1250 = arith.constant 352 : index
    %swap3A_1251 = tpu.vector_load %arg11[%swap3A_1250] {strides = array<i32>} : memref<512xf32, #tpu.memory_space<vmem>>, vector<16xf32>,
    tpu.vector_store %arg11[%swap3A_1250], %add3A_1247 {strides = array<i32>} : memref<512xf32, #tpu.memory_space<vmem>>, vector<16xf32>,
    %add3A_1252 = arith.constant 7 : i32
    %add3A_1253 = arith.addi %mul3A_8, %add3A_1252 : i32
    %broadcast_in_dim3A_1254 = arith.constant 0.000000e+00 : f32
    %broadcast_in_dim3A_1255 = vector.broadcast %broadcast_in_dim3A_1254 : f32 to vector<16xf32>
    %broadcast_in_dim3A_1256 = arith.constant 0.000000e+00 : f32
    %broadcast_in_dim3A_1257 = vector.broadcast %broadcast_in_dim3A_1256 : f32 to vector<16xf32>
    %get3A_1258 = arith.index_cast %add3A_1253 : i32 to index
    %get3A_1259 = arith.constant 0 : index
    %get3A_1260 = tpu.vector_load %arg7[%get3A_1258, %get3A_1259] {strides = array<i32>} : memref<128x128xf32, #tpu.memory_space<vmem>>, vector<16xf32>,
    %get3A_1261 = arith.index_cast %add3A_1253 : i32 to index
    %get3A_1262 = arith.constant 0 : index
    %get3A_1263 = tpu.vector_load %arg8[%get3A_1261, %get3A_1262] {strides = array<i32>} : memref<128x128xf32, #tpu.memory_space<vmem>>, vector<16xf32>,
    %sub3A_1264 = arith.subf %get3A_1260, %get3A_1263 : vector<16xf32>
    %add3A_1265 = arith.constant 9.99999997E-7 : f32
    %add3A_1266 = vector.broadcast %add3A_1265 : f32 to vector<16xf32>
    %add3A_1267 = arith.addf %sub3A_1264, %add3A_1266 : vector<16xf32>
    %get3A_1268 = arith.index_cast %add3A_1253 : i32 to index
    %get3A_1269 = arith.constant 0 : index
    %get3A_1270 = tpu.vector_load %arg9[%get3A_1268, %get3A_1269] {strides = array<i32>} : memref<128x128xf32, #tpu.memory_space<vmem>>, vector<16xf32>,
    %sub3A_1271 = arith.subf %get3A_1260, %get3A_1270 : vector<16xf32>
    %add3A_1272 = arith.constant 9.99999997E-7 : f32
    %add3A_1273 = vector.broadcast %add3A_1272 : f32 to vector<16xf32>
    %add3A_1274 = arith.addf %sub3A_1271, %add3A_1273 : vector<16xf32>
    %mul3A_1275 = arith.mulf %add3A_1267, %add3A_1267 : vector<16xf32>
    %add3A_1276 = arith.addf %broadcast_in_dim3A_1255, %mul3A_1275 : vector<16xf32>
    %mul3A_1277 = arith.mulf %add3A_1274, %add3A_1274 : vector<16xf32>
    %add3A_1278 = arith.addf %broadcast_in_dim3A_1257, %mul3A_1277 : vector<16xf32>
    %get3A_1279 = arith.index_cast %add3A_1253 : i32 to index
    %get3A_1280 = arith.constant 16 : index
    %get3A_1281 = tpu.vector_load %arg7[%get3A_1279, %get3A_1280] {strides = array<i32>} : memref<128x128xf32, #tpu.memory_space<vmem>>, vector<16xf32>,
    %get3A_1282 = arith.index_cast %add3A_1253 : i32 to index
    %get3A_1283 = arith.constant 16 : index
    %get3A_1284 = tpu.vector_load %arg8[%get3A_1282, %get3A_1283] {strides = array<i32>} : memref<128x128xf32, #tpu.memory_space<vmem>>, vector<16xf32>,
    %sub3A_1285 = arith.subf %get3A_1281, %get3A_1284 : vector<16xf32>
    %add3A_1286 = arith.constant 9.99999997E-7 : f32
    %add3A_1287 = vector.broadcast %add3A_1286 : f32 to vector<16xf32>
    %add3A_1288 = arith.addf %sub3A_1285, %add3A_1287 : vector<16xf32>
    %get3A_1289 = arith.index_cast %add3A_1253 : i32 to index
    %get3A_1290 = arith.constant 16 : index
    %get3A_1291 = tpu.vector_load %arg9[%get3A_1289, %get3A_1290] {strides = array<i32>} : memref<128x128xf32, #tpu.memory_space<vmem>>, vector<16xf32>,
    %sub3A_1292 = arith.subf %get3A_1281, %get3A_1291 : vector<16xf32>
    %add3A_1293 = arith.constant 9.99999997E-7 : f32
    %add3A_1294 = vector.broadcast %add3A_1293 : f32 to vector<16xf32>
    %add3A_1295 = arith.addf %sub3A_1292, %add3A_1294 : vector<16xf32>
    %mul3A_1296 = arith.mulf %add3A_1288, %add3A_1288 : vector<16xf32>
    %add3A_1297 = arith.addf %add3A_1276, %mul3A_1296 : vector<16xf32>
    %mul3A_1298 = arith.mulf %add3A_1295, %add3A_1295 : vector<16xf32>
    %add3A_1299 = arith.addf %add3A_1278, %mul3A_1298 : vector<16xf32>
    %get3A_1300 = arith.index_cast %add3A_1253 : i32 to index
    %get3A_1301 = arith.constant 32 : index
    %get3A_1302 = tpu.vector_load %arg7[%get3A_1300, %get3A_1301] {strides = array<i32>} : memref<128x128xf32, #tpu.memory_space<vmem>>, vector<16xf32>,
    %get3A_1303 = arith.index_cast %add3A_1253 : i32 to index
    %get3A_1304 = arith.constant 32 : index
    %get3A_1305 = tpu.vector_load %arg8[%get3A_1303, %get3A_1304] {strides = array<i32>} : memref<128x128xf32, #tpu.memory_space<vmem>>, vector<16xf32>,
    %sub3A_1306 = arith.subf %get3A_1302, %get3A_1305 : vector<16xf32>
    %add3A_1307 = arith.constant 9.99999997E-7 : f32
    %add3A_1308 = vector.broadcast %add3A_1307 : f32 to vector<16xf32>
    %add3A_1309 = arith.addf %sub3A_1306, %add3A_1308 : vector<16xf32>
    %get3A_1310 = arith.index_cast %add3A_1253 : i32 to index
    %get3A_1311 = arith.constant 32 : index
    %get3A_1312 = tpu.vector_load %arg9[%get3A_1310, %get3A_1311] {strides = array<i32>} : memref<128x128xf32, #tpu.memory_space<vmem>>, vector<16xf32>,
    %sub3A_1313 = arith.subf %get3A_1302, %get3A_1312 : vector<16xf32>
    %add3A_1314 = arith.constant 9.99999997E-7 : f32
    %add3A_1315 = vector.broadcast %add3A_1314 : f32 to vector<16xf32>
    %add3A_1316 = arith.addf %sub3A_1313, %add3A_1315 : vector<16xf32>
    %mul3A_1317 = arith.mulf %add3A_1309, %add3A_1309 : vector<16xf32>
    %add3A_1318 = arith.addf %add3A_1297, %mul3A_1317 : vector<16xf32>
    %mul3A_1319 = arith.mulf %add3A_1316, %add3A_1316 : vector<16xf32>
    %add3A_1320 = arith.addf %add3A_1299, %mul3A_1319 : vector<16xf32>
    %get3A_1321 = arith.index_cast %add3A_1253 : i32 to index
    %get3A_1322 = arith.constant 48 : index
    %get3A_1323 = tpu.vector_load %arg7[%get3A_1321, %get3A_1322] {strides = array<i32>} : memref<128x128xf32, #tpu.memory_space<vmem>>, vector<16xf32>,
    %get3A_1324 = arith.index_cast %add3A_1253 : i32 to index
    %get3A_1325 = arith.constant 48 : index
    %get3A_1326 = tpu.vector_load %arg8[%get3A_1324, %get3A_1325] {strides = array<i32>} : memref<128x128xf32, #tpu.memory_space<vmem>>, vector<16xf32>,
    %sub3A_1327 = arith.subf %get3A_1323, %get3A_1326 : vector<16xf32>
    %add3A_1328 = arith.constant 9.99999997E-7 : f32
    %add3A_1329 = vector.broadcast %add3A_1328 : f32 to vector<16xf32>
    %add3A_1330 = arith.addf %sub3A_1327, %add3A_1329 : vector<16xf32>
    %get3A_1331 = arith.index_cast %add3A_1253 : i32 to index
    %get3A_1332 = arith.constant 48 : index
    %get3A_1333 = tpu.vector_load %arg9[%get3A_1331, %get3A_1332] {strides = array<i32>} : memref<128x128xf32, #tpu.memory_space<vmem>>, vector<16xf32>,
    %sub3A_1334 = arith.subf %get3A_1323, %get3A_1333 : vector<16xf32>
    %add3A_1335 = arith.constant 9.99999997E-7 : f32
    %add3A_1336 = vector.broadcast %add3A_1335 : f32 to vector<16xf32>
    %add3A_1337 = arith.addf %sub3A_1334, %add3A_1336 : vector<16xf32>
    %mul3A_1338 = arith.mulf %add3A_1330, %add3A_1330 : vector<16xf32>
    %add3A_1339 = arith.addf %add3A_1318, %mul3A_1338 : vector<16xf32>
    %mul3A_1340 = arith.mulf %add3A_1337, %add3A_1337 : vector<16xf32>
    %add3A_1341 = arith.addf %add3A_1320, %mul3A_1340 : vector<16xf32>
    %get3A_1342 = arith.index_cast %add3A_1253 : i32 to index
    %get3A_1343 = arith.constant 64 : index
    %get3A_1344 = tpu.vector_load %arg7[%get3A_1342, %get3A_1343] {strides = array<i32>} : memref<128x128xf32, #tpu.memory_space<vmem>>, vector<16xf32>,
    %get3A_1345 = arith.index_cast %add3A_1253 : i32 to index
    %get3A_1346 = arith.constant 64 : index
    %get3A_1347 = tpu.vector_load %arg8[%get3A_1345, %get3A_1346] {strides = array<i32>} : memref<128x128xf32, #tpu.memory_space<vmem>>, vector<16xf32>,
    %sub3A_1348 = arith.subf %get3A_1344, %get3A_1347 : vector<16xf32>
    %add3A_1349 = arith.constant 9.99999997E-7 : f32
    %add3A_1350 = vector.broadcast %add3A_1349 : f32 to vector<16xf32>
    %add3A_1351 = arith.addf %sub3A_1348, %add3A_1350 : vector<16xf32>
    %get3A_1352 = arith.index_cast %add3A_1253 : i32 to index
    %get3A_1353 = arith.constant 64 : index
    %get3A_1354 = tpu.vector_load %arg9[%get3A_1352, %get3A_1353] {strides = array<i32>} : memref<128x128xf32, #tpu.memory_space<vmem>>, vector<16xf32>,
    %sub3A_1355 = arith.subf %get3A_1344, %get3A_1354 : vector<16xf32>
    %add3A_1356 = arith.constant 9.99999997E-7 : f32
    %add3A_1357 = vector.broadcast %add3A_1356 : f32 to vector<16xf32>
    %add3A_1358 = arith.addf %sub3A_1355, %add3A_1357 : vector<16xf32>
    %mul3A_1359 = arith.mulf %add3A_1351, %add3A_1351 : vector<16xf32>
    %add3A_1360 = arith.addf %add3A_1339, %mul3A_1359 : vector<16xf32>
    %mul3A_1361 = arith.mulf %add3A_1358, %add3A_1358 : vector<16xf32>
    %add3A_1362 = arith.addf %add3A_1341, %mul3A_1361 : vector<16xf32>
    %get3A_1363 = arith.index_cast %add3A_1253 : i32 to index
    %get3A_1364 = arith.constant 80 : index
    %get3A_1365 = tpu.vector_load %arg7[%get3A_1363, %get3A_1364] {strides = array<i32>} : memref<128x128xf32, #tpu.memory_space<vmem>>, vector<16xf32>,
    %get3A_1366 = arith.index_cast %add3A_1253 : i32 to index
    %get3A_1367 = arith.constant 80 : index
    %get3A_1368 = tpu.vector_load %arg8[%get3A_1366, %get3A_1367] {strides = array<i32>} : memref<128x128xf32, #tpu.memory_space<vmem>>, vector<16xf32>,
    %sub3A_1369 = arith.subf %get3A_1365, %get3A_1368 : vector<16xf32>
    %add3A_1370 = arith.constant 9.99999997E-7 : f32
    %add3A_1371 = vector.broadcast %add3A_1370 : f32 to vector<16xf32>
    %add3A_1372 = arith.addf %sub3A_1369, %add3A_1371 : vector<16xf32>
    %get3A_1373 = arith.index_cast %add3A_1253 : i32 to index
    %get3A_1374 = arith.constant 80 : index
    %get3A_1375 = tpu.vector_load %arg9[%get3A_1373, %get3A_1374] {strides = array<i32>} : memref<128x128xf32, #tpu.memory_space<vmem>>, vector<16xf32>,
    %sub3A_1376 = arith.subf %get3A_1365, %get3A_1375 : vector<16xf32>
    %add3A_1377 = arith.constant 9.99999997E-7 : f32
    %add3A_1378 = vector.broadcast %add3A_1377 : f32 to vector<16xf32>
    %add3A_1379 = arith.addf %sub3A_1376, %add3A_1378 : vector<16xf32>
    %mul3A_1380 = arith.mulf %add3A_1372, %add3A_1372 : vector<16xf32>
    %add3A_1381 = arith.addf %add3A_1360, %mul3A_1380 : vector<16xf32>
    %mul3A_1382 = arith.mulf %add3A_1379, %add3A_1379 : vector<16xf32>
    %add3A_1383 = arith.addf %add3A_1362, %mul3A_1382 : vector<16xf32>
    %get3A_1384 = arith.index_cast %add3A_1253 : i32 to index
    %get3A_1385 = arith.constant 96 : index
    %get3A_1386 = tpu.vector_load %arg7[%get3A_1384, %get3A_1385] {strides = array<i32>} : memref<128x128xf32, #tpu.memory_space<vmem>>, vector<16xf32>,
    %get3A_1387 = arith.index_cast %add3A_1253 : i32 to index
    %get3A_1388 = arith.constant 96 : index
    %get3A_1389 = tpu.vector_load %arg8[%get3A_1387, %get3A_1388] {strides = array<i32>} : memref<128x128xf32, #tpu.memory_space<vmem>>, vector<16xf32>,
    %sub3A_1390 = arith.subf %get3A_1386, %get3A_1389 : vector<16xf32>
    %add3A_1391 = arith.constant 9.99999997E-7 : f32
    %add3A_1392 = vector.broadcast %add3A_1391 : f32 to vector<16xf32>
    %add3A_1393 = arith.addf %sub3A_1390, %add3A_1392 : vector<16xf32>
    %get3A_1394 = arith.index_cast %add3A_1253 : i32 to index
    %get3A_1395 = arith.constant 96 : index
    %get3A_1396 = tpu.vector_load %arg9[%get3A_1394, %get3A_1395] {strides = array<i32>} : memref<128x128xf32, #tpu.memory_space<vmem>>, vector<16xf32>,
    %sub3A_1397 = arith.subf %get3A_1386, %get3A_1396 : vector<16xf32>
    %add3A_1398 = arith.constant 9.99999997E-7 : f32
    %add3A_1399 = vector.broadcast %add3A_1398 : f32 to vector<16xf32>
    %add3A_1400 = arith.addf %sub3A_1397, %add3A_1399 : vector<16xf32>
    %mul3A_1401 = arith.mulf %add3A_1393, %add3A_1393 : vector<16xf32>
    %add3A_1402 = arith.addf %add3A_1381, %mul3A_1401 : vector<16xf32>
    %mul3A_1403 = arith.mulf %add3A_1400, %add3A_1400 : vector<16xf32>
    %add3A_1404 = arith.addf %add3A_1383, %mul3A_1403 : vector<16xf32>
    %get3A_1405 = arith.index_cast %add3A_1253 : i32 to index
    %get3A_1406 = arith.constant 112 : index
    %get3A_1407 = tpu.vector_load %arg7[%get3A_1405, %get3A_1406] {strides = array<i32>} : memref<128x128xf32, #tpu.memory_space<vmem>>, vector<16xf32>,
    %get3A_1408 = arith.index_cast %add3A_1253 : i32 to index
    %get3A_1409 = arith.constant 112 : index
    %get3A_1410 = tpu.vector_load %arg8[%get3A_1408, %get3A_1409] {strides = array<i32>} : memref<128x128xf32, #tpu.memory_space<vmem>>, vector<16xf32>,
    %sub3A_1411 = arith.subf %get3A_1407, %get3A_1410 : vector<16xf32>
    %add3A_1412 = arith.constant 9.99999997E-7 : f32
    %add3A_1413 = vector.broadcast %add3A_1412 : f32 to vector<16xf32>
    %add3A_1414 = arith.addf %sub3A_1411, %add3A_1413 : vector<16xf32>
    %get3A_1415 = arith.index_cast %add3A_1253 : i32 to index
    %get3A_1416 = arith.constant 112 : index
    %get3A_1417 = tpu.vector_load %arg9[%get3A_1415, %get3A_1416] {strides = array<i32>} : memref<128x128xf32, #tpu.memory_space<vmem>>, vector<16xf32>,
    %sub3A_1418 = arith.subf %get3A_1407, %get3A_1417 : vector<16xf32>
    %add3A_1419 = arith.constant 9.99999997E-7 : f32
    %add3A_1420 = vector.broadcast %add3A_1419 : f32 to vector<16xf32>
    %add3A_1421 = arith.addf %sub3A_1418, %add3A_1420 : vector<16xf32>
    %mul3A_1422 = arith.mulf %add3A_1414, %add3A_1414 : vector<16xf32>
    %add3A_1423 = arith.addf %add3A_1402, %mul3A_1422 : vector<16xf32>
    %mul3A_1424 = arith.mulf %add3A_1421, %add3A_1421 : vector<16xf32>
    %add3A_1425 = arith.addf %add3A_1404, %mul3A_1424 : vector<16xf32>
    %swap3A_1426 = arith.constant 112 : index
    %swap3A_1427 = tpu.vector_load %arg11[%swap3A_1426] {strides = array<i32>} : memref<512xf32, #tpu.memory_space<vmem>>, vector<16xf32>,
    tpu.vector_store %arg11[%swap3A_1426], %add3A_1423 {strides = array<i32>} : memref<512xf32, #tpu.memory_space<vmem>>, vector<16xf32>,
    %swap3A_1428 = arith.constant 368 : index
    %swap3A_1429 = tpu.vector_load %arg11[%swap3A_1428] {strides = array<i32>} : memref<512xf32, #tpu.memory_space<vmem>>, vector<16xf32>,
    tpu.vector_store %arg11[%swap3A_1428], %add3A_1425 {strides = array<i32>} : memref<512xf32, #tpu.memory_space<vmem>>, vector<16xf32>,
    %add3A_1430 = arith.constant 8 : i32
    %add3A_1431 = arith.addi %mul3A_8, %add3A_1430 : i32
    %broadcast_in_dim3A_1432 = arith.constant 0.000000e+00 : f32
    %broadcast_in_dim3A_1433 = vector.broadcast %broadcast_in_dim3A_1432 : f32 to vector<16xf32>
    %broadcast_in_dim3A_1434 = arith.constant 0.000000e+00 : f32
    %broadcast_in_dim3A_1435 = vector.broadcast %broadcast_in_dim3A_1434 : f32 to vector<16xf32>
    %get3A_1436 = arith.index_cast %add3A_1431 : i32 to index
    %get3A_1437 = arith.constant 0 : index
    %get3A_1438 = tpu.vector_load %arg7[%get3A_1436, %get3A_1437] {strides = array<i32>} : memref<128x128xf32, #tpu.memory_space<vmem>>, vector<16xf32>,
    %get3A_1439 = arith.index_cast %add3A_1431 : i32 to index
    %get3A_1440 = arith.constant 0 : index
    %get3A_1441 = tpu.vector_load %arg8[%get3A_1439, %get3A_1440] {strides = array<i32>} : memref<128x128xf32, #tpu.memory_space<vmem>>, vector<16xf32>,
    %sub3A_1442 = arith.subf %get3A_1438, %get3A_1441 : vector<16xf32>
    %add3A_1443 = arith.constant 9.99999997E-7 : f32
    %add3A_1444 = vector.broadcast %add3A_1443 : f32 to vector<16xf32>
    %add3A_1445 = arith.addf %sub3A_1442, %add3A_1444 : vector<16xf32>
    %get3A_1446 = arith.index_cast %add3A_1431 : i32 to index
    %get3A_1447 = arith.constant 0 : index
    %get3A_1448 = tpu.vector_load %arg9[%get3A_1446, %get3A_1447] {strides = array<i32>} : memref<128x128xf32, #tpu.memory_space<vmem>>, vector<16xf32>,
    %sub3A_1449 = arith.subf %get3A_1438, %get3A_1448 : vector<16xf32>
    %add3A_1450 = arith.constant 9.99999997E-7 : f32
    %add3A_1451 = vector.broadcast %add3A_1450 : f32 to vector<16xf32>
    %add3A_1452 = arith.addf %sub3A_1449, %add3A_1451 : vector<16xf32>
    %mul3A_1453 = arith.mulf %add3A_1445, %add3A_1445 : vector<16xf32>
    %add3A_1454 = arith.addf %broadcast_in_dim3A_1433, %mul3A_1453 : vector<16xf32>
    %mul3A_1455 = arith.mulf %add3A_1452, %add3A_1452 : vector<16xf32>
    %add3A_1456 = arith.addf %broadcast_in_dim3A_1435, %mul3A_1455 : vector<16xf32>
    %get3A_1457 = arith.index_cast %add3A_1431 : i32 to index
    %get3A_1458 = arith.constant 16 : index
    %get3A_1459 = tpu.vector_load %arg7[%get3A_1457, %get3A_1458] {strides = array<i32>} : memref<128x128xf32, #tpu.memory_space<vmem>>, vector<16xf32>,
    %get3A_1460 = arith.index_cast %add3A_1431 : i32 to index
    %get3A_1461 = arith.constant 16 : index
    %get3A_1462 = tpu.vector_load %arg8[%get3A_1460, %get3A_1461] {strides = array<i32>} : memref<128x128xf32, #tpu.memory_space<vmem>>, vector<16xf32>,
    %sub3A_1463 = arith.subf %get3A_1459, %get3A_1462 : vector<16xf32>
    %add3A_1464 = arith.constant 9.99999997E-7 : f32
    %add3A_1465 = vector.broadcast %add3A_1464 : f32 to vector<16xf32>
    %add3A_1466 = arith.addf %sub3A_1463, %add3A_1465 : vector<16xf32>
    %get3A_1467 = arith.index_cast %add3A_1431 : i32 to index
    %get3A_1468 = arith.constant 16 : index
    %get3A_1469 = tpu.vector_load %arg9[%get3A_1467, %get3A_1468] {strides = array<i32>} : memref<128x128xf32, #tpu.memory_space<vmem>>, vector<16xf32>,
    %sub3A_1470 = arith.subf %get3A_1459, %get3A_1469 : vector<16xf32>
    %add3A_1471 = arith.constant 9.99999997E-7 : f32
    %add3A_1472 = vector.broadcast %add3A_1471 : f32 to vector<16xf32>
    %add3A_1473 = arith.addf %sub3A_1470, %add3A_1472 : vector<16xf32>
    %mul3A_1474 = arith.mulf %add3A_1466, %add3A_1466 : vector<16xf32>
    %add3A_1475 = arith.addf %add3A_1454, %mul3A_1474 : vector<16xf32>
    %mul3A_1476 = arith.mulf %add3A_1473, %add3A_1473 : vector<16xf32>
    %add3A_1477 = arith.addf %add3A_1456, %mul3A_1476 : vector<16xf32>
    %get3A_1478 = arith.index_cast %add3A_1431 : i32 to index
    %get3A_1479 = arith.constant 32 : index
    %get3A_1480 = tpu.vector_load %arg7[%get3A_1478, %get3A_1479] {strides = array<i32>} : memref<128x128xf32, #tpu.memory_space<vmem>>, vector<16xf32>,
    %get3A_1481 = arith.index_cast %add3A_1431 : i32 to index
    %get3A_1482 = arith.constant 32 : index
    %get3A_1483 = tpu.vector_load %arg8[%get3A_1481, %get3A_1482] {strides = array<i32>} : memref<128x128xf32, #tpu.memory_space<vmem>>, vector<16xf32>,
    %sub3A_1484 = arith.subf %get3A_1480, %get3A_1483 : vector<16xf32>
    %add3A_1485 = arith.constant 9.99999997E-7 : f32
    %add3A_1486 = vector.broadcast %add3A_1485 : f32 to vector<16xf32>
    %add3A_1487 = arith.addf %sub3A_1484, %add3A_1486 : vector<16xf32>
    %get3A_1488 = arith.index_cast %add3A_1431 : i32 to index
    %get3A_1489 = arith.constant 32 : index
    %get3A_1490 = tpu.vector_load %arg9[%get3A_1488, %get3A_1489] {strides = array<i32>} : memref<128x128xf32, #tpu.memory_space<vmem>>, vector<16xf32>,
    %sub3A_1491 = arith.subf %get3A_1480, %get3A_1490 : vector<16xf32>
    %add3A_1492 = arith.constant 9.99999997E-7 : f32
    %add3A_1493 = vector.broadcast %add3A_1492 : f32 to vector<16xf32>
    %add3A_1494 = arith.addf %sub3A_1491, %add3A_1493 : vector<16xf32>
    %mul3A_1495 = arith.mulf %add3A_1487, %add3A_1487 : vector<16xf32>
    %add3A_1496 = arith.addf %add3A_1475, %mul3A_1495 : vector<16xf32>
    %mul3A_1497 = arith.mulf %add3A_1494, %add3A_1494 : vector<16xf32>
    %add3A_1498 = arith.addf %add3A_1477, %mul3A_1497 : vector<16xf32>
    %get3A_1499 = arith.index_cast %add3A_1431 : i32 to index
    %get3A_1500 = arith.constant 48 : index
    %get3A_1501 = tpu.vector_load %arg7[%get3A_1499, %get3A_1500] {strides = array<i32>} : memref<128x128xf32, #tpu.memory_space<vmem>>, vector<16xf32>,
    %get3A_1502 = arith.index_cast %add3A_1431 : i32 to index
    %get3A_1503 = arith.constant 48 : index
    %get3A_1504 = tpu.vector_load %arg8[%get3A_1502, %get3A_1503] {strides = array<i32>} : memref<128x128xf32, #tpu.memory_space<vmem>>, vector<16xf32>,
    %sub3A_1505 = arith.subf %get3A_1501, %get3A_1504 : vector<16xf32>
    %add3A_1506 = arith.constant 9.99999997E-7 : f32
    %add3A_1507 = vector.broadcast %add3A_1506 : f32 to vector<16xf32>
    %add3A_1508 = arith.addf %sub3A_1505, %add3A_1507 : vector<16xf32>
    %get3A_1509 = arith.index_cast %add3A_1431 : i32 to index
    %get3A_1510 = arith.constant 48 : index
    %get3A_1511 = tpu.vector_load %arg9[%get3A_1509, %get3A_1510] {strides = array<i32>} : memref<128x128xf32, #tpu.memory_space<vmem>>, vector<16xf32>,
    %sub3A_1512 = arith.subf %get3A_1501, %get3A_1511 : vector<16xf32>
    %add3A_1513 = arith.constant 9.99999997E-7 : f32
    %add3A_1514 = vector.broadcast %add3A_1513 : f32 to vector<16xf32>
    %add3A_1515 = arith.addf %sub3A_1512, %add3A_1514 : vector<16xf32>
    %mul3A_1516 = arith.mulf %add3A_1508, %add3A_1508 : vector<16xf32>
    %add3A_1517 = arith.addf %add3A_1496, %mul3A_1516 : vector<16xf32>
    %mul3A_1518 = arith.mulf %add3A_1515, %add3A_1515 : vector<16xf32>
    %add3A_1519 = arith.addf %add3A_1498, %mul3A_1518 : vector<16xf32>
    %get3A_1520 = arith.index_cast %add3A_1431 : i32 to index
    %get3A_1521 = arith.constant 64 : index
    %get3A_1522 = tpu.vector_load %arg7[%get3A_1520, %get3A_1521] {strides = array<i32>} : memref<128x128xf32, #tpu.memory_space<vmem>>, vector<16xf32>,
    %get3A_1523 = arith.index_cast %add3A_1431 : i32 to index
    %get3A_1524 = arith.constant 64 : index
    %get3A_1525 = tpu.vector_load %arg8[%get3A_1523, %get3A_1524] {strides = array<i32>} : memref<128x128xf32, #tpu.memory_space<vmem>>, vector<16xf32>,
    %sub3A_1526 = arith.subf %get3A_1522, %get3A_1525 : vector<16xf32>
    %add3A_1527 = arith.constant 9.99999997E-7 : f32
    %add3A_1528 = vector.broadcast %add3A_1527 : f32 to vector<16xf32>
    %add3A_1529 = arith.addf %sub3A_1526, %add3A_1528 : vector<16xf32>
    %get3A_1530 = arith.index_cast %add3A_1431 : i32 to index
    %get3A_1531 = arith.constant 64 : index
    %get3A_1532 = tpu.vector_load %arg9[%get3A_1530, %get3A_1531] {strides = array<i32>} : memref<128x128xf32, #tpu.memory_space<vmem>>, vector<16xf32>,
    %sub3A_1533 = arith.subf %get3A_1522, %get3A_1532 : vector<16xf32>
    %add3A_1534 = arith.constant 9.99999997E-7 : f32
    %add3A_1535 = vector.broadcast %add3A_1534 : f32 to vector<16xf32>
    %add3A_1536 = arith.addf %sub3A_1533, %add3A_1535 : vector<16xf32>
    %mul3A_1537 = arith.mulf %add3A_1529, %add3A_1529 : vector<16xf32>
    %add3A_1538 = arith.addf %add3A_1517, %mul3A_1537 : vector<16xf32>
    %mul3A_1539 = arith.mulf %add3A_1536, %add3A_1536 : vector<16xf32>
    %add3A_1540 = arith.addf %add3A_1519, %mul3A_1539 : vector<16xf32>
    %get3A_1541 = arith.index_cast %add3A_1431 : i32 to index
    %get3A_1542 = arith.constant 80 : index
    %get3A_1543 = tpu.vector_load %arg7[%get3A_1541, %get3A_1542] {strides = array<i32>} : memref<128x128xf32, #tpu.memory_space<vmem>>, vector<16xf32>,
    %get3A_1544 = arith.index_cast %add3A_1431 : i32 to index
    %get3A_1545 = arith.constant 80 : index
    %get3A_1546 = tpu.vector_load %arg8[%get3A_1544, %get3A_1545] {strides = array<i32>} : memref<128x128xf32, #tpu.memory_space<vmem>>, vector<16xf32>,
    %sub3A_1547 = arith.subf %get3A_1543, %get3A_1546 : vector<16xf32>
    %add3A_1548 = arith.constant 9.99999997E-7 : f32
    %add3A_1549 = vector.broadcast %add3A_1548 : f32 to vector<16xf32>
    %add3A_1550 = arith.addf %sub3A_1547, %add3A_1549 : vector<16xf32>
    %get3A_1551 = arith.index_cast %add3A_1431 : i32 to index
    %get3A_1552 = arith.constant 80 : index
    %get3A_1553 = tpu.vector_load %arg9[%get3A_1551, %get3A_1552] {strides = array<i32>} : memref<128x128xf32, #tpu.memory_space<vmem>>, vector<16xf32>,
    %sub3A_1554 = arith.subf %get3A_1543, %get3A_1553 : vector<16xf32>
    %add3A_1555 = arith.constant 9.99999997E-7 : f32
    %add3A_1556 = vector.broadcast %add3A_1555 : f32 to vector<16xf32>
    %add3A_1557 = arith.addf %sub3A_1554, %add3A_1556 : vector<16xf32>
    %mul3A_1558 = arith.mulf %add3A_1550, %add3A_1550 : vector<16xf32>
    %add3A_1559 = arith.addf %add3A_1538, %mul3A_1558 : vector<16xf32>
    %mul3A_1560 = arith.mulf %add3A_1557, %add3A_1557 : vector<16xf32>
    %add3A_1561 = arith.addf %add3A_1540, %mul3A_1560 : vector<16xf32>
    %get3A_1562 = arith.index_cast %add3A_1431 : i32 to index
    %get3A_1563 = arith.constant 96 : index
    %get3A_1564 = tpu.vector_load %arg7[%get3A_1562, %get3A_1563] {strides = array<i32>} : memref<128x128xf32, #tpu.memory_space<vmem>>, vector<16xf32>,
    %get3A_1565 = arith.index_cast %add3A_1431 : i32 to index
    %get3A_1566 = arith.constant 96 : index
    %get3A_1567 = tpu.vector_load %arg8[%get3A_1565, %get3A_1566] {strides = array<i32>} : memref<128x128xf32, #tpu.memory_space<vmem>>, vector<16xf32>,
    %sub3A_1568 = arith.subf %get3A_1564, %get3A_1567 : vector<16xf32>
    %add3A_1569 = arith.constant 9.99999997E-7 : f32
    %add3A_1570 = vector.broadcast %add3A_1569 : f32 to vector<16xf32>
    %add3A_1571 = arith.addf %sub3A_1568, %add3A_1570 : vector<16xf32>
    %get3A_1572 = arith.index_cast %add3A_1431 : i32 to index
    %get3A_1573 = arith.constant 96 : index
    %get3A_1574 = tpu.vector_load %arg9[%get3A_1572, %get3A_1573] {strides = array<i32>} : memref<128x128xf32, #tpu.memory_space<vmem>>, vector<16xf32>,
    %sub3A_1575 = arith.subf %get3A_1564, %get3A_1574 : vector<16xf32>
    %add3A_1576 = arith.constant 9.99999997E-7 : f32
    %add3A_1577 = vector.broadcast %add3A_1576 : f32 to vector<16xf32>
    %add3A_1578 = arith.addf %sub3A_1575, %add3A_1577 : vector<16xf32>
    %mul3A_1579 = arith.mulf %add3A_1571, %add3A_1571 : vector<16xf32>
    %add3A_1580 = arith.addf %add3A_1559, %mul3A_1579 : vector<16xf32>
    %mul3A_1581 = arith.mulf %add3A_1578, %add3A_1578 : vector<16xf32>
    %add3A_1582 = arith.addf %add3A_1561, %mul3A_1581 : vector<16xf32>
    %get3A_1583 = arith.index_cast %add3A_1431 : i32 to index
    %get3A_1584 = arith.constant 112 : index
    %get3A_1585 = tpu.vector_load %arg7[%get3A_1583, %get3A_1584] {strides = array<i32>} : memref<128x128xf32, #tpu.memory_space<vmem>>, vector<16xf32>,
    %get3A_1586 = arith.index_cast %add3A_1431 : i32 to index
    %get3A_1587 = arith.constant 112 : index
    %get3A_1588 = tpu.vector_load %arg8[%get3A_1586, %get3A_1587] {strides = array<i32>} : memref<128x128xf32, #tpu.memory_space<vmem>>, vector<16xf32>,
    %sub3A_1589 = arith.subf %get3A_1585, %get3A_1588 : vector<16xf32>
    %add3A_1590 = arith.constant 9.99999997E-7 : f32
    %add3A_1591 = vector.broadcast %add3A_1590 : f32 to vector<16xf32>
    %add3A_1592 = arith.addf %sub3A_1589, %add3A_1591 : vector<16xf32>
    %get3A_1593 = arith.index_cast %add3A_1431 : i32 to index
    %get3A_1594 = arith.constant 112 : index
    %get3A_1595 = tpu.vector_load %arg9[%get3A_1593, %get3A_1594] {strides = array<i32>} : memref<128x128xf32, #tpu.memory_space<vmem>>, vector<16xf32>,
    %sub3A_1596 = arith.subf %get3A_1585, %get3A_1595 : vector<16xf32>
    %add3A_1597 = arith.constant 9.99999997E-7 : f32
    %add3A_1598 = vector.broadcast %add3A_1597 : f32 to vector<16xf32>
    %add3A_1599 = arith.addf %sub3A_1596, %add3A_1598 : vector<16xf32>
    %mul3A_1600 = arith.mulf %add3A_1592, %add3A_1592 : vector<16xf32>
    %add3A_1601 = arith.addf %add3A_1580, %mul3A_1600 : vector<16xf32>
    %mul3A_1602 = arith.mulf %add3A_1599, %add3A_1599 : vector<16xf32>
    %add3A_1603 = arith.addf %add3A_1582, %mul3A_1602 : vector<16xf32>
    %swap3A_1604 = arith.constant 128 : index
    %swap3A_1605 = tpu.vector_load %arg11[%swap3A_1604] {strides = array<i32>} : memref<512xf32, #tpu.memory_space<vmem>>, vector<16xf32>,
    tpu.vector_store %arg11[%swap3A_1604], %add3A_1601 {strides = array<i32>} : memref<512xf32, #tpu.memory_space<vmem>>, vector<16xf32>,
    %swap3A_1606 = arith.constant 384 : index
    %swap3A_1607 = tpu.vector_load %arg11[%swap3A_1606] {strides = array<i32>} : memref<512xf32, #tpu.memory_space<vmem>>, vector<16xf32>,
    tpu.vector_store %arg11[%swap3A_1606], %add3A_1603 {strides = array<i32>} : memref<512xf32, #tpu.memory_space<vmem>>, vector<16xf32>,
    %add3A_1608 = arith.constant 9 : i32
    %add3A_1609 = arith.addi %mul3A_8, %add3A_1608 : i32
    %broadcast_in_dim3A_1610 = arith.constant 0.000000e+00 : f32
    %broadcast_in_dim3A_1611 = vector.broadcast %broadcast_in_dim3A_1610 : f32 to vector<16xf32>
    %broadcast_in_dim3A_1612 = arith.constant 0.000000e+00 : f32
    %broadcast_in_dim3A_1613 = vector.broadcast %broadcast_in_dim3A_1612 : f32 to vector<16xf32>
    %get3A_1614 = arith.index_cast %add3A_1609 : i32 to index
    %get3A_1615 = arith.constant 0 : index
    %get3A_1616 = tpu.vector_load %arg7[%get3A_1614, %get3A_1615] {strides = array<i32>} : memref<128x128xf32, #tpu.memory_space<vmem>>, vector<16xf32>,
    %get3A_1617 = arith.index_cast %add3A_1609 : i32 to index
    %get3A_1618 = arith.constant 0 : index
    %get3A_1619 = tpu.vector_load %arg8[%get3A_1617, %get3A_1618] {strides = array<i32>} : memref<128x128xf32, #tpu.memory_space<vmem>>, vector<16xf32>,
    %sub3A_1620 = arith.subf %get3A_1616, %get3A_1619 : vector<16xf32>
    %add3A_1621 = arith.constant 9.99999997E-7 : f32
    %add3A_1622 = vector.broadcast %add3A_1621 : f32 to vector<16xf32>
    %add3A_1623 = arith.addf %sub3A_1620, %add3A_1622 : vector<16xf32>
    %get3A_1624 = arith.index_cast %add3A_1609 : i32 to index
    %get3A_1625 = arith.constant 0 : index
    %get3A_1626 = tpu.vector_load %arg9[%get3A_1624, %get3A_1625] {strides = array<i32>} : memref<128x128xf32, #tpu.memory_space<vmem>>, vector<16xf32>,
    %sub3A_1627 = arith.subf %get3A_1616, %get3A_1626 : vector<16xf32>
    %add3A_1628 = arith.constant 9.99999997E-7 : f32
    %add3A_1629 = vector.broadcast %add3A_1628 : f32 to vector<16xf32>
    %add3A_1630 = arith.addf %sub3A_1627, %add3A_1629 : vector<16xf32>
    %mul3A_1631 = arith.mulf %add3A_1623, %add3A_1623 : vector<16xf32>
    %add3A_1632 = arith.addf %broadcast_in_dim3A_1611, %mul3A_1631 : vector<16xf32>
    %mul3A_1633 = arith.mulf %add3A_1630, %add3A_1630 : vector<16xf32>
    %add3A_1634 = arith.addf %broadcast_in_dim3A_1613, %mul3A_1633 : vector<16xf32>
    %get3A_1635 = arith.index_cast %add3A_1609 : i32 to index
    %get3A_1636 = arith.constant 16 : index
    %get3A_1637 = tpu.vector_load %arg7[%get3A_1635, %get3A_1636] {strides = array<i32>} : memref<128x128xf32, #tpu.memory_space<vmem>>, vector<16xf32>,
    %get3A_1638 = arith.index_cast %add3A_1609 : i32 to index
    %get3A_1639 = arith.constant 16 : index
    %get3A_1640 = tpu.vector_load %arg8[%get3A_1638, %get3A_1639] {strides = array<i32>} : memref<128x128xf32, #tpu.memory_space<vmem>>, vector<16xf32>,
    %sub3A_1641 = arith.subf %get3A_1637, %get3A_1640 : vector<16xf32>
    %add3A_1642 = arith.constant 9.99999997E-7 : f32
    %add3A_1643 = vector.broadcast %add3A_1642 : f32 to vector<16xf32>
    %add3A_1644 = arith.addf %sub3A_1641, %add3A_1643 : vector<16xf32>
    %get3A_1645 = arith.index_cast %add3A_1609 : i32 to index
    %get3A_1646 = arith.constant 16 : index
    %get3A_1647 = tpu.vector_load %arg9[%get3A_1645, %get3A_1646] {strides = array<i32>} : memref<128x128xf32, #tpu.memory_space<vmem>>, vector<16xf32>,
    %sub3A_1648 = arith.subf %get3A_1637, %get3A_1647 : vector<16xf32>
    %add3A_1649 = arith.constant 9.99999997E-7 : f32
    %add3A_1650 = vector.broadcast %add3A_1649 : f32 to vector<16xf32>
    %add3A_1651 = arith.addf %sub3A_1648, %add3A_1650 : vector<16xf32>
    %mul3A_1652 = arith.mulf %add3A_1644, %add3A_1644 : vector<16xf32>
    %add3A_1653 = arith.addf %add3A_1632, %mul3A_1652 : vector<16xf32>
    %mul3A_1654 = arith.mulf %add3A_1651, %add3A_1651 : vector<16xf32>
    %add3A_1655 = arith.addf %add3A_1634, %mul3A_1654 : vector<16xf32>
    %get3A_1656 = arith.index_cast %add3A_1609 : i32 to index
    %get3A_1657 = arith.constant 32 : index
    %get3A_1658 = tpu.vector_load %arg7[%get3A_1656, %get3A_1657] {strides = array<i32>} : memref<128x128xf32, #tpu.memory_space<vmem>>, vector<16xf32>,
    %get3A_1659 = arith.index_cast %add3A_1609 : i32 to index
    %get3A_1660 = arith.constant 32 : index
    %get3A_1661 = tpu.vector_load %arg8[%get3A_1659, %get3A_1660] {strides = array<i32>} : memref<128x128xf32, #tpu.memory_space<vmem>>, vector<16xf32>,
    %sub3A_1662 = arith.subf %get3A_1658, %get3A_1661 : vector<16xf32>
    %add3A_1663 = arith.constant 9.99999997E-7 : f32
    %add3A_1664 = vector.broadcast %add3A_1663 : f32 to vector<16xf32>
    %add3A_1665 = arith.addf %sub3A_1662, %add3A_1664 : vector<16xf32>
    %get3A_1666 = arith.index_cast %add3A_1609 : i32 to index
    %get3A_1667 = arith.constant 32 : index
    %get3A_1668 = tpu.vector_load %arg9[%get3A_1666, %get3A_1667] {strides = array<i32>} : memref<128x128xf32, #tpu.memory_space<vmem>>, vector<16xf32>,
    %sub3A_1669 = arith.subf %get3A_1658, %get3A_1668 : vector<16xf32>
    %add3A_1670 = arith.constant 9.99999997E-7 : f32
    %add3A_1671 = vector.broadcast %add3A_1670 : f32 to vector<16xf32>
    %add3A_1672 = arith.addf %sub3A_1669, %add3A_1671 : vector<16xf32>
    %mul3A_1673 = arith.mulf %add3A_1665, %add3A_1665 : vector<16xf32>
    %add3A_1674 = arith.addf %add3A_1653, %mul3A_1673 : vector<16xf32>
    %mul3A_1675 = arith.mulf %add3A_1672, %add3A_1672 : vector<16xf32>
    %add3A_1676 = arith.addf %add3A_1655, %mul3A_1675 : vector<16xf32>
    %get3A_1677 = arith.index_cast %add3A_1609 : i32 to index
    %get3A_1678 = arith.constant 48 : index
    %get3A_1679 = tpu.vector_load %arg7[%get3A_1677, %get3A_1678] {strides = array<i32>} : memref<128x128xf32, #tpu.memory_space<vmem>>, vector<16xf32>,
    %get3A_1680 = arith.index_cast %add3A_1609 : i32 to index
    %get3A_1681 = arith.constant 48 : index
    %get3A_1682 = tpu.vector_load %arg8[%get3A_1680, %get3A_1681] {strides = array<i32>} : memref<128x128xf32, #tpu.memory_space<vmem>>, vector<16xf32>,
    %sub3A_1683 = arith.subf %get3A_1679, %get3A_1682 : vector<16xf32>
    %add3A_1684 = arith.constant 9.99999997E-7 : f32
    %add3A_1685 = vector.broadcast %add3A_1684 : f32 to vector<16xf32>
    %add3A_1686 = arith.addf %sub3A_1683, %add3A_1685 : vector<16xf32>
    %get3A_1687 = arith.index_cast %add3A_1609 : i32 to index
    %get3A_1688 = arith.constant 48 : index
    %get3A_1689 = tpu.vector_load %arg9[%get3A_1687, %get3A_1688] {strides = array<i32>} : memref<128x128xf32, #tpu.memory_space<vmem>>, vector<16xf32>,
    %sub3A_1690 = arith.subf %get3A_1679, %get3A_1689 : vector<16xf32>
    %add3A_1691 = arith.constant 9.99999997E-7 : f32
    %add3A_1692 = vector.broadcast %add3A_1691 : f32 to vector<16xf32>
    %add3A_1693 = arith.addf %sub3A_1690, %add3A_1692 : vector<16xf32>
    %mul3A_1694 = arith.mulf %add3A_1686, %add3A_1686 : vector<16xf32>
    %add3A_1695 = arith.addf %add3A_1674, %mul3A_1694 : vector<16xf32>
    %mul3A_1696 = arith.mulf %add3A_1693, %add3A_1693 : vector<16xf32>
    %add3A_1697 = arith.addf %add3A_1676, %mul3A_1696 : vector<16xf32>
    %get3A_1698 = arith.index_cast %add3A_1609 : i32 to index
    %get3A_1699 = arith.constant 64 : index
    %get3A_1700 = tpu.vector_load %arg7[%get3A_1698, %get3A_1699] {strides = array<i32>} : memref<128x128xf32, #tpu.memory_space<vmem>>, vector<16xf32>,
    %get3A_1701 = arith.index_cast %add3A_1609 : i32 to index
    %get3A_1702 = arith.constant 64 : index
    %get3A_1703 = tpu.vector_load %arg8[%get3A_1701, %get3A_1702] {strides = array<i32>} : memref<128x128xf32, #tpu.memory_space<vmem>>, vector<16xf32>,
    %sub3A_1704 = arith.subf %get3A_1700, %get3A_1703 : vector<16xf32>
    %add3A_1705 = arith.constant 9.99999997E-7 : f32
    %add3A_1706 = vector.broadcast %add3A_1705 : f32 to vector<16xf32>
    %add3A_1707 = arith.addf %sub3A_1704, %add3A_1706 : vector<16xf32>
    %get3A_1708 = arith.index_cast %add3A_1609 : i32 to index
    %get3A_1709 = arith.constant 64 : index
    %get3A_1710 = tpu.vector_load %arg9[%get3A_1708, %get3A_1709] {strides = array<i32>} : memref<128x128xf32, #tpu.memory_space<vmem>>, vector<16xf32>,
    %sub3A_1711 = arith.subf %get3A_1700, %get3A_1710 : vector<16xf32>
    %add3A_1712 = arith.constant 9.99999997E-7 : f32
    %add3A_1713 = vector.broadcast %add3A_1712 : f32 to vector<16xf32>
    %add3A_1714 = arith.addf %sub3A_1711, %add3A_1713 : vector<16xf32>
    %mul3A_1715 = arith.mulf %add3A_1707, %add3A_1707 : vector<16xf32>
    %add3A_1716 = arith.addf %add3A_1695, %mul3A_1715 : vector<16xf32>
    %mul3A_1717 = arith.mulf %add3A_1714, %add3A_1714 : vector<16xf32>
    %add3A_1718 = arith.addf %add3A_1697, %mul3A_1717 : vector<16xf32>
    %get3A_1719 = arith.index_cast %add3A_1609 : i32 to index
    %get3A_1720 = arith.constant 80 : index
    %get3A_1721 = tpu.vector_load %arg7[%get3A_1719, %get3A_1720] {strides = array<i32>} : memref<128x128xf32, #tpu.memory_space<vmem>>, vector<16xf32>,
    %get3A_1722 = arith.index_cast %add3A_1609 : i32 to index
    %get3A_1723 = arith.constant 80 : index
    %get3A_1724 = tpu.vector_load %arg8[%get3A_1722, %get3A_1723] {strides = array<i32>} : memref<128x128xf32, #tpu.memory_space<vmem>>, vector<16xf32>,
    %sub3A_1725 = arith.subf %get3A_1721, %get3A_1724 : vector<16xf32>
    %add3A_1726 = arith.constant 9.99999997E-7 : f32
    %add3A_1727 = vector.broadcast %add3A_1726 : f32 to vector<16xf32>
    %add3A_1728 = arith.addf %sub3A_1725, %add3A_1727 : vector<16xf32>
    %get3A_1729 = arith.index_cast %add3A_1609 : i32 to index
    %get3A_1730 = arith.constant 80 : index
    %get3A_1731 = tpu.vector_load %arg9[%get3A_1729, %get3A_1730] {strides = array<i32>} : memref<128x128xf32, #tpu.memory_space<vmem>>, vector<16xf32>,
    %sub3A_1732 = arith.subf %get3A_1721, %get3A_1731 : vector<16xf32>
    %add3A_1733 = arith.constant 9.99999997E-7 : f32
    %add3A_1734 = vector.broadcast %add3A_1733 : f32 to vector<16xf32>
    %add3A_1735 = arith.addf %sub3A_1732, %add3A_1734 : vector<16xf32>
    %mul3A_1736 = arith.mulf %add3A_1728, %add3A_1728 : vector<16xf32>
    %add3A_1737 = arith.addf %add3A_1716, %mul3A_1736 : vector<16xf32>
    %mul3A_1738 = arith.mulf %add3A_1735, %add3A_1735 : vector<16xf32>
    %add3A_1739 = arith.addf %add3A_1718, %mul3A_1738 : vector<16xf32>
    %get3A_1740 = arith.index_cast %add3A_1609 : i32 to index
    %get3A_1741 = arith.constant 96 : index
    %get3A_1742 = tpu.vector_load %arg7[%get3A_1740, %get3A_1741] {strides = array<i32>} : memref<128x128xf32, #tpu.memory_space<vmem>>, vector<16xf32>,
    %get3A_1743 = arith.index_cast %add3A_1609 : i32 to index
    %get3A_1744 = arith.constant 96 : index
    %get3A_1745 = tpu.vector_load %arg8[%get3A_1743, %get3A_1744] {strides = array<i32>} : memref<128x128xf32, #tpu.memory_space<vmem>>, vector<16xf32>,
    %sub3A_1746 = arith.subf %get3A_1742, %get3A_1745 : vector<16xf32>
    %add3A_1747 = arith.constant 9.99999997E-7 : f32
    %add3A_1748 = vector.broadcast %add3A_1747 : f32 to vector<16xf32>
    %add3A_1749 = arith.addf %sub3A_1746, %add3A_1748 : vector<16xf32>
    %get3A_1750 = arith.index_cast %add3A_1609 : i32 to index
    %get3A_1751 = arith.constant 96 : index
    %get3A_1752 = tpu.vector_load %arg9[%get3A_1750, %get3A_1751] {strides = array<i32>} : memref<128x128xf32, #tpu.memory_space<vmem>>, vector<16xf32>,
    %sub3A_1753 = arith.subf %get3A_1742, %get3A_1752 : vector<16xf32>
    %add3A_1754 = arith.constant 9.99999997E-7 : f32
    %add3A_1755 = vector.broadcast %add3A_1754 : f32 to vector<16xf32>
    %add3A_1756 = arith.addf %sub3A_1753, %add3A_1755 : vector<16xf32>
    %mul3A_1757 = arith.mulf %add3A_1749, %add3A_1749 : vector<16xf32>
    %add3A_1758 = arith.addf %add3A_1737, %mul3A_1757 : vector<16xf32>
    %mul3A_1759 = arith.mulf %add3A_1756, %add3A_1756 : vector<16xf32>
    %add3A_1760 = arith.addf %add3A_1739, %mul3A_1759 : vector<16xf32>
    %get3A_1761 = arith.index_cast %add3A_1609 : i32 to index
    %get3A_1762 = arith.constant 112 : index
    %get3A_1763 = tpu.vector_load %arg7[%get3A_1761, %get3A_1762] {strides = array<i32>} : memref<128x128xf32, #tpu.memory_space<vmem>>, vector<16xf32>,
    %get3A_1764 = arith.index_cast %add3A_1609 : i32 to index
    %get3A_1765 = arith.constant 112 : index
    %get3A_1766 = tpu.vector_load %arg8[%get3A_1764, %get3A_1765] {strides = array<i32>} : memref<128x128xf32, #tpu.memory_space<vmem>>, vector<16xf32>,
    %sub3A_1767 = arith.subf %get3A_1763, %get3A_1766 : vector<16xf32>
    %add3A_1768 = arith.constant 9.99999997E-7 : f32
    %add3A_1769 = vector.broadcast %add3A_1768 : f32 to vector<16xf32>
    %add3A_1770 = arith.addf %sub3A_1767, %add3A_1769 : vector<16xf32>
    %get3A_1771 = arith.index_cast %add3A_1609 : i32 to index
    %get3A_1772 = arith.constant 112 : index
    %get3A_1773 = tpu.vector_load %arg9[%get3A_1771, %get3A_1772] {strides = array<i32>} : memref<128x128xf32, #tpu.memory_space<vmem>>, vector<16xf32>,
    %sub3A_1774 = arith.subf %get3A_1763, %get3A_1773 : vector<16xf32>
    %add3A_1775 = arith.constant 9.99999997E-7 : f32
    %add3A_1776 = vector.broadcast %add3A_1775 : f32 to vector<16xf32>
    %add3A_1777 = arith.addf %sub3A_1774, %add3A_1776 : vector<16xf32>
    %mul3A_1778 = arith.mulf %add3A_1770, %add3A_1770 : vector<16xf32>
    %add3A_1779 = arith.addf %add3A_1758, %mul3A_1778 : vector<16xf32>
    %mul3A_1780 = arith.mulf %add3A_1777, %add3A_1777 : vector<16xf32>
    %add3A_1781 = arith.addf %add3A_1760, %mul3A_1780 : vector<16xf32>
    %swap3A_1782 = arith.constant 144 : index
    %swap3A_1783 = tpu.vector_load %arg11[%swap3A_1782] {strides = array<i32>} : memref<512xf32, #tpu.memory_space<vmem>>, vector<16xf32>,
    tpu.vector_store %arg11[%swap3A_1782], %add3A_1779 {strides = array<i32>} : memref<512xf32, #tpu.memory_space<vmem>>, vector<16xf32>,
    %swap3A_1784 = arith.constant 400 : index
    %swap3A_1785 = tpu.vector_load %arg11[%swap3A_1784] {strides = array<i32>} : memref<512xf32, #tpu.memory_space<vmem>>, vector<16xf32>,
    tpu.vector_store %arg11[%swap3A_1784], %add3A_1781 {strides = array<i32>} : memref<512xf32, #tpu.memory_space<vmem>>, vector<16xf32>,
    %add3A_1786 = arith.constant 10 : i32
    %add3A_1787 = arith.addi %mul3A_8, %add3A_1786 : i32
    %broadcast_in_dim3A_1788 = arith.constant 0.000000e+00 : f32
    %broadcast_in_dim3A_1789 = vector.broadcast %broadcast_in_dim3A_1788 : f32 to vector<16xf32>
    %broadcast_in_dim3A_1790 = arith.constant 0.000000e+00 : f32
    %broadcast_in_dim3A_1791 = vector.broadcast %broadcast_in_dim3A_1790 : f32 to vector<16xf32>
    %get3A_1792 = arith.index_cast %add3A_1787 : i32 to index
    %get3A_1793 = arith.constant 0 : index
    %get3A_1794 = tpu.vector_load %arg7[%get3A_1792, %get3A_1793] {strides = array<i32>} : memref<128x128xf32, #tpu.memory_space<vmem>>, vector<16xf32>,
    %get3A_1795 = arith.index_cast %add3A_1787 : i32 to index
    %get3A_1796 = arith.constant 0 : index
    %get3A_1797 = tpu.vector_load %arg8[%get3A_1795, %get3A_1796] {strides = array<i32>} : memref<128x128xf32, #tpu.memory_space<vmem>>, vector<16xf32>,
    %sub3A_1798 = arith.subf %get3A_1794, %get3A_1797 : vector<16xf32>
    %add3A_1799 = arith.constant 9.99999997E-7 : f32
    %add3A_1800 = vector.broadcast %add3A_1799 : f32 to vector<16xf32>
    %add3A_1801 = arith.addf %sub3A_1798, %add3A_1800 : vector<16xf32>
    %get3A_1802 = arith.index_cast %add3A_1787 : i32 to index
    %get3A_1803 = arith.constant 0 : index
    %get3A_1804 = tpu.vector_load %arg9[%get3A_1802, %get3A_1803] {strides = array<i32>} : memref<128x128xf32, #tpu.memory_space<vmem>>, vector<16xf32>,
    %sub3A_1805 = arith.subf %get3A_1794, %get3A_1804 : vector<16xf32>
    %add3A_1806 = arith.constant 9.99999997E-7 : f32
    %add3A_1807 = vector.broadcast %add3A_1806 : f32 to vector<16xf32>
    %add3A_1808 = arith.addf %sub3A_1805, %add3A_1807 : vector<16xf32>
    %mul3A_1809 = arith.mulf %add3A_1801, %add3A_1801 : vector<16xf32>
    %add3A_1810 = arith.addf %broadcast_in_dim3A_1789, %mul3A_1809 : vector<16xf32>
    %mul3A_1811 = arith.mulf %add3A_1808, %add3A_1808 : vector<16xf32>
    %add3A_1812 = arith.addf %broadcast_in_dim3A_1791, %mul3A_1811 : vector<16xf32>
    %get3A_1813 = arith.index_cast %add3A_1787 : i32 to index
    %get3A_1814 = arith.constant 16 : index
    %get3A_1815 = tpu.vector_load %arg7[%get3A_1813, %get3A_1814] {strides = array<i32>} : memref<128x128xf32, #tpu.memory_space<vmem>>, vector<16xf32>,
    %get3A_1816 = arith.index_cast %add3A_1787 : i32 to index
    %get3A_1817 = arith.constant 16 : index
    %get3A_1818 = tpu.vector_load %arg8[%get3A_1816, %get3A_1817] {strides = array<i32>} : memref<128x128xf32, #tpu.memory_space<vmem>>, vector<16xf32>,
    %sub3A_1819 = arith.subf %get3A_1815, %get3A_1818 : vector<16xf32>
    %add3A_1820 = arith.constant 9.99999997E-7 : f32
    %add3A_1821 = vector.broadcast %add3A_1820 : f32 to vector<16xf32>
    %add3A_1822 = arith.addf %sub3A_1819, %add3A_1821 : vector<16xf32>
    %get3A_1823 = arith.index_cast %add3A_1787 : i32 to index
    %get3A_1824 = arith.constant 16 : index
    %get3A_1825 = tpu.vector_load %arg9[%get3A_1823, %get3A_1824] {strides = array<i32>} : memref<128x128xf32, #tpu.memory_space<vmem>>, vector<16xf32>,
    %sub3A_1826 = arith.subf %get3A_1815, %get3A_1825 : vector<16xf32>
    %add3A_1827 = arith.constant 9.99999997E-7 : f32
    %add3A_1828 = vector.broadcast %add3A_1827 : f32 to vector<16xf32>
    %add3A_1829 = arith.addf %sub3A_1826, %add3A_1828 : vector<16xf32>
    %mul3A_1830 = arith.mulf %add3A_1822, %add3A_1822 : vector<16xf32>
    %add3A_1831 = arith.addf %add3A_1810, %mul3A_1830 : vector<16xf32>
    %mul3A_1832 = arith.mulf %add3A_1829, %add3A_1829 : vector<16xf32>
    %add3A_1833 = arith.addf %add3A_1812, %mul3A_1832 : vector<16xf32>
    %get3A_1834 = arith.index_cast %add3A_1787 : i32 to index
    %get3A_1835 = arith.constant 32 : index
    %get3A_1836 = tpu.vector_load %arg7[%get3A_1834, %get3A_1835] {strides = array<i32>} : memref<128x128xf32, #tpu.memory_space<vmem>>, vector<16xf32>,
    %get3A_1837 = arith.index_cast %add3A_1787 : i32 to index
    %get3A_1838 = arith.constant 32 : index
    %get3A_1839 = tpu.vector_load %arg8[%get3A_1837, %get3A_1838] {strides = array<i32>} : memref<128x128xf32, #tpu.memory_space<vmem>>, vector<16xf32>,
    %sub3A_1840 = arith.subf %get3A_1836, %get3A_1839 : vector<16xf32>
    %add3A_1841 = arith.constant 9.99999997E-7 : f32
    %add3A_1842 = vector.broadcast %add3A_1841 : f32 to vector<16xf32>
    %add3A_1843 = arith.addf %sub3A_1840, %add3A_1842 : vector<16xf32>
    %get3A_1844 = arith.index_cast %add3A_1787 : i32 to index
    %get3A_1845 = arith.constant 32 : index
    %get3A_1846 = tpu.vector_load %arg9[%get3A_1844, %get3A_1845] {strides = array<i32>} : memref<128x128xf32, #tpu.memory_space<vmem>>, vector<16xf32>,
    %sub3A_1847 = arith.subf %get3A_1836, %get3A_1846 : vector<16xf32>
    %add3A_1848 = arith.constant 9.99999997E-7 : f32
    %add3A_1849 = vector.broadcast %add3A_1848 : f32 to vector<16xf32>
    %add3A_1850 = arith.addf %sub3A_1847, %add3A_1849 : vector<16xf32>
    %mul3A_1851 = arith.mulf %add3A_1843, %add3A_1843 : vector<16xf32>
    %add3A_1852 = arith.addf %add3A_1831, %mul3A_1851 : vector<16xf32>
    %mul3A_1853 = arith.mulf %add3A_1850, %add3A_1850 : vector<16xf32>
    %add3A_1854 = arith.addf %add3A_1833, %mul3A_1853 : vector<16xf32>
    %get3A_1855 = arith.index_cast %add3A_1787 : i32 to index
    %get3A_1856 = arith.constant 48 : index
    %get3A_1857 = tpu.vector_load %arg7[%get3A_1855, %get3A_1856] {strides = array<i32>} : memref<128x128xf32, #tpu.memory_space<vmem>>, vector<16xf32>,
    %get3A_1858 = arith.index_cast %add3A_1787 : i32 to index
    %get3A_1859 = arith.constant 48 : index
    %get3A_1860 = tpu.vector_load %arg8[%get3A_1858, %get3A_1859] {strides = array<i32>} : memref<128x128xf32, #tpu.memory_space<vmem>>, vector<16xf32>,
    %sub3A_1861 = arith.subf %get3A_1857, %get3A_1860 : vector<16xf32>
    %add3A_1862 = arith.constant 9.99999997E-7 : f32
    %add3A_1863 = vector.broadcast %add3A_1862 : f32 to vector<16xf32>
    %add3A_1864 = arith.addf %sub3A_1861, %add3A_1863 : vector<16xf32>
    %get3A_1865 = arith.index_cast %add3A_1787 : i32 to index
    %get3A_1866 = arith.constant 48 : index
    %get3A_1867 = tpu.vector_load %arg9[%get3A_1865, %get3A_1866] {strides = array<i32>} : memref<128x128xf32, #tpu.memory_space<vmem>>, vector<16xf32>,
    %sub3A_1868 = arith.subf %get3A_1857, %get3A_1867 : vector<16xf32>
    %add3A_1869 = arith.constant 9.99999997E-7 : f32
    %add3A_1870 = vector.broadcast %add3A_1869 : f32 to vector<16xf32>
    %add3A_1871 = arith.addf %sub3A_1868, %add3A_1870 : vector<16xf32>
    %mul3A_1872 = arith.mulf %add3A_1864, %add3A_1864 : vector<16xf32>
    %add3A_1873 = arith.addf %add3A_1852, %mul3A_1872 : vector<16xf32>
    %mul3A_1874 = arith.mulf %add3A_1871, %add3A_1871 : vector<16xf32>
    %add3A_1875 = arith.addf %add3A_1854, %mul3A_1874 : vector<16xf32>
    %get3A_1876 = arith.index_cast %add3A_1787 : i32 to index
    %get3A_1877 = arith.constant 64 : index
    %get3A_1878 = tpu.vector_load %arg7[%get3A_1876, %get3A_1877] {strides = array<i32>} : memref<128x128xf32, #tpu.memory_space<vmem>>, vector<16xf32>,
    %get3A_1879 = arith.index_cast %add3A_1787 : i32 to index
    %get3A_1880 = arith.constant 64 : index
    %get3A_1881 = tpu.vector_load %arg8[%get3A_1879, %get3A_1880] {strides = array<i32>} : memref<128x128xf32, #tpu.memory_space<vmem>>, vector<16xf32>,
    %sub3A_1882 = arith.subf %get3A_1878, %get3A_1881 : vector<16xf32>
    %add3A_1883 = arith.constant 9.99999997E-7 : f32
    %add3A_1884 = vector.broadcast %add3A_1883 : f32 to vector<16xf32>
    %add3A_1885 = arith.addf %sub3A_1882, %add3A_1884 : vector<16xf32>
    %get3A_1886 = arith.index_cast %add3A_1787 : i32 to index
    %get3A_1887 = arith.constant 64 : index
    %get3A_1888 = tpu.vector_load %arg9[%get3A_1886, %get3A_1887] {strides = array<i32>} : memref<128x128xf32, #tpu.memory_space<vmem>>, vector<16xf32>,
    %sub3A_1889 = arith.subf %get3A_1878, %get3A_1888 : vector<16xf32>
    %add3A_1890 = arith.constant 9.99999997E-7 : f32
    %add3A_1891 = vector.broadcast %add3A_1890 : f32 to vector<16xf32>
    %add3A_1892 = arith.addf %sub3A_1889, %add3A_1891 : vector<16xf32>
    %mul3A_1893 = arith.mulf %add3A_1885, %add3A_1885 : vector<16xf32>
    %add3A_1894 = arith.addf %add3A_1873, %mul3A_1893 : vector<16xf32>
    %mul3A_1895 = arith.mulf %add3A_1892, %add3A_1892 : vector<16xf32>
    %add3A_1896 = arith.addf %add3A_1875, %mul3A_1895 : vector<16xf32>
    %get3A_1897 = arith.index_cast %add3A_1787 : i32 to index
    %get3A_1898 = arith.constant 80 : index
    %get3A_1899 = tpu.vector_load %arg7[%get3A_1897, %get3A_1898] {strides = array<i32>} : memref<128x128xf32, #tpu.memory_space<vmem>>, vector<16xf32>,
    %get3A_1900 = arith.index_cast %add3A_1787 : i32 to index
    %get3A_1901 = arith.constant 80 : index
    %get3A_1902 = tpu.vector_load %arg8[%get3A_1900, %get3A_1901] {strides = array<i32>} : memref<128x128xf32, #tpu.memory_space<vmem>>, vector<16xf32>,
    %sub3A_1903 = arith.subf %get3A_1899, %get3A_1902 : vector<16xf32>
    %add3A_1904 = arith.constant 9.99999997E-7 : f32
    %add3A_1905 = vector.broadcast %add3A_1904 : f32 to vector<16xf32>
    %add3A_1906 = arith.addf %sub3A_1903, %add3A_1905 : vector<16xf32>
    %get3A_1907 = arith.index_cast %add3A_1787 : i32 to index
    %get3A_1908 = arith.constant 80 : index
    %get3A_1909 = tpu.vector_load %arg9[%get3A_1907, %get3A_1908] {strides = array<i32>} : memref<128x128xf32, #tpu.memory_space<vmem>>, vector<16xf32>,
    %sub3A_1910 = arith.subf %get3A_1899, %get3A_1909 : vector<16xf32>
    %add3A_1911 = arith.constant 9.99999997E-7 : f32
    %add3A_1912 = vector.broadcast %add3A_1911 : f32 to vector<16xf32>
    %add3A_1913 = arith.addf %sub3A_1910, %add3A_1912 : vector<16xf32>
    %mul3A_1914 = arith.mulf %add3A_1906, %add3A_1906 : vector<16xf32>
    %add3A_1915 = arith.addf %add3A_1894, %mul3A_1914 : vector<16xf32>
    %mul3A_1916 = arith.mulf %add3A_1913, %add3A_1913 : vector<16xf32>
    %add3A_1917 = arith.addf %add3A_1896, %mul3A_1916 : vector<16xf32>
    %get3A_1918 = arith.index_cast %add3A_1787 : i32 to index
    %get3A_1919 = arith.constant 96 : index
    %get3A_1920 = tpu.vector_load %arg7[%get3A_1918, %get3A_1919] {strides = array<i32>} : memref<128x128xf32, #tpu.memory_space<vmem>>, vector<16xf32>,
    %get3A_1921 = arith.index_cast %add3A_1787 : i32 to index
    %get3A_1922 = arith.constant 96 : index
    %get3A_1923 = tpu.vector_load %arg8[%get3A_1921, %get3A_1922] {strides = array<i32>} : memref<128x128xf32, #tpu.memory_space<vmem>>, vector<16xf32>,
    %sub3A_1924 = arith.subf %get3A_1920, %get3A_1923 : vector<16xf32>
    %add3A_1925 = arith.constant 9.99999997E-7 : f32
    %add3A_1926 = vector.broadcast %add3A_1925 : f32 to vector<16xf32>
    %add3A_1927 = arith.addf %sub3A_1924, %add3A_1926 : vector<16xf32>
    %get3A_1928 = arith.index_cast %add3A_1787 : i32 to index
    %get3A_1929 = arith.constant 96 : index
    %get3A_1930 = tpu.vector_load %arg9[%get3A_1928, %get3A_1929] {strides = array<i32>} : memref<128x128xf32, #tpu.memory_space<vmem>>, vector<16xf32>,
    %sub3A_1931 = arith.subf %get3A_1920, %get3A_1930 : vector<16xf32>
    %add3A_1932 = arith.constant 9.99999997E-7 : f32
    %add3A_1933 = vector.broadcast %add3A_1932 : f32 to vector<16xf32>
    %add3A_1934 = arith.addf %sub3A_1931, %add3A_1933 : vector<16xf32>
    %mul3A_1935 = arith.mulf %add3A_1927, %add3A_1927 : vector<16xf32>
    %add3A_1936 = arith.addf %add3A_1915, %mul3A_1935 : vector<16xf32>
    %mul3A_1937 = arith.mulf %add3A_1934, %add3A_1934 : vector<16xf32>
    %add3A_1938 = arith.addf %add3A_1917, %mul3A_1937 : vector<16xf32>
    %get3A_1939 = arith.index_cast %add3A_1787 : i32 to index
    %get3A_1940 = arith.constant 112 : index
    %get3A_1941 = tpu.vector_load %arg7[%get3A_1939, %get3A_1940] {strides = array<i32>} : memref<128x128xf32, #tpu.memory_space<vmem>>, vector<16xf32>,
    %get3A_1942 = arith.index_cast %add3A_1787 : i32 to index
    %get3A_1943 = arith.constant 112 : index
    %get3A_1944 = tpu.vector_load %arg8[%get3A_1942, %get3A_1943] {strides = array<i32>} : memref<128x128xf32, #tpu.memory_space<vmem>>, vector<16xf32>,
    %sub3A_1945 = arith.subf %get3A_1941, %get3A_1944 : vector<16xf32>
    %add3A_1946 = arith.constant 9.99999997E-7 : f32
    %add3A_1947 = vector.broadcast %add3A_1946 : f32 to vector<16xf32>
    %add3A_1948 = arith.addf %sub3A_1945, %add3A_1947 : vector<16xf32>
    %get3A_1949 = arith.index_cast %add3A_1787 : i32 to index
    %get3A_1950 = arith.constant 112 : index
    %get3A_1951 = tpu.vector_load %arg9[%get3A_1949, %get3A_1950] {strides = array<i32>} : memref<128x128xf32, #tpu.memory_space<vmem>>, vector<16xf32>,
    %sub3A_1952 = arith.subf %get3A_1941, %get3A_1951 : vector<16xf32>
    %add3A_1953 = arith.constant 9.99999997E-7 : f32
    %add3A_1954 = vector.broadcast %add3A_1953 : f32 to vector<16xf32>
    %add3A_1955 = arith.addf %sub3A_1952, %add3A_1954 : vector<16xf32>
    %mul3A_1956 = arith.mulf %add3A_1948, %add3A_1948 : vector<16xf32>
    %add3A_1957 = arith.addf %add3A_1936, %mul3A_1956 : vector<16xf32>
    %mul3A_1958 = arith.mulf %add3A_1955, %add3A_1955 : vector<16xf32>
    %add3A_1959 = arith.addf %add3A_1938, %mul3A_1958 : vector<16xf32>
    %swap3A_1960 = arith.constant 160 : index
    %swap3A_1961 = tpu.vector_load %arg11[%swap3A_1960] {strides = array<i32>} : memref<512xf32, #tpu.memory_space<vmem>>, vector<16xf32>,
    tpu.vector_store %arg11[%swap3A_1960], %add3A_1957 {strides = array<i32>} : memref<512xf32, #tpu.memory_space<vmem>>, vector<16xf32>,
    %swap3A_1962 = arith.constant 416 : index
    %swap3A_1963 = tpu.vector_load %arg11[%swap3A_1962] {strides = array<i32>} : memref<512xf32, #tpu.memory_space<vmem>>, vector<16xf32>,
    tpu.vector_store %arg11[%swap3A_1962], %add3A_1959 {strides = array<i32>} : memref<512xf32, #tpu.memory_space<vmem>>, vector<16xf32>,
    %add3A_1964 = arith.constant 11 : i32
    %add3A_1965 = arith.addi %mul3A_8, %add3A_1964 : i32
    %broadcast_in_dim3A_1966 = arith.constant 0.000000e+00 : f32
    %broadcast_in_dim3A_1967 = vector.broadcast %broadcast_in_dim3A_1966 : f32 to vector<16xf32>
    %broadcast_in_dim3A_1968 = arith.constant 0.000000e+00 : f32
    %broadcast_in_dim3A_1969 = vector.broadcast %broadcast_in_dim3A_1968 : f32 to vector<16xf32>
    %get3A_1970 = arith.index_cast %add3A_1965 : i32 to index
    %get3A_1971 = arith.constant 0 : index
    %get3A_1972 = tpu.vector_load %arg7[%get3A_1970, %get3A_1971] {strides = array<i32>} : memref<128x128xf32, #tpu.memory_space<vmem>>, vector<16xf32>,
    %get3A_1973 = arith.index_cast %add3A_1965 : i32 to index
    %get3A_1974 = arith.constant 0 : index
    %get3A_1975 = tpu.vector_load %arg8[%get3A_1973, %get3A_1974] {strides = array<i32>} : memref<128x128xf32, #tpu.memory_space<vmem>>, vector<16xf32>,
    %sub3A_1976 = arith.subf %get3A_1972, %get3A_1975 : vector<16xf32>
    %add3A_1977 = arith.constant 9.99999997E-7 : f32
    %add3A_1978 = vector.broadcast %add3A_1977 : f32 to vector<16xf32>
    %add3A_1979 = arith.addf %sub3A_1976, %add3A_1978 : vector<16xf32>
    %get3A_1980 = arith.index_cast %add3A_1965 : i32 to index
    %get3A_1981 = arith.constant 0 : index
    %get3A_1982 = tpu.vector_load %arg9[%get3A_1980, %get3A_1981] {strides = array<i32>} : memref<128x128xf32, #tpu.memory_space<vmem>>, vector<16xf32>,
    %sub3A_1983 = arith.subf %get3A_1972, %get3A_1982 : vector<16xf32>
    %add3A_1984 = arith.constant 9.99999997E-7 : f32
    %add3A_1985 = vector.broadcast %add3A_1984 : f32 to vector<16xf32>
    %add3A_1986 = arith.addf %sub3A_1983, %add3A_1985 : vector<16xf32>
    %mul3A_1987 = arith.mulf %add3A_1979, %add3A_1979 : vector<16xf32>
    %add3A_1988 = arith.addf %broadcast_in_dim3A_1967, %mul3A_1987 : vector<16xf32>
    %mul3A_1989 = arith.mulf %add3A_1986, %add3A_1986 : vector<16xf32>
    %add3A_1990 = arith.addf %broadcast_in_dim3A_1969, %mul3A_1989 : vector<16xf32>
    %get3A_1991 = arith.index_cast %add3A_1965 : i32 to index
    %get3A_1992 = arith.constant 16 : index
    %get3A_1993 = tpu.vector_load %arg7[%get3A_1991, %get3A_1992] {strides = array<i32>} : memref<128x128xf32, #tpu.memory_space<vmem>>, vector<16xf32>,
    %get3A_1994 = arith.index_cast %add3A_1965 : i32 to index
    %get3A_1995 = arith.constant 16 : index
    %get3A_1996 = tpu.vector_load %arg8[%get3A_1994, %get3A_1995] {strides = array<i32>} : memref<128x128xf32, #tpu.memory_space<vmem>>, vector<16xf32>,
    %sub3A_1997 = arith.subf %get3A_1993, %get3A_1996 : vector<16xf32>
    %add3A_1998 = arith.constant 9.99999997E-7 : f32
    %add3A_1999 = vector.broadcast %add3A_1998 : f32 to vector<16xf32>
    %add3A_2000 = arith.addf %sub3A_1997, %add3A_1999 : vector<16xf32>
    %get3A_2001 = arith.index_cast %add3A_1965 : i32 to index
    %get3A_2002 = arith.constant 16 : index
    %get3A_2003 = tpu.vector_load %arg9[%get3A_2001, %get3A_2002] {strides = array<i32>} : memref<128x128xf32, #tpu.memory_space<vmem>>, vector<16xf32>,
    %sub3A_2004 = arith.subf %get3A_1993, %get3A_2003 : vector<16xf32>
    %add3A_2005 = arith.constant 9.99999997E-7 : f32
    %add3A_2006 = vector.broadcast %add3A_2005 : f32 to vector<16xf32>
    %add3A_2007 = arith.addf %sub3A_2004, %add3A_2006 : vector<16xf32>
    %mul3A_2008 = arith.mulf %add3A_2000, %add3A_2000 : vector<16xf32>
    %add3A_2009 = arith.addf %add3A_1988, %mul3A_2008 : vector<16xf32>
    %mul3A_2010 = arith.mulf %add3A_2007, %add3A_2007 : vector<16xf32>
    %add3A_2011 = arith.addf %add3A_1990, %mul3A_2010 : vector<16xf32>
    %get3A_2012 = arith.index_cast %add3A_1965 : i32 to index
    %get3A_2013 = arith.constant 32 : index
    %get3A_2014 = tpu.vector_load %arg7[%get3A_2012, %get3A_2013] {strides = array<i32>} : memref<128x128xf32, #tpu.memory_space<vmem>>, vector<16xf32>,
    %get3A_2015 = arith.index_cast %add3A_1965 : i32 to index
    %get3A_2016 = arith.constant 32 : index
    %get3A_2017 = tpu.vector_load %arg8[%get3A_2015, %get3A_2016] {strides = array<i32>} : memref<128x128xf32, #tpu.memory_space<vmem>>, vector<16xf32>,
    %sub3A_2018 = arith.subf %get3A_2014, %get3A_2017 : vector<16xf32>
    %add3A_2019 = arith.constant 9.99999997E-7 : f32
    %add3A_2020 = vector.broadcast %add3A_2019 : f32 to vector<16xf32>
    %add3A_2021 = arith.addf %sub3A_2018, %add3A_2020 : vector<16xf32>
    %get3A_2022 = arith.index_cast %add3A_1965 : i32 to index
    %get3A_2023 = arith.constant 32 : index
    %get3A_2024 = tpu.vector_load %arg9[%get3A_2022, %get3A_2023] {strides = array<i32>} : memref<128x128xf32, #tpu.memory_space<vmem>>, vector<16xf32>,
    %sub3A_2025 = arith.subf %get3A_2014, %get3A_2024 : vector<16xf32>
    %add3A_2026 = arith.constant 9.99999997E-7 : f32
    %add3A_2027 = vector.broadcast %add3A_2026 : f32 to vector<16xf32>
    %add3A_2028 = arith.addf %sub3A_2025, %add3A_2027 : vector<16xf32>
    %mul3A_2029 = arith.mulf %add3A_2021, %add3A_2021 : vector<16xf32>
    %add3A_2030 = arith.addf %add3A_2009, %mul3A_2029 : vector<16xf32>
    %mul3A_2031 = arith.mulf %add3A_2028, %add3A_2028 : vector<16xf32>
    %add3A_2032 = arith.addf %add3A_2011, %mul3A_2031 : vector<16xf32>
    %get3A_2033 = arith.index_cast %add3A_1965 : i32 to index
    %get3A_2034 = arith.constant 48 : index
    %get3A_2035 = tpu.vector_load %arg7[%get3A_2033, %get3A_2034] {strides = array<i32>} : memref<128x128xf32, #tpu.memory_space<vmem>>, vector<16xf32>,
    %get3A_2036 = arith.index_cast %add3A_1965 : i32 to index
    %get3A_2037 = arith.constant 48 : index
    %get3A_2038 = tpu.vector_load %arg8[%get3A_2036, %get3A_2037] {strides = array<i32>} : memref<128x128xf32, #tpu.memory_space<vmem>>, vector<16xf32>,
    %sub3A_2039 = arith.subf %get3A_2035, %get3A_2038 : vector<16xf32>
    %add3A_2040 = arith.constant 9.99999997E-7 : f32
    %add3A_2041 = vector.broadcast %add3A_2040 : f32 to vector<16xf32>
    %add3A_2042 = arith.addf %sub3A_2039, %add3A_2041 : vector<16xf32>
    %get3A_2043 = arith.index_cast %add3A_1965 : i32 to index
    %get3A_2044 = arith.constant 48 : index
    %get3A_2045 = tpu.vector_load %arg9[%get3A_2043, %get3A_2044] {strides = array<i32>} : memref<128x128xf32, #tpu.memory_space<vmem>>, vector<16xf32>,
    %sub3A_2046 = arith.subf %get3A_2035, %get3A_2045 : vector<16xf32>
    %add3A_2047 = arith.constant 9.99999997E-7 : f32
    %add3A_2048 = vector.broadcast %add3A_2047 : f32 to vector<16xf32>
    %add3A_2049 = arith.addf %sub3A_2046, %add3A_2048 : vector<16xf32>
    %mul3A_2050 = arith.mulf %add3A_2042, %add3A_2042 : vector<16xf32>
    %add3A_2051 = arith.addf %add3A_2030, %mul3A_2050 : vector<16xf32>
    %mul3A_2052 = arith.mulf %add3A_2049, %add3A_2049 : vector<16xf32>
    %add3A_2053 = arith.addf %add3A_2032, %mul3A_2052 : vector<16xf32>
    %get3A_2054 = arith.index_cast %add3A_1965 : i32 to index
    %get3A_2055 = arith.constant 64 : index
    %get3A_2056 = tpu.vector_load %arg7[%get3A_2054, %get3A_2055] {strides = array<i32>} : memref<128x128xf32, #tpu.memory_space<vmem>>, vector<16xf32>,
    %get3A_2057 = arith.index_cast %add3A_1965 : i32 to index
    %get3A_2058 = arith.constant 64 : index
    %get3A_2059 = tpu.vector_load %arg8[%get3A_2057, %get3A_2058] {strides = array<i32>} : memref<128x128xf32, #tpu.memory_space<vmem>>, vector<16xf32>,
    %sub3A_2060 = arith.subf %get3A_2056, %get3A_2059 : vector<16xf32>
    %add3A_2061 = arith.constant 9.99999997E-7 : f32
    %add3A_2062 = vector.broadcast %add3A_2061 : f32 to vector<16xf32>
    %add3A_2063 = arith.addf %sub3A_2060, %add3A_2062 : vector<16xf32>
    %get3A_2064 = arith.index_cast %add3A_1965 : i32 to index
    %get3A_2065 = arith.constant 64 : index
    %get3A_2066 = tpu.vector_load %arg9[%get3A_2064, %get3A_2065] {strides = array<i32>} : memref<128x128xf32, #tpu.memory_space<vmem>>, vector<16xf32>,
    %sub3A_2067 = arith.subf %get3A_2056, %get3A_2066 : vector<16xf32>
    %add3A_2068 = arith.constant 9.99999997E-7 : f32
    %add3A_2069 = vector.broadcast %add3A_2068 : f32 to vector<16xf32>
    %add3A_2070 = arith.addf %sub3A_2067, %add3A_2069 : vector<16xf32>
    %mul3A_2071 = arith.mulf %add3A_2063, %add3A_2063 : vector<16xf32>
    %add3A_2072 = arith.addf %add3A_2051, %mul3A_2071 : vector<16xf32>
    %mul3A_2073 = arith.mulf %add3A_2070, %add3A_2070 : vector<16xf32>
    %add3A_2074 = arith.addf %add3A_2053, %mul3A_2073 : vector<16xf32>
    %get3A_2075 = arith.index_cast %add3A_1965 : i32 to index
    %get3A_2076 = arith.constant 80 : index
    %get3A_2077 = tpu.vector_load %arg7[%get3A_2075, %get3A_2076] {strides = array<i32>} : memref<128x128xf32, #tpu.memory_space<vmem>>, vector<16xf32>,
    %get3A_2078 = arith.index_cast %add3A_1965 : i32 to index
    %get3A_2079 = arith.constant 80 : index
    %get3A_2080 = tpu.vector_load %arg8[%get3A_2078, %get3A_2079] {strides = array<i32>} : memref<128x128xf32, #tpu.memory_space<vmem>>, vector<16xf32>,
    %sub3A_2081 = arith.subf %get3A_2077, %get3A_2080 : vector<16xf32>
    %add3A_2082 = arith.constant 9.99999997E-7 : f32
    %add3A_2083 = vector.broadcast %add3A_2082 : f32 to vector<16xf32>
    %add3A_2084 = arith.addf %sub3A_2081, %add3A_2083 : vector<16xf32>
    %get3A_2085 = arith.index_cast %add3A_1965 : i32 to index
    %get3A_2086 = arith.constant 80 : index
    %get3A_2087 = tpu.vector_load %arg9[%get3A_2085, %get3A_2086] {strides = array<i32>} : memref<128x128xf32, #tpu.memory_space<vmem>>, vector<16xf32>,
    %sub3A_2088 = arith.subf %get3A_2077, %get3A_2087 : vector<16xf32>
    %add3A_2089 = arith.constant 9.99999997E-7 : f32
    %add3A_2090 = vector.broadcast %add3A_2089 : f32 to vector<16xf32>
    %add3A_2091 = arith.addf %sub3A_2088, %add3A_2090 : vector<16xf32>
    %mul3A_2092 = arith.mulf %add3A_2084, %add3A_2084 : vector<16xf32>
    %add3A_2093 = arith.addf %add3A_2072, %mul3A_2092 : vector<16xf32>
    %mul3A_2094 = arith.mulf %add3A_2091, %add3A_2091 : vector<16xf32>
    %add3A_2095 = arith.addf %add3A_2074, %mul3A_2094 : vector<16xf32>
    %get3A_2096 = arith.index_cast %add3A_1965 : i32 to index
    %get3A_2097 = arith.constant 96 : index
    %get3A_2098 = tpu.vector_load %arg7[%get3A_2096, %get3A_2097] {strides = array<i32>} : memref<128x128xf32, #tpu.memory_space<vmem>>, vector<16xf32>,
    %get3A_2099 = arith.index_cast %add3A_1965 : i32 to index
    %get3A_2100 = arith.constant 96 : index
    %get3A_2101 = tpu.vector_load %arg8[%get3A_2099, %get3A_2100] {strides = array<i32>} : memref<128x128xf32, #tpu.memory_space<vmem>>, vector<16xf32>,
    %sub3A_2102 = arith.subf %get3A_2098, %get3A_2101 : vector<16xf32>
    %add3A_2103 = arith.constant 9.99999997E-7 : f32
    %add3A_2104 = vector.broadcast %add3A_2103 : f32 to vector<16xf32>
    %add3A_2105 = arith.addf %sub3A_2102, %add3A_2104 : vector<16xf32>
    %get3A_2106 = arith.index_cast %add3A_1965 : i32 to index
    %get3A_2107 = arith.constant 96 : index
    %get3A_2108 = tpu.vector_load %arg9[%get3A_2106, %get3A_2107] {strides = array<i32>} : memref<128x128xf32, #tpu.memory_space<vmem>>, vector<16xf32>,
    %sub3A_2109 = arith.subf %get3A_2098, %get3A_2108 : vector<16xf32>
    %add3A_2110 = arith.constant 9.99999997E-7 : f32
    %add3A_2111 = vector.broadcast %add3A_2110 : f32 to vector<16xf32>
    %add3A_2112 = arith.addf %sub3A_2109, %add3A_2111 : vector<16xf32>
    %mul3A_2113 = arith.mulf %add3A_2105, %add3A_2105 : vector<16xf32>
    %add3A_2114 = arith.addf %add3A_2093, %mul3A_2113 : vector<16xf32>
    %mul3A_2115 = arith.mulf %add3A_2112, %add3A_2112 : vector<16xf32>
    %add3A_2116 = arith.addf %add3A_2095, %mul3A_2115 : vector<16xf32>
    %get3A_2117 = arith.index_cast %add3A_1965 : i32 to index
    %get3A_2118 = arith.constant 112 : index
    %get3A_2119 = tpu.vector_load %arg7[%get3A_2117, %get3A_2118] {strides = array<i32>} : memref<128x128xf32, #tpu.memory_space<vmem>>, vector<16xf32>,
    %get3A_2120 = arith.index_cast %add3A_1965 : i32 to index
    %get3A_2121 = arith.constant 112 : index
    %get3A_2122 = tpu.vector_load %arg8[%get3A_2120, %get3A_2121] {strides = array<i32>} : memref<128x128xf32, #tpu.memory_space<vmem>>, vector<16xf32>,
    %sub3A_2123 = arith.subf %get3A_2119, %get3A_2122 : vector<16xf32>
    %add3A_2124 = arith.constant 9.99999997E-7 : f32
    %add3A_2125 = vector.broadcast %add3A_2124 : f32 to vector<16xf32>
    %add3A_2126 = arith.addf %sub3A_2123, %add3A_2125 : vector<16xf32>
    %get3A_2127 = arith.index_cast %add3A_1965 : i32 to index
    %get3A_2128 = arith.constant 112 : index
    %get3A_2129 = tpu.vector_load %arg9[%get3A_2127, %get3A_2128] {strides = array<i32>} : memref<128x128xf32, #tpu.memory_space<vmem>>, vector<16xf32>,
    %sub3A_2130 = arith.subf %get3A_2119, %get3A_2129 : vector<16xf32>
    %add3A_2131 = arith.constant 9.99999997E-7 : f32
    %add3A_2132 = vector.broadcast %add3A_2131 : f32 to vector<16xf32>
    %add3A_2133 = arith.addf %sub3A_2130, %add3A_2132 : vector<16xf32>
    %mul3A_2134 = arith.mulf %add3A_2126, %add3A_2126 : vector<16xf32>
    %add3A_2135 = arith.addf %add3A_2114, %mul3A_2134 : vector<16xf32>
    %mul3A_2136 = arith.mulf %add3A_2133, %add3A_2133 : vector<16xf32>
    %add3A_2137 = arith.addf %add3A_2116, %mul3A_2136 : vector<16xf32>
    %swap3A_2138 = arith.constant 176 : index
    %swap3A_2139 = tpu.vector_load %arg11[%swap3A_2138] {strides = array<i32>} : memref<512xf32, #tpu.memory_space<vmem>>, vector<16xf32>,
    tpu.vector_store %arg11[%swap3A_2138], %add3A_2135 {strides = array<i32>} : memref<512xf32, #tpu.memory_space<vmem>>, vector<16xf32>,
    %swap3A_2140 = arith.constant 432 : index
    %swap3A_2141 = tpu.vector_load %arg11[%swap3A_2140] {strides = array<i32>} : memref<512xf32, #tpu.memory_space<vmem>>, vector<16xf32>,
    tpu.vector_store %arg11[%swap3A_2140], %add3A_2137 {strides = array<i32>} : memref<512xf32, #tpu.memory_space<vmem>>, vector<16xf32>,
    %add3A_2142 = arith.constant 12 : i32
    %add3A_2143 = arith.addi %mul3A_8, %add3A_2142 : i32
    %broadcast_in_dim3A_2144 = arith.constant 0.000000e+00 : f32
    %broadcast_in_dim3A_2145 = vector.broadcast %broadcast_in_dim3A_2144 : f32 to vector<16xf32>
    %broadcast_in_dim3A_2146 = arith.constant 0.000000e+00 : f32
    %broadcast_in_dim3A_2147 = vector.broadcast %broadcast_in_dim3A_2146 : f32 to vector<16xf32>
    %get3A_2148 = arith.index_cast %add3A_2143 : i32 to index
    %get3A_2149 = arith.constant 0 : index
    %get3A_2150 = tpu.vector_load %arg7[%get3A_2148, %get3A_2149] {strides = array<i32>} : memref<128x128xf32, #tpu.memory_space<vmem>>, vector<16xf32>,
    %get3A_2151 = arith.index_cast %add3A_2143 : i32 to index
    %get3A_2152 = arith.constant 0 : index
    %get3A_2153 = tpu.vector_load %arg8[%get3A_2151, %get3A_2152] {strides = array<i32>} : memref<128x128xf32, #tpu.memory_space<vmem>>, vector<16xf32>,
    %sub3A_2154 = arith.subf %get3A_2150, %get3A_2153 : vector<16xf32>
    %add3A_2155 = arith.constant 9.99999997E-7 : f32
    %add3A_2156 = vector.broadcast %add3A_2155 : f32 to vector<16xf32>
    %add3A_2157 = arith.addf %sub3A_2154, %add3A_2156 : vector<16xf32>
    %get3A_2158 = arith.index_cast %add3A_2143 : i32 to index
    %get3A_2159 = arith.constant 0 : index
    %get3A_2160 = tpu.vector_load %arg9[%get3A_2158, %get3A_2159] {strides = array<i32>} : memref<128x128xf32, #tpu.memory_space<vmem>>, vector<16xf32>,
    %sub3A_2161 = arith.subf %get3A_2150, %get3A_2160 : vector<16xf32>
    %add3A_2162 = arith.constant 9.99999997E-7 : f32
    %add3A_2163 = vector.broadcast %add3A_2162 : f32 to vector<16xf32>
    %add3A_2164 = arith.addf %sub3A_2161, %add3A_2163 : vector<16xf32>
    %mul3A_2165 = arith.mulf %add3A_2157, %add3A_2157 : vector<16xf32>
    %add3A_2166 = arith.addf %broadcast_in_dim3A_2145, %mul3A_2165 : vector<16xf32>
    %mul3A_2167 = arith.mulf %add3A_2164, %add3A_2164 : vector<16xf32>
    %add3A_2168 = arith.addf %broadcast_in_dim3A_2147, %mul3A_2167 : vector<16xf32>
    %get3A_2169 = arith.index_cast %add3A_2143 : i32 to index
    %get3A_2170 = arith.constant 16 : index
    %get3A_2171 = tpu.vector_load %arg7[%get3A_2169, %get3A_2170] {strides = array<i32>} : memref<128x128xf32, #tpu.memory_space<vmem>>, vector<16xf32>,
    %get3A_2172 = arith.index_cast %add3A_2143 : i32 to index
    %get3A_2173 = arith.constant 16 : index
    %get3A_2174 = tpu.vector_load %arg8[%get3A_2172, %get3A_2173] {strides = array<i32>} : memref<128x128xf32, #tpu.memory_space<vmem>>, vector<16xf32>,
    %sub3A_2175 = arith.subf %get3A_2171, %get3A_2174 : vector<16xf32>
    %add3A_2176 = arith.constant 9.99999997E-7 : f32
    %add3A_2177 = vector.broadcast %add3A_2176 : f32 to vector<16xf32>
    %add3A_2178 = arith.addf %sub3A_2175, %add3A_2177 : vector<16xf32>
    %get3A_2179 = arith.index_cast %add3A_2143 : i32 to index
    %get3A_2180 = arith.constant 16 : index
    %get3A_2181 = tpu.vector_load %arg9[%get3A_2179, %get3A_2180] {strides = array<i32>} : memref<128x128xf32, #tpu.memory_space<vmem>>, vector<16xf32>,
    %sub3A_2182 = arith.subf %get3A_2171, %get3A_2181 : vector<16xf32>
    %add3A_2183 = arith.constant 9.99999997E-7 : f32
    %add3A_2184 = vector.broadcast %add3A_2183 : f32 to vector<16xf32>
    %add3A_2185 = arith.addf %sub3A_2182, %add3A_2184 : vector<16xf32>
    %mul3A_2186 = arith.mulf %add3A_2178, %add3A_2178 : vector<16xf32>
    %add3A_2187 = arith.addf %add3A_2166, %mul3A_2186 : vector<16xf32>
    %mul3A_2188 = arith.mulf %add3A_2185, %add3A_2185 : vector<16xf32>
    %add3A_2189 = arith.addf %add3A_2168, %mul3A_2188 : vector<16xf32>
    %get3A_2190 = arith.index_cast %add3A_2143 : i32 to index
    %get3A_2191 = arith.constant 32 : index
    %get3A_2192 = tpu.vector_load %arg7[%get3A_2190, %get3A_2191] {strides = array<i32>} : memref<128x128xf32, #tpu.memory_space<vmem>>, vector<16xf32>,
    %get3A_2193 = arith.index_cast %add3A_2143 : i32 to index
    %get3A_2194 = arith.constant 32 : index
    %get3A_2195 = tpu.vector_load %arg8[%get3A_2193, %get3A_2194] {strides = array<i32>} : memref<128x128xf32, #tpu.memory_space<vmem>>, vector<16xf32>,
    %sub3A_2196 = arith.subf %get3A_2192, %get3A_2195 : vector<16xf32>
    %add3A_2197 = arith.constant 9.99999997E-7 : f32
    %add3A_2198 = vector.broadcast %add3A_2197 : f32 to vector<16xf32>
    %add3A_2199 = arith.addf %sub3A_2196, %add3A_2198 : vector<16xf32>
    %get3A_2200 = arith.index_cast %add3A_2143 : i32 to index
    %get3A_2201 = arith.constant 32 : index
    %get3A_2202 = tpu.vector_load %arg9[%get3A_2200, %get3A_2201] {strides = array<i32>} : memref<128x128xf32, #tpu.memory_space<vmem>>, vector<16xf32>,
    %sub3A_2203 = arith.subf %get3A_2192, %get3A_2202 : vector<16xf32>
    %add3A_2204 = arith.constant 9.99999997E-7 : f32
    %add3A_2205 = vector.broadcast %add3A_2204 : f32 to vector<16xf32>
    %add3A_2206 = arith.addf %sub3A_2203, %add3A_2205 : vector<16xf32>
    %mul3A_2207 = arith.mulf %add3A_2199, %add3A_2199 : vector<16xf32>
    %add3A_2208 = arith.addf %add3A_2187, %mul3A_2207 : vector<16xf32>
    %mul3A_2209 = arith.mulf %add3A_2206, %add3A_2206 : vector<16xf32>
    %add3A_2210 = arith.addf %add3A_2189, %mul3A_2209 : vector<16xf32>
    %get3A_2211 = arith.index_cast %add3A_2143 : i32 to index
    %get3A_2212 = arith.constant 48 : index
    %get3A_2213 = tpu.vector_load %arg7[%get3A_2211, %get3A_2212] {strides = array<i32>} : memref<128x128xf32, #tpu.memory_space<vmem>>, vector<16xf32>,
    %get3A_2214 = arith.index_cast %add3A_2143 : i32 to index
    %get3A_2215 = arith.constant 48 : index
    %get3A_2216 = tpu.vector_load %arg8[%get3A_2214, %get3A_2215] {strides = array<i32>} : memref<128x128xf32, #tpu.memory_space<vmem>>, vector<16xf32>,
    %sub3A_2217 = arith.subf %get3A_2213, %get3A_2216 : vector<16xf32>
    %add3A_2218 = arith.constant 9.99999997E-7 : f32
    %add3A_2219 = vector.broadcast %add3A_2218 : f32 to vector<16xf32>
    %add3A_2220 = arith.addf %sub3A_2217, %add3A_2219 : vector<16xf32>
    %get3A_2221 = arith.index_cast %add3A_2143 : i32 to index
    %get3A_2222 = arith.constant 48 : index
    %get3A_2223 = tpu.vector_load %arg9[%get3A_2221, %get3A_2222] {strides = array<i32>} : memref<128x128xf32, #tpu.memory_space<vmem>>, vector<16xf32>,
    %sub3A_2224 = arith.subf %get3A_2213, %get3A_2223 : vector<16xf32>
    %add3A_2225 = arith.constant 9.99999997E-7 : f32
    %add3A_2226 = vector.broadcast %add3A_2225 : f32 to vector<16xf32>
    %add3A_2227 = arith.addf %sub3A_2224, %add3A_2226 : vector<16xf32>
    %mul3A_2228 = arith.mulf %add3A_2220, %add3A_2220 : vector<16xf32>
    %add3A_2229 = arith.addf %add3A_2208, %mul3A_2228 : vector<16xf32>
    %mul3A_2230 = arith.mulf %add3A_2227, %add3A_2227 : vector<16xf32>
    %add3A_2231 = arith.addf %add3A_2210, %mul3A_2230 : vector<16xf32>
    %get3A_2232 = arith.index_cast %add3A_2143 : i32 to index
    %get3A_2233 = arith.constant 64 : index
    %get3A_2234 = tpu.vector_load %arg7[%get3A_2232, %get3A_2233] {strides = array<i32>} : memref<128x128xf32, #tpu.memory_space<vmem>>, vector<16xf32>,
    %get3A_2235 = arith.index_cast %add3A_2143 : i32 to index
    %get3A_2236 = arith.constant 64 : index
    %get3A_2237 = tpu.vector_load %arg8[%get3A_2235, %get3A_2236] {strides = array<i32>} : memref<128x128xf32, #tpu.memory_space<vmem>>, vector<16xf32>,
    %sub3A_2238 = arith.subf %get3A_2234, %get3A_2237 : vector<16xf32>
    %add3A_2239 = arith.constant 9.99999997E-7 : f32
    %add3A_2240 = vector.broadcast %add3A_2239 : f32 to vector<16xf32>
    %add3A_2241 = arith.addf %sub3A_2238, %add3A_2240 : vector<16xf32>
    %get3A_2242 = arith.index_cast %add3A_2143 : i32 to index
    %get3A_2243 = arith.constant 64 : index
    %get3A_2244 = tpu.vector_load %arg9[%get3A_2242, %get3A_2243] {strides = array<i32>} : memref<128x128xf32, #tpu.memory_space<vmem>>, vector<16xf32>,
    %sub3A_2245 = arith.subf %get3A_2234, %get3A_2244 : vector<16xf32>
    %add3A_2246 = arith.constant 9.99999997E-7 : f32
    %add3A_2247 = vector.broadcast %add3A_2246 : f32 to vector<16xf32>
    %add3A_2248 = arith.addf %sub3A_2245, %add3A_2247 : vector<16xf32>
    %mul3A_2249 = arith.mulf %add3A_2241, %add3A_2241 : vector<16xf32>
    %add3A_2250 = arith.addf %add3A_2229, %mul3A_2249 : vector<16xf32>
    %mul3A_2251 = arith.mulf %add3A_2248, %add3A_2248 : vector<16xf32>
    %add3A_2252 = arith.addf %add3A_2231, %mul3A_2251 : vector<16xf32>
    %get3A_2253 = arith.index_cast %add3A_2143 : i32 to index
    %get3A_2254 = arith.constant 80 : index
    %get3A_2255 = tpu.vector_load %arg7[%get3A_2253, %get3A_2254] {strides = array<i32>} : memref<128x128xf32, #tpu.memory_space<vmem>>, vector<16xf32>,
    %get3A_2256 = arith.index_cast %add3A_2143 : i32 to index
    %get3A_2257 = arith.constant 80 : index
    %get3A_2258 = tpu.vector_load %arg8[%get3A_2256, %get3A_2257] {strides = array<i32>} : memref<128x128xf32, #tpu.memory_space<vmem>>, vector<16xf32>,
    %sub3A_2259 = arith.subf %get3A_2255, %get3A_2258 : vector<16xf32>
    %add3A_2260 = arith.constant 9.99999997E-7 : f32
    %add3A_2261 = vector.broadcast %add3A_2260 : f32 to vector<16xf32>
    %add3A_2262 = arith.addf %sub3A_2259, %add3A_2261 : vector<16xf32>
    %get3A_2263 = arith.index_cast %add3A_2143 : i32 to index
    %get3A_2264 = arith.constant 80 : index
    %get3A_2265 = tpu.vector_load %arg9[%get3A_2263, %get3A_2264] {strides = array<i32>} : memref<128x128xf32, #tpu.memory_space<vmem>>, vector<16xf32>,
    %sub3A_2266 = arith.subf %get3A_2255, %get3A_2265 : vector<16xf32>
    %add3A_2267 = arith.constant 9.99999997E-7 : f32
    %add3A_2268 = vector.broadcast %add3A_2267 : f32 to vector<16xf32>
    %add3A_2269 = arith.addf %sub3A_2266, %add3A_2268 : vector<16xf32>
    %mul3A_2270 = arith.mulf %add3A_2262, %add3A_2262 : vector<16xf32>
    %add3A_2271 = arith.addf %add3A_2250, %mul3A_2270 : vector<16xf32>
    %mul3A_2272 = arith.mulf %add3A_2269, %add3A_2269 : vector<16xf32>
    %add3A_2273 = arith.addf %add3A_2252, %mul3A_2272 : vector<16xf32>
    %get3A_2274 = arith.index_cast %add3A_2143 : i32 to index
    %get3A_2275 = arith.constant 96 : index
    %get3A_2276 = tpu.vector_load %arg7[%get3A_2274, %get3A_2275] {strides = array<i32>} : memref<128x128xf32, #tpu.memory_space<vmem>>, vector<16xf32>,
    %get3A_2277 = arith.index_cast %add3A_2143 : i32 to index
    %get3A_2278 = arith.constant 96 : index
    %get3A_2279 = tpu.vector_load %arg8[%get3A_2277, %get3A_2278] {strides = array<i32>} : memref<128x128xf32, #tpu.memory_space<vmem>>, vector<16xf32>,
    %sub3A_2280 = arith.subf %get3A_2276, %get3A_2279 : vector<16xf32>
    %add3A_2281 = arith.constant 9.99999997E-7 : f32
    %add3A_2282 = vector.broadcast %add3A_2281 : f32 to vector<16xf32>
    %add3A_2283 = arith.addf %sub3A_2280, %add3A_2282 : vector<16xf32>
    %get3A_2284 = arith.index_cast %add3A_2143 : i32 to index
    %get3A_2285 = arith.constant 96 : index
    %get3A_2286 = tpu.vector_load %arg9[%get3A_2284, %get3A_2285] {strides = array<i32>} : memref<128x128xf32, #tpu.memory_space<vmem>>, vector<16xf32>,
    %sub3A_2287 = arith.subf %get3A_2276, %get3A_2286 : vector<16xf32>
    %add3A_2288 = arith.constant 9.99999997E-7 : f32
    %add3A_2289 = vector.broadcast %add3A_2288 : f32 to vector<16xf32>
    %add3A_2290 = arith.addf %sub3A_2287, %add3A_2289 : vector<16xf32>
    %mul3A_2291 = arith.mulf %add3A_2283, %add3A_2283 : vector<16xf32>
    %add3A_2292 = arith.addf %add3A_2271, %mul3A_2291 : vector<16xf32>
    %mul3A_2293 = arith.mulf %add3A_2290, %add3A_2290 : vector<16xf32>
    %add3A_2294 = arith.addf %add3A_2273, %mul3A_2293 : vector<16xf32>
    %get3A_2295 = arith.index_cast %add3A_2143 : i32 to index
    %get3A_2296 = arith.constant 112 : index
    %get3A_2297 = tpu.vector_load %arg7[%get3A_2295, %get3A_2296] {strides = array<i32>} : memref<128x128xf32, #tpu.memory_space<vmem>>, vector<16xf32>,
    %get3A_2298 = arith.index_cast %add3A_2143 : i32 to index
    %get3A_2299 = arith.constant 112 : index
    %get3A_2300 = tpu.vector_load %arg8[%get3A_2298, %get3A_2299] {strides = array<i32>} : memref<128x128xf32, #tpu.memory_space<vmem>>, vector<16xf32>,
    %sub3A_2301 = arith.subf %get3A_2297, %get3A_2300 : vector<16xf32>
    %add3A_2302 = arith.constant 9.99999997E-7 : f32
    %add3A_2303 = vector.broadcast %add3A_2302 : f32 to vector<16xf32>
    %add3A_2304 = arith.addf %sub3A_2301, %add3A_2303 : vector<16xf32>
    %get3A_2305 = arith.index_cast %add3A_2143 : i32 to index
    %get3A_2306 = arith.constant 112 : index
    %get3A_2307 = tpu.vector_load %arg9[%get3A_2305, %get3A_2306] {strides = array<i32>} : memref<128x128xf32, #tpu.memory_space<vmem>>, vector<16xf32>,
    %sub3A_2308 = arith.subf %get3A_2297, %get3A_2307 : vector<16xf32>
    %add3A_2309 = arith.constant 9.99999997E-7 : f32
    %add3A_2310 = vector.broadcast %add3A_2309 : f32 to vector<16xf32>
    %add3A_2311 = arith.addf %sub3A_2308, %add3A_2310 : vector<16xf32>
    %mul3A_2312 = arith.mulf %add3A_2304, %add3A_2304 : vector<16xf32>
    %add3A_2313 = arith.addf %add3A_2292, %mul3A_2312 : vector<16xf32>
    %mul3A_2314 = arith.mulf %add3A_2311, %add3A_2311 : vector<16xf32>
    %add3A_2315 = arith.addf %add3A_2294, %mul3A_2314 : vector<16xf32>
    %swap3A_2316 = arith.constant 192 : index
    %swap3A_2317 = tpu.vector_load %arg11[%swap3A_2316] {strides = array<i32>} : memref<512xf32, #tpu.memory_space<vmem>>, vector<16xf32>,
    tpu.vector_store %arg11[%swap3A_2316], %add3A_2313 {strides = array<i32>} : memref<512xf32, #tpu.memory_space<vmem>>, vector<16xf32>,
    %swap3A_2318 = arith.constant 448 : index
    %swap3A_2319 = tpu.vector_load %arg11[%swap3A_2318] {strides = array<i32>} : memref<512xf32, #tpu.memory_space<vmem>>, vector<16xf32>,
    tpu.vector_store %arg11[%swap3A_2318], %add3A_2315 {strides = array<i32>} : memref<512xf32, #tpu.memory_space<vmem>>, vector<16xf32>,
    %add3A_2320 = arith.constant 13 : i32
    %add3A_2321 = arith.addi %mul3A_8, %add3A_2320 : i32
    %broadcast_in_dim3A_2322 = arith.constant 0.000000e+00 : f32
    %broadcast_in_dim3A_2323 = vector.broadcast %broadcast_in_dim3A_2322 : f32 to vector<16xf32>
    %broadcast_in_dim3A_2324 = arith.constant 0.000000e+00 : f32
    %broadcast_in_dim3A_2325 = vector.broadcast %broadcast_in_dim3A_2324 : f32 to vector<16xf32>
    %get3A_2326 = arith.index_cast %add3A_2321 : i32 to index
    %get3A_2327 = arith.constant 0 : index
    %get3A_2328 = tpu.vector_load %arg7[%get3A_2326, %get3A_2327] {strides = array<i32>} : memref<128x128xf32, #tpu.memory_space<vmem>>, vector<16xf32>,
    %get3A_2329 = arith.index_cast %add3A_2321 : i32 to index
    %get3A_2330 = arith.constant 0 : index
    %get3A_2331 = tpu.vector_load %arg8[%get3A_2329, %get3A_2330] {strides = array<i32>} : memref<128x128xf32, #tpu.memory_space<vmem>>, vector<16xf32>,
    %sub3A_2332 = arith.subf %get3A_2328, %get3A_2331 : vector<16xf32>
    %add3A_2333 = arith.constant 9.99999997E-7 : f32
    %add3A_2334 = vector.broadcast %add3A_2333 : f32 to vector<16xf32>
    %add3A_2335 = arith.addf %sub3A_2332, %add3A_2334 : vector<16xf32>
    %get3A_2336 = arith.index_cast %add3A_2321 : i32 to index
    %get3A_2337 = arith.constant 0 : index
    %get3A_2338 = tpu.vector_load %arg9[%get3A_2336, %get3A_2337] {strides = array<i32>} : memref<128x128xf32, #tpu.memory_space<vmem>>, vector<16xf32>,
    %sub3A_2339 = arith.subf %get3A_2328, %get3A_2338 : vector<16xf32>
    %add3A_2340 = arith.constant 9.99999997E-7 : f32
    %add3A_2341 = vector.broadcast %add3A_2340 : f32 to vector<16xf32>
    %add3A_2342 = arith.addf %sub3A_2339, %add3A_2341 : vector<16xf32>
    %mul3A_2343 = arith.mulf %add3A_2335, %add3A_2335 : vector<16xf32>
    %add3A_2344 = arith.addf %broadcast_in_dim3A_2323, %mul3A_2343 : vector<16xf32>
    %mul3A_2345 = arith.mulf %add3A_2342, %add3A_2342 : vector<16xf32>
    %add3A_2346 = arith.addf %broadcast_in_dim3A_2325, %mul3A_2345 : vector<16xf32>
    %get3A_2347 = arith.index_cast %add3A_2321 : i32 to index
    %get3A_2348 = arith.constant 16 : index
    %get3A_2349 = tpu.vector_load %arg7[%get3A_2347, %get3A_2348] {strides = array<i32>} : memref<128x128xf32, #tpu.memory_space<vmem>>, vector<16xf32>,
    %get3A_2350 = arith.index_cast %add3A_2321 : i32 to index
    %get3A_2351 = arith.constant 16 : index
    %get3A_2352 = tpu.vector_load %arg8[%get3A_2350, %get3A_2351] {strides = array<i32>} : memref<128x128xf32, #tpu.memory_space<vmem>>, vector<16xf32>,
    %sub3A_2353 = arith.subf %get3A_2349, %get3A_2352 : vector<16xf32>
    %add3A_2354 = arith.constant 9.99999997E-7 : f32
    %add3A_2355 = vector.broadcast %add3A_2354 : f32 to vector<16xf32>
    %add3A_2356 = arith.addf %sub3A_2353, %add3A_2355 : vector<16xf32>
    %get3A_2357 = arith.index_cast %add3A_2321 : i32 to index
    %get3A_2358 = arith.constant 16 : index
    %get3A_2359 = tpu.vector_load %arg9[%get3A_2357, %get3A_2358] {strides = array<i32>} : memref<128x128xf32, #tpu.memory_space<vmem>>, vector<16xf32>,
    %sub3A_2360 = arith.subf %get3A_2349, %get3A_2359 : vector<16xf32>
    %add3A_2361 = arith.constant 9.99999997E-7 : f32
    %add3A_2362 = vector.broadcast %add3A_2361 : f32 to vector<16xf32>
    %add3A_2363 = arith.addf %sub3A_2360, %add3A_2362 : vector<16xf32>
    %mul3A_2364 = arith.mulf %add3A_2356, %add3A_2356 : vector<16xf32>
    %add3A_2365 = arith.addf %add3A_2344, %mul3A_2364 : vector<16xf32>
    %mul3A_2366 = arith.mulf %add3A_2363, %add3A_2363 : vector<16xf32>
    %add3A_2367 = arith.addf %add3A_2346, %mul3A_2366 : vector<16xf32>
    %get3A_2368 = arith.index_cast %add3A_2321 : i32 to index
    %get3A_2369 = arith.constant 32 : index
    %get3A_2370 = tpu.vector_load %arg7[%get3A_2368, %get3A_2369] {strides = array<i32>} : memref<128x128xf32, #tpu.memory_space<vmem>>, vector<16xf32>,
    %get3A_2371 = arith.index_cast %add3A_2321 : i32 to index
    %get3A_2372 = arith.constant 32 : index
    %get3A_2373 = tpu.vector_load %arg8[%get3A_2371, %get3A_2372] {strides = array<i32>} : memref<128x128xf32, #tpu.memory_space<vmem>>, vector<16xf32>,
    %sub3A_2374 = arith.subf %get3A_2370, %get3A_2373 : vector<16xf32>
    %add3A_2375 = arith.constant 9.99999997E-7 : f32
    %add3A_2376 = vector.broadcast %add3A_2375 : f32 to vector<16xf32>
    %add3A_2377 = arith.addf %sub3A_2374, %add3A_2376 : vector<16xf32>
    %get3A_2378 = arith.index_cast %add3A_2321 : i32 to index
    %get3A_2379 = arith.constant 32 : index
    %get3A_2380 = tpu.vector_load %arg9[%get3A_2378, %get3A_2379] {strides = array<i32>} : memref<128x128xf32, #tpu.memory_space<vmem>>, vector<16xf32>,
    %sub3A_2381 = arith.subf %get3A_2370, %get3A_2380 : vector<16xf32>
    %add3A_2382 = arith.constant 9.99999997E-7 : f32
    %add3A_2383 = vector.broadcast %add3A_2382 : f32 to vector<16xf32>
    %add3A_2384 = arith.addf %sub3A_2381, %add3A_2383 : vector<16xf32>
    %mul3A_2385 = arith.mulf %add3A_2377, %add3A_2377 : vector<16xf32>
    %add3A_2386 = arith.addf %add3A_2365, %mul3A_2385 : vector<16xf32>
    %mul3A_2387 = arith.mulf %add3A_2384, %add3A_2384 : vector<16xf32>
    %add3A_2388 = arith.addf %add3A_2367, %mul3A_2387 : vector<16xf32>
    %get3A_2389 = arith.index_cast %add3A_2321 : i32 to index
    %get3A_2390 = arith.constant 48 : index
    %get3A_2391 = tpu.vector_load %arg7[%get3A_2389, %get3A_2390] {strides = array<i32>} : memref<128x128xf32, #tpu.memory_space<vmem>>, vector<16xf32>,
    %get3A_2392 = arith.index_cast %add3A_2321 : i32 to index
    %get3A_2393 = arith.constant 48 : index
    %get3A_2394 = tpu.vector_load %arg8[%get3A_2392, %get3A_2393] {strides = array<i32>} : memref<128x128xf32, #tpu.memory_space<vmem>>, vector<16xf32>,
    %sub3A_2395 = arith.subf %get3A_2391, %get3A_2394 : vector<16xf32>
    %add3A_2396 = arith.constant 9.99999997E-7 : f32
    %add3A_2397 = vector.broadcast %add3A_2396 : f32 to vector<16xf32>
    %add3A_2398 = arith.addf %sub3A_2395, %add3A_2397 : vector<16xf32>
    %get3A_2399 = arith.index_cast %add3A_2321 : i32 to index
    %get3A_2400 = arith.constant 48 : index
    %get3A_2401 = tpu.vector_load %arg9[%get3A_2399, %get3A_2400] {strides = array<i32>} : memref<128x128xf32, #tpu.memory_space<vmem>>, vector<16xf32>,
    %sub3A_2402 = arith.subf %get3A_2391, %get3A_2401 : vector<16xf32>
    %add3A_2403 = arith.constant 9.99999997E-7 : f32
    %add3A_2404 = vector.broadcast %add3A_2403 : f32 to vector<16xf32>
    %add3A_2405 = arith.addf %sub3A_2402, %add3A_2404 : vector<16xf32>
    %mul3A_2406 = arith.mulf %add3A_2398, %add3A_2398 : vector<16xf32>
    %add3A_2407 = arith.addf %add3A_2386, %mul3A_2406 : vector<16xf32>
    %mul3A_2408 = arith.mulf %add3A_2405, %add3A_2405 : vector<16xf32>
    %add3A_2409 = arith.addf %add3A_2388, %mul3A_2408 : vector<16xf32>
    %get3A_2410 = arith.index_cast %add3A_2321 : i32 to index
    %get3A_2411 = arith.constant 64 : index
    %get3A_2412 = tpu.vector_load %arg7[%get3A_2410, %get3A_2411] {strides = array<i32>} : memref<128x128xf32, #tpu.memory_space<vmem>>, vector<16xf32>,
    %get3A_2413 = arith.index_cast %add3A_2321 : i32 to index
    %get3A_2414 = arith.constant 64 : index
    %get3A_2415 = tpu.vector_load %arg8[%get3A_2413, %get3A_2414] {strides = array<i32>} : memref<128x128xf32, #tpu.memory_space<vmem>>, vector<16xf32>,
    %sub3A_2416 = arith.subf %get3A_2412, %get3A_2415 : vector<16xf32>
    %add3A_2417 = arith.constant 9.99999997E-7 : f32
    %add3A_2418 = vector.broadcast %add3A_2417 : f32 to vector<16xf32>
    %add3A_2419 = arith.addf %sub3A_2416, %add3A_2418 : vector<16xf32>
    %get3A_2420 = arith.index_cast %add3A_2321 : i32 to index
    %get3A_2421 = arith.constant 64 : index
    %get3A_2422 = tpu.vector_load %arg9[%get3A_2420, %get3A_2421] {strides = array<i32>} : memref<128x128xf32, #tpu.memory_space<vmem>>, vector<16xf32>,
    %sub3A_2423 = arith.subf %get3A_2412, %get3A_2422 : vector<16xf32>
    %add3A_2424 = arith.constant 9.99999997E-7 : f32
    %add3A_2425 = vector.broadcast %add3A_2424 : f32 to vector<16xf32>
    %add3A_2426 = arith.addf %sub3A_2423, %add3A_2425 : vector<16xf32>
    %mul3A_2427 = arith.mulf %add3A_2419, %add3A_2419 : vector<16xf32>
    %add3A_2428 = arith.addf %add3A_2407, %mul3A_2427 : vector<16xf32>
    %mul3A_2429 = arith.mulf %add3A_2426, %add3A_2426 : vector<16xf32>
    %add3A_2430 = arith.addf %add3A_2409, %mul3A_2429 : vector<16xf32>
    %get3A_2431 = arith.index_cast %add3A_2321 : i32 to index
    %get3A_2432 = arith.constant 80 : index
    %get3A_2433 = tpu.vector_load %arg7[%get3A_2431, %get3A_2432] {strides = array<i32>} : memref<128x128xf32, #tpu.memory_space<vmem>>, vector<16xf32>,
    %get3A_2434 = arith.index_cast %add3A_2321 : i32 to index
    %get3A_2435 = arith.constant 80 : index
    %get3A_2436 = tpu.vector_load %arg8[%get3A_2434, %get3A_2435] {strides = array<i32>} : memref<128x128xf32, #tpu.memory_space<vmem>>, vector<16xf32>,
    %sub3A_2437 = arith.subf %get3A_2433, %get3A_2436 : vector<16xf32>
    %add3A_2438 = arith.constant 9.99999997E-7 : f32
    %add3A_2439 = vector.broadcast %add3A_2438 : f32 to vector<16xf32>
    %add3A_2440 = arith.addf %sub3A_2437, %add3A_2439 : vector<16xf32>
    %get3A_2441 = arith.index_cast %add3A_2321 : i32 to index
    %get3A_2442 = arith.constant 80 : index
    %get3A_2443 = tpu.vector_load %arg9[%get3A_2441, %get3A_2442] {strides = array<i32>} : memref<128x128xf32, #tpu.memory_space<vmem>>, vector<16xf32>,
    %sub3A_2444 = arith.subf %get3A_2433, %get3A_2443 : vector<16xf32>
    %add3A_2445 = arith.constant 9.99999997E-7 : f32
    %add3A_2446 = vector.broadcast %add3A_2445 : f32 to vector<16xf32>
    %add3A_2447 = arith.addf %sub3A_2444, %add3A_2446 : vector<16xf32>
    %mul3A_2448 = arith.mulf %add3A_2440, %add3A_2440 : vector<16xf32>
    %add3A_2449 = arith.addf %add3A_2428, %mul3A_2448 : vector<16xf32>
    %mul3A_2450 = arith.mulf %add3A_2447, %add3A_2447 : vector<16xf32>
    %add3A_2451 = arith.addf %add3A_2430, %mul3A_2450 : vector<16xf32>
    %get3A_2452 = arith.index_cast %add3A_2321 : i32 to index
    %get3A_2453 = arith.constant 96 : index
    %get3A_2454 = tpu.vector_load %arg7[%get3A_2452, %get3A_2453] {strides = array<i32>} : memref<128x128xf32, #tpu.memory_space<vmem>>, vector<16xf32>,
    %get3A_2455 = arith.index_cast %add3A_2321 : i32 to index
    %get3A_2456 = arith.constant 96 : index
    %get3A_2457 = tpu.vector_load %arg8[%get3A_2455, %get3A_2456] {strides = array<i32>} : memref<128x128xf32, #tpu.memory_space<vmem>>, vector<16xf32>,
    %sub3A_2458 = arith.subf %get3A_2454, %get3A_2457 : vector<16xf32>
    %add3A_2459 = arith.constant 9.99999997E-7 : f32
    %add3A_2460 = vector.broadcast %add3A_2459 : f32 to vector<16xf32>
    %add3A_2461 = arith.addf %sub3A_2458, %add3A_2460 : vector<16xf32>
    %get3A_2462 = arith.index_cast %add3A_2321 : i32 to index
    %get3A_2463 = arith.constant 96 : index
    %get3A_2464 = tpu.vector_load %arg9[%get3A_2462, %get3A_2463] {strides = array<i32>} : memref<128x128xf32, #tpu.memory_space<vmem>>, vector<16xf32>,
    %sub3A_2465 = arith.subf %get3A_2454, %get3A_2464 : vector<16xf32>
    %add3A_2466 = arith.constant 9.99999997E-7 : f32
    %add3A_2467 = vector.broadcast %add3A_2466 : f32 to vector<16xf32>
    %add3A_2468 = arith.addf %sub3A_2465, %add3A_2467 : vector<16xf32>
    %mul3A_2469 = arith.mulf %add3A_2461, %add3A_2461 : vector<16xf32>
    %add3A_2470 = arith.addf %add3A_2449, %mul3A_2469 : vector<16xf32>
    %mul3A_2471 = arith.mulf %add3A_2468, %add3A_2468 : vector<16xf32>
    %add3A_2472 = arith.addf %add3A_2451, %mul3A_2471 : vector<16xf32>
    %get3A_2473 = arith.index_cast %add3A_2321 : i32 to index
    %get3A_2474 = arith.constant 112 : index
    %get3A_2475 = tpu.vector_load %arg7[%get3A_2473, %get3A_2474] {strides = array<i32>} : memref<128x128xf32, #tpu.memory_space<vmem>>, vector<16xf32>,
    %get3A_2476 = arith.index_cast %add3A_2321 : i32 to index
    %get3A_2477 = arith.constant 112 : index
    %get3A_2478 = tpu.vector_load %arg8[%get3A_2476, %get3A_2477] {strides = array<i32>} : memref<128x128xf32, #tpu.memory_space<vmem>>, vector<16xf32>,
    %sub3A_2479 = arith.subf %get3A_2475, %get3A_2478 : vector<16xf32>
    %add3A_2480 = arith.constant 9.99999997E-7 : f32
    %add3A_2481 = vector.broadcast %add3A_2480 : f32 to vector<16xf32>
    %add3A_2482 = arith.addf %sub3A_2479, %add3A_2481 : vector<16xf32>
    %get3A_2483 = arith.index_cast %add3A_2321 : i32 to index
    %get3A_2484 = arith.constant 112 : index
    %get3A_2485 = tpu.vector_load %arg9[%get3A_2483, %get3A_2484] {strides = array<i32>} : memref<128x128xf32, #tpu.memory_space<vmem>>, vector<16xf32>,
    %sub3A_2486 = arith.subf %get3A_2475, %get3A_2485 : vector<16xf32>
    %add3A_2487 = arith.constant 9.99999997E-7 : f32
    %add3A_2488 = vector.broadcast %add3A_2487 : f32 to vector<16xf32>
    %add3A_2489 = arith.addf %sub3A_2486, %add3A_2488 : vector<16xf32>
    %mul3A_2490 = arith.mulf %add3A_2482, %add3A_2482 : vector<16xf32>
    %add3A_2491 = arith.addf %add3A_2470, %mul3A_2490 : vector<16xf32>
    %mul3A_2492 = arith.mulf %add3A_2489, %add3A_2489 : vector<16xf32>
    %add3A_2493 = arith.addf %add3A_2472, %mul3A_2492 : vector<16xf32>
    %swap3A_2494 = arith.constant 208 : index
    %swap3A_2495 = tpu.vector_load %arg11[%swap3A_2494] {strides = array<i32>} : memref<512xf32, #tpu.memory_space<vmem>>, vector<16xf32>,
    tpu.vector_store %arg11[%swap3A_2494], %add3A_2491 {strides = array<i32>} : memref<512xf32, #tpu.memory_space<vmem>>, vector<16xf32>,
    %swap3A_2496 = arith.constant 464 : index
    %swap3A_2497 = tpu.vector_load %arg11[%swap3A_2496] {strides = array<i32>} : memref<512xf32, #tpu.memory_space<vmem>>, vector<16xf32>,
    tpu.vector_store %arg11[%swap3A_2496], %add3A_2493 {strides = array<i32>} : memref<512xf32, #tpu.memory_space<vmem>>, vector<16xf32>,
    %add3A_2498 = arith.constant 14 : i32
    %add3A_2499 = arith.addi %mul3A_8, %add3A_2498 : i32
    %broadcast_in_dim3A_2500 = arith.constant 0.000000e+00 : f32
    %broadcast_in_dim3A_2501 = vector.broadcast %broadcast_in_dim3A_2500 : f32 to vector<16xf32>
    %broadcast_in_dim3A_2502 = arith.constant 0.000000e+00 : f32
    %broadcast_in_dim3A_2503 = vector.broadcast %broadcast_in_dim3A_2502 : f32 to vector<16xf32>
    %get3A_2504 = arith.index_cast %add3A_2499 : i32 to index
    %get3A_2505 = arith.constant 0 : index
    %get3A_2506 = tpu.vector_load %arg7[%get3A_2504, %get3A_2505] {strides = array<i32>} : memref<128x128xf32, #tpu.memory_space<vmem>>, vector<16xf32>,
    %get3A_2507 = arith.index_cast %add3A_2499 : i32 to index
    %get3A_2508 = arith.constant 0 : index
    %get3A_2509 = tpu.vector_load %arg8[%get3A_2507, %get3A_2508] {strides = array<i32>} : memref<128x128xf32, #tpu.memory_space<vmem>>, vector<16xf32>,
    %sub3A_2510 = arith.subf %get3A_2506, %get3A_2509 : vector<16xf32>
    %add3A_2511 = arith.constant 9.99999997E-7 : f32
    %add3A_2512 = vector.broadcast %add3A_2511 : f32 to vector<16xf32>
    %add3A_2513 = arith.addf %sub3A_2510, %add3A_2512 : vector<16xf32>
    %get3A_2514 = arith.index_cast %add3A_2499 : i32 to index
    %get3A_2515 = arith.constant 0 : index
    %get3A_2516 = tpu.vector_load %arg9[%get3A_2514, %get3A_2515] {strides = array<i32>} : memref<128x128xf32, #tpu.memory_space<vmem>>, vector<16xf32>,
    %sub3A_2517 = arith.subf %get3A_2506, %get3A_2516 : vector<16xf32>
    %add3A_2518 = arith.constant 9.99999997E-7 : f32
    %add3A_2519 = vector.broadcast %add3A_2518 : f32 to vector<16xf32>
    %add3A_2520 = arith.addf %sub3A_2517, %add3A_2519 : vector<16xf32>
    %mul3A_2521 = arith.mulf %add3A_2513, %add3A_2513 : vector<16xf32>
    %add3A_2522 = arith.addf %broadcast_in_dim3A_2501, %mul3A_2521 : vector<16xf32>
    %mul3A_2523 = arith.mulf %add3A_2520, %add3A_2520 : vector<16xf32>
    %add3A_2524 = arith.addf %broadcast_in_dim3A_2503, %mul3A_2523 : vector<16xf32>
    %get3A_2525 = arith.index_cast %add3A_2499 : i32 to index
    %get3A_2526 = arith.constant 16 : index
    %get3A_2527 = tpu.vector_load %arg7[%get3A_2525, %get3A_2526] {strides = array<i32>} : memref<128x128xf32, #tpu.memory_space<vmem>>, vector<16xf32>,
    %get3A_2528 = arith.index_cast %add3A_2499 : i32 to index
    %get3A_2529 = arith.constant 16 : index
    %get3A_2530 = tpu.vector_load %arg8[%get3A_2528, %get3A_2529] {strides = array<i32>} : memref<128x128xf32, #tpu.memory_space<vmem>>, vector<16xf32>,
    %sub3A_2531 = arith.subf %get3A_2527, %get3A_2530 : vector<16xf32>
    %add3A_2532 = arith.constant 9.99999997E-7 : f32
    %add3A_2533 = vector.broadcast %add3A_2532 : f32 to vector<16xf32>
    %add3A_2534 = arith.addf %sub3A_2531, %add3A_2533 : vector<16xf32>
    %get3A_2535 = arith.index_cast %add3A_2499 : i32 to index
    %get3A_2536 = arith.constant 16 : index
    %get3A_2537 = tpu.vector_load %arg9[%get3A_2535, %get3A_2536] {strides = array<i32>} : memref<128x128xf32, #tpu.memory_space<vmem>>, vector<16xf32>,
    %sub3A_2538 = arith.subf %get3A_2527, %get3A_2537 : vector<16xf32>
    %add3A_2539 = arith.constant 9.99999997E-7 : f32
    %add3A_2540 = vector.broadcast %add3A_2539 : f32 to vector<16xf32>
    %add3A_2541 = arith.addf %sub3A_2538, %add3A_2540 : vector<16xf32>
    %mul3A_2542 = arith.mulf %add3A_2534, %add3A_2534 : vector<16xf32>
    %add3A_2543 = arith.addf %add3A_2522, %mul3A_2542 : vector<16xf32>
    %mul3A_2544 = arith.mulf %add3A_2541, %add3A_2541 : vector<16xf32>
    %add3A_2545 = arith.addf %add3A_2524, %mul3A_2544 : vector<16xf32>
    %get3A_2546 = arith.index_cast %add3A_2499 : i32 to index
    %get3A_2547 = arith.constant 32 : index
    %get3A_2548 = tpu.vector_load %arg7[%get3A_2546, %get3A_2547] {strides = array<i32>} : memref<128x128xf32, #tpu.memory_space<vmem>>, vector<16xf32>,
    %get3A_2549 = arith.index_cast %add3A_2499 : i32 to index
    %get3A_2550 = arith.constant 32 : index
    %get3A_2551 = tpu.vector_load %arg8[%get3A_2549, %get3A_2550] {strides = array<i32>} : memref<128x128xf32, #tpu.memory_space<vmem>>, vector<16xf32>,
    %sub3A_2552 = arith.subf %get3A_2548, %get3A_2551 : vector<16xf32>
    %add3A_2553 = arith.constant 9.99999997E-7 : f32
    %add3A_2554 = vector.broadcast %add3A_2553 : f32 to vector<16xf32>
    %add3A_2555 = arith.addf %sub3A_2552, %add3A_2554 : vector<16xf32>
    %get3A_2556 = arith.index_cast %add3A_2499 : i32 to index
    %get3A_2557 = arith.constant 32 : index
    %get3A_2558 = tpu.vector_load %arg9[%get3A_2556, %get3A_2557] {strides = array<i32>} : memref<128x128xf32, #tpu.memory_space<vmem>>, vector<16xf32>,
    %sub3A_2559 = arith.subf %get3A_2548, %get3A_2558 : vector<16xf32>
    %add3A_2560 = arith.constant 9.99999997E-7 : f32
    %add3A_2561 = vector.broadcast %add3A_2560 : f32 to vector<16xf32>
    %add3A_2562 = arith.addf %sub3A_2559, %add3A_2561 : vector<16xf32>
    %mul3A_2563 = arith.mulf %add3A_2555, %add3A_2555 : vector<16xf32>
    %add3A_2564 = arith.addf %add3A_2543, %mul3A_2563 : vector<16xf32>
    %mul3A_2565 = arith.mulf %add3A_2562, %add3A_2562 : vector<16xf32>
    %add3A_2566 = arith.addf %add3A_2545, %mul3A_2565 : vector<16xf32>
    %get3A_2567 = arith.index_cast %add3A_2499 : i32 to index
    %get3A_2568 = arith.constant 48 : index
    %get3A_2569 = tpu.vector_load %arg7[%get3A_2567, %get3A_2568] {strides = array<i32>} : memref<128x128xf32, #tpu.memory_space<vmem>>, vector<16xf32>,
    %get3A_2570 = arith.index_cast %add3A_2499 : i32 to index
    %get3A_2571 = arith.constant 48 : index
    %get3A_2572 = tpu.vector_load %arg8[%get3A_2570, %get3A_2571] {strides = array<i32>} : memref<128x128xf32, #tpu.memory_space<vmem>>, vector<16xf32>,
    %sub3A_2573 = arith.subf %get3A_2569, %get3A_2572 : vector<16xf32>
    %add3A_2574 = arith.constant 9.99999997E-7 : f32
    %add3A_2575 = vector.broadcast %add3A_2574 : f32 to vector<16xf32>
    %add3A_2576 = arith.addf %sub3A_2573, %add3A_2575 : vector<16xf32>
    %get3A_2577 = arith.index_cast %add3A_2499 : i32 to index
    %get3A_2578 = arith.constant 48 : index
    %get3A_2579 = tpu.vector_load %arg9[%get3A_2577, %get3A_2578] {strides = array<i32>} : memref<128x128xf32, #tpu.memory_space<vmem>>, vector<16xf32>,
    %sub3A_2580 = arith.subf %get3A_2569, %get3A_2579 : vector<16xf32>
    %add3A_2581 = arith.constant 9.99999997E-7 : f32
    %add3A_2582 = vector.broadcast %add3A_2581 : f32 to vector<16xf32>
    %add3A_2583 = arith.addf %sub3A_2580, %add3A_2582 : vector<16xf32>
    %mul3A_2584 = arith.mulf %add3A_2576, %add3A_2576 : vector<16xf32>
    %add3A_2585 = arith.addf %add3A_2564, %mul3A_2584 : vector<16xf32>
    %mul3A_2586 = arith.mulf %add3A_2583, %add3A_2583 : vector<16xf32>
    %add3A_2587 = arith.addf %add3A_2566, %mul3A_2586 : vector<16xf32>
    %get3A_2588 = arith.index_cast %add3A_2499 : i32 to index
    %get3A_2589 = arith.constant 64 : index
    %get3A_2590 = tpu.vector_load %arg7[%get3A_2588, %get3A_2589] {strides = array<i32>} : memref<128x128xf32, #tpu.memory_space<vmem>>, vector<16xf32>,
    %get3A_2591 = arith.index_cast %add3A_2499 : i32 to index
    %get3A_2592 = arith.constant 64 : index
    %get3A_2593 = tpu.vector_load %arg8[%get3A_2591, %get3A_2592] {strides = array<i32>} : memref<128x128xf32, #tpu.memory_space<vmem>>, vector<16xf32>,
    %sub3A_2594 = arith.subf %get3A_2590, %get3A_2593 : vector<16xf32>
    %add3A_2595 = arith.constant 9.99999997E-7 : f32
    %add3A_2596 = vector.broadcast %add3A_2595 : f32 to vector<16xf32>
    %add3A_2597 = arith.addf %sub3A_2594, %add3A_2596 : vector<16xf32>
    %get3A_2598 = arith.index_cast %add3A_2499 : i32 to index
    %get3A_2599 = arith.constant 64 : index
    %get3A_2600 = tpu.vector_load %arg9[%get3A_2598, %get3A_2599] {strides = array<i32>} : memref<128x128xf32, #tpu.memory_space<vmem>>, vector<16xf32>,
    %sub3A_2601 = arith.subf %get3A_2590, %get3A_2600 : vector<16xf32>
    %add3A_2602 = arith.constant 9.99999997E-7 : f32
    %add3A_2603 = vector.broadcast %add3A_2602 : f32 to vector<16xf32>
    %add3A_2604 = arith.addf %sub3A_2601, %add3A_2603 : vector<16xf32>
    %mul3A_2605 = arith.mulf %add3A_2597, %add3A_2597 : vector<16xf32>
    %add3A_2606 = arith.addf %add3A_2585, %mul3A_2605 : vector<16xf32>
    %mul3A_2607 = arith.mulf %add3A_2604, %add3A_2604 : vector<16xf32>
    %add3A_2608 = arith.addf %add3A_2587, %mul3A_2607 : vector<16xf32>
    %get3A_2609 = arith.index_cast %add3A_2499 : i32 to index
    %get3A_2610 = arith.constant 80 : index
    %get3A_2611 = tpu.vector_load %arg7[%get3A_2609, %get3A_2610] {strides = array<i32>} : memref<128x128xf32, #tpu.memory_space<vmem>>, vector<16xf32>,
    %get3A_2612 = arith.index_cast %add3A_2499 : i32 to index
    %get3A_2613 = arith.constant 80 : index
    %get3A_2614 = tpu.vector_load %arg8[%get3A_2612, %get3A_2613] {strides = array<i32>} : memref<128x128xf32, #tpu.memory_space<vmem>>, vector<16xf32>,
    %sub3A_2615 = arith.subf %get3A_2611, %get3A_2614 : vector<16xf32>
    %add3A_2616 = arith.constant 9.99999997E-7 : f32
    %add3A_2617 = vector.broadcast %add3A_2616 : f32 to vector<16xf32>
    %add3A_2618 = arith.addf %sub3A_2615, %add3A_2617 : vector<16xf32>
    %get3A_2619 = arith.index_cast %add3A_2499 : i32 to index
    %get3A_2620 = arith.constant 80 : index
    %get3A_2621 = tpu.vector_load %arg9[%get3A_2619, %get3A_2620] {strides = array<i32>} : memref<128x128xf32, #tpu.memory_space<vmem>>, vector<16xf32>,
    %sub3A_2622 = arith.subf %get3A_2611, %get3A_2621 : vector<16xf32>
    %add3A_2623 = arith.constant 9.99999997E-7 : f32
    %add3A_2624 = vector.broadcast %add3A_2623 : f32 to vector<16xf32>
    %add3A_2625 = arith.addf %sub3A_2622, %add3A_2624 : vector<16xf32>
    %mul3A_2626 = arith.mulf %add3A_2618, %add3A_2618 : vector<16xf32>
    %add3A_2627 = arith.addf %add3A_2606, %mul3A_2626 : vector<16xf32>
    %mul3A_2628 = arith.mulf %add3A_2625, %add3A_2625 : vector<16xf32>
    %add3A_2629 = arith.addf %add3A_2608, %mul3A_2628 : vector<16xf32>
    %get3A_2630 = arith.index_cast %add3A_2499 : i32 to index
    %get3A_2631 = arith.constant 96 : index
    %get3A_2632 = tpu.vector_load %arg7[%get3A_2630, %get3A_2631] {strides = array<i32>} : memref<128x128xf32, #tpu.memory_space<vmem>>, vector<16xf32>,
    %get3A_2633 = arith.index_cast %add3A_2499 : i32 to index
    %get3A_2634 = arith.constant 96 : index
    %get3A_2635 = tpu.vector_load %arg8[%get3A_2633, %get3A_2634] {strides = array<i32>} : memref<128x128xf32, #tpu.memory_space<vmem>>, vector<16xf32>,
    %sub3A_2636 = arith.subf %get3A_2632, %get3A_2635 : vector<16xf32>
    %add3A_2637 = arith.constant 9.99999997E-7 : f32
    %add3A_2638 = vector.broadcast %add3A_2637 : f32 to vector<16xf32>
    %add3A_2639 = arith.addf %sub3A_2636, %add3A_2638 : vector<16xf32>
    %get3A_2640 = arith.index_cast %add3A_2499 : i32 to index
    %get3A_2641 = arith.constant 96 : index
    %get3A_2642 = tpu.vector_load %arg9[%get3A_2640, %get3A_2641] {strides = array<i32>} : memref<128x128xf32, #tpu.memory_space<vmem>>, vector<16xf32>,
    %sub3A_2643 = arith.subf %get3A_2632, %get3A_2642 : vector<16xf32>
    %add3A_2644 = arith.constant 9.99999997E-7 : f32
    %add3A_2645 = vector.broadcast %add3A_2644 : f32 to vector<16xf32>
    %add3A_2646 = arith.addf %sub3A_2643, %add3A_2645 : vector<16xf32>
    %mul3A_2647 = arith.mulf %add3A_2639, %add3A_2639 : vector<16xf32>
    %add3A_2648 = arith.addf %add3A_2627, %mul3A_2647 : vector<16xf32>
    %mul3A_2649 = arith.mulf %add3A_2646, %add3A_2646 : vector<16xf32>
    %add3A_2650 = arith.addf %add3A_2629, %mul3A_2649 : vector<16xf32>
    %get3A_2651 = arith.index_cast %add3A_2499 : i32 to index
    %get3A_2652 = arith.constant 112 : index
    %get3A_2653 = tpu.vector_load %arg7[%get3A_2651, %get3A_2652] {strides = array<i32>} : memref<128x128xf32, #tpu.memory_space<vmem>>, vector<16xf32>,
    %get3A_2654 = arith.index_cast %add3A_2499 : i32 to index
    %get3A_2655 = arith.constant 112 : index
    %get3A_2656 = tpu.vector_load %arg8[%get3A_2654, %get3A_2655] {strides = array<i32>} : memref<128x128xf32, #tpu.memory_space<vmem>>, vector<16xf32>,
    %sub3A_2657 = arith.subf %get3A_2653, %get3A_2656 : vector<16xf32>
    %add3A_2658 = arith.constant 9.99999997E-7 : f32
    %add3A_2659 = vector.broadcast %add3A_2658 : f32 to vector<16xf32>
    %add3A_2660 = arith.addf %sub3A_2657, %add3A_2659 : vector<16xf32>
    %get3A_2661 = arith.index_cast %add3A_2499 : i32 to index
    %get3A_2662 = arith.constant 112 : index
    %get3A_2663 = tpu.vector_load %arg9[%get3A_2661, %get3A_2662] {strides = array<i32>} : memref<128x128xf32, #tpu.memory_space<vmem>>, vector<16xf32>,
    %sub3A_2664 = arith.subf %get3A_2653, %get3A_2663 : vector<16xf32>
    %add3A_2665 = arith.constant 9.99999997E-7 : f32
    %add3A_2666 = vector.broadcast %add3A_2665 : f32 to vector<16xf32>
    %add3A_2667 = arith.addf %sub3A_2664, %add3A_2666 : vector<16xf32>
    %mul3A_2668 = arith.mulf %add3A_2660, %add3A_2660 : vector<16xf32>
    %add3A_2669 = arith.addf %add3A_2648, %mul3A_2668 : vector<16xf32>
    %mul3A_2670 = arith.mulf %add3A_2667, %add3A_2667 : vector<16xf32>
    %add3A_2671 = arith.addf %add3A_2650, %mul3A_2670 : vector<16xf32>
    %swap3A_2672 = arith.constant 224 : index
    %swap3A_2673 = tpu.vector_load %arg11[%swap3A_2672] {strides = array<i32>} : memref<512xf32, #tpu.memory_space<vmem>>, vector<16xf32>,
    tpu.vector_store %arg11[%swap3A_2672], %add3A_2669 {strides = array<i32>} : memref<512xf32, #tpu.memory_space<vmem>>, vector<16xf32>,
    %swap3A_2674 = arith.constant 480 : index
    %swap3A_2675 = tpu.vector_load %arg11[%swap3A_2674] {strides = array<i32>} : memref<512xf32, #tpu.memory_space<vmem>>, vector<16xf32>,
    tpu.vector_store %arg11[%swap3A_2674], %add3A_2671 {strides = array<i32>} : memref<512xf32, #tpu.memory_space<vmem>>, vector<16xf32>,
    %add3A_2676 = arith.constant 15 : i32
    %add3A_2677 = arith.addi %mul3A_8, %add3A_2676 : i32
    %broadcast_in_dim3A_2678 = arith.constant 0.000000e+00 : f32
    %broadcast_in_dim3A_2679 = vector.broadcast %broadcast_in_dim3A_2678 : f32 to vector<16xf32>
    %broadcast_in_dim3A_2680 = arith.constant 0.000000e+00 : f32
    %broadcast_in_dim3A_2681 = vector.broadcast %broadcast_in_dim3A_2680 : f32 to vector<16xf32>
    %get3A_2682 = arith.index_cast %add3A_2677 : i32 to index
    %get3A_2683 = arith.constant 0 : index
    %get3A_2684 = tpu.vector_load %arg7[%get3A_2682, %get3A_2683] {strides = array<i32>} : memref<128x128xf32, #tpu.memory_space<vmem>>, vector<16xf32>,
    %get3A_2685 = arith.index_cast %add3A_2677 : i32 to index
    %get3A_2686 = arith.constant 0 : index
    %get3A_2687 = tpu.vector_load %arg8[%get3A_2685, %get3A_2686] {strides = array<i32>} : memref<128x128xf32, #tpu.memory_space<vmem>>, vector<16xf32>,
    %sub3A_2688 = arith.subf %get3A_2684, %get3A_2687 : vector<16xf32>
    %add3A_2689 = arith.constant 9.99999997E-7 : f32
    %add3A_2690 = vector.broadcast %add3A_2689 : f32 to vector<16xf32>
    %add3A_2691 = arith.addf %sub3A_2688, %add3A_2690 : vector<16xf32>
    %get3A_2692 = arith.index_cast %add3A_2677 : i32 to index
    %get3A_2693 = arith.constant 0 : index
    %get3A_2694 = tpu.vector_load %arg9[%get3A_2692, %get3A_2693] {strides = array<i32>} : memref<128x128xf32, #tpu.memory_space<vmem>>, vector<16xf32>,
    %sub3A_2695 = arith.subf %get3A_2684, %get3A_2694 : vector<16xf32>
    %add3A_2696 = arith.constant 9.99999997E-7 : f32
    %add3A_2697 = vector.broadcast %add3A_2696 : f32 to vector<16xf32>
    %add3A_2698 = arith.addf %sub3A_2695, %add3A_2697 : vector<16xf32>
    %mul3A_2699 = arith.mulf %add3A_2691, %add3A_2691 : vector<16xf32>
    %add3A_2700 = arith.addf %broadcast_in_dim3A_2679, %mul3A_2699 : vector<16xf32>
    %mul3A_2701 = arith.mulf %add3A_2698, %add3A_2698 : vector<16xf32>
    %add3A_2702 = arith.addf %broadcast_in_dim3A_2681, %mul3A_2701 : vector<16xf32>
    %get3A_2703 = arith.index_cast %add3A_2677 : i32 to index
    %get3A_2704 = arith.constant 16 : index
    %get3A_2705 = tpu.vector_load %arg7[%get3A_2703, %get3A_2704] {strides = array<i32>} : memref<128x128xf32, #tpu.memory_space<vmem>>, vector<16xf32>,
    %get3A_2706 = arith.index_cast %add3A_2677 : i32 to index
    %get3A_2707 = arith.constant 16 : index
    %get3A_2708 = tpu.vector_load %arg8[%get3A_2706, %get3A_2707] {strides = array<i32>} : memref<128x128xf32, #tpu.memory_space<vmem>>, vector<16xf32>,
    %sub3A_2709 = arith.subf %get3A_2705, %get3A_2708 : vector<16xf32>
    %add3A_2710 = arith.constant 9.99999997E-7 : f32
    %add3A_2711 = vector.broadcast %add3A_2710 : f32 to vector<16xf32>
    %add3A_2712 = arith.addf %sub3A_2709, %add3A_2711 : vector<16xf32>
    %get3A_2713 = arith.index_cast %add3A_2677 : i32 to index
    %get3A_2714 = arith.constant 16 : index
    %get3A_2715 = tpu.vector_load %arg9[%get3A_2713, %get3A_2714] {strides = array<i32>} : memref<128x128xf32, #tpu.memory_space<vmem>>, vector<16xf32>,
    %sub3A_2716 = arith.subf %get3A_2705, %get3A_2715 : vector<16xf32>
    %add3A_2717 = arith.constant 9.99999997E-7 : f32
    %add3A_2718 = vector.broadcast %add3A_2717 : f32 to vector<16xf32>
    %add3A_2719 = arith.addf %sub3A_2716, %add3A_2718 : vector<16xf32>
    %mul3A_2720 = arith.mulf %add3A_2712, %add3A_2712 : vector<16xf32>
    %add3A_2721 = arith.addf %add3A_2700, %mul3A_2720 : vector<16xf32>
    %mul3A_2722 = arith.mulf %add3A_2719, %add3A_2719 : vector<16xf32>
    %add3A_2723 = arith.addf %add3A_2702, %mul3A_2722 : vector<16xf32>
    %get3A_2724 = arith.index_cast %add3A_2677 : i32 to index
    %get3A_2725 = arith.constant 32 : index
    %get3A_2726 = tpu.vector_load %arg7[%get3A_2724, %get3A_2725] {strides = array<i32>} : memref<128x128xf32, #tpu.memory_space<vmem>>, vector<16xf32>,
    %get3A_2727 = arith.index_cast %add3A_2677 : i32 to index
    %get3A_2728 = arith.constant 32 : index
    %get3A_2729 = tpu.vector_load %arg8[%get3A_2727, %get3A_2728] {strides = array<i32>} : memref<128x128xf32, #tpu.memory_space<vmem>>, vector<16xf32>,
    %sub3A_2730 = arith.subf %get3A_2726, %get3A_2729 : vector<16xf32>
    %add3A_2731 = arith.constant 9.99999997E-7 : f32
    %add3A_2732 = vector.broadcast %add3A_2731 : f32 to vector<16xf32>
    %add3A_2733 = arith.addf %sub3A_2730, %add3A_2732 : vector<16xf32>
    %get3A_2734 = arith.index_cast %add3A_2677 : i32 to index
    %get3A_2735 = arith.constant 32 : index
    %get3A_2736 = tpu.vector_load %arg9[%get3A_2734, %get3A_2735] {strides = array<i32>} : memref<128x128xf32, #tpu.memory_space<vmem>>, vector<16xf32>,
    %sub3A_2737 = arith.subf %get3A_2726, %get3A_2736 : vector<16xf32>
    %add3A_2738 = arith.constant 9.99999997E-7 : f32
    %add3A_2739 = vector.broadcast %add3A_2738 : f32 to vector<16xf32>
    %add3A_2740 = arith.addf %sub3A_2737, %add3A_2739 : vector<16xf32>
    %mul3A_2741 = arith.mulf %add3A_2733, %add3A_2733 : vector<16xf32>
    %add3A_2742 = arith.addf %add3A_2721, %mul3A_2741 : vector<16xf32>
    %mul3A_2743 = arith.mulf %add3A_2740, %add3A_2740 : vector<16xf32>
    %add3A_2744 = arith.addf %add3A_2723, %mul3A_2743 : vector<16xf32>
    %get3A_2745 = arith.index_cast %add3A_2677 : i32 to index
    %get3A_2746 = arith.constant 48 : index
    %get3A_2747 = tpu.vector_load %arg7[%get3A_2745, %get3A_2746] {strides = array<i32>} : memref<128x128xf32, #tpu.memory_space<vmem>>, vector<16xf32>,
    %get3A_2748 = arith.index_cast %add3A_2677 : i32 to index
    %get3A_2749 = arith.constant 48 : index
    %get3A_2750 = tpu.vector_load %arg8[%get3A_2748, %get3A_2749] {strides = array<i32>} : memref<128x128xf32, #tpu.memory_space<vmem>>, vector<16xf32>,
    %sub3A_2751 = arith.subf %get3A_2747, %get3A_2750 : vector<16xf32>
    %add3A_2752 = arith.constant 9.99999997E-7 : f32
    %add3A_2753 = vector.broadcast %add3A_2752 : f32 to vector<16xf32>
    %add3A_2754 = arith.addf %sub3A_2751, %add3A_2753 : vector<16xf32>
    %get3A_2755 = arith.index_cast %add3A_2677 : i32 to index
    %get3A_2756 = arith.constant 48 : index
    %get3A_2757 = tpu.vector_load %arg9[%get3A_2755, %get3A_2756] {strides = array<i32>} : memref<128x128xf32, #tpu.memory_space<vmem>>, vector<16xf32>,
    %sub3A_2758 = arith.subf %get3A_2747, %get3A_2757 : vector<16xf32>
    %add3A_2759 = arith.constant 9.99999997E-7 : f32
    %add3A_2760 = vector.broadcast %add3A_2759 : f32 to vector<16xf32>
    %add3A_2761 = arith.addf %sub3A_2758, %add3A_2760 : vector<16xf32>
    %mul3A_2762 = arith.mulf %add3A_2754, %add3A_2754 : vector<16xf32>
    %add3A_2763 = arith.addf %add3A_2742, %mul3A_2762 : vector<16xf32>
    %mul3A_2764 = arith.mulf %add3A_2761, %add3A_2761 : vector<16xf32>
    %add3A_2765 = arith.addf %add3A_2744, %mul3A_2764 : vector<16xf32>
    %get3A_2766 = arith.index_cast %add3A_2677 : i32 to index
    %get3A_2767 = arith.constant 64 : index
    %get3A_2768 = tpu.vector_load %arg7[%get3A_2766, %get3A_2767] {strides = array<i32>} : memref<128x128xf32, #tpu.memory_space<vmem>>, vector<16xf32>,
    %get3A_2769 = arith.index_cast %add3A_2677 : i32 to index
    %get3A_2770 = arith.constant 64 : index
    %get3A_2771 = tpu.vector_load %arg8[%get3A_2769, %get3A_2770] {strides = array<i32>} : memref<128x128xf32, #tpu.memory_space<vmem>>, vector<16xf32>,
    %sub3A_2772 = arith.subf %get3A_2768, %get3A_2771 : vector<16xf32>
    %add3A_2773 = arith.constant 9.99999997E-7 : f32
    %add3A_2774 = vector.broadcast %add3A_2773 : f32 to vector<16xf32>
    %add3A_2775 = arith.addf %sub3A_2772, %add3A_2774 : vector<16xf32>
    %get3A_2776 = arith.index_cast %add3A_2677 : i32 to index
    %get3A_2777 = arith.constant 64 : index
    %get3A_2778 = tpu.vector_load %arg9[%get3A_2776, %get3A_2777] {strides = array<i32>} : memref<128x128xf32, #tpu.memory_space<vmem>>, vector<16xf32>,
    %sub3A_2779 = arith.subf %get3A_2768, %get3A_2778 : vector<16xf32>
    %add3A_2780 = arith.constant 9.99999997E-7 : f32
    %add3A_2781 = vector.broadcast %add3A_2780 : f32 to vector<16xf32>
    %add3A_2782 = arith.addf %sub3A_2779, %add3A_2781 : vector<16xf32>
    %mul3A_2783 = arith.mulf %add3A_2775, %add3A_2775 : vector<16xf32>
    %add3A_2784 = arith.addf %add3A_2763, %mul3A_2783 : vector<16xf32>
    %mul3A_2785 = arith.mulf %add3A_2782, %add3A_2782 : vector<16xf32>
    %add3A_2786 = arith.addf %add3A_2765, %mul3A_2785 : vector<16xf32>
    %get3A_2787 = arith.index_cast %add3A_2677 : i32 to index
    %get3A_2788 = arith.constant 80 : index
    %get3A_2789 = tpu.vector_load %arg7[%get3A_2787, %get3A_2788] {strides = array<i32>} : memref<128x128xf32, #tpu.memory_space<vmem>>, vector<16xf32>,
    %get3A_2790 = arith.index_cast %add3A_2677 : i32 to index
    %get3A_2791 = arith.constant 80 : index
    %get3A_2792 = tpu.vector_load %arg8[%get3A_2790, %get3A_2791] {strides = array<i32>} : memref<128x128xf32, #tpu.memory_space<vmem>>, vector<16xf32>,
    %sub3A_2793 = arith.subf %get3A_2789, %get3A_2792 : vector<16xf32>
    %add3A_2794 = arith.constant 9.99999997E-7 : f32
    %add3A_2795 = vector.broadcast %add3A_2794 : f32 to vector<16xf32>
    %add3A_2796 = arith.addf %sub3A_2793, %add3A_2795 : vector<16xf32>
    %get3A_2797 = arith.index_cast %add3A_2677 : i32 to index
    %get3A_2798 = arith.constant 80 : index
    %get3A_2799 = tpu.vector_load %arg9[%get3A_2797, %get3A_2798] {strides = array<i32>} : memref<128x128xf32, #tpu.memory_space<vmem>>, vector<16xf32>,
    %sub3A_2800 = arith.subf %get3A_2789, %get3A_2799 : vector<16xf32>
    %add3A_2801 = arith.constant 9.99999997E-7 : f32
    %add3A_2802 = vector.broadcast %add3A_2801 : f32 to vector<16xf32>
    %add3A_2803 = arith.addf %sub3A_2800, %add3A_2802 : vector<16xf32>
    %mul3A_2804 = arith.mulf %add3A_2796, %add3A_2796 : vector<16xf32>
    %add3A_2805 = arith.addf %add3A_2784, %mul3A_2804 : vector<16xf32>
    %mul3A_2806 = arith.mulf %add3A_2803, %add3A_2803 : vector<16xf32>
    %add3A_2807 = arith.addf %add3A_2786, %mul3A_2806 : vector<16xf32>
    %get3A_2808 = arith.index_cast %add3A_2677 : i32 to index
    %get3A_2809 = arith.constant 96 : index
    %get3A_2810 = tpu.vector_load %arg7[%get3A_2808, %get3A_2809] {strides = array<i32>} : memref<128x128xf32, #tpu.memory_space<vmem>>, vector<16xf32>,
    %get3A_2811 = arith.index_cast %add3A_2677 : i32 to index
    %get3A_2812 = arith.constant 96 : index
    %get3A_2813 = tpu.vector_load %arg8[%get3A_2811, %get3A_2812] {strides = array<i32>} : memref<128x128xf32, #tpu.memory_space<vmem>>, vector<16xf32>,
    %sub3A_2814 = arith.subf %get3A_2810, %get3A_2813 : vector<16xf32>
    %add3A_2815 = arith.constant 9.99999997E-7 : f32
    %add3A_2816 = vector.broadcast %add3A_2815 : f32 to vector<16xf32>
    %add3A_2817 = arith.addf %sub3A_2814, %add3A_2816 : vector<16xf32>
    %get3A_2818 = arith.index_cast %add3A_2677 : i32 to index
    %get3A_2819 = arith.constant 96 : index
    %get3A_2820 = tpu.vector_load %arg9[%get3A_2818, %get3A_2819] {strides = array<i32>} : memref<128x128xf32, #tpu.memory_space<vmem>>, vector<16xf32>,
    %sub3A_2821 = arith.subf %get3A_2810, %get3A_2820 : vector<16xf32>
    %add3A_2822 = arith.constant 9.99999997E-7 : f32
    %add3A_2823 = vector.broadcast %add3A_2822 : f32 to vector<16xf32>
    %add3A_2824 = arith.addf %sub3A_2821, %add3A_2823 : vector<16xf32>
    %mul3A_2825 = arith.mulf %add3A_2817, %add3A_2817 : vector<16xf32>
    %add3A_2826 = arith.addf %add3A_2805, %mul3A_2825 : vector<16xf32>
    %mul3A_2827 = arith.mulf %add3A_2824, %add3A_2824 : vector<16xf32>
    %add3A_2828 = arith.addf %add3A_2807, %mul3A_2827 : vector<16xf32>
    %get3A_2829 = arith.index_cast %add3A_2677 : i32 to index
    %get3A_2830 = arith.constant 112 : index
    %get3A_2831 = tpu.vector_load %arg7[%get3A_2829, %get3A_2830] {strides = array<i32>} : memref<128x128xf32, #tpu.memory_space<vmem>>, vector<16xf32>,
    %get3A_2832 = arith.index_cast %add3A_2677 : i32 to index
    %get3A_2833 = arith.constant 112 : index
    %get3A_2834 = tpu.vector_load %arg8[%get3A_2832, %get3A_2833] {strides = array<i32>} : memref<128x128xf32, #tpu.memory_space<vmem>>, vector<16xf32>,
    %sub3A_2835 = arith.subf %get3A_2831, %get3A_2834 : vector<16xf32>
    %add3A_2836 = arith.constant 9.99999997E-7 : f32
    %add3A_2837 = vector.broadcast %add3A_2836 : f32 to vector<16xf32>
    %add3A_2838 = arith.addf %sub3A_2835, %add3A_2837 : vector<16xf32>
    %get3A_2839 = arith.index_cast %add3A_2677 : i32 to index
    %get3A_2840 = arith.constant 112 : index
    %get3A_2841 = tpu.vector_load %arg9[%get3A_2839, %get3A_2840] {strides = array<i32>} : memref<128x128xf32, #tpu.memory_space<vmem>>, vector<16xf32>,
    %sub3A_2842 = arith.subf %get3A_2831, %get3A_2841 : vector<16xf32>
    %add3A_2843 = arith.constant 9.99999997E-7 : f32
    %add3A_2844 = vector.broadcast %add3A_2843 : f32 to vector<16xf32>
    %add3A_2845 = arith.addf %sub3A_2842, %add3A_2844 : vector<16xf32>
    %mul3A_2846 = arith.mulf %add3A_2838, %add3A_2838 : vector<16xf32>
    %add3A_2847 = arith.addf %add3A_2826, %mul3A_2846 : vector<16xf32>
    %mul3A_2848 = arith.mulf %add3A_2845, %add3A_2845 : vector<16xf32>
    %add3A_2849 = arith.addf %add3A_2828, %mul3A_2848 : vector<16xf32>
    %swap3A_2850 = arith.constant 240 : index
    %swap3A_2851 = tpu.vector_load %arg11[%swap3A_2850] {strides = array<i32>} : memref<512xf32, #tpu.memory_space<vmem>>, vector<16xf32>,
    tpu.vector_store %arg11[%swap3A_2850], %add3A_2847 {strides = array<i32>} : memref<512xf32, #tpu.memory_space<vmem>>, vector<16xf32>,
    %swap3A_2852 = arith.constant 496 : index
    %swap3A_2853 = tpu.vector_load %arg11[%swap3A_2852] {strides = array<i32>} : memref<512xf32, #tpu.memory_space<vmem>>, vector<16xf32>,
    tpu.vector_store %arg11[%swap3A_2852], %add3A_2849 {strides = array<i32>} : memref<512xf32, #tpu.memory_space<vmem>>, vector<16xf32>,
    %broadcast_in_dim3A_2854 = arith.constant 0.000000e+00 : f32
    %broadcast_in_dim3A_2855 = vector.broadcast %broadcast_in_dim3A_2854 : f32 to vector<16xf32>
    %broadcast_in_dim3A_2856 = arith.constant 0.000000e+00 : f32
    %broadcast_in_dim3A_2857 = vector.broadcast %broadcast_in_dim3A_2856 : f32 to vector<16xf32>
    %add3A_2858 = arith.constant 0 : i32
    %add3A_2859 = vector.broadcast %add3A_2858 : i32 to vector<16xi32>
    %add3A_2860 = arith.addi %mul3A_6, %add3A_2859 : vector<16xi32>
    %gather3A = tpu.vector_load_idx %arg11[%add3A_2860] : memref<512xf32, #tpu.memory_space<vmem>>[vector<16xi32>], vector<16xf32>,
    %add3A_2861 = arith.addf %broadcast_in_dim3A_2855, %gather3A : vector<16xf32>
    %add3A_2862 = arith.constant 256 : i32
    %add3A_2863 = vector.broadcast %add3A_2862 : i32 to vector<16xi32>
    %add3A_2864 = arith.addi %mul3A_6, %add3A_2863 : vector<16xi32>
    %gather3A_2865 = tpu.vector_load_idx %arg11[%add3A_2864] : memref<512xf32, #tpu.memory_space<vmem>>[vector<16xi32>], vector<16xf32>,
    %add3A_2866 = arith.addf %broadcast_in_dim3A_2857, %gather3A_2865 : vector<16xf32>
    %add3A_2867 = arith.constant 1 : i32
    %add3A_2868 = vector.broadcast %add3A_2867 : i32 to vector<16xi32>
    %add3A_2869 = arith.addi %mul3A_6, %add3A_2868 : vector<16xi32>
    %gather3A_2870 = tpu.vector_load_idx %arg11[%add3A_2869] : memref<512xf32, #tpu.memory_space<vmem>>[vector<16xi32>], vector<16xf32>,
    %add3A_2871 = arith.addf %add3A_2861, %gather3A_2870 : vector<16xf32>
    %add3A_2872 = arith.constant 257 : i32
    %add3A_2873 = vector.broadcast %add3A_2872 : i32 to vector<16xi32>
    %add3A_2874 = arith.addi %mul3A_6, %add3A_2873 : vector<16xi32>
    %gather3A_2875 = tpu.vector_load_idx %arg11[%add3A_2874] : memref<512xf32, #tpu.memory_space<vmem>>[vector<16xi32>], vector<16xf32>,
    %add3A_2876 = arith.addf %add3A_2866, %gather3A_2875 : vector<16xf32>
    %add3A_2877 = arith.constant 2 : i32
    %add3A_2878 = vector.broadcast %add3A_2877 : i32 to vector<16xi32>
    %add3A_2879 = arith.addi %mul3A_6, %add3A_2878 : vector<16xi32>
    %gather3A_2880 = tpu.vector_load_idx %arg11[%add3A_2879] : memref<512xf32, #tpu.memory_space<vmem>>[vector<16xi32>], vector<16xf32>,
    %add3A_2881 = arith.addf %add3A_2871, %gather3A_2880 : vector<16xf32>
    %add3A_2882 = arith.constant 258 : i32
    %add3A_2883 = vector.broadcast %add3A_2882 : i32 to vector<16xi32>
    %add3A_2884 = arith.addi %mul3A_6, %add3A_2883 : vector<16xi32>
    %gather3A_2885 = tpu.vector_load_idx %arg11[%add3A_2884] : memref<512xf32, #tpu.memory_space<vmem>>[vector<16xi32>], vector<16xf32>,
    %add3A_2886 = arith.addf %add3A_2876, %gather3A_2885 : vector<16xf32>
    %add3A_2887 = arith.constant 3 : i32
    %add3A_2888 = vector.broadcast %add3A_2887 : i32 to vector<16xi32>
    %add3A_2889 = arith.addi %mul3A_6, %add3A_2888 : vector<16xi32>
    %gather3A_2890 = tpu.vector_load_idx %arg11[%add3A_2889] : memref<512xf32, #tpu.memory_space<vmem>>[vector<16xi32>], vector<16xf32>,
    %add3A_2891 = arith.addf %add3A_2881, %gather3A_2890 : vector<16xf32>
    %add3A_2892 = arith.constant 259 : i32
    %add3A_2893 = vector.broadcast %add3A_2892 : i32 to vector<16xi32>
    %add3A_2894 = arith.addi %mul3A_6, %add3A_2893 : vector<16xi32>
    %gather3A_2895 = tpu.vector_load_idx %arg11[%add3A_2894] : memref<512xf32, #tpu.memory_space<vmem>>[vector<16xi32>], vector<16xf32>,
    %add3A_2896 = arith.addf %add3A_2886, %gather3A_2895 : vector<16xf32>
    %add3A_2897 = arith.constant 4 : i32
    %add3A_2898 = vector.broadcast %add3A_2897 : i32 to vector<16xi32>
    %add3A_2899 = arith.addi %mul3A_6, %add3A_2898 : vector<16xi32>
    %gather3A_2900 = tpu.vector_load_idx %arg11[%add3A_2899] : memref<512xf32, #tpu.memory_space<vmem>>[vector<16xi32>], vector<16xf32>,
    %add3A_2901 = arith.addf %add3A_2891, %gather3A_2900 : vector<16xf32>
    %add3A_2902 = arith.constant 260 : i32
    %add3A_2903 = vector.broadcast %add3A_2902 : i32 to vector<16xi32>
    %add3A_2904 = arith.addi %mul3A_6, %add3A_2903 : vector<16xi32>
    %gather3A_2905 = tpu.vector_load_idx %arg11[%add3A_2904] : memref<512xf32, #tpu.memory_space<vmem>>[vector<16xi32>], vector<16xf32>,
    %add3A_2906 = arith.addf %add3A_2896, %gather3A_2905 : vector<16xf32>
    %add3A_2907 = arith.constant 5 : i32
    %add3A_2908 = vector.broadcast %add3A_2907 : i32 to vector<16xi32>
    %add3A_2909 = arith.addi %mul3A_6, %add3A_2908 : vector<16xi32>
    %gather3A_2910 = tpu.vector_load_idx %arg11[%add3A_2909] : memref<512xf32, #tpu.memory_space<vmem>>[vector<16xi32>], vector<16xf32>,
    %add3A_2911 = arith.addf %add3A_2901, %gather3A_2910 : vector<16xf32>
    %add3A_2912 = arith.constant 261 : i32
    %add3A_2913 = vector.broadcast %add3A_2912 : i32 to vector<16xi32>
    %add3A_2914 = arith.addi %mul3A_6, %add3A_2913 : vector<16xi32>
    %gather3A_2915 = tpu.vector_load_idx %arg11[%add3A_2914] : memref<512xf32, #tpu.memory_space<vmem>>[vector<16xi32>], vector<16xf32>,
    %add3A_2916 = arith.addf %add3A_2906, %gather3A_2915 : vector<16xf32>
    %add3A_2917 = arith.constant 6 : i32
    %add3A_2918 = vector.broadcast %add3A_2917 : i32 to vector<16xi32>
    %add3A_2919 = arith.addi %mul3A_6, %add3A_2918 : vector<16xi32>
    %gather3A_2920 = tpu.vector_load_idx %arg11[%add3A_2919] : memref<512xf32, #tpu.memory_space<vmem>>[vector<16xi32>], vector<16xf32>,
    %add3A_2921 = arith.addf %add3A_2911, %gather3A_2920 : vector<16xf32>
    %add3A_2922 = arith.constant 262 : i32
    %add3A_2923 = vector.broadcast %add3A_2922 : i32 to vector<16xi32>
    %add3A_2924 = arith.addi %mul3A_6, %add3A_2923 : vector<16xi32>
    %gather3A_2925 = tpu.vector_load_idx %arg11[%add3A_2924] : memref<512xf32, #tpu.memory_space<vmem>>[vector<16xi32>], vector<16xf32>,
    %add3A_2926 = arith.addf %add3A_2916, %gather3A_2925 : vector<16xf32>
    %add3A_2927 = arith.constant 7 : i32
    %add3A_2928 = vector.broadcast %add3A_2927 : i32 to vector<16xi32>
    %add3A_2929 = arith.addi %mul3A_6, %add3A_2928 : vector<16xi32>
    %gather3A_2930 = tpu.vector_load_idx %arg11[%add3A_2929] : memref<512xf32, #tpu.memory_space<vmem>>[vector<16xi32>], vector<16xf32>,
    %add3A_2931 = arith.addf %add3A_2921, %gather3A_2930 : vector<16xf32>
    %add3A_2932 = arith.constant 263 : i32
    %add3A_2933 = vector.broadcast %add3A_2932 : i32 to vector<16xi32>
    %add3A_2934 = arith.addi %mul3A_6, %add3A_2933 : vector<16xi32>
    %gather3A_2935 = tpu.vector_load_idx %arg11[%add3A_2934] : memref<512xf32, #tpu.memory_space<vmem>>[vector<16xi32>], vector<16xf32>,
    %add3A_2936 = arith.addf %add3A_2926, %gather3A_2935 : vector<16xf32>
    %add3A_2937 = arith.constant 8 : i32
    %add3A_2938 = vector.broadcast %add3A_2937 : i32 to vector<16xi32>
    %add3A_2939 = arith.addi %mul3A_6, %add3A_2938 : vector<16xi32>
    %gather3A_2940 = tpu.vector_load_idx %arg11[%add3A_2939] : memref<512xf32, #tpu.memory_space<vmem>>[vector<16xi32>], vector<16xf32>,
    %add3A_2941 = arith.addf %add3A_2931, %gather3A_2940 : vector<16xf32>
    %add3A_2942 = arith.constant 264 : i32
    %add3A_2943 = vector.broadcast %add3A_2942 : i32 to vector<16xi32>
    %add3A_2944 = arith.addi %mul3A_6, %add3A_2943 : vector<16xi32>
    %gather3A_2945 = tpu.vector_load_idx %arg11[%add3A_2944] : memref<512xf32, #tpu.memory_space<vmem>>[vector<16xi32>], vector<16xf32>,
    %add3A_2946 = arith.addf %add3A_2936, %gather3A_2945 : vector<16xf32>
    %add3A_2947 = arith.constant 9 : i32
    %add3A_2948 = vector.broadcast %add3A_2947 : i32 to vector<16xi32>
    %add3A_2949 = arith.addi %mul3A_6, %add3A_2948 : vector<16xi32>
    %gather3A_2950 = tpu.vector_load_idx %arg11[%add3A_2949] : memref<512xf32, #tpu.memory_space<vmem>>[vector<16xi32>], vector<16xf32>,
    %add3A_2951 = arith.addf %add3A_2941, %gather3A_2950 : vector<16xf32>
    %add3A_2952 = arith.constant 265 : i32
    %add3A_2953 = vector.broadcast %add3A_2952 : i32 to vector<16xi32>
    %add3A_2954 = arith.addi %mul3A_6, %add3A_2953 : vector<16xi32>
    %gather3A_2955 = tpu.vector_load_idx %arg11[%add3A_2954] : memref<512xf32, #tpu.memory_space<vmem>>[vector<16xi32>], vector<16xf32>,
    %add3A_2956 = arith.addf %add3A_2946, %gather3A_2955 : vector<16xf32>
    %add3A_2957 = arith.constant 10 : i32
    %add3A_2958 = vector.broadcast %add3A_2957 : i32 to vector<16xi32>
    %add3A_2959 = arith.addi %mul3A_6, %add3A_2958 : vector<16xi32>
    %gather3A_2960 = tpu.vector_load_idx %arg11[%add3A_2959] : memref<512xf32, #tpu.memory_space<vmem>>[vector<16xi32>], vector<16xf32>,
    %add3A_2961 = arith.addf %add3A_2951, %gather3A_2960 : vector<16xf32>
    %add3A_2962 = arith.constant 266 : i32
    %add3A_2963 = vector.broadcast %add3A_2962 : i32 to vector<16xi32>
    %add3A_2964 = arith.addi %mul3A_6, %add3A_2963 : vector<16xi32>
    %gather3A_2965 = tpu.vector_load_idx %arg11[%add3A_2964] : memref<512xf32, #tpu.memory_space<vmem>>[vector<16xi32>], vector<16xf32>,
    %add3A_2966 = arith.addf %add3A_2956, %gather3A_2965 : vector<16xf32>
    %add3A_2967 = arith.constant 11 : i32
    %add3A_2968 = vector.broadcast %add3A_2967 : i32 to vector<16xi32>
    %add3A_2969 = arith.addi %mul3A_6, %add3A_2968 : vector<16xi32>
    %gather3A_2970 = tpu.vector_load_idx %arg11[%add3A_2969] : memref<512xf32, #tpu.memory_space<vmem>>[vector<16xi32>], vector<16xf32>,
    %add3A_2971 = arith.addf %add3A_2961, %gather3A_2970 : vector<16xf32>
    %add3A_2972 = arith.constant 267 : i32
    %add3A_2973 = vector.broadcast %add3A_2972 : i32 to vector<16xi32>
    %add3A_2974 = arith.addi %mul3A_6, %add3A_2973 : vector<16xi32>
    %gather3A_2975 = tpu.vector_load_idx %arg11[%add3A_2974] : memref<512xf32, #tpu.memory_space<vmem>>[vector<16xi32>], vector<16xf32>,
    %add3A_2976 = arith.addf %add3A_2966, %gather3A_2975 : vector<16xf32>
    %add3A_2977 = arith.constant 12 : i32
    %add3A_2978 = vector.broadcast %add3A_2977 : i32 to vector<16xi32>
    %add3A_2979 = arith.addi %mul3A_6, %add3A_2978 : vector<16xi32>
    %gather3A_2980 = tpu.vector_load_idx %arg11[%add3A_2979] : memref<512xf32, #tpu.memory_space<vmem>>[vector<16xi32>], vector<16xf32>,
    %add3A_2981 = arith.addf %add3A_2971, %gather3A_2980 : vector<16xf32>
    %add3A_2982 = arith.constant 268 : i32
    %add3A_2983 = vector.broadcast %add3A_2982 : i32 to vector<16xi32>
    %add3A_2984 = arith.addi %mul3A_6, %add3A_2983 : vector<16xi32>
    %gather3A_2985 = tpu.vector_load_idx %arg11[%add3A_2984] : memref<512xf32, #tpu.memory_space<vmem>>[vector<16xi32>], vector<16xf32>,
    %add3A_2986 = arith.addf %add3A_2976, %gather3A_2985 : vector<16xf32>
    %add3A_2987 = arith.constant 13 : i32
    %add3A_2988 = vector.broadcast %add3A_2987 : i32 to vector<16xi32>
    %add3A_2989 = arith.addi %mul3A_6, %add3A_2988 : vector<16xi32>
    %gather3A_2990 = tpu.vector_load_idx %arg11[%add3A_2989] : memref<512xf32, #tpu.memory_space<vmem>>[vector<16xi32>], vector<16xf32>,
    %add3A_2991 = arith.addf %add3A_2981, %gather3A_2990 : vector<16xf32>
    %add3A_2992 = arith.constant 269 : i32
    %add3A_2993 = vector.broadcast %add3A_2992 : i32 to vector<16xi32>
    %add3A_2994 = arith.addi %mul3A_6, %add3A_2993 : vector<16xi32>
    %gather3A_2995 = tpu.vector_load_idx %arg11[%add3A_2994] : memref<512xf32, #tpu.memory_space<vmem>>[vector<16xi32>], vector<16xf32>,
    %add3A_2996 = arith.addf %add3A_2986, %gather3A_2995 : vector<16xf32>
    %add3A_2997 = arith.constant 14 : i32
    %add3A_2998 = vector.broadcast %add3A_2997 : i32 to vector<16xi32>
    %add3A_2999 = arith.addi %mul3A_6, %add3A_2998 : vector<16xi32>
    %gather3A_3000 = tpu.vector_load_idx %arg11[%add3A_2999] : memref<512xf32, #tpu.memory_space<vmem>>[vector<16xi32>], vector<16xf32>,
    %add3A_3001 = arith.addf %add3A_2991, %gather3A_3000 : vector<16xf32>
    %add3A_3002 = arith.constant 270 : i32
    %add3A_3003 = vector.broadcast %add3A_3002 : i32 to vector<16xi32>
    %add3A_3004 = arith.addi %mul3A_6, %add3A_3003 : vector<16xi32>
    %gather3A_3005 = tpu.vector_load_idx %arg11[%add3A_3004] : memref<512xf32, #tpu.memory_space<vmem>>[vector<16xi32>], vector<16xf32>,
    %add3A_3006 = arith.addf %add3A_2996, %gather3A_3005 : vector<16xf32>
    %add3A_3007 = arith.constant 15 : i32
    %add3A_3008 = vector.broadcast %add3A_3007 : i32 to vector<16xi32>
    %add3A_3009 = arith.addi %mul3A_6, %add3A_3008 : vector<16xi32>
    %gather3A_3010 = tpu.vector_load_idx %arg11[%add3A_3009] : memref<512xf32, #tpu.memory_space<vmem>>[vector<16xi32>], vector<16xf32>,
    %add3A_3011 = arith.addf %add3A_3001, %gather3A_3010 : vector<16xf32>
    %add3A_3012 = arith.constant 271 : i32
    %add3A_3013 = vector.broadcast %add3A_3012 : i32 to vector<16xi32>
    %add3A_3014 = arith.addi %mul3A_6, %add3A_3013 : vector<16xi32>
    %gather3A_3015 = tpu.vector_load_idx %arg11[%add3A_3014] : memref<512xf32, #tpu.memory_space<vmem>>[vector<16xi32>], vector<16xf32>,
    %add3A_3016 = arith.addf %add3A_3006, %gather3A_3015 : vector<16xf32>
    %swap3A_3017 = arith.index_cast %mul3A_8 : i32 to index
    %swap3A_3018 = tpu.vector_load %arg10[%swap3A_3017] {strides = array<i32>} : memref<128xf32, #tpu.memory_space<vmem>>, vector<16xf32>,
    tpu.vector_store %arg10[%swap3A_3017], %add3A_3011 {strides = array<i32>} : memref<128xf32, #tpu.memory_space<vmem>>, vector<16xf32>,
    %min3A = arith.minimumf %broadcast_in_dim3A_3, %add3A_3016 : vector<16xf32>
    %max3A = arith.maximumf %broadcast_in_dim3A_3, %add3A_3016 : vector<16xf32>
    %min3A_3019 = arith.minimumf %broadcast_in_dim3A_3, %max3A : vector<16xf32>
    %max3A_3020 = arith.maximumf %broadcast_in_dim3A_3, %max3A : vector<16xf32>
    %min3A_3021 = arith.minimumf %broadcast_in_dim3A_3, %max3A_3020 : vector<16xf32>
    %scan3A_3022 = arith.constant 1 : i32
    %swap3A_3023 = arith.constant 0 : index
    %swap3A_3024 = tpu.vector_load %arg12[%swap3A_3023] {strides = array<i32>} : memref<64xf32, #tpu.memory_space<vmem>>, vector<16xf32>,
    tpu.vector_store %arg12[%swap3A_3023], %min3A {strides = array<i32>} : memref<64xf32, #tpu.memory_space<vmem>>, vector<16xf32>,
    %swap3A_3025 = arith.constant 16 : index
    %swap3A_3026 = tpu.vector_load %arg12[%swap3A_3025] {strides = array<i32>} : memref<64xf32, #tpu.memory_space<vmem>>, vector<16xf32>,
    tpu.vector_store %arg12[%swap3A_3025], %min3A_3019 {strides = array<i32>} : memref<64xf32, #tpu.memory_space<vmem>>, vector<16xf32>,
    %swap3A_3027 = arith.constant 32 : index
    %swap3A_3028 = tpu.vector_load %arg12[%swap3A_3027] {strides = array<i32>} : memref<64xf32, #tpu.memory_space<vmem>>, vector<16xf32>,
    tpu.vector_store %arg12[%swap3A_3027], %min3A_3021 {strides = array<i32>} : memref<64xf32, #tpu.memory_space<vmem>>, vector<16xf32>,
    %swap3A_3029 = arith.constant 48 : index
    %swap3A_3030 = tpu.vector_load %arg12[%swap3A_3029] {strides = array<i32>} : memref<64xf32, #tpu.memory_space<vmem>>, vector<16xf32>,
    tpu.vector_store %arg12[%swap3A_3029], %broadcast_in_dim3A_3 {strides = array<i32>} : memref<64xf32, #tpu.memory_space<vmem>>, vector<16xf32>,
    "tpu.region"() ({
      %run_scoped3A = tpu.sem_alloc : memref<!tpu.dma_semaphore, #tpu.memory_space<semaphore_mem>>
      %dma_start3A = arith.constant 0 : i32
      %dma_start3A_3031 = tpu.memref_slice %arg5[%add3A, %dma_start3A] : memref<32x128xf32, #tpu.memory_space<hbm>> -> memref<1x128xf32, #tpu.memory_space<hbm>>
      %dma_start3A_3032 = tpu.memref_squeeze %dma_start3A_3031 : memref<1x128xf32, #tpu.memory_space<hbm>> -> memref<128xf32, #tpu.memory_space<hbm>>
      %dma_start3A_3033 = arith.constant 0 : i32
      %dma_start3A_3034 = tpu.memref_slice %arg5[%add3A, %dma_start3A_3033] : memref<32x128xf32, #tpu.memory_space<hbm>> -> memref<1x128xf32, #tpu.memory_space<hbm>>
      %dma_start3A_3035 = tpu.memref_squeeze %dma_start3A_3034 : memref<1x128xf32, #tpu.memory_space<hbm>> -> memref<128xf32, #tpu.memory_space<hbm>>
      tpu.enqueue_dma source(%arg10 : memref<128xf32, #tpu.memory_space<vmem>>) target(%dma_start3A_3035 : memref<128xf32, #tpu.memory_space<hbm>>) target_semaphore(%run_scoped3A : memref<!tpu.dma_semaphore, #tpu.memory_space<semaphore_mem>>)
      %dma_wait3A = arith.constant 0 : i32
      %dma_wait3A_3036 = tpu.memref_slice %arg5[%add3A, %dma_wait3A] : memref<32x128xf32, #tpu.memory_space<hbm>> -> memref<1x128xf32, #tpu.memory_space<hbm>>
      %dma_wait3A_3037 = tpu.memref_squeeze %dma_wait3A_3036 : memref<1x128xf32, #tpu.memory_space<hbm>> -> memref<128xf32, #tpu.memory_space<hbm>>
      %dma_wait3A_3038 = arith.constant 0 : i32
      %dma_wait3A_3039 = tpu.memref_slice %arg5[%add3A, %dma_wait3A_3038] : memref<32x128xf32, #tpu.memory_space<hbm>> -> memref<1x128xf32, #tpu.memory_space<hbm>>
      %dma_wait3A_3040 = tpu.memref_squeeze %dma_wait3A_3039 : memref<1x128xf32, #tpu.memory_space<hbm>> -> memref<128xf32, #tpu.memory_space<hbm>>
      tpu.wait_dma2 semaphore(%run_scoped3A : memref<!tpu.dma_semaphore, #tpu.memory_space<semaphore_mem>>) src(%arg10 : memref<128xf32, #tpu.memory_space<vmem>>) dst(%dma_wait3A_3040 : memref<128xf32, #tpu.memory_space<hbm>>)
      tpu.yield
    }) : () -> ()
    "tpu.region"() ({
      %run_scoped3A = tpu.sem_alloc : memref<!tpu.dma_semaphore, #tpu.memory_space<semaphore_mem>>
      %dma_start3A = arith.constant 0 : i32
      %dma_start3A_3031 = tpu.memref_slice %arg6[%add3A, %dma_start3A] : memref<32x64xf32, #tpu.memory_space<hbm>> -> memref<1x64xf32, #tpu.memory_space<hbm>>
      %dma_start3A_3032 = tpu.memref_squeeze %dma_start3A_3031 : memref<1x64xf32, #tpu.memory_space<hbm>> -> memref<64xf32, #tpu.memory_space<hbm>>
      %dma_start3A_3033 = arith.constant 0 : i32
      %dma_start3A_3034 = tpu.memref_slice %arg6[%add3A, %dma_start3A_3033] : memref<32x64xf32, #tpu.memory_space<hbm>> -> memref<1x64xf32, #tpu.memory_space<hbm>>
      %dma_start3A_3035 = tpu.memref_squeeze %dma_start3A_3034 : memref<1x64xf32, #tpu.memory_space<hbm>> -> memref<64xf32, #tpu.memory_space<hbm>>
      tpu.enqueue_dma source(%arg12 : memref<64xf32, #tpu.memory_space<vmem>>) target(%dma_start3A_3035 : memref<64xf32, #tpu.memory_space<hbm>>) target_semaphore(%run_scoped3A : memref<!tpu.dma_semaphore, #tpu.memory_space<semaphore_mem>>)
      %dma_wait3A = arith.constant 0 : i32
      %dma_wait3A_3036 = tpu.memref_slice %arg6[%add3A, %dma_wait3A] : memref<32x64xf32, #tpu.memory_space<hbm>> -> memref<1x64xf32, #tpu.memory_space<hbm>>
      %dma_wait3A_3037 = tpu.memref_squeeze %dma_wait3A_3036 : memref<1x64xf32, #tpu.memory_space<hbm>> -> memref<64xf32, #tpu.memory_space<hbm>>
      %dma_wait3A_3038 = arith.constant 0 : i32
      %dma_wait3A_3039 = tpu.memref_slice %arg6[%add3A, %dma_wait3A_3038] : memref<32x64xf32, #tpu.memory_space<hbm>> -> memref<1x64xf32, #tpu.memory_space<hbm>>
      %dma_wait3A_3040 = tpu.memref_squeeze %dma_wait3A_3039 : memref<1x64xf32, #tpu.memory_space<hbm>> -> memref<64xf32, #tpu.memory_space<hbm>>
      tpu.wait_dma2 semaphore(%run_scoped3A : memref<!tpu.dma_semaphore, #tpu.memory_space<semaphore_mem>>) src(%arg12 : memref<64xf32, #tpu.memory_space<vmem>>) dst(%dma_wait3A_3040 : memref<64xf32, #tpu.memory_space<hbm>>)
      tpu.yield
    }) : () -> ()
    return
  }
}

module attributes {stable_mosaic.version = 14 : i64} {
  func.func @_merge_kernel(%arg0: memref<32x128xf32, #tpu.memory_space<vmem>>, %arg1: memref<32x64xf32, #tpu.memory_space<vmem>>, %arg2: memref<1x1xf32, #tpu.memory_space<vmem>>) attributes {dimension_semantics = [], scalar_prefetch = 0 : i64, scratch_operands = 0 : i64, tpu.core_type = #tpu.core_type<tc>} {
    %get3A = arith.constant 0 : index
    %get3A_0 = arith.constant 0 : index
    %get3A_1 = vector.load %arg0[%get3A, %get3A_0] : memref<32x128xf32, #tpu.memory_space<vmem>>, vector<32x128xf32>
    %get3A_2 = arith.constant 0 : index
    %get3A_3 = arith.constant 0 : index
    %get3A_4 = vector.load %arg1[%get3A_2, %get3A_3] : memref<32x64xf32, #tpu.memory_space<vmem>>, vector<32x64xf32>
    %sqrt3A = math.sqrt %get3A_1 : vector<32x128xf32>
    %reduce_sum3A = vector.shape_cast %sqrt3A : vector<32x128xf32> to vector<1x32x128xf32>
    %reduce_sum3A_5 = arith.constant dense<0.000000e+00> : vector<1xf32>
    %reduce_sum3A_6 = vector.multi_reduction <add>, %reduce_sum3A, %reduce_sum3A_5 [1, 2] : vector<1x32x128xf32> to vector<1xf32>
    %reduce_sum3A_7 = vector.shape_cast %reduce_sum3A_6 : vector<1xf32> to vector<1x1x1xf32>
    %reduce_sum3A_8 = vector.extract %reduce_sum3A_7[0, 0, 0] : f32 from vector<1x1x1xf32>
    %mul3A = arith.constant 2.44140625E-4 : f32
    %mul3A_9 = arith.mulf %reduce_sum3A_8, %mul3A : f32
    %reduce_min3A = vector.shape_cast %get3A_4 : vector<32x64xf32> to vector<1x32x64xf32>
    %reduce_min3A_10 = arith.constant dense<0x7F800000> : vector<1xf32>
    %reduce_min3A_11 = vector.multi_reduction <minimumf>, %reduce_min3A, %reduce_min3A_10 [1, 2] : vector<1x32x64xf32> to vector<1xf32>
    %reduce_min3A_12 = vector.shape_cast %reduce_min3A_11 : vector<1xf32> to vector<1x1x1xf32>
    %reduce_min3A_13 = vector.extract %reduce_min3A_12[0, 0, 0] : f32 from vector<1x1x1xf32>
    %eq3A = vector.broadcast %reduce_min3A_13 : f32 to vector<32x64xf32>
    %eq3A_14 = arith.cmpf oeq, %get3A_4, %eq3A : vector<32x64xf32>
    %convert_element_type3A = arith.extui %eq3A_14 : vector<32x64xi1> to vector<32x64xi32>
    %convert_element_type3A_15 = arith.sitofp %convert_element_type3A : vector<32x64xi32> to vector<32x64xf32>
    %reduce_sum3A_16 = vector.shape_cast %convert_element_type3A_15 : vector<32x64xf32> to vector<1x32x64xf32>
    %reduce_sum3A_17 = arith.constant dense<0.000000e+00> : vector<1xf32>
    %reduce_sum3A_18 = vector.multi_reduction <add>, %reduce_sum3A_16, %reduce_sum3A_17 [1, 2] : vector<1x32x64xf32> to vector<1xf32>
    %reduce_sum3A_19 = vector.shape_cast %reduce_sum3A_18 : vector<1xf32> to vector<1x1x1xf32>
    %reduce_sum3A_20 = vector.extract %reduce_sum3A_19[0, 0, 0] : f32 from vector<1x1x1xf32>
    %le3A = vector.broadcast %reduce_min3A_13 : f32 to vector<32x64xf32>
    %le3A_21 = arith.cmpf ole, %get3A_4, %le3A : vector<32x64xf32>
    %jit3A = arith.constant 0x7F800000 : f32
    %broadcast_in_dim3A = vector.broadcast %jit3A : f32 to vector<32x64xf32>
    %select_n3A = arith.select %le3A_21, %broadcast_in_dim3A, %get3A_4 : vector<32x64xi1>, vector<32x64xf32>
    %reduce_min3A_22 = vector.shape_cast %select_n3A : vector<32x64xf32> to vector<1x32x64xf32>
    %reduce_min3A_23 = arith.constant dense<0x7F800000> : vector<1xf32>
    %reduce_min3A_24 = vector.multi_reduction <minimumf>, %reduce_min3A_22, %reduce_min3A_23 [1, 2] : vector<1x32x64xf32> to vector<1xf32>
    %reduce_min3A_25 = vector.shape_cast %reduce_min3A_24 : vector<1xf32> to vector<1x1x1xf32>
    %reduce_min3A_26 = vector.extract %reduce_min3A_25[0, 0, 0] : f32 from vector<1x1x1xf32>
    %eq3A_27 = vector.broadcast %reduce_min3A_26 : f32 to vector<32x64xf32>
    %eq3A_28 = arith.cmpf oeq, %select_n3A, %eq3A_27 : vector<32x64xf32>
    %convert_element_type3A_29 = arith.extui %eq3A_28 : vector<32x64xi1> to vector<32x64xi32>
    %convert_element_type3A_30 = arith.sitofp %convert_element_type3A_29 : vector<32x64xi32> to vector<32x64xf32>
    %reduce_sum3A_31 = vector.shape_cast %convert_element_type3A_30 : vector<32x64xf32> to vector<1x32x64xf32>
    %reduce_sum3A_32 = arith.constant dense<0.000000e+00> : vector<1xf32>
    %reduce_sum3A_33 = vector.multi_reduction <add>, %reduce_sum3A_31, %reduce_sum3A_32 [1, 2] : vector<1x32x64xf32> to vector<1xf32>
    %reduce_sum3A_34 = vector.shape_cast %reduce_sum3A_33 : vector<1xf32> to vector<1x1x1xf32>
    %reduce_sum3A_35 = vector.extract %reduce_sum3A_34[0, 0, 0] : f32 from vector<1x1x1xf32>
    %le3A_36 = vector.broadcast %reduce_min3A_26 : f32 to vector<32x64xf32>
    %le3A_37 = arith.cmpf ole, %select_n3A, %le3A_36 : vector<32x64xf32>
    %jit3A_38 = arith.constant 0x7F800000 : f32
    %broadcast_in_dim3A_39 = vector.broadcast %jit3A_38 : f32 to vector<32x64xf32>
    %select_n3A_40 = arith.select %le3A_37, %broadcast_in_dim3A_39, %select_n3A : vector<32x64xi1>, vector<32x64xf32>
    %reduce_min3A_41 = vector.shape_cast %select_n3A_40 : vector<32x64xf32> to vector<1x32x64xf32>
    %reduce_min3A_42 = arith.constant dense<0x7F800000> : vector<1xf32>
    %reduce_min3A_43 = vector.multi_reduction <minimumf>, %reduce_min3A_41, %reduce_min3A_42 [1, 2] : vector<1x32x64xf32> to vector<1xf32>
    %reduce_min3A_44 = vector.shape_cast %reduce_min3A_43 : vector<1xf32> to vector<1x1x1xf32>
    %reduce_min3A_45 = vector.extract %reduce_min3A_44[0, 0, 0] : f32 from vector<1x1x1xf32>
    %min3A = arith.constant 3.000000e+00 : f32
    %min3A_46 = arith.minimumf %reduce_sum3A_20, %min3A : f32
    %sub3A = arith.constant 3.000000e+00 : f32
    %sub3A_47 = arith.subf %sub3A, %min3A_46 : f32
    %min3A_48 = arith.minimumf %reduce_sum3A_35, %sub3A_47 : f32
    %sub3A_49 = arith.constant 3.000000e+00 : f32
    %sub3A_50 = arith.subf %sub3A_49, %min3A_46 : f32
    %sub3A_51 = arith.subf %sub3A_50, %min3A_48 : f32
    %max3A = arith.constant 0.000000e+00 : f32
    %max3A_52 = arith.maximumf %sub3A_51, %max3A : f32
    %sqrt3A_53 = math.sqrt %reduce_min3A_13 : f32
    %gt3A = arith.constant 0.000000e+00 : f32
    %gt3A_54 = arith.cmpf ogt, %min3A_48, %gt3A : f32
    %sqrt3A_55 = math.sqrt %reduce_min3A_26 : f32
    %jit3A_56 = arith.constant 0.000000e+00 : f32
    %select_n3A_57 = arith.select %gt3A_54, %sqrt3A_55, %jit3A_56 : f32
    %gt3A_58 = arith.constant 0.000000e+00 : f32
    %gt3A_59 = arith.cmpf ogt, %max3A_52, %gt3A_58 : f32
    %sqrt3A_60 = math.sqrt %reduce_min3A_45 : f32
    %jit3A_61 = arith.constant 0.000000e+00 : f32
    %select_n3A_62 = arith.select %gt3A_59, %sqrt3A_60, %jit3A_61 : f32
    %mul3A_63 = arith.mulf %sqrt3A_53, %min3A_46 : f32
    %mul3A_64 = arith.mulf %select_n3A_57, %min3A_48 : f32
    %add3A = arith.addf %mul3A_63, %mul3A_64 : f32
    %mul3A_65 = arith.mulf %select_n3A_62, %max3A_52 : f32
    %add3A_66 = arith.addf %add3A, %mul3A_65 : f32
    %mul3A_67 = arith.constant 0.333333343 : f32
    %mul3A_68 = arith.mulf %add3A_66, %mul3A_67 : f32
    %sub3A_69 = arith.subf %mul3A_9, %mul3A_68 : f32
    %add3A_70 = arith.constant 3.000000e-01 : f32
    %add3A_71 = arith.addf %sub3A_69, %add3A_70 : f32
    %max3A_72 = arith.constant 0.000000e+00 : f32
    %max3A_73 = arith.maximumf %add3A_71, %max3A_72 : f32
    %reshape3A = vector.broadcast %max3A_73 : f32 to vector<1x1xf32>
    %swap3A = arith.constant 0 : index
    %swap3A_74 = arith.constant 0 : index
    %swap3A_75 = vector.load %arg2[%swap3A, %swap3A_74] : memref<1x1xf32, #tpu.memory_space<vmem>>, vector<1x1xf32>
    tpu.vector_store %arg2[%swap3A, %swap3A_74], %reshape3A {strides = array<i32>} : memref<1x1xf32, #tpu.memory_space<vmem>>, vector<1x1xf32>,
    return
  }
}

</mosaic_0001>

<sc_bundles>
// kernel: kernel.4.cloned.1.call-start
scs
__scs_entry_jumppad:
0x0: {  	(pc) =	sbr.rel $0x88, $3  }
0x1: {  	(tag) =	ssettag $0x0;
	lr =	simm.s32 $0x1  }
0x2: {  	[smem:$0x3F9E] =	sst lr;
	_ =	strace $0xD0000000  }
0x3: {  	_ = 	snop  }
0x4: {  	_ = 	snop  }
0x5: {  	_ = 	snop  }
0x6: {  	_ = 	snop  }
0x7: {  	_ = 	snop  }
__scs_overlays_trampoline_lowered:
0x8: {  	[smem:$0x3FAD] =	sst s0  }
0x9: {  	[smem:$0x3FAE] =	sst s1  }
0xa: {  	[smem:$0x3FAF] =	sst s2  }
0xb: {  	[smem:$0x3FB0] =	sst s3  }
0xc: {  	[smem:$0x3FB1] =	sst s4  }
0xd: {  	[smem:$0x3FB2] =	sst s5  }
0xe: {  	[smem:$0x3FB3] =	sst s6  }
0xf: {  	[smem:$0x3FB4] =	sst s7  }
0x10: {  	[smem:$0x3FB5] =	sst s8  }
0x11: {  	[smem:$0x3FB6] =	sst s9;
	s0 =	simm.s32 @!p0 $0x0  }
0x12: {  	s1 =	sld [smem:$0x3F9C];
	s0 =	simm.s32 @p0 $0x1  }
0x13: {  	[smem:$0x3FB7] =	sst s0;
	s0 =	simm.s32 @!p1 $0x0  }
0x14: {  	s2 =	sld [smem:$0x3F9B];
	s0 =	simm.s32 @p1 $0x1  }
0x15: {  	[smem:$0x3FB8] =	sst s0;
	s0 =	simm.s32 @!p2 $0x0  }
0x16: {  	s3 =	sld [smem:$0x3FDB];
	s0 =	simm.s32 @p2 $0x1  }
0x17: {  	s4 =	simm.s32 $0x1BF5;
	[smem:$0x3FBA] =	sst s0  }
0x18: {  	s0 =	sld [smem:$0x3F9D];
	_ =	swait.ge [sflag:s4], $0x0  }
0x19: {  	s7 =	sld [smem:$0x3F9E]  }
0x1a: {  	s8 =	sadd.s32 $0xFFFFE003, lr  }
0x1b: {  	s9 =	sadd.s32 $0xFFFFFEF7, lr;
	s5 =	simm.s32 $0xFFFFFFFF;
	p2 =	slt.u32 s8, $0xFFFFF086  }
0x1c: {  	p1 =	slt.u32 s9, $0xF7A;
	s5 =	simm.s32 @!p2 $0x0  }
0x1d: {  	s5 =	simm.s32 @p1 $0x1;
	p0 =	seq.s32 s7, s2  }
0x1e: {  	s7 =	smul.u32 @!p0 $0xF7A, s2;
	p2 =	seq.s32 @!p0 s5, $0x0  }
0x1f: {  	s9 =	smul.u32 $0xF7A, s1;
	s8 =	simm.s32 @!p0 $0x1BF5;
	p2 =	por !p2, p0  }
0x20: {  	[sflag:s8] =	ssyncset.s32 @!p0 $0xFFFFF086;
	s6 =	sadd.s32 @!p0 s3, s7;
	s7 =	simm.s32 @!p0 $0x108  }
0x21: {  	s3 =	sadd.s32 s3, s9;
	s6 =	sadd.s32 @!p0 $0x88, s6;
	s7 =	simm.s32 @p2 $0x1082  }
0x22: {  	[simem:s7], [sflag:s8] =	dma.local @!p0 [hbm:s6], $0xF7A  }
0x23: {  	s9 =	sor.u32 $0xD0000000, s2;
	s6 =	simm.s32 $0x108;
	_ =	swait.ge @!p0 [sflag:s8], $0x0  }
0x24: {  	s3 =	sadd.s32 $0x88, s3;
	s6 =	simm.s32 @!p1 $0x1082;
	[sflag:s4] =	ssyncset.s32 $0xFFFFF086  }
0x25: {  	[simem:s6], [sflag:s4] =	dma.local [hbm:s3], $0xF7A  }
0x26: {  	[smem:$0x3F9E] =	sst s1;
	(tag) =	ssettag s2;
	_ =	strace s9  }
0x27: {  	s1 =	sld [smem:$0x3FAE]  }
0x28: {  	s2 =	sld [smem:$0x3FAF]  }
0x29: {  	s4 =	sld [smem:$0x3FB1]  }
0x2a: {  	p0 =	seq.s32 s5, $0x0;
	s5 =	sld [smem:$0x3FB2]  }
0x2b: {  	s6 =	sld [smem:$0x3FB3]  }
0x2c: {  	s7 =	sld [smem:$0x3FB4]  }
0x2d: {  	s3 =	simm.s32 $0x108;
	s8 =	sld [smem:$0x3FB5]  }
0x2e: {  	s3 =	simm.s32 @!p0 $0x1082;
	s9 =	sld [smem:$0x3FB6]  }
0x2f: {  	lr =	sadd.s32 s0, s3;
	s0 =	sld [smem:$0x3FAD]  }
0x30: {  	s3 =	sld [smem:$0x3FB0]  }
0x31: {  	[smem:$0x3FB9] =	sst s10  }
0x32: {  	s10 =	sld [smem:$0x3FB7];
	_ =	sdelay $0x3  }
0x33: {  	p0 =	seq.s32 s10, $0x1;
	s10 =	sld [smem:$0x3FB9];
	_ =	sdelay $0x3  }
0x34: {  	[smem:$0x3FB9] =	sst s10  }
0x35: {  	s10 =	sld [smem:$0x3FB8];
	_ =	sdelay $0x3  }
0x36: {  	p1 =	seq.s32 s10, $0x1;
	s10 =	sld [smem:$0x3FB9];
	_ =	sdelay $0x3  }
0x37: {  	[smem:$0x3FB9] =	sst s10  }
0x38: {  	s10 =	sld [smem:$0x3FBA]  }
0x39: {  	_ = 	snop;
	(pc) =	sbr.ind lr, $3  }
0x3a: {  	_ = 	snop  }
0x3b: {  	_ = 	snop  }
0x3c: {  	p2 =	seq.s32 s10, $0x1;
	s10 =	sld [smem:$0x3FB9]  }
0x3d: {  	_ =	shalt  }
0x3e: {  	_ =	shalt  }
0x3f: {  	_ =	shalt  }
0x40: {  	_ =	shalt  }
0x41: {  	_ =	shalt  }
0x42: {  	_ =	shalt  }
0x43: {  	_ =	shalt  }
0x44: {  	_ =	shalt  }
0x45: {  	_ =	shalt  }
0x46: {  	_ =	shalt  }
0x47: {  	_ =	shalt  }
0x48: {  	_ =	shalt  }
0x49: {  	_ =	shalt  }
0x4a: {  	_ =	shalt  }
0x4b: {  	_ =	shalt  }
0x4c: {  	_ =	shalt  }
0x4d: {  	_ =	shalt  }
0x4e: {  	_ =	shalt  }
0x4f: {  	_ =	shalt  }
0x50: {  	_ =	shalt  }
0x51: {  	_ =	shalt  }
0x52: {  	_ =	shalt  }
0x53: {  	_ =	shalt  }
0x54: {  	_ =	shalt  }
0x55: {  	_ =	shalt  }
0x56: {  	_ =	shalt  }
0x57: {  	_ =	shalt  }
0x58: {  	_ =	shalt  }
0x59: {  	_ =	shalt  }
0x5a: {  	_ =	shalt  }
0x5b: {  	_ =	shalt  }
0x5c: {  	_ =	shalt  }
0x5d: {  	_ =	shalt  }
0x5e: {  	_ =	shalt  }
0x5f: {  	_ =	shalt  }
0x60: {  	_ =	shalt  }
0x61: {  	_ =	shalt  }
0x62: {  	_ =	shalt  }
0x63: {  	_ =	shalt  }
0x64: {  	_ =	shalt  }
0x65: {  	_ =	shalt  }
0x66: {  	_ =	shalt  }
0x67: {  	_ =	shalt  }
0x68: {  	_ =	shalt  }
0x69: {  	_ =	shalt  }
0x6a: {  	_ =	shalt  }
0x6b: {  	_ =	shalt  }
0x6c: {  	_ =	shalt  }
0x6d: {  	_ =	shalt  }
0x6e: {  	_ =	shalt  }
0x6f: {  	_ =	shalt  }
0x70: {  	_ =	shalt  }
0x71: {  	_ =	shalt  }
0x72: {  	_ =	shalt  }
0x73: {  	_ =	shalt  }
0x74: {  	_ =	shalt  }
0x75: {  	_ =	shalt  }
0x76: {  	_ =	shalt  }
0x77: {  	_ =	shalt  }
0x78: {  	_ =	shalt  }
0x79: {  	_ =	shalt  }
0x7a: {  	_ =	shalt  }
0x7b: {  	_ =	shalt  }
0x7c: {  	_ =	shalt  }
0x7d: {  	_ =	shalt  }
0x7e: {  	_ =	shalt  }
0x7f: {  	_ =	shalt  }
0x80: {  	_ =	shalt  }
0x81: {  	_ =	shalt  }
0x82: {  	_ =	shalt  }
0x83: {  	_ =	shalt  }
0x84: {  	_ =	shalt  }
0x85: {  	_ =	shalt  }
0x86: {  	_ =	shalt  }
0x87: {  	_ =	shalt  }
.Lfunc_end0:
.L_simem_size_0:
called_computation_lowered:
.L_overlay_start_0:
0x88: {  	s2 =	sld [smem:$0x3FD9]  }
0x89: {  	s3 =	sld [smem:$0x3FFE];
	_ =	sdelay $0x1  }
0x8a: {  	s1 =	srdreg.scid  }
0x8b: {  	s0 =	sand.u32 $0x1, s1  }
0x8c: {  	s17 =	sshll.u32 s0, $0xA;
	s2 =	sadd.s32 s3, s2  }
0x8d: {  	s2 =	sadd.s32 s2, s17  }
0x8e: {  	[smem:$0x3FC5] =	sst s2  }
0x8f: {  	_ = 	snop  }
0x90: {  	s2 =	sld [smem:$0x3FC9];
	(tm) =	ssettm $0x1  }
0x91: {  	s18 =	sld [smem:$0x3FFB];
	_ =	sdelay $0x3  }
0x92: {  	_ =	strace s18  }
0x93: {  	s3 =	sld [smem:$0x3FFC];
	_ =	sdelay $0x3  }
0x94: {  	_ =	strace s3  }
0x95: {  	s3 =	sld [smem:$0x3FFD];
	_ =	sdelay $0x3  }
0x96: {  	_ =	strace s3  }
0x97: {  	_ =	strace $0x8FFFFFFF  }
0x98: {  	s19 =	sld [smem:$0x3FDB];
	_ =	sdelay $0x1  }
0x99: {  	s4 =	simm.s32 $_scs_section_size  }
0x9a: {  	s5 =	simm.s32 $_size__tile_overlayer_lowered;
	s6 =	simm.s32 $_tile_overlayer_lowered  }
0x9b: {  	s22 =	simm.s32 $0x1BFF;
	s21 =	sshll.u32 s6, $0x1;
	s3 =	sadd.s32 s4, s19  }
0x9c: {  	s7 =	simm.s32 $0x0;
	s20 =	sshll.u32 s5, $0x1;
	s5 =	sadd.s32 s21, s3  }
0x9d: {  	[timem:s7], [sflag:s22] =	dma.local [hbm:s5], s20  }
0x9e: {  	_ =	swait.ge [sflag:s22], s20  }
0x9f: {  	s4 =	ssub.s32 $0x0, s20;
	[sflag:s22] =	ssyncset.done $0x0  }
0xa0: {  	[sflag:s22] =	ssyncadd.s32 s4;
	_ =	sdelay $0x1  }
0xa1: {  	s23 =	simm.s32 $0x1B8B  }
0xa2: {  	_ =	swait.ge [sflag:s23], $0x1  }
0xa3: {  	[sflag:s23] =	ssyncset.done $0x0  }
0xa4: {  	s25 =	simm.s32 $0x1B8E;
	s24 =	sld [smem:$0x3FFE];
	[sflag:s23] =	ssyncadd.s32 $0xFFFFFFFF  }
0xa5: {  	s26 =	simm.s32 $execute0_lowered;
	[smem:$0x3FD2] =	sst s25  }
0xa6: {  	s5 =	sshll.u32 s26, $0x1;
	_ =	strace $0x80000046;
	[dreg:$0x1] =	wrdreg $0xFFFFFFFF  }
0xa7: {  	s28 =	simm.s32 $_size_execute0_lowered;
	s3 =	sadd.s32 s3, s5;
	[dreg:$0x0] =	wrdreg $0x0  }
0xa8: {  	s5 =	sshll.u32 s28, $0x1;
	[dreg:$0x2] =	wrdreg s3  }
0xa9: {  	[dreg:$0x3] =	wrdreg s5  }
0xaa: {  	[dreg:$0x4] =	wrdreg $0xC0  }
0xab: {  	_ =	task [dreg:s7], $0x5FFFF  }
0xac: {  	[dreg:$0x1] =	wrdreg $0xFFFFFFFF  }
0xad: {  	[dreg:$0x0] =	wrdreg $0x60  }
0xae: {  	[dreg:$0x2] =	wrdreg s2  }
0xaf: {  	[dreg:$0x3] =	wrdreg s24  }
0xb0: {  	[dreg:$0x4] =	wrdreg $0x9  }
0xb1: {  	_ =	task.clear_ibuf [dreg:s7], $0x5FFFF;
	_ =	strace $0x90000046  }
0xb2: {  	s29 =	simm.s32 $0x9;
	_ =	strace $0x80000048  }
0xb3: {  	_ =	swait.ge [sflag:s29], $0x1  }
0xb4: {  	[sflag:s29] =	ssyncadd.s32 $0xFFFFFFFF  }
0xb5: {  	_ =	strace $0x90000048  }
0xb6: {  	_ =	sfence  }
0xb7: {  	s30 =	sld [smem:$0x0];
	_ =	sdelay $0x2  }
0xb8: {  	s31 =	sshll.u32 s1, $0xD;
	s1 =	sshrl.u32 s1, $0x2  }
0xb9: {  	s3 =	sand.u32 $0x4000, s31;
	s1 =	sadd.s32 s1, s30  }
0xba: {  	s0 =	sor.u32 s3, s0;
	s1 =	sshll.u32 s1, $0x11  }
0xbb: {  	s0 =	sor.u32 s1, s0  }
0xbc: {  	s0 =	sadd.s32 $0x8F2B, s0  }
0xbd: {  	[sflag:s0] =	ssyncadd.remote.s32 $0x1  }
0xbe: {  	_ =	sfence.sel $0xFFFF  }
0xbf: {  	[dreg:$0x0] =	wrdreg $0xFFFFFFFF;
	(pc) =	sbr.abs _section_cstart, $3  }
0xc0: {  	[dreg:$0x1] =	wrdreg $0xFFFFFFFF  }
0xc1: {  	_ =	task.clear_ibuf [dreg:s7], $0x2FFFF;
	_ =	strace $0x9FFFFFFF  }
0xc2: {  	(tm) =	ssettm $0x7FFFFFFF  }
0xc3: {  	_ =	shalt  }
tec
execute0_lowered:
.L_overlay_start_1:
0x0: {  	(tag) =	ssettag $0x1  }
0x1: {  	v0 =	vlaneseq.u32  }
0x2: {  	v0 =	vmul.u32 $0x10, v0;
	_ =	sdelay $0x1  }
0x3: {  	v1 =	vor.u32 $0x100, v0  }
0x4: {  	[tilespmem:$0x1FF50] =	vst v1;
	v1 =	vor.u32 $0x1, v0  }
0x5: {  	[tilespmem:$0x1FF60] =	vst v1;
	v1 =	vor.u32 $0x101, v0  }
0x6: {  	s3 =	rddreg [dreg:$0x0];
	[tilespmem:$0x1FF70] =	vst v1;
	v1 =	vor.u32 $0x2, v0  }
0x7: {  	s4 =	rddreg [dreg:$0x1];
	v12 =	vor.u32 $0x6, v0;
	v13 =	vor.u32 $0x106, v0;
	[tilespmem:$0x1FF80] =	vst v1;
	v1 =	vor.u32 $0x102, v0  }
0x8: {  	s0 =	rddreg [dreg:$0x2];
	s5 =	srdreg.scid;
	v14 =	vor.u32 $0x7, v0;
	v15 =	vor.u32 $0x107, v0;
	[tilespmem:$0x1FF90] =	vst v1;
	v1 =	vor.u32 $0x3, v0  }
0x9: {  	s1 =	stileid.u32;
	s2 =	simm.s32 $0x0;
	s9 =	simm.s32 $0xC000;
	v16 =	vor.u32 $0x8, v0;
	v17 =	vor.u32 $0x108, v0;
	[tilespmem:$0x1FFA0] =	vst v1;
	v1 =	vor.u32 $0x103, v0  }
0xa: {  	s10 =	simm.s32 $0xC280;
	s5 =	sand.u32 $0x1, s5;
	s6 =	sshll.u32 s1, $0x1;
	v18 =	vor.u32 $0x9, v0;
	v19 =	vor.u32 $0x109, v0;
	[tilespmem:$0x1FFB0] =	vst v1;
	v1 =	vor.u32 $0x4, v0  }
0xb: {  	[smem:$0x7FF] =	sst s2;
	s6 =	sor.u32 s5, s6;
	s5 =	ssub.s32 $0x2, s5;
	v20 =	vor.u32 $0xA, v0;
	v21 =	vor.u32 $0x10A, v0;
	[tilespmem:$0x1FFC0] =	vst v1;
	v1 =	vor.u32 $0x104, v0  }
0xc: {  	s7 =	sshll.u32 s6, $0x4;
	s31 =	sshrl.u32 s5, $0x1;
	s6 =	sshll.u32 s6, $0xB;
	v22 =	vor.u32 $0xB, v0;
	v23 =	vor.u32 $0x10B, v0;
	[tilespmem:$0x1FFD0] =	vst v1;
	v1 =	vor.u32 $0x5, v0  }
0xd: {  	v24 =	vor.u32 $0xC, v0;
	v25 =	vor.u32 $0x10C, v0;
	s7 =	sadd.s32 s7, s4;
	s8 =	ssub.s32 s5, s31;
	s3 =	sadd.s32 s3, s6;
	[tilespmem:$0x1FFE0] =	vst v1;
	v1 =	vor.u32 $0x105, v0  }
0xe: {  	v26 =	vor.u32 $0xD, v0;
	v27 =	vor.u32 $0x10D, v0;
	v28 =	vor.u32 $0xE, v0;
	s4 =	sadd.s32 $0xC00, s7;
	s5 =	sadd.s32 $0xE00, s7;
	s6 =	smax.u32 s8, $0x1;
	[tilespmem:$0x1FFF0] =	vst v1  }
0xf: {  	v29 =	vor.u32 $0x10E, v0;
	v30 =	vor.u32 $0xF, v0;
	v31 =	vor.u32 $0x10F, v0;
	s7 =	simm.s32 $0x1;
	s8 =	simm.s32 $0xC080;
	_ =	strace $0x80000047  }
.LBB2_1:
0x10: {  	[tilespmem:s2], [sflag:$0x1] =	stream.linear.gather [hbm4b:s3+s2], $0x800, $0x38;
	[tilespmem:$0xC300] =	vst v63  }
0x11: {  	_ =	swait.ge [sflag:s7], $0x800  }
0x12: {  	[sflag:s7] =	ssyncset.done $0x0  }
0x13: {  	[sflag:s7] =	ssyncadd.s32 $0xFFFFF800  }
0x14: {  	v33 =	vld [tilespmem:$0x0]  }
0x15: {  	v34 =	vld [tilespmem:$0x4000]  }
0x16: {  	v35 =	vld [tilespmem:$0x8000]  }
0x17: {  	v36 =	vld [tilespmem:$0x10]  }
0x18: {  	v37 =	vld [tilespmem:$0x4010]  }
0x19: {  	v38 =	vld [tilespmem:$0x8010]  }
0x1a: {  	v39 =	vld [tilespmem:$0x20]  }
0x1b: {  	v40 =	vld [tilespmem:$0x4020]  }
0x1c: {  	v41 =	vld [tilespmem:$0x8020]  }
0x1d: {  	v51 =	vld [tilespmem:$0x30]  }
0x1e: {  	v52 =	vld [tilespmem:$0x4030]  }
0x1f: {  	v42 =	vld [tilespmem:$0x8030]  }
0x20: {  	v43 =	vld [tilespmem:$0x40]  }
0x21: {  	v53 =	vld [tilespmem:$0x4040]  }
0x22: {  	v44 =	vld [tilespmem:$0x8040]  }
0x23: {  	v45 =	vld [tilespmem:$0x50]  }
0x24: {  	v54 =	vld [tilespmem:$0x4050]  }
0x25: {  	v56 =	vld [tilespmem:$0x8050]  }
0x26: {  	v57 =	vld [tilespmem:$0x60]  }
0x27: {  	v58 =	vld [tilespmem:$0x4060];
	v34 =	vsub.f32 v33, v34;
	v33 =	vsub.f32 v33, v35  }
0x28: {  	v60 =	vld [tilespmem:$0x8060];
	v37 =	vsub.f32 v36, v37;
	v36 =	vsub.f32 v36, v38  }
0x29: {  	v63 =	vld [tilespmem:$0x70];
	v40 =	vsub.f32 v39, v40;
	v39 =	vsub.f32 v39, v41  }
0x2a: {  	v4 =	vld [tilespmem:$0x4070];
	v38 =	vsub.f32 v51, v52;
	v35 =	vsub.f32 v51, v42  }
0x2b: {  	v6 =	vld [tilespmem:$0x8070];
	v41 =	vsub.f32 v43, v53;
	v43 =	vsub.f32 v43, v44  }
0x2c: {  	v9 =	vld [tilespmem:$0x80];
	v42 =	vsub.f32 v45, v54;
	v44 =	vsub.f32 v57, v58  }
0x2d: {  	v10 =	vld [tilespmem:$0x4080];
	v34 =	vadd.f32 $9.999999970e-07, v34;
	v33 =	vadd.f32 $9.999999970e-07, v33  }
0x2e: {  	v48 =	vld [tilespmem:$0x8080];
	v37 =	vadd.f32 $9.999999970e-07, v37;
	v36 =	vadd.f32 $9.999999970e-07, v36  }
0x2f: {  	v50 =	vld [tilespmem:$0x90];
	v40 =	vadd.f32 $9.999999970e-07, v40;
	v39 =	vadd.f32 $9.999999970e-07, v39  }
0x30: {  	v53 =	vld [tilespmem:$0x8090];
	v38 =	vadd.f32 $9.999999970e-07, v38;
	v35 =	vadd.f32 $9.999999970e-07, v35  }
0x31: {  	v46 =	vld [tilespmem:$0xA0];
	v61 =	vadd.f32 $9.999999970e-07, v41;
	v62 =	vadd.f32 $9.999999970e-07, v43;
	v34 =	vmul.f32 v34, v34  }
0x32: {  	v47 =	vld [tilespmem:$0xC0];
	v8 =	vadd.f32 $9.999999970e-07, v42;
	v33 =	vmul.f32 v33, v33;
	v37 =	vmul.f32 v37, v37  }
0x33: {  	v32 =	vld [tilespmem:$0x1B0];
	v49 =	vadd.f32 $9.999999970e-07, v44;
	v36 =	vmul.f32 v36, v36;
	v55 =	vmul.f32 v40, v40  }
0x34: {  	v51 =	vld [tilespmem:$0x4090];
	v59 =	vmul.f32 v38, v38;
	v38 =	vsub.f32 v57, v60;
	v40 =	vsub.f32 v9, v10  }
0x35: {  	v54 =	vld [tilespmem:$0x40A0];
	v41 =	vsub.f32 v50, v53;
	v34 =	vadd.f32 v37, v34  }
0x36: {  	v58 =	vld [tilespmem:$0x80B0];
	v33 =	vadd.f32 v36, v33;
	v37 =	vsub.f32 v45, v56  }
0x37: {  	v39 =	vmul.f32 v39, v39;
	v57 =	vld [tilespmem:$0x40B0];
	v38 =	vadd.f32 $9.999999970e-07, v38;
	v45 =	vsub.f32 v63, v4  }
0x38: {  	v52 =	vmul.f32 v49, v49;
	v49 =	vld [tilespmem:$0xD0];
	v36 =	vsub.f32 v63, v6;
	v40 =	vadd.f32 $9.999999970e-07, v40  }
0x39: {  	v56 =	vld [tilespmem:$0xB0];
	v41 =	vadd.f32 $9.999999970e-07, v41;
	v34 =	vadd.f32 v55, v34  }
0x3a: {  	v35 =	vmul.f32 v35, v35;
	v60 =	vld [tilespmem:$0x40D0];
	v33 =	vadd.f32 v39, v33;
	v37 =	vadd.f32 $9.999999970e-07, v37  }
0x3b: {  	v5 =	vmul.f32 v61, v61;
	v55 =	vld [tilespmem:$0x80A0];
	v39 =	vsub.f32 v9, v48;
	v36 =	vadd.f32 $9.999999970e-07, v36  }
0x3c: {  	v7 =	vmul.f32 v62, v62;
	v61 =	vld [tilespmem:$0x80D0];
	v34 =	vadd.f32 v59, v34;
	v33 =	vadd.f32 v35, v33  }
0x3d: {  	v11 =	vmul.f32 v8, v8;
	v8 =	vld [tilespmem:$0x80E0];
	v35 =	vsub.f32 v50, v51;
	v39 =	vadd.f32 $9.999999970e-07, v39  }
0x3e: {  	v4 =	vld [tilespmem:$0xE0];
	v44 =	vsub.f32 v56, v57;
	v42 =	vsub.f32 v56, v58  }
0x3f: {  	v48 =	vld [tilespmem:$0x80C0];
	v41 =	vmul.f32 v41, v41;
	v34 =	vadd.f32 v5, v34;
	v33 =	vadd.f32 v7, v33  }
0x40: {  	v37 =	vmul.f32 v37, v37;
	v59 =	vld [tilespmem:$0x40C0];
	v35 =	vadd.f32 $9.999999970e-07, v35;
	v43 =	vsub.f32 v46, v55  }
0x41: {  	v50 =	vld [tilespmem:$0x110];
	v39 =	vmul.f32 v39, v39;
	v63 =	vadd.f32 $9.999999970e-07, v44;
	v42 =	vadd.f32 $9.999999970e-07, v42  }
0x42: {  	v38 =	vmul.f32 v38, v38;
	v51 =	vld [tilespmem:$0x150];
	v34 =	vadd.f32 v11, v34;
	v33 =	vadd.f32 v37, v33  }
0x43: {  	v40 =	vmul.f32 v40, v40;
	v56 =	vld [tilespmem:$0x100];
	v39 =	vadd.f32 v41, v39;
	v41 =	vsub.f32 v4, v8  }
0x44: {  	v57 =	vld [tilespmem:$0x4100];
	v35 =	vmul.f32 v35, v35;
	v43 =	vadd.f32 $9.999999970e-07, v43;
	v34 =	vadd.f32 v52, v34  }
0x45: {  	v5 =	vld [tilespmem:$0x40E0];
	v37 =	vadd.f32 v38, v33;
	v38 =	vadd.f32 $9.999999970e-07, v45  }
0x46: {  	v11 =	vld [tilespmem:$0xF0];
	v33 =	vsub.f32 v46, v54;
	v35 =	vadd.f32 v35, v40  }
0x47: {  	v8 =	vld [tilespmem:$0x4120];
	v46 =	vsub.f32 v47, v59;
	v47 =	vsub.f32 v47, v48  }
0x48: {  	v45 =	vsub.f32 v49, v60;
	v40 =	vsub.f32 v49, v61;
	v52 =	vld [tilespmem:$0x40F0]  }
0x49: {  	v54 =	vld [tilespmem:$0x80F0];
	v41 =	vadd.f32 $9.999999970e-07, v41;
	v44 =	vsub.f32 v56, v57  }
0x4a: {  	v7 =	vmul.f32 v63, v63;
	v59 =	vld [tilespmem:$0x8100];
	v48 =	vsub.f32 v4, v5;
	v33 =	vadd.f32 $9.999999970e-07, v33  }
0x4b: {  	v57 =	vld [tilespmem:$0x4140];
	v62 =	vmul.f32 v43, v43;
	v9 =	vadd.f32 $9.999999970e-07, v46;
	v10 =	vadd.f32 $9.999999970e-07, v47  }
0x4c: {  	v42 =	vmul.f32 v42, v42;
	v5 =	vld [tilespmem:$0x8110];
	v45 =	vadd.f32 $9.999999970e-07, v45;
	v40 =	vadd.f32 $9.999999970e-07, v40  }
0x4d: {  	v44 =	vadd.f32 $9.999999970e-07, v44;
	v6 =	vadd.f32 v62, v39;
	v62 =	vld [tilespmem:$0x4110];
	v33 =	vmul.f32 v33, v33  }
0x4e: {  	v48 =	vadd.f32 $9.999999970e-07, v48;
	v53 =	vmul.f32 v9, v9;
	v55 =	vmul.f32 v10, v10;
	v10 =	vld [tilespmem:$0x8120]  }
0x4f: {  	v58 =	vmul.f32 v45, v45;
	v9 =	vsub.f32 v11, v54;
	v45 =	vsub.f32 v56, v59;
	v54 =	vld [tilespmem:$0x4130]  }
0x50: {  	v60 =	vmul.f32 v36, v36;
	v56 =	vld [tilespmem:$0x140];
	v33 =	vadd.f32 v33, v35;
	v35 =	vadd.f32 v42, v6  }
0x51: {  	v4 =	vmul.f32 v41, v41;
	v59 =	vld [tilespmem:$0x4150];
	v6 =	vsub.f32 v11, v52;
	v41 =	vsub.f32 v50, v5  }
0x52: {  	v38 =	vmul.f32 v38, v38;
	v11 =	vld [tilespmem:$0x130];
	v45 =	vadd.f32 $9.999999970e-07, v45;
	v33 =	vadd.f32 v7, v33  }
0x53: {  	v40 =	vmul.f32 v40, v40;
	v52 =	vld [tilespmem:$0x190];
	v35 =	vadd.f32 v55, v35;
	v41 =	vadd.f32 $9.999999970e-07, v41  }
0x54: {  	v7 =	vld [tilespmem:$0x120];
	v39 =	vadd.f32 v53, v33;
	v33 =	vadd.f32 v38, v34  }
0x55: {  	v55 =	vld [tilespmem:$0x8130];
	v35 =	vadd.f32 v40, v35;
	v34 =	vadd.f32 v60, v37  }
0x56: {  	v63 =	vmul.f32 v48, v48;
	v37 =	vadd.f32 $9.999999970e-07, v6;
	v38 =	vsub.f32 v50, v62;
	v60 =	vld [tilespmem:$0x8150]  }
0x57: {  	v45 =	vmul.f32 v45, v45;
	v40 =	vadd.f32 $9.999999970e-07, v9;
	v62 =	vld [tilespmem:$0x160];
	v43 =	vsub.f32 v56, v57  }
0x58: {  	v41 =	vmul.f32 v41, v41;
	v6 =	vld [tilespmem:$0x8160];
	v48 =	vsub.f32 v51, v59;
	v47 =	vsub.f32 v11, v54  }
0x59: {  	v9 =	vld [tilespmem:$0x4170];
	v61 =	vadd.f32 v58, v39;
	v39 =	vadd.f32 v4, v35  }
0x5a: {  	v59 =	vld [tilespmem:$0x4180];
	v38 =	vadd.f32 $9.999999970e-07, v38;
	v41 =	vadd.f32 v41, v45  }
0x5b: {  	v53 =	vld [tilespmem:$0x1D0];
	v43 =	vadd.f32 $9.999999970e-07, v43;
	v57 =	vadd.f32 $9.999999970e-07, v48  }
0x5c: {  	v58 =	vld [tilespmem:$0x8140];
	v35 =	vsub.f32 v7, v8;
	v42 =	vsub.f32 v7, v10  }
0x5d: {  	v44 =	vmul.f32 v44, v44;
	v54 =	vld [tilespmem:$0x8240];
	v46 =	vsub.f32 v11, v55;
	v36 =	vadd.f32 v63, v61  }
0x5e: {  	v11 =	vld [tilespmem:$0x8170];
	v38 =	vmul.f32 v38, v38;
	v61 =	vadd.f32 $9.999999970e-07, v47;
	v35 =	vadd.f32 $9.999999970e-07, v35  }
0x5f: {  	v63 =	vld [tilespmem:$0x4160];
	v42 =	vadd.f32 $9.999999970e-07, v42;
	v46 =	vadd.f32 $9.999999970e-07, v46  }
0x60: {  	v55 =	vld [tilespmem:$0x250];
	v38 =	vadd.f32 v38, v44;
	v44 =	vsub.f32 v51, v60;
	v35 =	vmul.f32 v35, v35  }
0x61: {  	v60 =	vmul.f32 v57, v57;
	v57 =	vld [tilespmem:$0x81B0];
	v42 =	vmul.f32 v42, v42;
	v49 =	vsub.f32 v56, v58  }
0x62: {  	v5 =	vmul.f32 v61, v61;
	v58 =	vld [tilespmem:$0x180];
	v44 =	vadd.f32 $9.999999970e-07, v44;
	v35 =	vadd.f32 v35, v38  }
0x63: {  	v61 =	vld [tilespmem:$0x8180];
	v7 =	vmul.f32 v46, v46;
	v4 =	vadd.f32 v42, v41;
	v8 =	vadd.f32 $9.999999970e-07, v49  }
0x64: {  	v49 =	vld [tilespmem:$0x170];
	v50 =	vsub.f32 v62, v63;
	v42 =	vsub.f32 v62, v6  }
0x65: {  	v37 =	vmul.f32 v37, v37;
	v6 =	vld [tilespmem:$0x8190];
	v35 =	vadd.f32 v5, v35;
	v38 =	vadd.f32 v7, v4  }
0x66: {  	v10 =	vmul.f32 v43, v43;
	v50 =	vadd.f32 $9.999999970e-07, v50;
	v42 =	vadd.f32 $9.999999970e-07, v42;
	v4 =	vld [tilespmem:$0x4190]  }
0x67: {  	v56 =	vmul.f32 v8, v8;
	v8 =	vld [tilespmem:$0x1A0];
	v48 =	vsub.f32 v32, v57;
	v47 =	vsub.f32 v58, v59  }
0x68: {  	v62 =	vmul.f32 v40, v40;
	v46 =	vsub.f32 v58, v61;
	v58 =	vld [tilespmem:$0x1C0];
	v41 =	vadd.f32 v10, v35  }
0x69: {  	v59 =	vld [tilespmem:$0x41C0];
	v38 =	vadd.f32 v56, v38;
	v35 =	vadd.f32 v37, v36  }
0x6a: {  	v61 =	vld [tilespmem:$0x41D0];
	v36 =	vadd.f32 v62, v39;
	v48 =	vadd.f32 $9.999999970e-07, v48  }
0x6b: {  	v44 =	vmul.f32 v44, v44;
	v56 =	vld [tilespmem:$0x41B0];
	v7 =	vsub.f32 v49, v9;
	v10 =	vsub.f32 v49, v11  }
0x6c: {  	v62 =	vld [tilespmem:$0x81D0];
	v47 =	vadd.f32 $9.999999970e-07, v47;
	v46 =	vadd.f32 $9.999999970e-07, v46  }
0x6d: {  	v5 =	vmul.f32 v50, v50;
	v9 =	vld [tilespmem:$0x41A0];
	v63 =	vadd.f32 v60, v41;
	v38 =	vadd.f32 v44, v38  }
0x6e: {  	v42 =	vmul.f32 v42, v42;
	v11 =	vld [tilespmem:$0x81A0];
	v44 =	vsub.f32 v52, v6;
	v39 =	vadd.f32 $9.999999970e-07, v7  }
0x6f: {  	v60 =	vld [tilespmem:$0x81C0];
	v40 =	vsub.f32 v52, v4;
	v37 =	vadd.f32 v5, v63  }
0x70: {  	[tilespmem:$0xC190] =	vst v36;
	v36 =	vld [tilespmem:$0x7C0];
	v38 =	vadd.f32 v42, v38;
	v44 =	vadd.f32 $9.999999970e-07, v44  }
0x71: {  	v4 =	vld [tilespmem:$0x1E0];
	v42 =	vadd.f32 $9.999999970e-07, v10;
	v45 =	vsub.f32 v58, v59  }
0x72: {  	v5 =	vld [tilespmem:$0x41E0];
	v50 =	vsub.f32 v53, v61;
	v40 =	vadd.f32 $9.999999970e-07, v40  }
0x73: {  	v47 =	vmul.f32 v47, v47;
	v59 =	vld [tilespmem:$0x200];
	v49 =	vsub.f32 v32, v56;
	v41 =	vsub.f32 v8, v9  }
0x74: {  	v56 =	vld [tilespmem:$0x81F0];
	v39 =	vmul.f32 v39, v39;
	v43 =	vsub.f32 v8, v11;
	v45 =	vadd.f32 $9.999999970e-07, v45  }
0x75: {  	v46 =	vmul.f32 v46, v46;
	v8 =	vld [tilespmem:$0x81E0];
	v63 =	vadd.f32 $9.999999970e-07, v49;
	v51 =	vsub.f32 v58, v60  }
0x76: {  	v44 =	vmul.f32 v44, v44;
	v11 =	vld [tilespmem:$0x41F0];
	v58 =	vadd.f32 $9.999999970e-07, v50;
	v37 =	vadd.f32 v39, v37  }
0x77: {  	v40 =	vmul.f32 v40, v40;
	v60 =	vld [tilespmem:$0x4200];
	v41 =	vadd.f32 $9.999999970e-07, v41;
	v43 =	vadd.f32 $9.999999970e-07, v43  }
0x78: {  	v44 =	vadd.f32 v44, v46;
	v46 =	vsub.f32 v53, v62;
	v62 =	vld [tilespmem:$0x8200];
	v7 =	vmul.f32 v63, v63  }
0x79: {  	v10 =	vadd.f32 $9.999999970e-07, v51;
	v51 =	vld [tilespmem:$0x1F0];
	v52 =	vsub.f32 v4, v5;
	v61 =	vmul.f32 v58, v58  }
0x7a: {  	v40 =	vadd.f32 v40, v47;
	v5 =	vmul.f32 v42, v42;
	v58 =	vld [tilespmem:$0x4230];
	v41 =	vmul.f32 v41, v41  }
0x7b: {  	[tilespmem:$0xC0A0] =	vst v37;
	v37 =	vld [tilespmem:$0x47C0];
	v43 =	vmul.f32 v43, v43;
	v46 =	vadd.f32 $9.999999970e-07, v46;
	v63 =	vadd.f32 $9.999999970e-07, v52  }
0x7c: {  	v57 =	vmul.f32 v10, v10;
	v38 =	vadd.f32 v5, v38;
	v10 =	vld [tilespmem:$0x220];
	v40 =	vadd.f32 v41, v40  }
0x7d: {  	v9 =	vmul.f32 v48, v48;
	v6 =	vadd.f32 v43, v44;
	v44 =	vsub.f32 v4, v8;
	v4 =	vld [tilespmem:$0x210]  }
0x7e: {  	v8 =	vld [tilespmem:$0x8210];
	v49 =	vsub.f32 v59, v60;
	v47 =	vsub.f32 v59, v62  }
0x7f: {  	v60 =	vld [tilespmem:$0x240];
	v40 =	vadd.f32 v7, v40;
	v41 =	vadd.f32 v9, v6  }
0x80: {  	v32 =	vmul.f32 v45, v45;
	v62 =	vld [tilespmem:$0x4250];
	v44 =	vadd.f32 $9.999999970e-07, v44;
	v9 =	vsub.f32 v51, v11  }
0x81: {  	v6 =	vld [tilespmem:$0x4210];
	v49 =	vadd.f32 $9.999999970e-07, v49;
	v47 =	vadd.f32 $9.999999970e-07, v47  }
0x82: {  	v11 =	vld [tilespmem:$0x4220];
	v40 =	vadd.f32 v32, v40;
	v41 =	vadd.f32 v57, v41  }
0x83: {  	v5 =	vld [tilespmem:$0x260];
	v46 =	vmul.f32 v46, v46;
	v39 =	vadd.f32 $9.999999970e-07, v9;
	v32 =	vsub.f32 v51, v56  }
0x84: {  	v59 =	vld [tilespmem:$0x8230];
	v53 =	vsub.f32 v60, v54;
	v40 =	vadd.f32 v61, v40  }
0x85: {  	v7 =	vmul.f32 v63, v63;
	v56 =	vld [tilespmem:$0x8220];
	v41 =	vadd.f32 v46, v41;
	v46 =	vsub.f32 v4, v8  }
0x86: {  	v44 =	vmul.f32 v44, v44;
	v57 =	vld [tilespmem:$0x230];
	v52 =	vsub.f32 v55, v62;
	v42 =	vsub.f32 v4, v6  }
0x87: {  	v63 =	vld [tilespmem:$0x8250];
	v43 =	vsub.f32 v10, v11;
	v11 =	vadd.f32 $9.999999970e-07, v53  }
0x88: {  	v9 =	vld [tilespmem:$0x8260];
	v40 =	vadd.f32 v7, v40;
	v41 =	vadd.f32 v44, v41  }
0x89: {  	v61 =	vld [tilespmem:$0x4240];
	v46 =	vadd.f32 $9.999999970e-07, v46;
	v44 =	vadd.f32 $9.999999970e-07, v32  }
0x8a: {  	v39 =	vmul.f32 v39, v39;
	v62 =	vld [tilespmem:$0x4280];
	v42 =	vadd.f32 $9.999999970e-07, v42;
	v45 =	vsub.f32 v10, v56  }
0x8b: {  	v49 =	vmul.f32 v49, v49;
	v6 =	vld [tilespmem:$0x4260];
	v43 =	vadd.f32 $9.999999970e-07, v43;
	v51 =	vsub.f32 v57, v58  }
0x8c: {  	v47 =	vmul.f32 v47, v47;
	v53 =	vld [tilespmem:$0x270];
	v50 =	vsub.f32 v57, v59;
	v39 =	vadd.f32 v39, v40  }
0x8d: {  	v32 =	vld [tilespmem:$0x4270];
	v46 =	vmul.f32 v46, v46;
	v45 =	vadd.f32 $9.999999970e-07, v45;
	v4 =	vadd.f32 $9.999999970e-07, v51  }
0x8e: {  	v58 =	vld [tilespmem:$0x8270];
	v59 =	vmul.f32 v11, v11;
	v50 =	vadd.f32 $9.999999970e-07, v50;
	v48 =	vsub.f32 v60, v61  }
0x8f: {  	v56 =	vld [tilespmem:$0x82C0];
	v42 =	vmul.f32 v42, v42;
	v60 =	vadd.f32 $9.999999970e-07, v52;
	v46 =	vadd.f32 v46, v47  }
0x90: {  	v43 =	vmul.f32 v43, v43;
	v61 =	vld [tilespmem:$0x280];
	v47 =	vsub.f32 v55, v63;
	v54 =	vsub.f32 v5, v6  }
0x91: {  	v6 =	vld [tilespmem:$0x290];
	v42 =	vadd.f32 v42, v49;
	v45 =	vmul.f32 v45, v45;
	v48 =	vadd.f32 $9.999999970e-07, v48  }
0x92: {  	v8 =	vmul.f32 v4, v4;
	v4 =	vld [tilespmem:$0x8280];
	v11 =	vsub.f32 v53, v32;
	v47 =	vadd.f32 $9.999999970e-07, v47  }
0x93: {  	v10 =	vmul.f32 v50, v50;
	v32 =	vld [tilespmem:$0x2A0];
	v58 =	vsub.f32 v53, v58;
	v42 =	vadd.f32 v43, v42  }
0x94: {  	v63 =	vmul.f32 v60, v60;
	v60 =	vld [tilespmem:$0x2B0];
	v7 =	vadd.f32 v45, v46;
	v46 =	vsub.f32 v5, v9  }
0x95: {  	v5 =	vadd.f32 $9.999999970e-07, v54;
	v51 =	vsub.f32 v61, v62;
	v62 =	vld [tilespmem:$0x82B0]  }
0x96: {  	v57 =	vmul.f32 v48, v48;
	v42 =	vadd.f32 v8, v42;
	v43 =	vadd.f32 v10, v7;
	v8 =	vld [tilespmem:$0x4290]  }
0x97: {  	v46 =	vadd.f32 $9.999999970e-07, v46;
	v7 =	vmul.f32 v44, v44;
	v10 =	vld [tilespmem:$0x8290];
	v49 =	vsub.f32 v61, v4  }
0x98: {  	v9 =	vmul.f32 v5, v5;
	v5 =	vld [tilespmem:$0x42D0];
	v51 =	vadd.f32 $9.999999970e-07, v51;
	v42 =	vadd.f32 v57, v42  }
0x99: {  	v47 =	vmul.f32 v47, v47;
	v61 =	vld [tilespmem:$0x42B0];
	v43 =	vadd.f32 v59, v43;
	v40 =	vadd.f32 v7, v41  }
0x9a: {  	v4 =	vld [tilespmem:$0x42C0];
	v41 =	vadd.f32 $9.999999970e-07, v11;
	v49 =	vadd.f32 $9.999999970e-07, v49  }
0x9b: {  	v57 =	vld [tilespmem:$0x42A0];
	v42 =	vadd.f32 v63, v42;
	v43 =	vadd.f32 v47, v43  }
0x9c: {  	v46 =	vmul.f32 v46, v46;
	v59 =	vld [tilespmem:$0x82A0];
	v52 =	vsub.f32 v60, v62;
	v44 =	vsub.f32 v6, v8  }
0x9d: {  	v63 =	vld [tilespmem:$0x2C0];
	v47 =	vsub.f32 v6, v10;
	v42 =	vadd.f32 v9, v42  }
0x9e: {  	v62 =	vld [tilespmem:$0x42F0];
	v43 =	vadd.f32 v46, v43;
	v46 =	vadd.f32 $9.999999970e-07, v58  }
0x9f: {  	v51 =	vmul.f32 v51, v51;
	v6 =	vld [tilespmem:$0x82D0];
	v53 =	vsub.f32 v60, v61;
	v52 =	vadd.f32 $9.999999970e-07, v52  }
0xa0: {  	v41 =	vmul.f32 v41, v41;
	v8 =	vld [tilespmem:$0x2E0];
	v44 =	vadd.f32 $9.999999970e-07, v44;
	v47 =	vadd.f32 $9.999999970e-07, v47  }
0xa1: {  	v49 =	vmul.f32 v49, v49;
	v9 =	vld [tilespmem:$0x42E0];
	v45 =	vsub.f32 v32, v57;
	v48 =	vsub.f32 v32, v59  }
0xa2: {  	v57 =	vld [tilespmem:$0x2D0];
	v7 =	vadd.f32 $9.999999970e-07, v53;
	v41 =	vadd.f32 v41, v42;
	v44 =	vmul.f32 v44, v44  }
0xa3: {  	v58 =	vld [tilespmem:$0x4310];
	v47 =	vmul.f32 v47, v47;
	v45 =	vadd.f32 $9.999999970e-07, v45;
	v48 =	vadd.f32 $9.999999970e-07, v48  }
0xa4: {  	v32 =	vld [tilespmem:$0x82E0];
	v50 =	vsub.f32 v63, v4;
	v55 =	vsub.f32 v63, v56  }
0xa5: {  	v11 =	vmul.f32 v7, v7;
	v7 =	vld [tilespmem:$0x4300];
	v44 =	vadd.f32 v44, v51;
	v47 =	vadd.f32 v47, v49  }
0xa6: {  	v45 =	vmul.f32 v45, v45;
	v50 =	vadd.f32 $9.999999970e-07, v50;
	v61 =	vadd.f32 $9.999999970e-07, v55;
	v55 =	vld [tilespmem:$0x2F0]  }
0xa7: {  	v48 =	vmul.f32 v48, v48;
	v56 =	vsub.f32 v8, v9;
	v9 =	vld [tilespmem:$0x8300];
	v54 =	vsub.f32 v57, v5  }
0xa8: {  	v60 =	vmul.f32 v52, v52;
	v49 =	vsub.f32 v57, v6;
	v6 =	vld [tilespmem:$0x300];
	v44 =	vadd.f32 v45, v44  }
0xa9: {  	v10 =	vadd.f32 v48, v47;
	v63 =	vmul.f32 v50, v50;
	v50 =	vld [tilespmem:$0x82F0];
	v48 =	vsub.f32 v8, v32  }
0xaa: {  	v32 =	vmul.f32 v46, v46;
	v5 =	vadd.f32 $9.999999970e-07, v54;
	v44 =	vadd.f32 v11, v44;
	v11 =	vld [tilespmem:$0x310]  }
0xab: {  	v49 =	vadd.f32 $9.999999970e-07, v49;
	v45 =	vadd.f32 v60, v10;
	v60 =	vld [tilespmem:$0x8310]  }
0xac: {  	v4 =	vmul.f32 v61, v61;
	v10 =	vadd.f32 $9.999999970e-07, v56;
	v42 =	vadd.f32 v32, v43;
	v32 =	vld [tilespmem:$0x8350]  }
0xad: {  	v48 =	vadd.f32 $9.999999970e-07, v48;
	v61 =	vsub.f32 v55, v62;
	v62 =	vld [tilespmem:$0x320]  }
0xae: {  	v8 =	vmul.f32 v5, v5;
	v5 =	vld [tilespmem:$0x8320];
	v44 =	vadd.f32 v63, v44;
	v45 =	vadd.f32 v4, v45  }
0xaf: {  	v49 =	vmul.f32 v49, v49;
	v63 =	vld [tilespmem:$0x4320];
	v53 =	vsub.f32 v6, v7;
	v51 =	vsub.f32 v6, v9  }
0xb0: {  	v6 =	vld [tilespmem:$0x330];
	v43 =	vadd.f32 $9.999999970e-07, v61;
	v4 =	vsub.f32 v55, v50  }
0xb1: {  	v59 =	vmul.f32 v10, v10;
	v7 =	vld [tilespmem:$0x4330];
	v44 =	vadd.f32 v8, v44;
	v45 =	vadd.f32 v49, v45  }
0xb2: {  	v48 =	vmul.f32 v48, v48;
	v9 =	vld [tilespmem:$0x340];
	v53 =	vadd.f32 $9.999999970e-07, v53;
	v51 =	vadd.f32 $9.999999970e-07, v51  }
0xb3: {  	v10 =	vld [tilespmem:$0x4340];
	v46 =	vsub.f32 v11, v58;
	v49 =	vsub.f32 v11, v60  }
0xb4: {  	v61 =	vld [tilespmem:$0x360];
	v44 =	vadd.f32 v59, v44;
	v45 =	vadd.f32 v48, v45  }
0xb5: {  	v8 =	vld [tilespmem:$0x8330];
	v50 =	vsub.f32 v62, v5;
	v48 =	vadd.f32 $9.999999970e-07, v4  }
0xb6: {  	v58 =	vld [tilespmem:$0x8340];
	v43 =	vmul.f32 v43, v43;
	v46 =	vadd.f32 $9.999999970e-07, v46;
	v49 =	vadd.f32 $9.999999970e-07, v49  }
0xb7: {  	v11 =	vld [tilespmem:$0x4350];
	v53 =	vmul.f32 v53, v53;
	v47 =	vsub.f32 v62, v63;
	v55 =	vsub.f32 v6, v7  }
0xb8: {  	v51 =	vmul.f32 v51, v51;
	v59 =	vld [tilespmem:$0x350];
	v52 =	vsub.f32 v9, v10;
	v50 =	vadd.f32 $9.999999970e-07, v50  }
0xb9: {  	v5 =	vld [tilespmem:$0x8360];
	v43 =	vadd.f32 v43, v44;
	v46 =	vmul.f32 v46, v46;
	v47 =	vadd.f32 $9.999999970e-07, v47  }
0xba: {  	v62 =	vld [tilespmem:$0x4360];
	v49 =	vmul.f32 v49, v49;
	v54 =	vsub.f32 v6, v8;
	v60 =	vadd.f32 $9.999999970e-07, v55  }
0xbb: {  	v52 =	vadd.f32 $9.999999970e-07, v52;
	v8 =	vld [tilespmem:$0x4370];
	v57 =	vsub.f32 v9, v58  }
0xbc: {  	v55 =	vld [tilespmem:$0x4380];
	v50 =	vmul.f32 v50, v50;
	v46 =	vadd.f32 v46, v53;
	v49 =	vadd.f32 v49, v51  }
0xbd: {  	v47 =	vmul.f32 v47, v47;
	v54 =	vadd.f32 $9.999999970e-07, v54;
	v9 =	vmul.f32 v52, v52;
	v52 =	vld [tilespmem:$0x8370]  }
0xbe: {  	v4 =	vmul.f32 v60, v60;
	v56 =	vsub.f32 v59, v11;
	v51 =	vsub.f32 v59, v32;
	v60 =	vld [tilespmem:$0x8380]  }
0xbf: {  	v7 =	vadd.f32 $9.999999970e-07, v57;
	v57 =	vld [tilespmem:$0x370];
	v58 =	vsub.f32 v61, v62  }
0xc0: {  	v62 =	vld [tilespmem:$0x390];
	v46 =	vadd.f32 v47, v46;
	v63 =	vadd.f32 v50, v49  }
0xc1: {  	v6 =	vmul.f32 v54, v54;
	v11 =	vadd.f32 $9.999999970e-07, v56;
	v51 =	vadd.f32 $9.999999970e-07, v51;
	v56 =	vld [tilespmem:$0x380]  }
0xc2: {  	v50 =	vsub.f32 v61, v5;
	v46 =	vadd.f32 v4, v46;
	v4 =	vld [tilespmem:$0x4390]  }
0xc3: {  	v61 =	vadd.f32 $9.999999970e-07, v58;
	v47 =	vadd.f32 v6, v63;
	v6 =	vld [tilespmem:$0x8390]  }
0xc4: {  	v10 =	vmul.f32 v7, v7;
	v32 =	vmul.f32 v11, v11;
	v50 =	vadd.f32 $9.999999970e-07, v50;
	v11 =	vld [tilespmem:$0x83A0]  }
0xc5: {  	v63 =	vmul.f32 v48, v48;
	v5 =	vmul.f32 v61, v61;
	v61 =	vld [tilespmem:$0x3D0];
	v46 =	vadd.f32 v9, v46  }
0xc6: {  	v47 =	vadd.f32 v10, v47;
	v7 =	vsub.f32 v57, v8;
	v8 =	vld [tilespmem:$0x3A0]  }
0xc7: {  	v51 =	vmul.f32 v51, v51;
	v44 =	vadd.f32 v63, v45;
	v9 =	vld [tilespmem:$0x43A0];
	v10 =	vsub.f32 v57, v52  }
0xc8: {  	v55 =	vsub.f32 v56, v55;
	v53 =	vsub.f32 v56, v60;
	v60 =	vld [tilespmem:$0x83C0]  }
0xc9: {  	v46 =	vadd.f32 v32, v46;
	v47 =	vadd.f32 v51, v47;
	v32 =	vld [tilespmem:$0x3B0]  }
0xca: {  	v45 =	vadd.f32 $9.999999970e-07, v7;
	v7 =	vld [tilespmem:$0x43C0];
	v48 =	vsub.f32 v62, v4  }
0xcb: {  	v50 =	vmul.f32 v50, v50;
	v51 =	vsub.f32 v62, v6;
	v4 =	vld [tilespmem:$0x43B0];
	v55 =	vadd.f32 $9.999999970e-07, v55  }
0xcc: {  	v53 =	vadd.f32 $9.999999970e-07, v53;
	v6 =	vld [tilespmem:$0x3C0];
	v46 =	vadd.f32 v5, v46  }
0xcd: {  	v62 =	vld [tilespmem:$0x8440];
	v47 =	vadd.f32 v50, v47;
	v50 =	vadd.f32 $9.999999970e-07, v10  }
0xce: {  	v5 =	vld [tilespmem:$0x83B0];
	v45 =	vmul.f32 v45, v45;
	v48 =	vadd.f32 $9.999999970e-07, v48;
	v51 =	vadd.f32 $9.999999970e-07, v51  }
0xcf: {  	v49 =	vsub.f32 v8, v9;
	v52 =	vsub.f32 v8, v11;
	v8 =	vld [tilespmem:$0x43D0]  }
0xd0: {  	v55 =	vmul.f32 v55, v55;
	v53 =	vmul.f32 v53, v53;
	v9 =	vld [tilespmem:$0x83D0];
	v45 =	vadd.f32 v45, v46  }
0xd1: {  	v63 =	vmul.f32 v50, v50;
	v49 =	vadd.f32 $9.999999970e-07, v49;
	v59 =	vsub.f32 v6, v60;
	v60 =	vld [tilespmem:$0x43E0]  }
0xd2: {  	v48 =	vmul.f32 v48, v48;
	v52 =	vadd.f32 $9.999999970e-07, v52;
	v57 =	vsub.f32 v32, v4;
	v4 =	vld [tilespmem:$0x83E0]  }
0xd3: {  	v51 =	vmul.f32 v51, v51;
	v54 =	vsub.f32 v6, v7;
	v7 =	vld [tilespmem:$0x43F0];
	v46 =	vadd.f32 v63, v47  }
0xd4: {  	v63 =	vld [tilespmem:$0x450];
	v56 =	vsub.f32 v32, v5;
	v48 =	vadd.f32 v48, v55  }
0xd5: {  	v51 =	vadd.f32 v51, v53;
	v55 =	vld [tilespmem:$0x8400];
	v10 =	vadd.f32 $9.999999970e-07, v57  }
0xd6: {  	v49 =	vmul.f32 v49, v49;
	v57 =	vld [tilespmem:$0x3E0];
	v54 =	vadd.f32 $9.999999970e-07, v54;
	v6 =	vadd.f32 $9.999999970e-07, v59  }
0xd7: {  	v52 =	vmul.f32 v52, v52;
	v59 =	vld [tilespmem:$0x3F0];
	v58 =	vsub.f32 v61, v8;
	v53 =	vsub.f32 v61, v9  }
0xd8: {  	v48 =	vadd.f32 v49, v48;
	v32 =	vmul.f32 v10, v10;
	v8 =	vmul.f32 v54, v54;
	v54 =	vld [tilespmem:$0x83F0]  }
0xd9: {  	v56 =	vadd.f32 $9.999999970e-07, v56;
	v10 =	vadd.f32 $9.999999970e-07, v58;
	v58 =	vld [tilespmem:$0x400]  }
0xda: {  	v11 =	vadd.f32 v52, v51;
	v9 =	vmul.f32 v6, v6;
	v6 =	vld [tilespmem:$0x8410];
	v48 =	vadd.f32 v32, v48  }
0xdb: {  	v5 =	vmul.f32 v56, v56;
	v60 =	vsub.f32 v57, v60;
	v52 =	vsub.f32 v57, v4;
	v57 =	vld [tilespmem:$0x4400]  }
0xdc: {  	[tilespmem:$0xC0C0] =	vst v41;
	v41 =	vsub.f32 v36, v37;
	v53 =	vadd.f32 $9.999999970e-07, v53;
	v4 =	vld [tilespmem:$0x4410]  }
0xdd: {  	v49 =	vadd.f32 v5, v11;
	v48 =	vadd.f32 v8, v48;
	v8 =	vld [tilespmem:$0x420]  }
0xde: {  	v7 =	vsub.f32 v59, v7;
	v32 =	vadd.f32 $9.999999970e-07, v60;
	v60 =	vld [tilespmem:$0x410]  }
0xdf: {  	v11 =	vmul.f32 v10, v10;
	v49 =	vadd.f32 v9, v49;
	v52 =	vadd.f32 $9.999999970e-07, v52;
	v9 =	vld [tilespmem:$0x4420]  }
0xe0: {  	v53 =	vmul.f32 v53, v53;
	v47 =	vadd.f32 $9.999999970e-07, v7;
	v55 =	vsub.f32 v58, v55;
	v7 =	vld [tilespmem:$0x4440]  }
0xe1: {  	v10 =	vsub.f32 v59, v54;
	v48 =	vadd.f32 v11, v48;
	v11 =	vld [tilespmem:$0x8420];
	v5 =	vmul.f32 v32, v32  }
0xe2: {  	v49 =	vadd.f32 v53, v49;
	v52 =	vmul.f32 v52, v52;
	v32 =	vld [tilespmem:$0x430];
	v55 =	vadd.f32 $9.999999970e-07, v55  }
0xe3: {  	v57 =	vsub.f32 v58, v57;
	v48 =	vadd.f32 v5, v48;
	v5 =	vld [tilespmem:$0x8430]  }
0xe4: {  	v49 =	vadd.f32 v52, v49;
	v50 =	vsub.f32 v60, v4;
	v4 =	vld [tilespmem:$0x4430]  }
0xe5: {  	v52 =	vadd.f32 $9.999999970e-07, v10;
	v53 =	vsub.f32 v60, v6;
	v6 =	vld [tilespmem:$0x440]  }
0xe6: {  	v57 =	vadd.f32 $9.999999970e-07, v57;
	v51 =	vsub.f32 v8, v9;
	v9 =	vld [tilespmem:$0x8450]  }
0xe7: {  	v54 =	vsub.f32 v8, v11;
	v8 =	vld [tilespmem:$0x4450];
	v53 =	vadd.f32 $9.999999970e-07, v53  }
0xe8: {  	v1 =	vld [tilespmem:$0x4D0];
	v55 =	vmul.f32 v55, v55;
	v50 =	vadd.f32 $9.999999970e-07, v50;
	v51 =	vadd.f32 $9.999999970e-07, v51  }
0xe9: {  	v2 =	vld [tilespmem:$0x8540];
	v54 =	vadd.f32 $9.999999970e-07, v54;
	v53 =	vmul.f32 v53, v53;
	v58 =	vsub.f32 v32, v5  }
0xea: {  	v11 =	vld [tilespmem:$0x4460];
	v57 =	vmul.f32 v57, v57;
	v59 =	vsub.f32 v32, v4;
	v56 =	vsub.f32 v6, v7  }
0xeb: {  	v50 =	vmul.f32 v50, v50;
	v5 =	vld [tilespmem:$0x8460];
	v61 =	vsub.f32 v6, v62;
	v53 =	vadd.f32 v53, v55  }
0xec: {  	v60 =	vsub.f32 v63, v8;
	v55 =	vsub.f32 v63, v9;
	v63 =	vld [tilespmem:$0x4470]  }
0xed: {  	v51 =	vmul.f32 v51, v51;
	v50 =	vadd.f32 v50, v57;
	v58 =	vadd.f32 $9.999999970e-07, v58;
	v57 =	vld [tilespmem:$0x8480]  }
0xee: {  	v54 =	vmul.f32 v54, v54;
	v10 =	vadd.f32 $9.999999970e-07, v59;
	v59 =	vld [tilespmem:$0x460];
	v56 =	vadd.f32 $9.999999970e-07, v56  }
0xef: {  	v7 =	vadd.f32 $9.999999970e-07, v61;
	v61 =	vld [tilespmem:$0x470];
	v50 =	vadd.f32 v51, v50;
	v6 =	vmul.f32 v58, v58  }
0xf0: {  	v32 =	vadd.f32 v54, v53;
	v4 =	vmul.f32 v10, v10;
	v8 =	vmul.f32 v56, v56;
	v56 =	vld [tilespmem:$0x8470]  }
0xf1: {  	v47 =	vmul.f32 v47, v47;
	v55 =	vadd.f32 $9.999999970e-07, v55;
	v10 =	vadd.f32 $9.999999970e-07, v60;
	v60 =	vld [tilespmem:$0x480]  }
0xf2: {  	v9 =	vmul.f32 v7, v7;
	v7 =	vld [tilespmem:$0x8490];
	v51 =	vadd.f32 v6, v32;
	v50 =	vadd.f32 v4, v50  }
0xf3: {  	v4 =	vmul.f32 v52, v52;
	v62 =	vsub.f32 v59, v11;
	v54 =	vsub.f32 v59, v5;
	v59 =	vld [tilespmem:$0x4480]  }
0xf4: {  	v47 =	vadd.f32 v47, v48;
	v51 =	vadd.f32 v9, v51;
	v5 =	vld [tilespmem:$0x4490]  }
0xf5: {  	v55 =	vmul.f32 v55, v55;
	v9 =	vld [tilespmem:$0x4A0];
	v50 =	vadd.f32 v8, v50;
	v48 =	vadd.f32 v4, v49  }
0xf6: {  	v11 =	vmul.f32 v10, v10;
	v10 =	vld [tilespmem:$0x44A0];
	v8 =	vsub.f32 v61, v63;
	v32 =	vadd.f32 $9.999999970e-07, v62  }
0xf7: {  	v54 =	vadd.f32 $9.999999970e-07, v54;
	v62 =	vld [tilespmem:$0x490];
	v51 =	vadd.f32 v55, v51  }
0xf8: {  	v4 =	vld [tilespmem:$0x4B0];
	v57 =	vsub.f32 v60, v57;
	v50 =	vadd.f32 v11, v50  }
0xf9: {  	v49 =	vadd.f32 $9.999999970e-07, v8;
	v11 =	vsub.f32 v61, v56;
	v8 =	vld [tilespmem:$0x44C0];
	v6 =	vmul.f32 v32, v32  }
0xfa: {  	v54 =	vmul.f32 v54, v54;
	v32 =	vld [tilespmem:$0x84A0];
	v57 =	vadd.f32 $9.999999970e-07, v57;
	v59 =	vsub.f32 v60, v59  }
0xfb: {  	v53 =	vsub.f32 v9, v10;
	v50 =	vadd.f32 v6, v50;
	v6 =	vld [tilespmem:$0x84B0]  }
0xfc: {  	v51 =	vadd.f32 v54, v51;
	v52 =	vsub.f32 v62, v5;
	v5 =	vld [tilespmem:$0x44B0]  }
0xfd: {  	v54 =	vadd.f32 $9.999999970e-07, v11;
	v55 =	vsub.f32 v62, v7;
	v7 =	vld [tilespmem:$0x4C0]  }
0xfe: {  	v49 =	vmul.f32 v49, v49;
	v59 =	vadd.f32 $9.999999970e-07, v59;
	v53 =	vadd.f32 $9.999999970e-07, v53;
	v62 =	vld [tilespmem:$0x44D0]  }
0xff: {  	v3 =	vld [tilespmem:$0x550];
	v52 =	vadd.f32 $9.999999970e-07, v52;
	v56 =	vsub.f32 v9, v32  }
0x100: {  	v57 =	vmul.f32 v57, v57;
	v49 =	vadd.f32 v49, v50;
	v55 =	vadd.f32 $9.999999970e-07, v55;
	v32 =	vld [tilespmem:$0x84C0]  }
0x101: {  	v11 =	vld [tilespmem:$0x4E0];
	v59 =	vmul.f32 v59, v59;
	v52 =	vmul.f32 v52, v52;
	v56 =	vadd.f32 $9.999999970e-07, v56  }
0x102: {  	v9 =	vld [tilespmem:$0x84D0];
	v55 =	vmul.f32 v55, v55;
	v60 =	vsub.f32 v4, v6;
	v61 =	vsub.f32 v4, v5  }
0x103: {  	v58 =	vsub.f32 v7, v8;
	v4 =	vld [tilespmem:$0x44E0];
	v62 =	vsub.f32 v1, v62  }
0x104: {  	v52 =	vadd.f32 v52, v59;
	v55 =	vadd.f32 v55, v57;
	v57 =	vld [tilespmem:$0x44F0]  }
0x105: {  	v53 =	vmul.f32 v53, v53;
	v60 =	vadd.f32 $9.999999970e-07, v60;
	v32 =	vsub.f32 v7, v32;
	v7 =	vld [tilespmem:$0x84E0]  }
0x106: {  	v56 =	vmul.f32 v56, v56;
	v10 =	vadd.f32 $9.999999970e-07, v61;
	v58 =	vadd.f32 $9.999999970e-07, v58;
	v61 =	vld [tilespmem:$0x4500]  }
0x107: {  	v1 =	vsub.f32 v1, v9;
	v52 =	vadd.f32 v53, v52;
	v8 =	vmul.f32 v60, v60;
	v60 =	vld [tilespmem:$0x4F0]  }
0x108: {  	v5 =	vadd.f32 v56, v55;
	v55 =	vld [tilespmem:$0x8500];
	v6 =	vmul.f32 v10, v10;
	v32 =	vadd.f32 $9.999999970e-07, v32  }
0x109: {  	v9 =	vmul.f32 v58, v58;
	v58 =	vld [tilespmem:$0x84F0];
	v10 =	vadd.f32 $9.999999970e-07, v62;
	v1 =	vadd.f32 $9.999999970e-07, v1  }
0x10a: {  	v62 =	vld [tilespmem:$0x500];
	v53 =	vadd.f32 v8, v5;
	v63 =	vsub.f32 v11, v4;
	v5 =	vmul.f32 v54, v54  }
0x10b: {  	v8 =	vld [tilespmem:$0x8510];
	v52 =	vadd.f32 v6, v52;
	v32 =	vmul.f32 v32, v32;
	v56 =	vsub.f32 v11, v7  }
0x10c: {  	v4 =	vadd.f32 $9.999999970e-07, v63;
	v63 =	vld [tilespmem:$0x510];
	v50 =	vadd.f32 v5, v51  }
0x10d: {  	v11 =	vmul.f32 v10, v10;
	v10 =	vld [tilespmem:$0x4520];
	v52 =	vadd.f32 v9, v52;
	v32 =	vadd.f32 v32, v53  }
0x10e: {  	v1 =	vmul.f32 v1, v1;
	v53 =	vld [tilespmem:$0x4510];
	v9 =	vsub.f32 v60, v57;
	v56 =	vadd.f32 $9.999999970e-07, v56  }
0x10f: {  	v57 =	vld [tilespmem:$0x520];
	v5 =	vsub.f32 v62, v61;
	v55 =	vsub.f32 v62, v55  }
0x110: {  	v6 =	vmul.f32 v4, v4;
	v4 =	vld [tilespmem:$0x8520];
	v52 =	vadd.f32 v11, v52;
	v1 =	vadd.f32 v1, v32  }
0x111: {  	v51 =	vadd.f32 $9.999999970e-07, v9;
	v11 =	vsub.f32 v60, v58;
	v9 =	vld [tilespmem:$0x540]  }
0x112: {  	v7 =	vmul.f32 v56, v56;
	v59 =	vadd.f32 $9.999999970e-07, v5;
	v32 =	vadd.f32 v6, v52;
	v6 =	vld [tilespmem:$0x530]  }
0x113: {  	v55 =	vadd.f32 $9.999999970e-07, v55;
	v56 =	vsub.f32 v63, v8;
	v8 =	vld [tilespmem:$0x8530]  }
0x114: {  	v54 =	vadd.f32 $9.999999970e-07, v11;
	v11 =	vld [tilespmem:$0x4550];
	v1 =	vadd.f32 v7, v1  }
0x115: {  	v53 =	vsub.f32 v63, v53;
	v7 =	vld [tilespmem:$0x4530];
	v52 =	vsub.f32 v57, v10  }
0x116: {  	v10 =	vld [tilespmem:$0x4540];
	v56 =	vadd.f32 $9.999999970e-07, v56;
	v57 =	vsub.f32 v57, v4  }
0x117: {  	v55 =	vmul.f32 v55, v55;
	v4 =	vld [tilespmem:$0x8550];
	v53 =	vadd.f32 $9.999999970e-07, v53;
	v52 =	vadd.f32 $9.999999970e-07, v52  }
0x118: {  	v63 =	vld [tilespmem:$0x4560];
	v2 =	vsub.f32 v9, v2;
	v56 =	vmul.f32 v56, v56;
	v57 =	vadd.f32 $9.999999970e-07, v57  }
0x119: {  	v59 =	vmul.f32 v59, v59;
	v60 =	vsub.f32 v6, v8;
	v8 =	vld [tilespmem:$0x8560];
	v62 =	vsub.f32 v3, v11  }
0x11a: {  	v53 =	vmul.f32 v53, v53;
	v61 =	vsub.f32 v6, v7;
	v55 =	vadd.f32 v56, v55;
	v56 =	vld [tilespmem:$0x4570]  }
0x11b: {  	v58 =	vsub.f32 v9, v10;
	v11 =	vadd.f32 $9.999999970e-07, v62;
	v62 =	vld [tilespmem:$0x580]  }
0x11c: {  	v57 =	vmul.f32 v57, v57;
	v53 =	vadd.f32 v53, v59;
	v3 =	vsub.f32 v3, v4;
	v4 =	vld [tilespmem:$0x45A0]  }
0x11d: {  	v51 =	vmul.f32 v51, v51;
	v60 =	vadd.f32 $9.999999970e-07, v60;
	v5 =	vadd.f32 $9.999999970e-07, v61;
	v61 =	vld [tilespmem:$0x560]  }
0x11e: {  	v52 =	vmul.f32 v52, v52;
	v6 =	vadd.f32 v57, v55;
	v58 =	vadd.f32 $9.999999970e-07, v58;
	v55 =	vld [tilespmem:$0x8580]  }
0x11f: {  	v51 =	vadd.f32 v51, v32;
	v2 =	vadd.f32 $9.999999970e-07, v2;
	v9 =	vmul.f32 v60, v60;
	v60 =	vld [tilespmem:$0x570]  }
0x120: {  	v52 =	vadd.f32 v52, v53;
	v7 =	vmul.f32 v5, v5;
	v10 =	vmul.f32 v58, v58;
	v58 =	vld [tilespmem:$0x8570]  }
0x121: {  	v2 =	vmul.f32 v2, v2;
	v3 =	vadd.f32 $9.999999970e-07, v3;
	v53 =	vadd.f32 v9, v6;
	v9 =	vld [tilespmem:$0x4590]  }
0x122: {  	v6 =	vmul.f32 v11, v11;
	v11 =	vld [tilespmem:$0x5A0];
	v52 =	vadd.f32 v7, v52;
	v63 =	vsub.f32 v61, v63  }
0x123: {  	v57 =	vsub.f32 v61, v8;
	v61 =	vld [tilespmem:$0x4580];
	v2 =	vadd.f32 v2, v53  }
0x124: {  	v55 =	vsub.f32 v62, v55;
	v52 =	vadd.f32 v10, v52;
	v10 =	vld [tilespmem:$0x8590]  }
0x125: {  	v8 =	vmul.f32 v54, v54;
	v7 =	vadd.f32 $9.999999970e-07, v63;
	v57 =	vadd.f32 $9.999999970e-07, v57;
	v63 =	vld [tilespmem:$0x590]  }
0x126: {  	v3 =	vmul.f32 v3, v3;
	v5 =	vsub.f32 v60, v58;
	v53 =	vadd.f32 v6, v52;
	v6 =	vld [tilespmem:$0x85A0]  }
0x127: {  	v52 =	vadd.f32 v8, v1;
	v1 =	vsub.f32 v60, v56;
	v60 =	vld [tilespmem:$0x5B0]  }
0x128: {  	v2 =	vadd.f32 v3, v2;
	v55 =	vadd.f32 $9.999999970e-07, v55;
	v8 =	vld [tilespmem:$0x45B0];
	v3 =	vmul.f32 v7, v7  }
0x129: {  	v57 =	vmul.f32 v57, v57;
	v56 =	vadd.f32 $9.999999970e-07, v5;
	v5 =	vld [tilespmem:$0x5D0];
	v1 =	vadd.f32 $9.999999970e-07, v1  }
0x12a: {  	v7 =	vsub.f32 v62, v61;
	v62 =	vld [tilespmem:$0x45D0];
	v3 =	vadd.f32 v3, v53  }
0x12b: {  	v2 =	vadd.f32 v57, v2;
	v53 =	vsub.f32 v11, v4;
	v4 =	vld [tilespmem:$0x85C0]  }
0x12c: {  	v54 =	vsub.f32 v63, v9;
	v59 =	vsub.f32 v63, v10;
	v9 =	vld [tilespmem:$0x85B0]  }
0x12d: {  	v58 =	vadd.f32 $9.999999970e-07, v7;
	v10 =	vld [tilespmem:$0x5C0];
	v32 =	vsub.f32 v11, v6  }
0x12e: {  	v55 =	vmul.f32 v55, v55;
	v11 =	vld [tilespmem:$0x45C0];
	v61 =	vsub.f32 v60, v8;
	v54 =	vadd.f32 $9.999999970e-07, v54  }
0x12f: {  	[tilespmem:$0xC1A0] =	vst v38;
	v38 =	vld [tilespmem:$0x87C0];
	v53 =	vadd.f32 $9.999999970e-07, v53;
	v59 =	vadd.f32 $9.999999970e-07, v59;
	v58 =	vmul.f32 v58, v58  }
0x130: {  	v63 =	vld [tilespmem:$0x45E0];
	v32 =	vadd.f32 $9.999999970e-07, v32;
	v8 =	vadd.f32 $9.999999970e-07, v61;
	v54 =	vmul.f32 v54, v54  }
0x131: {  	v61 =	vld [tilespmem:$0x5E0];
	v62 =	vsub.f32 v5, v62;
	v59 =	vmul.f32 v59, v59;
	v60 =	vsub.f32 v60, v9  }
0x132: {  	v6 =	vld [tilespmem:$0x610];
	v53 =	vmul.f32 v53, v53;
	v4 =	vsub.f32 v10, v4;
	v54 =	vadd.f32 v54, v58  }
0x133: {  	v32 =	vmul.f32 v32, v32;
	v55 =	vadd.f32 v59, v55;
	v58 =	vld [tilespmem:$0x85D0];
	v57 =	vsub.f32 v10, v11  }
0x134: {  	v10 =	vld [tilespmem:$0x85E0];
	v60 =	vadd.f32 $9.999999970e-07, v60;
	v4 =	vadd.f32 $9.999999970e-07, v4  }
0x135: {  	v9 =	vmul.f32 v8, v8;
	v59 =	vld [tilespmem:$0x8600];
	v53 =	vadd.f32 v53, v54;
	v32 =	vadd.f32 v32, v55  }
0x136: {  	v57 =	vadd.f32 $9.999999970e-07, v57;
	v63 =	vsub.f32 v61, v63;
	v11 =	vmul.f32 v60, v60;
	v60 =	vld [tilespmem:$0x5F0]  }
0x137: {  	v1 =	vmul.f32 v1, v1;
	v53 =	vadd.f32 v9, v53;
	v9 =	vadd.f32 $9.999999970e-07, v62;
	v62 =	vld [tilespmem:$0x600]  }
0x138: {  	v8 =	vmul.f32 v57, v57;
	v63 =	vadd.f32 $9.999999970e-07, v63;
	v5 =	vsub.f32 v5, v58;
	v58 =	vld [tilespmem:$0x45F0]  }
0x139: {  	v4 =	vmul.f32 v4, v4;
	v32 =	vadd.f32 v11, v32;
	v55 =	vsub.f32 v61, v10;
	v61 =	vld [tilespmem:$0x4600]  }
0x13a: {  	v11 =	vld [tilespmem:$0x4610];
	v54 =	vadd.f32 v8, v53;
	v10 =	vmul.f32 v9, v9;
	v53 =	vadd.f32 v1, v3  }
0x13b: {  	v1 =	vmul.f32 v56, v56;
	v9 =	vld [tilespmem:$0x8610];
	v5 =	vadd.f32 $9.999999970e-07, v5;
	v4 =	vadd.f32 v4, v32  }
0x13c: {  	v7 =	vld [tilespmem:$0x650];
	v8 =	vmul.f32 v63, v63;
	v55 =	vadd.f32 $9.999999970e-07, v55;
	v3 =	vadd.f32 v10, v54  }
0x13d: {  	v57 =	vld [tilespmem:$0x85F0];
	v54 =	vadd.f32 v1, v2;
	v59 =	vsub.f32 v62, v59  }
0x13e: {  	v2 =	vld [tilespmem:$0x620];
	v5 =	vmul.f32 v5, v5;
	v1 =	vsub.f32 v60, v58;
	v3 =	vadd.f32 v8, v3  }
0x13f: {  	v10 =	vsub.f32 v62, v61;
	v32 =	vsub.f32 v6, v11;
	v11 =	vld [tilespmem:$0x4630]  }
0x140: {  	v55 =	vmul.f32 v55, v55;
	v62 =	vld [tilespmem:$0x640];
	v4 =	vadd.f32 v5, v4;
	v6 =	vsub.f32 v6, v9  }
0x141: {  	v5 =	vld [tilespmem:$0x4620];
	v58 =	vadd.f32 $9.999999970e-07, v10;
	v32 =	vadd.f32 $9.999999970e-07, v32  }
0x142: {  	v4 =	vadd.f32 v55, v4;
	v55 =	vsub.f32 v60, v57;
	v57 =	vld [tilespmem:$0x8620]  }
0x143: {  	v59 =	vadd.f32 $9.999999970e-07, v59;
	v1 =	vadd.f32 $9.999999970e-07, v1;
	v60 =	vld [tilespmem:$0x630]  }
0x144: {  	v9 =	vld [tilespmem:$0x8630];
	v6 =	vadd.f32 $9.999999970e-07, v6;
	v58 =	vmul.f32 v58, v58;
	v32 =	vmul.f32 v32, v32  }
0x145: {  	v10 =	vmul.f32 v59, v59;
	v59 =	vld [tilespmem:$0x8640];
	v1 =	vmul.f32 v1, v1;
	v63 =	vadd.f32 $9.999999970e-07, v55  }
0x146: {  	v8 =	vld [tilespmem:$0x4670];
	v5 =	vsub.f32 v2, v5;
	v32 =	vadd.f32 v32, v58  }
0x147: {  	v6 =	vmul.f32 v6, v6;
	v55 =	vadd.f32 v1, v3;
	v2 =	vsub.f32 v2, v57;
	v57 =	vld [tilespmem:$0x4640]  }
0x148: {  	v5 =	vadd.f32 $9.999999970e-07, v5;
	v56 =	vsub.f32 v60, v11;
	v11 =	vld [tilespmem:$0x4650]  }
0x149: {  	v6 =	vadd.f32 v6, v10;
	v1 =	vmul.f32 v63, v63;
	v60 =	vsub.f32 v60, v9;
	v9 =	vld [tilespmem:$0x8650]  }
0x14a: {  	v63 =	vld [tilespmem:$0x8690];
	v59 =	vsub.f32 v62, v59;
	v2 =	vadd.f32 $9.999999970e-07, v2;
	v5 =	vmul.f32 v5, v5  }
0x14b: {  	v56 =	vadd.f32 $9.999999970e-07, v56;
	v10 =	vadd.f32 $9.999999970e-07, v60;
	v60 =	vld [tilespmem:$0x660]  }
0x14c: {  	v58 =	vadd.f32 $9.999999970e-07, v59;
	v59 =	vld [tilespmem:$0x670];
	v2 =	vmul.f32 v2, v2;
	v5 =	vadd.f32 v5, v32  }
0x14d: {  	v32 =	vld [tilespmem:$0x8660];
	v57 =	vsub.f32 v62, v57;
	v61 =	vsub.f32 v7, v11  }
0x14e: {  	v62 =	vld [tilespmem:$0x4660];
	v7 =	vsub.f32 v7, v9;
	v11 =	vmul.f32 v58, v58;
	v2 =	vadd.f32 v2, v6  }
0x14f: {  	v58 =	vld [tilespmem:$0x680];
	v6 =	vmul.f32 v56, v56;
	v56 =	vmul.f32 v10, v10;
	v57 =	vadd.f32 $9.999999970e-07, v57  }
0x150: {  	v9 =	vadd.f32 $9.999999970e-07, v61;
	v7 =	vadd.f32 $9.999999970e-07, v7;
	v61 =	vld [tilespmem:$0x690]  }
0x151: {  	v2 =	vadd.f32 v56, v2;
	v56 =	vadd.f32 v1, v4;
	v4 =	vld [tilespmem:$0x6A0]  }
0x152: {  	v5 =	vadd.f32 v6, v5;
	v1 =	vsub.f32 v59, v8;
	v8 =	vld [tilespmem:$0x86A0];
	v6 =	vmul.f32 v57, v57  }
0x153: {  	v57 =	vld [tilespmem:$0x8670];
	v32 =	vsub.f32 v60, v32;
	v10 =	vsub.f32 v60, v62  }
0x154: {  	v60 =	vld [tilespmem:$0x4680];
	v2 =	vadd.f32 v11, v2;
	v11 =	vmul.f32 v9, v9;
	v5 =	vadd.f32 v6, v5  }
0x155: {  	v36 =	vsub.f32 v36, v38;
	v7 =	vmul.f32 v7, v7;
	v62 =	vld [tilespmem:$0x8680];
	v32 =	vadd.f32 $9.999999970e-07, v32  }
0x156: {  	v9 =	vadd.f32 $9.999999970e-07, v10;
	v3 =	vadd.f32 v11, v5;
	v5 =	vld [tilespmem:$0x4690]  }
0x157: {  	v6 =	vld [tilespmem:$0x46A0];
	v2 =	vadd.f32 v7, v2;
	v11 =	vmul.f32 v32, v32;
	v32 =	vsub.f32 v61, v63  }
0x158: {  	v1 =	vadd.f32 $9.999999970e-07, v1;
	v10 =	vmul.f32 v9, v9;
	v7 =	vsub.f32 v59, v57  }
0x159: {  	v59 =	vld [tilespmem:$0x6B0];
	v2 =	vadd.f32 v11, v2;
	v32 =	vadd.f32 $9.999999970e-07, v32  }
0x15a: {  	v3 =	vadd.f32 v10, v3;
	v10 =	vsub.f32 v58, v60;
	v60 =	vld [tilespmem:$0x46B0]  }
0x15b: {  	v58 =	vsub.f32 v58, v62;
	v5 =	vsub.f32 v61, v5;
	v61 =	vld [tilespmem:$0x86B0]  }
0x15c: {  	v63 =	vld [tilespmem:$0x86C0];
	v6 =	vsub.f32 v4, v6;
	v4 =	vsub.f32 v4, v8  }
0x15d: {  	v62 =	vld [tilespmem:$0x6C0];
	v57 =	vadd.f32 $9.999999970e-07, v10;
	v58 =	vadd.f32 $9.999999970e-07, v58  }
0x15e: {  	v8 =	vld [tilespmem:$0x46C0];
	v32 =	vmul.f32 v32, v32;
	v6 =	vadd.f32 $9.999999970e-07, v6;
	v5 =	vadd.f32 $9.999999970e-07, v5  }
0x15f: {  	v9 =	vld [tilespmem:$0x6D0];
	v4 =	vadd.f32 $9.999999970e-07, v4;
	v58 =	vmul.f32 v58, v58;
	v60 =	vsub.f32 v59, v60  }
0x160: {  	v57 =	vmul.f32 v57, v57;
	v5 =	vmul.f32 v5, v5;
	v59 =	vsub.f32 v59, v61;
	v61 =	vld [tilespmem:$0x46D0]  }
0x161: {  	v4 =	vmul.f32 v4, v4;
	v32 =	vadd.f32 v32, v58;
	v58 =	vadd.f32 $9.999999970e-07, v60;
	v60 =	vld [tilespmem:$0x6E0]  }
0x162: {  	v7 =	vadd.f32 $9.999999970e-07, v7;
	v5 =	vadd.f32 v5, v57;
	v57 =	vld [tilespmem:$0x86D0]  }
0x163: {  	v6 =	vmul.f32 v6, v6;
	v8 =	vsub.f32 v62, v8;
	v4 =	vadd.f32 v4, v32;
	v32 =	vld [tilespmem:$0x86E0]  }
0x164: {  	v1 =	vmul.f32 v1, v1;
	v62 =	vsub.f32 v62, v63;
	v63 =	vld [tilespmem:$0x46E0];
	v59 =	vadd.f32 $9.999999970e-07, v59  }
0x165: {  	v10 =	vld [tilespmem:$0x46F0];
	v8 =	vadd.f32 $9.999999970e-07, v8;
	v5 =	vadd.f32 v6, v5;
	v6 =	vmul.f32 v58, v58  }
0x166: {  	v58 =	vmul.f32 v59, v59;
	v59 =	vadd.f32 $9.999999970e-07, v62;
	v62 =	vld [tilespmem:$0x6F0];
	v61 =	vsub.f32 v9, v61  }
0x167: {  	v5 =	vadd.f32 v6, v5;
	v6 =	vmul.f32 v8, v8;
	v8 =	vld [tilespmem:$0x86F0];
	v9 =	vsub.f32 v9, v57  }
0x168: {  	v4 =	vadd.f32 v58, v4;
	v57 =	vmul.f32 v59, v59;
	v59 =	vld [tilespmem:$0x700];
	v32 =	vsub.f32 v60, v32  }
0x169: {  	v58 =	vadd.f32 $9.999999970e-07, v61;
	v61 =	vsub.f32 v60, v63;
	v60 =	vld [tilespmem:$0x4700]  }
0x16a: {  	v63 =	vld [tilespmem:$0x8700];
	v4 =	vadd.f32 v57, v4;
	v57 =	vadd.f32 v1, v3;
	v1 =	vmul.f32 v7, v7  }
0x16b: {  	v9 =	vadd.f32 $9.999999970e-07, v9;
	v11 =	vadd.f32 $9.999999970e-07, v61;
	v61 =	vld [tilespmem:$0x710]  }
0x16c: {  	v5 =	vadd.f32 v6, v5;
	v6 =	vmul.f32 v58, v58;
	v58 =	vadd.f32 v1, v2;
	v2 =	vld [tilespmem:$0x720]  }
0x16d: {  	v32 =	vadd.f32 $9.999999970e-07, v32;
	v9 =	vmul.f32 v9, v9;
	v7 =	vsub.f32 v62, v8;
	v8 =	vld [tilespmem:$0x8720]  }
0x16e: {  	v1 =	vsub.f32 v62, v10;
	v3 =	vadd.f32 v6, v5;
	v5 =	vld [tilespmem:$0x4710];
	v6 =	vmul.f32 v11, v11  }
0x16f: {  	[tilespmem:$0xC090] =	vst v35;
	v35 =	vadd.f32 $9.999999970e-07, v41;
	v4 =	vadd.f32 v9, v4;
	v9 =	vld [tilespmem:$0x8710]  }
0x170: {  	v32 =	vmul.f32 v32, v32;
	v1 =	vadd.f32 $9.999999970e-07, v1;
	v3 =	vadd.f32 v6, v3;
	v6 =	vld [tilespmem:$0x4720]  }
0x171: {  	v10 =	vsub.f32 v59, v60;
	v60 =	vld [tilespmem:$0x4730];
	v7 =	vadd.f32 $9.999999970e-07, v7  }
0x172: {  	v4 =	vadd.f32 v32, v4;
	v32 =	vsub.f32 v59, v63;
	v59 =	vld [tilespmem:$0x730]  }
0x173: {  	v10 =	vadd.f32 $9.999999970e-07, v10;
	v5 =	vsub.f32 v61, v5  }
0x174: {  	v32 =	vadd.f32 $9.999999970e-07, v32;
	v9 =	vsub.f32 v61, v9;
	v61 =	vld [tilespmem:$0x8730]  }
0x175: {  	v62 =	vld [tilespmem:$0x740];
	v5 =	vadd.f32 $9.999999970e-07, v5;
	v6 =	vsub.f32 v2, v6  }
0x176: {  	v2 =	vsub.f32 v2, v8;
	v8 =	vld [tilespmem:$0x4740];
	v9 =	vadd.f32 $9.999999970e-07, v9  }
0x177: {  	v63 =	vld [tilespmem:$0x8740];
	v10 =	vmul.f32 v10, v10;
	v32 =	vmul.f32 v32, v32;
	v60 =	vsub.f32 v59, v60  }
0x178: {  	v11 =	vld [tilespmem:$0x750];
	v5 =	vmul.f32 v5, v5;
	v6 =	vadd.f32 $9.999999970e-07, v6;
	v9 =	vmul.f32 v9, v9  }
0x179: {  	v2 =	vadd.f32 $9.999999970e-07, v2;
	v59 =	vsub.f32 v59, v61;
	v61 =	vld [tilespmem:$0x4750]  }
0x17a: {  	v5 =	vadd.f32 v5, v10;
	v6 =	vmul.f32 v6, v6;
	v10 =	vld [tilespmem:$0x8750];
	v9 =	vadd.f32 v9, v32  }
0x17b: {  	v2 =	vmul.f32 v2, v2;
	v32 =	vadd.f32 $9.999999970e-07, v60;
	v60 =	vld [tilespmem:$0x760];
	v8 =	vsub.f32 v62, v8  }
0x17c: {  	v1 =	vmul.f32 v1, v1;
	v62 =	vsub.f32 v62, v63;
	v63 =	vld [tilespmem:$0x4760];
	v59 =	vadd.f32 $9.999999970e-07, v59  }
0x17d: {  	v5 =	vadd.f32 v6, v5;
	v2 =	vadd.f32 v2, v9;
	v6 =	vmul.f32 v32, v32;
	v9 =	vld [tilespmem:$0x8760]  }
0x17e: {  	v8 =	vadd.f32 $9.999999970e-07, v8;
	v32 =	vmul.f32 v59, v59;
	v59 =	vadd.f32 $9.999999970e-07, v62;
	v62 =	vld [tilespmem:$0x780]  }
0x17f: {  	v61 =	vsub.f32 v11, v61;
	v10 =	vsub.f32 v11, v10;
	v11 =	vld [tilespmem:$0x4780]  }
0x180: {  	v1 =	vadd.f32 v1, v3;
	v5 =	vadd.f32 v6, v5;
	v6 =	vmul.f32 v8, v8;
	v8 =	vld [tilespmem:$0x8780]  }
0x181: {  	v2 =	vadd.f32 v32, v2;
	v32 =	vmul.f32 v59, v59;
	v59 =	vadd.f32 $9.999999970e-07, v61;
	v61 =	vld [tilespmem:$0x790]  }
0x182: {  	v3 =	vmul.f32 v7, v7;
	v10 =	vadd.f32 $9.999999970e-07, v10;
	v5 =	vadd.f32 v6, v5;
	v6 =	vld [tilespmem:$0x4790]  }
0x183: {  	v63 =	vsub.f32 v60, v63;
	v2 =	vadd.f32 v32, v2;
	v32 =	vld [tilespmem:$0x8790];
	v7 =	vmul.f32 v59, v59  }
0x184: {  	v36 =	vadd.f32 $9.999999970e-07, v36;
	v3 =	vadd.f32 v3, v4;
	v10 =	vmul.f32 v10, v10;
	v59 =	vld [tilespmem:$0x7A0]  }
0x185: {  	v4 =	vadd.f32 $9.999999970e-07, v63;
	v5 =	vadd.f32 v7, v5;
	v7 =	vld [tilespmem:$0x47A0]  }
0x186: {  	v9 =	vsub.f32 v60, v9;
	v2 =	vadd.f32 v10, v2;
	v10 =	vld [tilespmem:$0x87A0]  }
0x187: {  	v60 =	vld [tilespmem:$0x7B0];
	v11 =	vsub.f32 v62, v11;
	v8 =	vsub.f32 v62, v8  }
0x188: {  	v62 =	vld [tilespmem:$0x87B0];
	v6 =	vsub.f32 v61, v6;
	v32 =	vsub.f32 v61, v32  }
0x189: {  	v11 =	vadd.f32 $9.999999970e-07, v11;
	v8 =	vadd.f32 $9.999999970e-07, v8;
	v61 =	vld [tilespmem:$0x47B0]  }
0x18a: {  	[tilespmem:$0xC180] =	vst v34;
	v34 =	vld [tilespmem:$0x770];
	v6 =	vadd.f32 $9.999999970e-07, v6;
	v32 =	vadd.f32 $9.999999970e-07, v32  }
0x18b: {  	[tilespmem:$0xC1C0] =	vst v42;
	v42 =	vld [tilespmem:$0x8770];
	v11 =	vmul.f32 v11, v11;
	v7 =	vsub.f32 v59, v7;
	v10 =	vsub.f32 v59, v10  }
0x18c: {  	[tilespmem:$0xC0D0] =	vst v43;
	v43 =	vld [tilespmem:$0x7E0];
	v9 =	vadd.f32 $9.999999970e-07, v9;
	v8 =	vmul.f32 v8, v8;
	v6 =	vmul.f32 v6, v6  }
0x18d: {  	[tilespmem:$0xC1D0] =	vst v44;
	v44 =	vld [tilespmem:$0x47E0];
	v32 =	vmul.f32 v32, v32;
	v7 =	vadd.f32 $9.999999970e-07, v7;
	v10 =	vadd.f32 $9.999999970e-07, v10  }
0x18e: {  	[tilespmem:$0xC080] =	vst v33;
	v4 =	vmul.f32 v4, v4;
	v59 =	vld [tilespmem:$0x47D0];
	v33 =	vsub.f32 v60, v61;
	v61 =	vsub.f32 v60, v62  }
0x18f: {  	[tilespmem:$0xC0B0] =	vst v39;
	v63 =	vadd.f32 v6, v11;
	v62 =	vld [tilespmem:$0x87D0];
	v8 =	vadd.f32 v32, v8;
	v39 =	vmul.f32 v7, v7  }
0x190: {  	[tilespmem:$0xC1B0] =	vst v40;
	v7 =	vld [tilespmem:$0x7D0];
	v10 =	vmul.f32 v10, v10;
	v40 =	vadd.f32 $9.999999970e-07, v33;
	v6 =	vadd.f32 $9.999999970e-07, v61  }
0x191: {  	[tilespmem:$0xC0F0] =	vst v47;
	v47 =	vld [tilespmem:$0x7F0];
	v9 =	vmul.f32 v9, v9;
	v4 =	vadd.f32 v4, v5;
	v5 =	vadd.f32 v39, v63  }
0x192: {  	[tilespmem:$0xC1F0] =	vst v48;
	v48 =	vld [tilespmem:$0x47F0];
	v8 =	vadd.f32 v10, v8;
	v11 =	vmul.f32 v40, v40;
	v6 =	vmul.f32 v6, v6  }
0x193: {  	[tilespmem:$0xC0E0] =	vst v45;
	v45 =	vld [tilespmem:$0x87E0];
	v2 =	vadd.f32 v9, v2;
	v61 =	vsub.f32 v34, v42  }
0x194: {  	[tilespmem:$0xC1E0] =	vst v46;
	v46 =	vmul.f32 v35, v35;
	v63 =	vld [tilespmem:$0x4770];
	v5 =	vadd.f32 v11, v5;
	v6 =	vadd.f32 v6, v8  }
0x195: {  	v36 =	vmul.f32 v36, v36;
	v32 =	vsub.f32 v7, v59;
	v7 =	vsub.f32 v7, v62  }
0x196: {  	v59 =	vld [tilespmem:$0x87F0];
	v62 =	vsub.f32 v43, v44;
	v5 =	vadd.f32 v46, v5  }
0x197: {  	[tilespmem:$0xC100] =	vst v49;
	v6 =	vadd.f32 v36, v6;
	v36 =	vsub.f32 v47, v48  }
0x198: {  	[tilespmem:$0xC200] =	vst v50;
	v32 =	vadd.f32 $9.999999970e-07, v32;
	v7 =	vadd.f32 $9.999999970e-07, v7  }
0x199: {  	[tilespmem:$0xC110] =	vst v51;
	v10 =	vsub.f32 v34, v63;
	v63 =	vsub.f32 v43, v45  }
0x19a: {  	[tilespmem:$0xC210] =	vst v52;
	v60 =	vmul.f32 v32, v32;
	v7 =	vmul.f32 v7, v7;
	v32 =	vadd.f32 $9.999999970e-07, v61  }
0x19b: {  	[tilespmem:$0xC120] =	vst v53;
	v9 =	vadd.f32 $9.999999970e-07, v63;
	v8 =	vsub.f32 v47, v59  }
0x19c: {  	[tilespmem:$0xC220] =	vst v54;
	v11 =	vadd.f32 $9.999999970e-07, v36;
	v6 =	vadd.f32 v7, v6  }
0x19d: {  	[tilespmem:$0xC130] =	vst v55;
	v32 =	vmul.f32 v32, v32;
	v9 =	vmul.f32 v9, v9;
	v8 =	vadd.f32 $9.999999970e-07, v8  }
0x19e: {  	[tilespmem:$0xC230] =	vst v56;
	v10 =	vadd.f32 $9.999999970e-07, v10;
	v7 =	vadd.f32 $9.999999970e-07, v62  }
0x19f: {  	[tilespmem:$0xC250] =	vst v3;
	v2 =	vadd.f32 v32, v2;
	v3 =	vadd.f32 v9, v6;
	v39 =	vmul.f32 v8, v8  }
0x1a0: {  	[tilespmem:$0xC140] =	vst v57;
	v5 =	vadd.f32 v60, v5;
	v10 =	vmul.f32 v10, v10;
	v7 =	vmul.f32 v7, v7  }
0x1a1: {  	[tilespmem:$0xC260] =	vst v2;
	v2 =	vadd.f32 v39, v3;
	v3 =	vld [tilespmem:$0x1FF60]  }
0x1a2: {  	[tilespmem:$0xC150] =	vst v1;
	v38 =	vmul.f32 v11, v11;
	v1 =	vadd.f32 v10, v4;
	v37 =	vadd.f32 v7, v5  }
0x1a3: {  	[tilespmem:$0xC240] =	vst v58  }
0x1a4: {  	[tilespmem:$0xC160] =	vst v1;
	v1 =	vadd.f32 v38, v37  }
0x1a5: {  	v41 =	vld [tilespmem:$0x1FF80];
	[tilespmem:$0xC270] =	vst v2  }
0x1a6: {  	v42 =	vld [tilespmem:$0x1FF90];
	[tilespmem:$0xC170] =	vst v1  }
0x1a7: {  	v1 =	vld.idx.msk [tilespmem:v0+s8+$0x0], $0xffff  }
0x1a8: {  	v2 =	vld [tilespmem:$0x1FF50]  }
0x1a9: {  	v3 =	vld.idx.msk [tilespmem:v3+s8+$0x0], $0xffff  }
0x1aa: {  	v40 =	vld [tilespmem:$0x1FF70]  }
0x1ab: {  	v44 =	vld [tilespmem:$0x1FFC0]  }
0x1ac: {  	v46 =	vld [tilespmem:$0x1FFE0];
	v1 =	vadd.f32 $0.0e+00, v1  }
0x1ad: {  	v43 =	vld [tilespmem:$0x1FFA0]  }
0x1ae: {  	v1 =	vadd.f32 v3, v1;
	v3 =	vld [tilespmem:$0x1FFB0]  }
0x1af: {  	v45 =	vld [tilespmem:$0x1FFD0]  }
0x1b0: {  	v2 =	vld.idx.msk [tilespmem:v2+s8+$0x0], $0xffff  }
0x1b1: {  	v47 =	vld [tilespmem:$0x1FFF0]  }
0x1b2: {  	v4 =	vld.idx.msk [tilespmem:v40+s8+$0x0], $0xffff  }
0x1b3: {  	v5 =	vld.idx.msk [tilespmem:v41+s8+$0x0], $0xffff  }
0x1b4: {  	v6 =	vld.idx.msk [tilespmem:v42+s8+$0x0], $0xffff  }
0x1b5: {  	v7 =	vld.idx.msk [tilespmem:v43+s8+$0x0], $0xffff;
	v2 =	vadd.f32 $0.0e+00, v2  }
0x1b6: {  	v3 =	vld.idx.msk [tilespmem:v3+s8+$0x0], $0xffff  }
0x1b7: {  	v2 =	vadd.f32 v4, v2;
	v4 =	vld.idx.msk [tilespmem:v44+s8+$0x0], $0xffff  }
0x1b8: {  	v1 =	vadd.f32 v5, v1;
	v5 =	vld.idx.msk [tilespmem:v45+s8+$0x0], $0xffff  }
0x1b9: {  	v2 =	vadd.f32 v6, v2;
	v6 =	vld.idx.msk [tilespmem:v46+s8+$0x0], $0xffff  }
0x1ba: {  	v1 =	vadd.f32 v7, v1;
	v7 =	vld.idx.msk [tilespmem:v47+s8+$0x0], $0xffff  }
0x1bb: {  	v2 =	vadd.f32 v3, v2;
	v3 =	vld.idx.msk [tilespmem:v12+s8+$0x0], $0xffff  }
0x1bc: {  	v48 =	vld.idx.msk [tilespmem:v13+s8+$0x0], $0xffff;
	v1 =	vadd.f32 v4, v1  }
0x1bd: {  	v49 =	vld.idx.msk [tilespmem:v14+s8+$0x0], $0xffff;
	v2 =	vadd.f32 v5, v2  }
0x1be: {  	v50 =	vld.idx.msk [tilespmem:v15+s8+$0x0], $0xffff;
	v1 =	vadd.f32 v6, v1  }
0x1bf: {  	v51 =	vld.idx.msk [tilespmem:v16+s8+$0x0], $0xffff;
	v2 =	vadd.f32 v7, v2  }
0x1c0: {  	v1 =	vadd.f32 v3, v1;
	v3 =	vld.idx.msk [tilespmem:v17+s8+$0x0], $0xffff  }
0x1c1: {  	v52 =	vld.idx.msk [tilespmem:v18+s8+$0x0], $0xffff;
	v2 =	vadd.f32 v48, v2  }
0x1c2: {  	v53 =	vld.idx.msk [tilespmem:v19+s8+$0x0], $0xffff;
	v1 =	vadd.f32 v49, v1  }
0x1c3: {  	v54 =	vld.idx.msk [tilespmem:v20+s8+$0x0], $0xffff;
	v2 =	vadd.f32 v50, v2  }
0x1c4: {  	v55 =	vld.idx.msk [tilespmem:v21+s8+$0x0], $0xffff;
	v1 =	vadd.f32 v51, v1  }
0x1c5: {  	v2 =	vadd.f32 v3, v2;
	v3 =	vld.idx.msk [tilespmem:v22+s8+$0x0], $0xffff  }
0x1c6: {  	v56 =	vld.idx.msk [tilespmem:v23+s8+$0x0], $0xffff;
	v1 =	vadd.f32 v52, v1  }
0x1c7: {  	v57 =	vld.idx.msk [tilespmem:v24+s8+$0x0], $0xffff;
	v2 =	vadd.f32 v53, v2  }
0x1c8: {  	v58 =	vld.idx.msk [tilespmem:v25+s8+$0x0], $0xffff;
	v1 =	vadd.f32 v54, v1  }
0x1c9: {  	v59 =	vld.idx.msk [tilespmem:v26+s8+$0x0], $0xffff;
	v2 =	vadd.f32 v55, v2  }
0x1ca: {  	v1 =	vadd.f32 v3, v1;
	v3 =	vld.idx.msk [tilespmem:v27+s8+$0x0], $0xffff  }
0x1cb: {  	v60 =	vld.idx.msk [tilespmem:v28+s8+$0x0], $0xffff;
	v2 =	vadd.f32 v56, v2  }
0x1cc: {  	v61 =	vld.idx.msk [tilespmem:v29+s8+$0x0], $0xffff;
	v1 =	vadd.f32 v57, v1  }
0x1cd: {  	v62 =	vld.idx.msk [tilespmem:v30+s8+$0x0], $0xffff;
	v2 =	vadd.f32 v58, v2  }
0x1ce: {  	v63 =	vld.idx.msk [tilespmem:v31+s8+$0x0], $0xffff;
	v1 =	vadd.f32 v59, v1  }
0x1cf: {  	v2 =	vadd.f32 v3, v2  }
0x1d0: {  	v1 =	vadd.f32 v60, v1  }
0x1d1: {  	v2 =	vadd.f32 v61, v2  }
0x1d2: {  	v1 =	vadd.f32 v62, v1  }
0x1d3: {  	v2 =	vadd.f32 v63, v2  }
0x1d4: {  	[tilespmem:$0xC000] =	vst v1  }
0x1d5: {  	v1 =	vmax.f32 v2, $+Inf;
	[tilespmem:$0xC280] =	vst v2  }
0x1d6: {  	[tilespmem:$0xC290] =	vst v1  }
0x1d7: {  	[tilespmem:$0xC2A0] =	vst v1;
	v1 =	vimm.f32 $+Inf  }
0x1d8: {  	[tilespmem:$0xC2B0] =	vst v1  }
0x1d9: {  	[hbm4b:s4+s2] =	stream.linear.scatter [tilespmem:s9], [sflag:$0x1], $0x80, $0x38;
	[tilespmem:$0xC300] =	vst v63  }
0x1da: {  	_ =	swait.ge [sflag:s7], $0x80  }
0x1db: {  	p0 =	sne.s32 s6, $0x1;
	[sflag:s7] =	ssyncset.done $0x0  }
.Ltmp0:
0x1dc: {  	[sflag:s7] =	ssyncadd.s32 $0xFFFFFF80;
	(pc) =	sbr.rel @p0 .LBB2_1-.Ltmp0, $4  }
0x1dd: {  	[hbm4b:s5+s2] =	stream.linear.scatter [tilespmem:s10], [sflag:$0x1], $0x80, $0x38;
	[tilespmem:$0xC300] =	vst v63  }
0x1de: {  	_ =	swait.ge [sflag:s7], $0x80  }
0x1df: {  	[sflag:s7] =	ssyncset.done $0x0  }
0x1e0: {  	s6 =	sadd.s32 $0xFFFFFFFF, s6;
	[sflag:s7] =	ssyncadd.s32 $0xFFFFFF80  }
0x1e1: {  	_ =	sfence.sel $0x180000  }
0x1e2: {  	[bflag:$0x0] =	sbarrier.arrive $0xFFFF  }
0x1e3: {  	p0 =	sne.s32 s1, $0x0;
	_ =	strace $0x90000047  }
0x1e4: {  	s0 =	sadd.s32 @!p0 $0x100000, s0;
	[bflag:$0x2] =	sbarrier.arrive $0xFFFF  }
0x1e5: {  	[sflag:s0] =	ssyncadd.tile.s32 @!p0 $0x1;
	_ =	shalt  }
.Lfunc_end2:
_tile_overlayer_lowered:
.L_overlay_start_2:
0x1e6: {  	(tag) =	ssettag $0x2  }
0x1e7: {  	s0 =	rddreg [dreg:$0x0];
	s2 =	stileid.u32  }
0x1e8: {  	s1 =	rddreg [dreg:$0x1];
	p0 =	sne.s32 s2, $0x0  }
0x1e9: {  	s3 =	rddreg [dreg:$0x2];
	[bflag:$0x3] =	sbarrier.arrive $0xFFFF;
	s2 =	simm.s32 @!p0 $0x1C01  }
0x1ea: {  	[timem:s3], [sflag:s2] =	dma.local @!p0 [hbm:s0], s1  }
0x1eb: {  	s0 =	simm.s32 @!p0 $0x1  }
0x1ec: {  	_ =	swait.ge @!p0 [sflag:s0], s1  }
0x1ed: {  	s1 =	ssub.s32 @!p0 $0x0, s1;
	[sflag:s0] =	ssyncset.done @!p0 $0x0  }
0x1ee: {  	[sflag:s0] =	ssyncadd.s32 @!p0 s1  }
0x1ef: {  	[bflag:$0x3] =	sbarrier.arrive $0xFFFF  }
0x1f0: {  	_ =	shalt  }

</sc_bundles>
